<compile_context>
chip_gen: v7x
topology: tpu7x:2x2x1
jax: 0.10.2.dev20260603
libtpu: 0.0.44.dev20260713+nightly
codegen_flags: <defaults>
</compile_context>

<pallas_src>
import functools

import jax
import jax.numpy as jnp
from jax import lax
from jax.experimental import pallas as pl
from jax.experimental.pallas import tpu as pltpu
from jax.experimental.pallas import tpu_sc as plsc

T, H, I, E, A, R, K = 2048, 768, 1536, 8, 4, 16, 2
BLK = 128
NB = (T * K) // BLK + E - 1
NB = NB + (-NB) % 2
NPAD = NB * BLK

NW = 32
G_PER_W = NPAD // NW
G_CHUNK = 80
C_PER_W = T // NW


def _wid():
    return lax.axis_index("s") * 2 + lax.axis_index("c")


def _sc_dist_body(x_hbm, p0_hbm, p1_hbm, sx_hbm, i0a, i0b, i1a, i1b, x_v,
                  lsem, sem):
    base = _wid() * C_PER_W
    half = C_PER_W // 2
    lds0 = [pltpu.async_copy(p0_hbm.at[pl.ds(base, half)], i0a, lsem),
            pltpu.async_copy(p1_hbm.at[pl.ds(base, half)], i1a, lsem),
            pltpu.async_copy(x_hbm.at[pl.ds(base, half)],
                             x_v.at[pl.ds(0, half)], lsem)]
    lds1 = [pltpu.async_copy(p0_hbm.at[pl.ds(base + half, half)], i0b, lsem),
            pltpu.async_copy(p1_hbm.at[pl.ds(base + half, half)], i1b, lsem),
            pltpu.async_copy(x_hbm.at[pl.ds(base + half, half)],
                             x_v.at[pl.ds(half, half)], lsem)]
    for c in lds0:
        c.wait()
    s0 = pl.ds(0, half)
    cps = [pltpu.async_copy(x_v.at[s0], sx_hbm.at[i0a], sem),
           pltpu.async_copy(x_v.at[s0], sx_hbm.at[i1a], sem)]
    for c in lds1:
        c.wait()
    s1 = pl.ds(half, half)
    cps += [pltpu.async_copy(x_v.at[s1], sx_hbm.at[i0b], sem),
            pltpu.async_copy(x_v.at[s1], sx_hbm.at[i1b], sem)]
    for c in cps:
        c.wait()


def _sc_combine_body(so_hbm, p0_hbm, p1_hbm, w0_hbm, w1_hbm, out_hbm,
                     i0_v, i1_v, a_v, b_v, w0_v, w1_v, gsem, ssem):
    base = _wid() * C_PER_W
    lds = [pltpu.async_copy(p0_hbm.at[pl.ds(base, C_PER_W)], i0_v, ssem),
           pltpu.async_copy(p1_hbm.at[pl.ds(base, C_PER_W)], i1_v, ssem),
           pltpu.async_copy(w0_hbm.at[pl.ds(base, C_PER_W)], w0_v, ssem),
           pltpu.async_copy(w1_hbm.at[pl.ds(base, C_PER_W)], w1_v, ssem)]
    for c in lds:
        c.wait()
    HALF = C_PER_W // 2
    gs = []
    for c in range(2):
        s = pl.ds(c * HALF, HALF)
        gs.append(pltpu.async_copy(so_hbm.at[i0_v.at[s]], a_v.at[s], gsem))
        gs.append(pltpu.async_copy(so_hbm.at[i1_v.at[s]], b_v.at[s], gsem))

    def row(r, _):
        wa = w0_v[r, pl.ds(0, 16)]
        wb = w1_v[r, pl.ds(0, 16)]
        for c in range(H // 16):
            s = pl.ds(c * 16, 16)
            a_v[r, s] = a_v[r, s] * wa + b_v[r, s] * wb
        return 0

    stores = []
    for c in range(2):
        gs[2 * c].wait()
        gs[2 * c + 1].wait()
        lax.fori_loop(c * HALF, (c + 1) * HALF, row, 0)
        stores.append(pltpu.async_copy(
            a_v.at[pl.ds(c * HALF, HALF)],
            out_hbm.at[pl.ds(base + c * HALF, HALF)], ssem))
    for st in stores:
        st.wait()


def _sc_distribute(x, p0, p1):
    mesh = plsc.VectorSubcoreMesh(core_axis_name="c", subcore_axis_name="s")
    f = functools.partial(
        pl.kernel, mesh=mesh,
        out_type=jax.ShapeDtypeStruct((NPAD, H), jnp.float32),
        scratch_types=[
            pltpu.VMEM((C_PER_W // 2,), jnp.int32),
            pltpu.VMEM((C_PER_W // 2,), jnp.int32),
            pltpu.VMEM((C_PER_W // 2,), jnp.int32),
            pltpu.VMEM((C_PER_W // 2,), jnp.int32),
            pltpu.VMEM((C_PER_W, H), jnp.float32),
            pltpu.SemaphoreType.DMA,
            pltpu.SemaphoreType.DMA,
        ])(_sc_dist_body)
    return f(x, p0, p1)


def _sc_combine(sorted_out, p0, p1, w0r, w1r):
    mesh = plsc.VectorSubcoreMesh(core_axis_name="c", subcore_axis_name="s")
    f = functools.partial(
        pl.kernel, mesh=mesh,
        out_type=jax.ShapeDtypeStruct((T, H), jnp.float32),
        scratch_types=[
            pltpu.VMEM((C_PER_W,), jnp.int32),
            pltpu.VMEM((C_PER_W,), jnp.int32),
            pltpu.VMEM((C_PER_W, H), jnp.float32),
            pltpu.VMEM((C_PER_W, H), jnp.float32),
            pltpu.VMEM((C_PER_W, 16), jnp.float32),
            pltpu.VMEM((C_PER_W, 16), jnp.float32),
            pltpu.SemaphoreType.DMA,
            pltpu.SemaphoreType.DMA,
        ])(_sc_combine_body)
    return f(sorted_out, p0, p1, w0r, w1r)


def _tc_body(be_ref, act_ref, x_ref, wgu_ref, wd_ref, acat_ref, gb_ref,
             ub_ref, da_ref, db_ref, out_ref):
    del be_ref
    b = pl.program_id(0)

    @pl.when(act_ref[b] == 1)
    def _compute():
        xb = x_ref[...]
        gu = jnp.dot(xb, wgu_ref[0], preferred_element_type=jnp.float32)
        xa = jnp.dot(xb, acat_ref[0], preferred_element_type=jnp.float32)
        lg = jnp.dot(xa[:, :R], gb_ref[0], preferred_element_type=jnp.float32)
        lu = jnp.dot(xa[:, R:], ub_ref[0], preferred_element_type=jnp.float32)
        gate = gu[:, :I] + lg
        up = gu[:, I:] + lu
        act = gate * jax.nn.sigmoid(gate) * up
        dn = jnp.dot(act, wd_ref[0], preferred_element_type=jnp.float32)
        x2 = jnp.dot(act, da_ref[0], preferred_element_type=jnp.float32)
        ld = jnp.dot(x2, db_ref[0], preferred_element_type=jnp.float32)
        out_ref[...] = dn + ld

    @pl.when(act_ref[b] == 0)
    def _pad():
        out_ref[...] = jnp.zeros_like(out_ref)


def kernel(hidden_states, topk_ids, topk_weights, gate_a, gate_b, up_a, up_b,
           down_a, down_b, weight_indices, seq_lens, lora_ranks, scalings,
           base_gate_up_weight, base_down_weight):
    del seq_lens, lora_ranks
    x = hidden_states.astype(jnp.float32)
    adapter = weight_indices[0]
    scaling = scalings[adapter].astype(jnp.float32)
    acat = jnp.transpose(
        jnp.concatenate([gate_a[adapter], up_a[adapter]], axis=1),
        (0, 2, 1)).astype(jnp.float32)
    gb = jnp.transpose(gate_b[adapter], (0, 2, 1)).astype(jnp.float32) * scaling
    ub = jnp.transpose(up_b[adapter], (0, 2, 1)).astype(jnp.float32) * scaling
    da = jnp.transpose(down_a[adapter], (0, 2, 1)).astype(jnp.float32)
    db = jnp.transpose(down_b[adapter], (0, 2, 1)).astype(jnp.float32) * scaling

    flat_ids = topk_ids.reshape(-1)
    flat_w = topk_weights.reshape(-1).astype(jnp.float32)
    oh = (flat_ids[:, None] == jnp.arange(E, dtype=jnp.int32)[None, :])
    c = jnp.cumsum(oh, axis=0, dtype=jnp.int32)
    g = c[-1]
    blocks_e = (g + BLK - 1) // BLK
    pad_start = jnp.concatenate([jnp.zeros((1,), jnp.int32),
                                 jnp.cumsum(blocks_e)[:-1].astype(jnp.int32)]) * BLK
    rank = jnp.take_along_axis(c - 1,
                               flat_ids[:, None].astype(jnp.int32), 1)[:, 0]
    dest = pad_start[flat_ids] + rank
    cumb = jnp.cumsum(blocks_e)
    block_expert = jnp.minimum(
        jnp.sum(jnp.arange(NB, dtype=jnp.int32)[:, None] >= cumb[None, :],
                axis=1), E - 1).astype(jnp.int32)
    block_active = (jnp.arange(NB, dtype=jnp.int32) < cumb[-1]).astype(jnp.int32)
    pos = dest.reshape(T, K)
    p0, p1 = pos[:, 0], pos[:, 1]
    w0r = jnp.broadcast_to(topk_weights[:, 0:1].astype(jnp.float32), (T, 16))
    w1r = jnp.broadcast_to(topk_weights[:, 1:2].astype(jnp.float32), (T, 16))

    sorted_x = _sc_distribute(x, p0, p1)

    grid_spec = pltpu.PrefetchScalarGridSpec(
        num_scalar_prefetch=2,
        grid=(NB,),
        in_specs=[
            pl.BlockSpec((BLK, H), lambda b, be, ac: (b, 0)),
            pl.BlockSpec((1, H, 2 * I), lambda b, be, ac: (be[b], 0, 0)),
            pl.BlockSpec((1, I, H), lambda b, be, ac: (be[b], 0, 0)),
            pl.BlockSpec((1, H, 2 * R), lambda b, be, ac: (be[b], 0, 0)),
            pl.BlockSpec((1, R, I), lambda b, be, ac: (be[b], 0, 0)),
            pl.BlockSpec((1, R, I), lambda b, be, ac: (be[b], 0, 0)),
            pl.BlockSpec((1, I, R), lambda b, be, ac: (be[b], 0, 0)),
            pl.BlockSpec((1, R, H), lambda b, be, ac: (be[b], 0, 0)),
        ],
        out_specs=pl.BlockSpec((BLK, H), lambda b, be, ac: (b, 0)),
    )
    sorted_out = pl.pallas_call(
        _tc_body,
        grid_spec=grid_spec,
        out_shape=jax.ShapeDtypeStruct((NPAD, H), jnp.float32),
        compiler_params=pltpu.CompilerParams(
            vmem_limit_bytes=100 * 1024 * 1024),
    )(block_expert, block_active, sorted_x,
      base_gate_up_weight, base_down_weight, acat, gb, ub, da, db)

    out = _sc_combine(sorted_out, p0, p1, w0r, w1r)
    return out.astype(hidden_states.dtype)

# --- scband reference (transcript-rebuilt; emitter-appended) ---
"""Pipeline reference for scband-mo-elo-ralayer-8839042695777 (READ-ONLY COPY).

The authoritative reference and input builder live on the scoring server;
editing this copy changes nothing except your own understanding.
"""

import jax, jax.numpy as jnp
import numpy as np

T, H, I, E, A, R, K = 2048, 768, 1536, 8, 4, 16, 2


def setup_inputs(seed: int = 0) -> dict:
    key = jax.random.key(seed)
    ks = jax.random.split(key, 14)
    return {
        "hidden_states": jax.random.normal(ks[0], (T, H), dtype=jnp.float32),
        "topk_ids": jax.random.randint(ks[1], (T, K), 0, E, dtype=jnp.int32),
        "topk_weights": jax.nn.softmax(jax.random.uniform(ks[2], (T, K), dtype=jnp.float32), axis=-1),
        "gate_a": 0.02 * jax.random.normal(ks[3], (A, E, R, H), dtype=jnp.float32),
        "gate_b": 0.02 * jax.random.normal(ks[4], (A, E, I, R), dtype=jnp.float32),
        "up_a": 0.02 * jax.random.normal(ks[5], (A, E, R, H), dtype=jnp.float32),
        "up_b": 0.02 * jax.random.normal(ks[6], (A, E, I, R), dtype=jnp.float32),
        "down_a": 0.02 * jax.random.normal(ks[7], (A, E, R, I), dtype=jnp.float32),
        "down_b": 0.02 * jax.random.normal(ks[8], (A, E, H, R), dtype=jnp.float32),
        "weight_indices": jax.random.randint(ks[9], (1,), 0, A, dtype=jnp.int32),
        "seq_lens": jnp.ones((1,), dtype=jnp.int32),
        "lora_ranks": jnp.full((A,), R, dtype=jnp.int32),
        "scalings": jax.random.uniform(ks[10], (A,), minval=0.5, maxval=2.0, dtype=jnp.float32),
        "base_gate_up_weight": 0.02 * jax.random.normal(ks[11], (E, H, 2 * I), dtype=jnp.float32),
        "base_down_weight": 0.02 * jax.random.normal(ks[12], (E, I, H), dtype=jnp.float32),
    }


def reference(hidden_states, topk_ids, topk_weights, gate_a, gate_b, up_a, up_b,
              down_a, down_b, weight_indices, seq_lens, lora_ranks, scalings,
              base_gate_up_weight, base_down_weight):
    # Faithful translation of moe_lora_forward for the single-sequence,
    # full-rank case: every token maps to sequence 0 (token_to_seq is
    # initialized to zeros in the original), so a single adapter applies
    # to all tokens. Per-token/per-k loop is vectorized as a sum over
    # experts, which is mathematically identical.
    num_tokens, hidden_size = hidden_states.shape
    inter = gate_b.shape[2]
    n_experts = gate_a.shape[1]
    adapter = weight_indices[0]
    scaling = scalings[adapter].astype(jnp.float32)
    ga = gate_a[adapter].astype(jnp.float32)
    gb = gate_b[adapter].astype(jnp.float32)
    ua = up_a[adapter].astype(jnp.float32)
    ub = up_b[adapter].astype(jnp.float32)
    da = down_a[adapter].astype(jnp.float32)
    db = down_b[adapter].astype(jnp.float32)
    x = hidden_states.astype(jnp.float32)
    tw = topk_weights.astype(jnp.float32)
    out = jnp.zeros((num_tokens, hidden_size), dtype=jnp.float32)
    for e in range(n_experts):
        Wgu = base_gate_up_weight[e].astype(jnp.float32)  # (H, 2I)
        W_gate = Wgu[:, :inter]
        W_up = Wgu[:, inter:]
        base_gate_out = x @ W_gate
        base_up_out = x @ W_up
        lora_gate_out = (x @ ga[e].T) @ gb[e].T
        lora_up_out = (x @ ua[e].T) @ ub[e].T
        gate_out = base_gate_out + scaling * lora_gate_out
        up_out = base_up_out + scaling * lora_up_out
        activated = jax.nn.silu(gate_out) * up_out
        W_down = base_down_weight[e].astype(jnp.float32)  # (I, H)
        base_down_out = activated @ W_down
        lora_down_out = (activated @ da[e].T) @ db[e].T
        expert_out = base_down_out + scaling * lora_down_out
        w_e = jnp.sum(jnp.where(topk_ids == e, tw, jnp.zeros_like(tw)), axis=1)
        out = out + w_e[:, None] * expert_out
    return out.astype(hidden_states.dtype)

if __name__ == "__main__":
    import jax
    _d = setup_inputs()
    print(jax.jit(kernel)(*tuple(_d.values())))

</pallas_src>

<mosaic_0001>
#map = affine_map<(d0, d1) -> (0, 0)>
#map1 = affine_map<(d0, d1) -> (0)>
module attributes {stable_mosaic.version = 14 : i64} {
  func.func @_sc_combine_body(%arg0: i32, %arg1: i32, %arg2: memref<5120x768xf32, #tpu.memory_space<hbm>>, %arg3: memref<2048xi32, #tpu.memory_space<hbm>>, %arg4: memref<2048xi32, #tpu.memory_space<hbm>>, %arg5: memref<2048x16xf32, #tpu.memory_space<hbm>>, %arg6: memref<2048x16xf32, #tpu.memory_space<hbm>>, %arg7: memref<2048x768xf32, #tpu.memory_space<hbm>>, %arg8: memref<64xi32, #tpu.memory_space<vmem>>, %arg9: memref<64xi32, #tpu.memory_space<vmem>>, %arg10: memref<64x768xf32, #tpu.memory_space<vmem>>, %arg11: memref<64x768xf32, #tpu.memory_space<vmem>>, %arg12: memref<64x16xf32, #tpu.memory_space<vmem>>, %arg13: memref<64x16xf32, #tpu.memory_space<vmem>>, %arg14: memref<!tpu.dma_semaphore, #tpu.memory_space<semaphore_mem>>, %arg15: memref<!tpu.dma_semaphore, #tpu.memory_space<semaphore_mem>>) attributes {dimension_semantics = [#tpu.dimension_semantics<core_parallel>, #tpu.dimension_semantics<subcore_parallel>], iteration_bounds = array<i64: 2, 16>, scalar_prefetch = 0 : i64, scratch_operands = 8 : i64, tpu.core_type = #tpu.core_type<sc_vector_subcore>, window_params = [{transform_indices = #map}, {transform_indices = #map1}, {transform_indices = #map1}, {transform_indices = #map}, {transform_indices = #map}, {transform_indices = #map}]} {
    %mul3A = arith.constant 2 : i32
    %mul3A_0 = arith.muli %arg1, %mul3A : i32
    %add3A = arith.addi %mul3A_0, %arg0 : i32
    %mul3A_1 = arith.constant 64 : i32
    %mul3A_2 = arith.muli %add3A, %mul3A_1 : i32
    %dma_start3A = tpu.memref_slice %arg3[%mul3A_2] : memref<2048xi32, #tpu.memory_space<hbm>> -> memref<64xi32, #tpu.memory_space<hbm>>
    %dma_start3A_3 = tpu.memref_slice %arg3[%mul3A_2] : memref<2048xi32, #tpu.memory_space<hbm>> -> memref<64xi32, #tpu.memory_space<hbm>>
    tpu.enqueue_dma source(%dma_start3A_3 : memref<64xi32, #tpu.memory_space<hbm>>) target(%arg8 : memref<64xi32, #tpu.memory_space<vmem>>) target_semaphore(%arg15 : memref<!tpu.dma_semaphore, #tpu.memory_space<semaphore_mem>>)
    %dma_start3A_4 = tpu.memref_slice %arg4[%mul3A_2] : memref<2048xi32, #tpu.memory_space<hbm>> -> memref<64xi32, #tpu.memory_space<hbm>>
    %dma_start3A_5 = tpu.memref_slice %arg4[%mul3A_2] : memref<2048xi32, #tpu.memory_space<hbm>> -> memref<64xi32, #tpu.memory_space<hbm>>
    tpu.enqueue_dma source(%dma_start3A_5 : memref<64xi32, #tpu.memory_space<hbm>>) target(%arg9 : memref<64xi32, #tpu.memory_space<vmem>>) target_semaphore(%arg15 : memref<!tpu.dma_semaphore, #tpu.memory_space<semaphore_mem>>)
    %dma_start3A_6 = arith.constant 0 : i32
    %dma_start3A_7 = tpu.memref_slice %arg5[%mul3A_2, %dma_start3A_6] : memref<2048x16xf32, #tpu.memory_space<hbm>> -> memref<64x16xf32, #tpu.memory_space<hbm>>
    %dma_start3A_8 = arith.constant 0 : i32
    %dma_start3A_9 = tpu.memref_slice %arg5[%mul3A_2, %dma_start3A_8] : memref<2048x16xf32, #tpu.memory_space<hbm>> -> memref<64x16xf32, #tpu.memory_space<hbm>>
    tpu.enqueue_dma source(%dma_start3A_9 : memref<64x16xf32, #tpu.memory_space<hbm>>) target(%arg12 : memref<64x16xf32, #tpu.memory_space<vmem>>) target_semaphore(%arg15 : memref<!tpu.dma_semaphore, #tpu.memory_space<semaphore_mem>>)
    %dma_start3A_10 = arith.constant 0 : i32
    %dma_start3A_11 = tpu.memref_slice %arg6[%mul3A_2, %dma_start3A_10] : memref<2048x16xf32, #tpu.memory_space<hbm>> -> memref<64x16xf32, #tpu.memory_space<hbm>>
    %dma_start3A_12 = arith.constant 0 : i32
    %dma_start3A_13 = tpu.memref_slice %arg6[%mul3A_2, %dma_start3A_12] : memref<2048x16xf32, #tpu.memory_space<hbm>> -> memref<64x16xf32, #tpu.memory_space<hbm>>
    tpu.enqueue_dma source(%dma_start3A_13 : memref<64x16xf32, #tpu.memory_space<hbm>>) target(%arg13 : memref<64x16xf32, #tpu.memory_space<vmem>>) target_semaphore(%arg15 : memref<!tpu.dma_semaphore, #tpu.memory_space<semaphore_mem>>)
    %dma_wait3A = tpu.memref_slice %arg3[%mul3A_2] : memref<2048xi32, #tpu.memory_space<hbm>> -> memref<64xi32, #tpu.memory_space<hbm>>
    %dma_wait3A_14 = tpu.memref_slice %arg3[%mul3A_2] : memref<2048xi32, #tpu.memory_space<hbm>> -> memref<64xi32, #tpu.memory_space<hbm>>
    tpu.wait_dma2 semaphore(%arg15 : memref<!tpu.dma_semaphore, #tpu.memory_space<semaphore_mem>>) src(%dma_wait3A_14 : memref<64xi32, #tpu.memory_space<hbm>>) dst(%arg8 : memref<64xi32, #tpu.memory_space<vmem>>)
    %dma_wait3A_15 = tpu.memref_slice %arg4[%mul3A_2] : memref<2048xi32, #tpu.memory_space<hbm>> -> memref<64xi32, #tpu.memory_space<hbm>>
    %dma_wait3A_16 = tpu.memref_slice %arg4[%mul3A_2] : memref<2048xi32, #tpu.memory_space<hbm>> -> memref<64xi32, #tpu.memory_space<hbm>>
    tpu.wait_dma2 semaphore(%arg15 : memref<!tpu.dma_semaphore, #tpu.memory_space<semaphore_mem>>) src(%dma_wait3A_16 : memref<64xi32, #tpu.memory_space<hbm>>) dst(%arg9 : memref<64xi32, #tpu.memory_space<vmem>>)
    %dma_wait3A_17 = arith.constant 0 : i32
    %dma_wait3A_18 = tpu.memref_slice %arg5[%mul3A_2, %dma_wait3A_17] : memref<2048x16xf32, #tpu.memory_space<hbm>> -> memref<64x16xf32, #tpu.memory_space<hbm>>
    %dma_wait3A_19 = arith.constant 0 : i32
    %dma_wait3A_20 = tpu.memref_slice %arg5[%mul3A_2, %dma_wait3A_19] : memref<2048x16xf32, #tpu.memory_space<hbm>> -> memref<64x16xf32, #tpu.memory_space<hbm>>
    tpu.wait_dma2 semaphore(%arg15 : memref<!tpu.dma_semaphore, #tpu.memory_space<semaphore_mem>>) src(%dma_wait3A_20 : memref<64x16xf32, #tpu.memory_space<hbm>>) dst(%arg12 : memref<64x16xf32, #tpu.memory_space<vmem>>)
    %dma_wait3A_21 = arith.constant 0 : i32
    %dma_wait3A_22 = tpu.memref_slice %arg6[%mul3A_2, %dma_wait3A_21] : memref<2048x16xf32, #tpu.memory_space<hbm>> -> memref<64x16xf32, #tpu.memory_space<hbm>>
    %dma_wait3A_23 = arith.constant 0 : i32
    %dma_wait3A_24 = tpu.memref_slice %arg6[%mul3A_2, %dma_wait3A_23] : memref<2048x16xf32, #tpu.memory_space<hbm>> -> memref<64x16xf32, #tpu.memory_space<hbm>>
    tpu.wait_dma2 semaphore(%arg15 : memref<!tpu.dma_semaphore, #tpu.memory_space<semaphore_mem>>) src(%dma_wait3A_24 : memref<64x16xf32, #tpu.memory_space<hbm>>) dst(%arg13 : memref<64x16xf32, #tpu.memory_space<vmem>>)
    %dma_start3A_25 = arith.constant 0 : i32
    %dma_start3A_26 = arith.constant 0 : i32
    %dma_start3A_27 = tpu.memref_slice %arg10[%dma_start3A_25, %dma_start3A_26] : memref<64x768xf32, #tpu.memory_space<vmem>> -> memref<32x768xf32, #tpu.memory_space<vmem>>
    %dma_start3A_28 = arith.constant 0 : i32
    %dma_start3A_29 = tpu.memref_slice %arg8[%dma_start3A_28] : memref<64xi32, #tpu.memory_space<vmem>> -> memref<32xi32, #tpu.memory_space<vmem>>
    %dma_start3A_30 = arith.constant 0 : i32
    %dma_start3A_31 = arith.constant 0 : i32
    %dma_start3A_32 = tpu.memref_slice %arg2[%dma_start3A_30, %dma_start3A_31] : memref<5120x768xf32, #tpu.memory_space<hbm>> -> memref<5120x768xf32, #tpu.memory_space<hbm>>
    tpu.enqueue_indirect_dma source(%dma_start3A_32 : memref<5120x768xf32, #tpu.memory_space<hbm>>) target(%dma_start3A_27 : memref<32x768xf32, #tpu.memory_space<vmem>>) offsets(%dma_start3A_29 : memref<32xi32, #tpu.memory_space<vmem>>) semaphore(%arg14 : memref<!tpu.dma_semaphore, #tpu.memory_space<semaphore_mem>>)
    %dma_start3A_33 = arith.constant 0 : i32
    %dma_start3A_34 = arith.constant 0 : i32
    %dma_start3A_35 = tpu.memref_slice %arg11[%dma_start3A_33, %dma_start3A_34] : memref<64x768xf32, #tpu.memory_space<vmem>> -> memref<32x768xf32, #tpu.memory_space<vmem>>
    %dma_start3A_36 = arith.constant 0 : i32
    %dma_start3A_37 = tpu.memref_slice %arg9[%dma_start3A_36] : memref<64xi32, #tpu.memory_space<vmem>> -> memref<32xi32, #tpu.memory_space<vmem>>
    %dma_start3A_38 = arith.constant 0 : i32
    %dma_start3A_39 = arith.constant 0 : i32
    %dma_start3A_40 = tpu.memref_slice %arg2[%dma_start3A_38, %dma_start3A_39] : memref<5120x768xf32, #tpu.memory_space<hbm>> -> memref<5120x768xf32, #tpu.memory_space<hbm>>
    tpu.enqueue_indirect_dma source(%dma_start3A_40 : memref<5120x768xf32, #tpu.memory_space<hbm>>) target(%dma_start3A_35 : memref<32x768xf32, #tpu.memory_space<vmem>>) offsets(%dma_start3A_37 : memref<32xi32, #tpu.memory_space<vmem>>) semaphore(%arg14 : memref<!tpu.dma_semaphore, #tpu.memory_space<semaphore_mem>>)
    %dma_start3A_41 = arith.constant 32 : i32
    %dma_start3A_42 = arith.constant 0 : i32
    %dma_start3A_43 = tpu.memref_slice %arg10[%dma_start3A_41, %dma_start3A_42] : memref<64x768xf32, #tpu.memory_space<vmem>> -> memref<32x768xf32, #tpu.memory_space<vmem>>
    %dma_start3A_44 = arith.constant 32 : i32
    %dma_start3A_45 = tpu.memref_slice %arg8[%dma_start3A_44] : memref<64xi32, #tpu.memory_space<vmem>> -> memref<32xi32, #tpu.memory_space<vmem>>
    %dma_start3A_46 = arith.constant 0 : i32
    %dma_start3A_47 = arith.constant 0 : i32
    %dma_start3A_48 = tpu.memref_slice %arg2[%dma_start3A_46, %dma_start3A_47] : memref<5120x768xf32, #tpu.memory_space<hbm>> -> memref<5120x768xf32, #tpu.memory_space<hbm>>
    tpu.enqueue_indirect_dma source(%dma_start3A_48 : memref<5120x768xf32, #tpu.memory_space<hbm>>) target(%dma_start3A_43 : memref<32x768xf32, #tpu.memory_space<vmem>>) offsets(%dma_start3A_45 : memref<32xi32, #tpu.memory_space<vmem>>) semaphore(%arg14 : memref<!tpu.dma_semaphore, #tpu.memory_space<semaphore_mem>>)
    %dma_start3A_49 = arith.constant 32 : i32
    %dma_start3A_50 = arith.constant 0 : i32
    %dma_start3A_51 = tpu.memref_slice %arg11[%dma_start3A_49, %dma_start3A_50] : memref<64x768xf32, #tpu.memory_space<vmem>> -> memref<32x768xf32, #tpu.memory_space<vmem>>
    %dma_start3A_52 = arith.constant 32 : i32
    %dma_start3A_53 = tpu.memref_slice %arg9[%dma_start3A_52] : memref<64xi32, #tpu.memory_space<vmem>> -> memref<32xi32, #tpu.memory_space<vmem>>
    %dma_start3A_54 = arith.constant 0 : i32
    %dma_start3A_55 = arith.constant 0 : i32
    %dma_start3A_56 = tpu.memref_slice %arg2[%dma_start3A_54, %dma_start3A_55] : memref<5120x768xf32, #tpu.memory_space<hbm>> -> memref<5120x768xf32, #tpu.memory_space<hbm>>
    tpu.enqueue_indirect_dma source(%dma_start3A_56 : memref<5120x768xf32, #tpu.memory_space<hbm>>) target(%dma_start3A_51 : memref<32x768xf32, #tpu.memory_space<vmem>>) offsets(%dma_start3A_53 : memref<32xi32, #tpu.memory_space<vmem>>) semaphore(%arg14 : memref<!tpu.dma_semaphore, #tpu.memory_space<semaphore_mem>>)
    %dma_wait3A_57 = arith.constant 0 : i32
    %dma_wait3A_58 = arith.constant 0 : i32
    %dma_wait3A_59 = tpu.memref_slice %arg10[%dma_wait3A_57, %dma_wait3A_58] : memref<64x768xf32, #tpu.memory_space<vmem>> -> memref<32x768xf32, #tpu.memory_space<vmem>>
    %dma_wait3A_60 = arith.constant 0 : i32
    %dma_wait3A_61 = tpu.memref_slice %arg8[%dma_wait3A_60] : memref<64xi32, #tpu.memory_space<vmem>> -> memref<32xi32, #tpu.memory_space<vmem>>
    %dma_wait3A_62 = arith.constant 0 : i32
    %dma_wait3A_63 = arith.constant 0 : i32
    %dma_wait3A_64 = tpu.memref_slice %arg2[%dma_wait3A_62, %dma_wait3A_63] : memref<5120x768xf32, #tpu.memory_space<hbm>> -> memref<5120x768xf32, #tpu.memory_space<hbm>>
    tpu.wait_indirect_dma semaphore(%arg14 : memref<!tpu.dma_semaphore, #tpu.memory_space<semaphore_mem>>) src(%dma_wait3A_64 : memref<5120x768xf32, #tpu.memory_space<hbm>>) dst(%dma_wait3A_59 : memref<32x768xf32, #tpu.memory_space<vmem>>)
    %dma_wait3A_65 = arith.constant 0 : i32
    %dma_wait3A_66 = arith.constant 0 : i32
    %dma_wait3A_67 = tpu.memref_slice %arg11[%dma_wait3A_65, %dma_wait3A_66] : memref<64x768xf32, #tpu.memory_space<vmem>> -> memref<32x768xf32, #tpu.memory_space<vmem>>
    %dma_wait3A_68 = arith.constant 0 : i32
    %dma_wait3A_69 = tpu.memref_slice %arg9[%dma_wait3A_68] : memref<64xi32, #tpu.memory_space<vmem>> -> memref<32xi32, #tpu.memory_space<vmem>>
    %dma_wait3A_70 = arith.constant 0 : i32
    %dma_wait3A_71 = arith.constant 0 : i32
    %dma_wait3A_72 = tpu.memref_slice %arg2[%dma_wait3A_70, %dma_wait3A_71] : memref<5120x768xf32, #tpu.memory_space<hbm>> -> memref<5120x768xf32, #tpu.memory_space<hbm>>
    tpu.wait_indirect_dma semaphore(%arg14 : memref<!tpu.dma_semaphore, #tpu.memory_space<semaphore_mem>>) src(%dma_wait3A_72 : memref<5120x768xf32, #tpu.memory_space<hbm>>) dst(%dma_wait3A_67 : memref<32x768xf32, #tpu.memory_space<vmem>>)
    %scan3A = arith.constant 0 : i32
    %scan3A_73 = arith.constant 0 : i32
    %scan3A_74 = arith.constant 32 : i32
    %scan3A_75 = arith.addi %scan3A_73, %scan3A_74 : i32
    %scan3A_76 = arith.constant 1 : i32
    %scan3A_77 = scf.for %scan3A_146 = %scan3A_73 to %scan3A_75 step %scan3A_76 iter_args(%scan3A_147 = %scan3A) -> (i32)  : i32 {
      %get3A = arith.index_cast %scan3A_146 : i32 to index
      %get3A_148 = arith.constant 0 : index
      %get3A_149 = tpu.vector_load %arg12[%get3A, %get3A_148] {strides = array<i32>} : memref<64x16xf32, #tpu.memory_space<vmem>>, vector<1x16xf32>,
      %get3A_150 = vector.shape_cast %get3A_149 : vector<1x16xf32> to vector<16xf32>
      %get3A_151 = arith.index_cast %scan3A_146 : i32 to index
      %get3A_152 = arith.constant 0 : index
      %get3A_153 = tpu.vector_load %arg13[%get3A_151, %get3A_152] {strides = array<i32>} : memref<64x16xf32, #tpu.memory_space<vmem>>, vector<1x16xf32>,
      %get3A_154 = vector.shape_cast %get3A_153 : vector<1x16xf32> to vector<16xf32>
      %get3A_155 = arith.index_cast %scan3A_146 : i32 to index
      %get3A_156 = arith.constant 0 : index
      %get3A_157 = tpu.vector_load %arg10[%get3A_155, %get3A_156] {strides = array<i32>} : memref<64x768xf32, #tpu.memory_space<vmem>>, vector<1x16xf32>,
      %get3A_158 = vector.shape_cast %get3A_157 : vector<1x16xf32> to vector<16xf32>
      %mul3A_159 = arith.mulf %get3A_158, %get3A_150 : vector<16xf32>
      %get3A_160 = arith.index_cast %scan3A_146 : i32 to index
      %get3A_161 = arith.constant 0 : index
      %get3A_162 = tpu.vector_load %arg11[%get3A_160, %get3A_161] {strides = array<i32>} : memref<64x768xf32, #tpu.memory_space<vmem>>, vector<1x16xf32>,
      %get3A_163 = vector.shape_cast %get3A_162 : vector<1x16xf32> to vector<16xf32>
      %mul3A_164 = arith.mulf %get3A_163, %get3A_154 : vector<16xf32>
      %add3A_165 = arith.addf %mul3A_159, %mul3A_164 : vector<16xf32>
      %swap3A = arith.index_cast %scan3A_146 : i32 to index
      %swap3A_166 = arith.constant 0 : index
      %swap3A_167 = tpu.vector_load %arg10[%swap3A, %swap3A_166] {strides = array<i32>} : memref<64x768xf32, #tpu.memory_space<vmem>>, vector<1x16xf32>,
      %swap3A_168 = vector.shape_cast %swap3A_167 : vector<1x16xf32> to vector<16xf32>
      %swap3A_169 = vector.shape_cast %add3A_165 : vector<16xf32> to vector<1x16xf32>
      tpu.vector_store %arg10[%swap3A, %swap3A_166], %swap3A_169 {strides = array<i32>} : memref<64x768xf32, #tpu.memory_space<vmem>>, vector<1x16xf32>,
      %get3A_170 = arith.index_cast %scan3A_146 : i32 to index
      %get3A_171 = arith.constant 16 : index
      %get3A_172 = tpu.vector_load %arg10[%get3A_170, %get3A_171] {strides = array<i32>} : memref<64x768xf32, #tpu.memory_space<vmem>>, vector<1x16xf32>,
      %get3A_173 = vector.shape_cast %get3A_172 : vector<1x16xf32> to vector<16xf32>
      %mul3A_174 = arith.mulf %get3A_173, %get3A_150 : vector<16xf32>
      %get3A_175 = arith.index_cast %scan3A_146 : i32 to index
      %get3A_176 = arith.constant 16 : index
      %get3A_177 = tpu.vector_load %arg11[%get3A_175, %get3A_176] {strides = array<i32>} : memref<64x768xf32, #tpu.memory_space<vmem>>, vector<1x16xf32>,
      %get3A_178 = vector.shape_cast %get3A_177 : vector<1x16xf32> to vector<16xf32>
      %mul3A_179 = arith.mulf %get3A_178, %get3A_154 : vector<16xf32>
      %add3A_180 = arith.addf %mul3A_174, %mul3A_179 : vector<16xf32>
      %swap3A_181 = arith.index_cast %scan3A_146 : i32 to index
      %swap3A_182 = arith.constant 16 : index
      %swap3A_183 = tpu.vector_load %arg10[%swap3A_181, %swap3A_182] {strides = array<i32>} : memref<64x768xf32, #tpu.memory_space<vmem>>, vector<1x16xf32>,
      %swap3A_184 = vector.shape_cast %swap3A_183 : vector<1x16xf32> to vector<16xf32>
      %swap3A_185 = vector.shape_cast %add3A_180 : vector<16xf32> to vector<1x16xf32>
      tpu.vector_store %arg10[%swap3A_181, %swap3A_182], %swap3A_185 {strides = array<i32>} : memref<64x768xf32, #tpu.memory_space<vmem>>, vector<1x16xf32>,
      %get3A_186 = arith.index_cast %scan3A_146 : i32 to index
      %get3A_187 = arith.constant 32 : index
      %get3A_188 = tpu.vector_load %arg10[%get3A_186, %get3A_187] {strides = array<i32>} : memref<64x768xf32, #tpu.memory_space<vmem>>, vector<1x16xf32>,
      %get3A_189 = vector.shape_cast %get3A_188 : vector<1x16xf32> to vector<16xf32>
      %mul3A_190 = arith.mulf %get3A_189, %get3A_150 : vector<16xf32>
      %get3A_191 = arith.index_cast %scan3A_146 : i32 to index
      %get3A_192 = arith.constant 32 : index
      %get3A_193 = tpu.vector_load %arg11[%get3A_191, %get3A_192] {strides = array<i32>} : memref<64x768xf32, #tpu.memory_space<vmem>>, vector<1x16xf32>,
      %get3A_194 = vector.shape_cast %get3A_193 : vector<1x16xf32> to vector<16xf32>
      %mul3A_195 = arith.mulf %get3A_194, %get3A_154 : vector<16xf32>
      %add3A_196 = arith.addf %mul3A_190, %mul3A_195 : vector<16xf32>
      %swap3A_197 = arith.index_cast %scan3A_146 : i32 to index
      %swap3A_198 = arith.constant 32 : index
      %swap3A_199 = tpu.vector_load %arg10[%swap3A_197, %swap3A_198] {strides = array<i32>} : memref<64x768xf32, #tpu.memory_space<vmem>>, vector<1x16xf32>,
      %swap3A_200 = vector.shape_cast %swap3A_199 : vector<1x16xf32> to vector<16xf32>
      %swap3A_201 = vector.shape_cast %add3A_196 : vector<16xf32> to vector<1x16xf32>
      tpu.vector_store %arg10[%swap3A_197, %swap3A_198], %swap3A_201 {strides = array<i32>} : memref<64x768xf32, #tpu.memory_space<vmem>>, vector<1x16xf32>,
      %get3A_202 = arith.index_cast %scan3A_146 : i32 to index
      %get3A_203 = arith.constant 48 : index
      %get3A_204 = tpu.vector_load %arg10[%get3A_202, %get3A_203] {strides = array<i32>} : memref<64x768xf32, #tpu.memory_space<vmem>>, vector<1x16xf32>,
      %get3A_205 = vector.shape_cast %get3A_204 : vector<1x16xf32> to vector<16xf32>
      %mul3A_206 = arith.mulf %get3A_205, %get3A_150 : vector<16xf32>
      %get3A_207 = arith.index_cast %scan3A_146 : i32 to index
      %get3A_208 = arith.constant 48 : index
      %get3A_209 = tpu.vector_load %arg11[%get3A_207, %get3A_208] {strides = array<i32>} : memref<64x768xf32, #tpu.memory_space<vmem>>, vector<1x16xf32>,
      %get3A_210 = vector.shape_cast %get3A_209 : vector<1x16xf32> to vector<16xf32>
      %mul3A_211 = arith.mulf %get3A_210, %get3A_154 : vector<16xf32>
      %add3A_212 = arith.addf %mul3A_206, %mul3A_211 : vector<16xf32>
      %swap3A_213 = arith.index_cast %scan3A_146 : i32 to index
      %swap3A_214 = arith.constant 48 : index
      %swap3A_215 = tpu.vector_load %arg10[%swap3A_213, %swap3A_214] {strides = array<i32>} : memref<64x768xf32, #tpu.memory_space<vmem>>, vector<1x16xf32>,
      %swap3A_216 = vector.shape_cast %swap3A_215 : vector<1x16xf32> to vector<16xf32>
      %swap3A_217 = vector.shape_cast %add3A_212 : vector<16xf32> to vector<1x16xf32>
      tpu.vector_store %arg10[%swap3A_213, %swap3A_214], %swap3A_217 {strides = array<i32>} : memref<64x768xf32, #tpu.memory_space<vmem>>, vector<1x16xf32>,
      %get3A_218 = arith.index_cast %scan3A_146 : i32 to index
      %get3A_219 = arith.constant 64 : index
      %get3A_220 = tpu.vector_load %arg10[%get3A_218, %get3A_219] {strides = array<i32>} : memref<64x768xf32, #tpu.memory_space<vmem>>, vector<1x16xf32>,
      %get3A_221 = vector.shape_cast %get3A_220 : vector<1x16xf32> to vector<16xf32>
      %mul3A_222 = arith.mulf %get3A_221, %get3A_150 : vector<16xf32>
      %get3A_223 = arith.index_cast %scan3A_146 : i32 to index
      %get3A_224 = arith.constant 64 : index
      %get3A_225 = tpu.vector_load %arg11[%get3A_223, %get3A_224] {strides = array<i32>} : memref<64x768xf32, #tpu.memory_space<vmem>>, vector<1x16xf32>,
      %get3A_226 = vector.shape_cast %get3A_225 : vector<1x16xf32> to vector<16xf32>
      %mul3A_227 = arith.mulf %get3A_226, %get3A_154 : vector<16xf32>
      %add3A_228 = arith.addf %mul3A_222, %mul3A_227 : vector<16xf32>
      %swap3A_229 = arith.index_cast %scan3A_146 : i32 to index
      %swap3A_230 = arith.constant 64 : index
      %swap3A_231 = tpu.vector_load %arg10[%swap3A_229, %swap3A_230] {strides = array<i32>} : memref<64x768xf32, #tpu.memory_space<vmem>>, vector<1x16xf32>,
      %swap3A_232 = vector.shape_cast %swap3A_231 : vector<1x16xf32> to vector<16xf32>
      %swap3A_233 = vector.shape_cast %add3A_228 : vector<16xf32> to vector<1x16xf32>
      tpu.vector_store %arg10[%swap3A_229, %swap3A_230], %swap3A_233 {strides = array<i32>} : memref<64x768xf32, #tpu.memory_space<vmem>>, vector<1x16xf32>,
      %get3A_234 = arith.index_cast %scan3A_146 : i32 to index
      %get3A_235 = arith.constant 80 : index
      %get3A_236 = tpu.vector_load %arg10[%get3A_234, %get3A_235] {strides = array<i32>} : memref<64x768xf32, #tpu.memory_space<vmem>>, vector<1x16xf32>,
      %get3A_237 = vector.shape_cast %get3A_236 : vector<1x16xf32> to vector<16xf32>
      %mul3A_238 = arith.mulf %get3A_237, %get3A_150 : vector<16xf32>
      %get3A_239 = arith.index_cast %scan3A_146 : i32 to index
      %get3A_240 = arith.constant 80 : index
      %get3A_241 = tpu.vector_load %arg11[%get3A_239, %get3A_240] {strides = array<i32>} : memref<64x768xf32, #tpu.memory_space<vmem>>, vector<1x16xf32>,
      %get3A_242 = vector.shape_cast %get3A_241 : vector<1x16xf32> to vector<16xf32>
      %mul3A_243 = arith.mulf %get3A_242, %get3A_154 : vector<16xf32>
      %add3A_244 = arith.addf %mul3A_238, %mul3A_243 : vector<16xf32>
      %swap3A_245 = arith.index_cast %scan3A_146 : i32 to index
      %swap3A_246 = arith.constant 80 : index
      %swap3A_247 = tpu.vector_load %arg10[%swap3A_245, %swap3A_246] {strides = array<i32>} : memref<64x768xf32, #tpu.memory_space<vmem>>, vector<1x16xf32>,
      %swap3A_248 = vector.shape_cast %swap3A_247 : vector<1x16xf32> to vector<16xf32>
      %swap3A_249 = vector.shape_cast %add3A_244 : vector<16xf32> to vector<1x16xf32>
      tpu.vector_store %arg10[%swap3A_245, %swap3A_246], %swap3A_249 {strides = array<i32>} : memref<64x768xf32, #tpu.memory_space<vmem>>, vector<1x16xf32>,
      %get3A_250 = arith.index_cast %scan3A_146 : i32 to index
      %get3A_251 = arith.constant 96 : index
      %get3A_252 = tpu.vector_load %arg10[%get3A_250, %get3A_251] {strides = array<i32>} : memref<64x768xf32, #tpu.memory_space<vmem>>, vector<1x16xf32>,
      %get3A_253 = vector.shape_cast %get3A_252 : vector<1x16xf32> to vector<16xf32>
      %mul3A_254 = arith.mulf %get3A_253, %get3A_150 : vector<16xf32>
      %get3A_255 = arith.index_cast %scan3A_146 : i32 to index
      %get3A_256 = arith.constant 96 : index
      %get3A_257 = tpu.vector_load %arg11[%get3A_255, %get3A_256] {strides = array<i32>} : memref<64x768xf32, #tpu.memory_space<vmem>>, vector<1x16xf32>,
      %get3A_258 = vector.shape_cast %get3A_257 : vector<1x16xf32> to vector<16xf32>
      %mul3A_259 = arith.mulf %get3A_258, %get3A_154 : vector<16xf32>
      %add3A_260 = arith.addf %mul3A_254, %mul3A_259 : vector<16xf32>
      %swap3A_261 = arith.index_cast %scan3A_146 : i32 to index
      %swap3A_262 = arith.constant 96 : index
      %swap3A_263 = tpu.vector_load %arg10[%swap3A_261, %swap3A_262] {strides = array<i32>} : memref<64x768xf32, #tpu.memory_space<vmem>>, vector<1x16xf32>,
      %swap3A_264 = vector.shape_cast %swap3A_263 : vector<1x16xf32> to vector<16xf32>
      %swap3A_265 = vector.shape_cast %add3A_260 : vector<16xf32> to vector<1x16xf32>
      tpu.vector_store %arg10[%swap3A_261, %swap3A_262], %swap3A_265 {strides = array<i32>} : memref<64x768xf32, #tpu.memory_space<vmem>>, vector<1x16xf32>,
      %get3A_266 = arith.index_cast %scan3A_146 : i32 to index
      %get3A_267 = arith.constant 112 : index
      %get3A_268 = tpu.vector_load %arg10[%get3A_266, %get3A_267] {strides = array<i32>} : memref<64x768xf32, #tpu.memory_space<vmem>>, vector<1x16xf32>,
      %get3A_269 = vector.shape_cast %get3A_268 : vector<1x16xf32> to vector<16xf32>
      %mul3A_270 = arith.mulf %get3A_269, %get3A_150 : vector<16xf32>
      %get3A_271 = arith.index_cast %scan3A_146 : i32 to index
      %get3A_272 = arith.constant 112 : index
      %get3A_273 = tpu.vector_load %arg11[%get3A_271, %get3A_272] {strides = array<i32>} : memref<64x768xf32, #tpu.memory_space<vmem>>, vector<1x16xf32>,
      %get3A_274 = vector.shape_cast %get3A_273 : vector<1x16xf32> to vector<16xf32>
      %mul3A_275 = arith.mulf %get3A_274, %get3A_154 : vector<16xf32>
      %add3A_276 = arith.addf %mul3A_270, %mul3A_275 : vector<16xf32>
      %swap3A_277 = arith.index_cast %scan3A_146 : i32 to index
      %swap3A_278 = arith.constant 112 : index
      %swap3A_279 = tpu.vector_load %arg10[%swap3A_277, %swap3A_278] {strides = array<i32>} : memref<64x768xf32, #tpu.memory_space<vmem>>, vector<1x16xf32>,
      %swap3A_280 = vector.shape_cast %swap3A_279 : vector<1x16xf32> to vector<16xf32>
      %swap3A_281 = vector.shape_cast %add3A_276 : vector<16xf32> to vector<1x16xf32>
      tpu.vector_store %arg10[%swap3A_277, %swap3A_278], %swap3A_281 {strides = array<i32>} : memref<64x768xf32, #tpu.memory_space<vmem>>, vector<1x16xf32>,
      %get3A_282 = arith.index_cast %scan3A_146 : i32 to index
      %get3A_283 = arith.constant 128 : index
      %get3A_284 = tpu.vector_load %arg10[%get3A_282, %get3A_283] {strides = array<i32>} : memref<64x768xf32, #tpu.memory_space<vmem>>, vector<1x16xf32>,
      %get3A_285 = vector.shape_cast %get3A_284 : vector<1x16xf32> to vector<16xf32>
      %mul3A_286 = arith.mulf %get3A_285, %get3A_150 : vector<16xf32>
      %get3A_287 = arith.index_cast %scan3A_146 : i32 to index
      %get3A_288 = arith.constant 128 : index
      %get3A_289 = tpu.vector_load %arg11[%get3A_287, %get3A_288] {strides = array<i32>} : memref<64x768xf32, #tpu.memory_space<vmem>>, vector<1x16xf32>,
      %get3A_290 = vector.shape_cast %get3A_289 : vector<1x16xf32> to vector<16xf32>
      %mul3A_291 = arith.mulf %get3A_290, %get3A_154 : vector<16xf32>
      %add3A_292 = arith.addf %mul3A_286, %mul3A_291 : vector<16xf32>
      %swap3A_293 = arith.index_cast %scan3A_146 : i32 to index
      %swap3A_294 = arith.constant 128 : index
      %swap3A_295 = tpu.vector_load %arg10[%swap3A_293, %swap3A_294] {strides = array<i32>} : memref<64x768xf32, #tpu.memory_space<vmem>>, vector<1x16xf32>,
      %swap3A_296 = vector.shape_cast %swap3A_295 : vector<1x16xf32> to vector<16xf32>
      %swap3A_297 = vector.shape_cast %add3A_292 : vector<16xf32> to vector<1x16xf32>
      tpu.vector_store %arg10[%swap3A_293, %swap3A_294], %swap3A_297 {strides = array<i32>} : memref<64x768xf32, #tpu.memory_space<vmem>>, vector<1x16xf32>,
      %get3A_298 = arith.index_cast %scan3A_146 : i32 to index
      %get3A_299 = arith.constant 144 : index
      %get3A_300 = tpu.vector_load %arg10[%get3A_298, %get3A_299] {strides = array<i32>} : memref<64x768xf32, #tpu.memory_space<vmem>>, vector<1x16xf32>,
      %get3A_301 = vector.shape_cast %get3A_300 : vector<1x16xf32> to vector<16xf32>
      %mul3A_302 = arith.mulf %get3A_301, %get3A_150 : vector<16xf32>
      %get3A_303 = arith.index_cast %scan3A_146 : i32 to index
      %get3A_304 = arith.constant 144 : index
      %get3A_305 = tpu.vector_load %arg11[%get3A_303, %get3A_304] {strides = array<i32>} : memref<64x768xf32, #tpu.memory_space<vmem>>, vector<1x16xf32>,
      %get3A_306 = vector.shape_cast %get3A_305 : vector<1x16xf32> to vector<16xf32>
      %mul3A_307 = arith.mulf %get3A_306, %get3A_154 : vector<16xf32>
      %add3A_308 = arith.addf %mul3A_302, %mul3A_307 : vector<16xf32>
      %swap3A_309 = arith.index_cast %scan3A_146 : i32 to index
      %swap3A_310 = arith.constant 144 : index
      %swap3A_311 = tpu.vector_load %arg10[%swap3A_309, %swap3A_310] {strides = array<i32>} : memref<64x768xf32, #tpu.memory_space<vmem>>, vector<1x16xf32>,
      %swap3A_312 = vector.shape_cast %swap3A_311 : vector<1x16xf32> to vector<16xf32>
      %swap3A_313 = vector.shape_cast %add3A_308 : vector<16xf32> to vector<1x16xf32>
      tpu.vector_store %arg10[%swap3A_309, %swap3A_310], %swap3A_313 {strides = array<i32>} : memref<64x768xf32, #tpu.memory_space<vmem>>, vector<1x16xf32>,
      %get3A_314 = arith.index_cast %scan3A_146 : i32 to index
      %get3A_315 = arith.constant 160 : index
      %get3A_316 = tpu.vector_load %arg10[%get3A_314, %get3A_315] {strides = array<i32>} : memref<64x768xf32, #tpu.memory_space<vmem>>, vector<1x16xf32>,
      %get3A_317 = vector.shape_cast %get3A_316 : vector<1x16xf32> to vector<16xf32>
      %mul3A_318 = arith.mulf %get3A_317, %get3A_150 : vector<16xf32>
      %get3A_319 = arith.index_cast %scan3A_146 : i32 to index
      %get3A_320 = arith.constant 160 : index
      %get3A_321 = tpu.vector_load %arg11[%get3A_319, %get3A_320] {strides = array<i32>} : memref<64x768xf32, #tpu.memory_space<vmem>>, vector<1x16xf32>,
      %get3A_322 = vector.shape_cast %get3A_321 : vector<1x16xf32> to vector<16xf32>
      %mul3A_323 = arith.mulf %get3A_322, %get3A_154 : vector<16xf32>
      %add3A_324 = arith.addf %mul3A_318, %mul3A_323 : vector<16xf32>
      %swap3A_325 = arith.index_cast %scan3A_146 : i32 to index
      %swap3A_326 = arith.constant 160 : index
      %swap3A_327 = tpu.vector_load %arg10[%swap3A_325, %swap3A_326] {strides = array<i32>} : memref<64x768xf32, #tpu.memory_space<vmem>>, vector<1x16xf32>,
      %swap3A_328 = vector.shape_cast %swap3A_327 : vector<1x16xf32> to vector<16xf32>
      %swap3A_329 = vector.shape_cast %add3A_324 : vector<16xf32> to vector<1x16xf32>
      tpu.vector_store %arg10[%swap3A_325, %swap3A_326], %swap3A_329 {strides = array<i32>} : memref<64x768xf32, #tpu.memory_space<vmem>>, vector<1x16xf32>,
      %get3A_330 = arith.index_cast %scan3A_146 : i32 to index
      %get3A_331 = arith.constant 176 : index
      %get3A_332 = tpu.vector_load %arg10[%get3A_330, %get3A_331] {strides = array<i32>} : memref<64x768xf32, #tpu.memory_space<vmem>>, vector<1x16xf32>,
      %get3A_333 = vector.shape_cast %get3A_332 : vector<1x16xf32> to vector<16xf32>
      %mul3A_334 = arith.mulf %get3A_333, %get3A_150 : vector<16xf32>
      %get3A_335 = arith.index_cast %scan3A_146 : i32 to index
      %get3A_336 = arith.constant 176 : index
      %get3A_337 = tpu.vector_load %arg11[%get3A_335, %get3A_336] {strides = array<i32>} : memref<64x768xf32, #tpu.memory_space<vmem>>, vector<1x16xf32>,
      %get3A_338 = vector.shape_cast %get3A_337 : vector<1x16xf32> to vector<16xf32>
      %mul3A_339 = arith.mulf %get3A_338, %get3A_154 : vector<16xf32>
      %add3A_340 = arith.addf %mul3A_334, %mul3A_339 : vector<16xf32>
      %swap3A_341 = arith.index_cast %scan3A_146 : i32 to index
      %swap3A_342 = arith.constant 176 : index
      %swap3A_343 = tpu.vector_load %arg10[%swap3A_341, %swap3A_342] {strides = array<i32>} : memref<64x768xf32, #tpu.memory_space<vmem>>, vector<1x16xf32>,
      %swap3A_344 = vector.shape_cast %swap3A_343 : vector<1x16xf32> to vector<16xf32>
      %swap3A_345 = vector.shape_cast %add3A_340 : vector<16xf32> to vector<1x16xf32>
      tpu.vector_store %arg10[%swap3A_341, %swap3A_342], %swap3A_345 {strides = array<i32>} : memref<64x768xf32, #tpu.memory_space<vmem>>, vector<1x16xf32>,
      %get3A_346 = arith.index_cast %scan3A_146 : i32 to index
      %get3A_347 = arith.constant 192 : index
      %get3A_348 = tpu.vector_load %arg10[%get3A_346, %get3A_347] {strides = array<i32>} : memref<64x768xf32, #tpu.memory_space<vmem>>, vector<1x16xf32>,
      %get3A_349 = vector.shape_cast %get3A_348 : vector<1x16xf32> to vector<16xf32>
      %mul3A_350 = arith.mulf %get3A_349, %get3A_150 : vector<16xf32>
      %get3A_351 = arith.index_cast %scan3A_146 : i32 to index
      %get3A_352 = arith.constant 192 : index
      %get3A_353 = tpu.vector_load %arg11[%get3A_351, %get3A_352] {strides = array<i32>} : memref<64x768xf32, #tpu.memory_space<vmem>>, vector<1x16xf32>,
      %get3A_354 = vector.shape_cast %get3A_353 : vector<1x16xf32> to vector<16xf32>
      %mul3A_355 = arith.mulf %get3A_354, %get3A_154 : vector<16xf32>
      %add3A_356 = arith.addf %mul3A_350, %mul3A_355 : vector<16xf32>
      %swap3A_357 = arith.index_cast %scan3A_146 : i32 to index
      %swap3A_358 = arith.constant 192 : index
      %swap3A_359 = tpu.vector_load %arg10[%swap3A_357, %swap3A_358] {strides = array<i32>} : memref<64x768xf32, #tpu.memory_space<vmem>>, vector<1x16xf32>,
      %swap3A_360 = vector.shape_cast %swap3A_359 : vector<1x16xf32> to vector<16xf32>
      %swap3A_361 = vector.shape_cast %add3A_356 : vector<16xf32> to vector<1x16xf32>
      tpu.vector_store %arg10[%swap3A_357, %swap3A_358], %swap3A_361 {strides = array<i32>} : memref<64x768xf32, #tpu.memory_space<vmem>>, vector<1x16xf32>,
      %get3A_362 = arith.index_cast %scan3A_146 : i32 to index
      %get3A_363 = arith.constant 208 : index
      %get3A_364 = tpu.vector_load %arg10[%get3A_362, %get3A_363] {strides = array<i32>} : memref<64x768xf32, #tpu.memory_space<vmem>>, vector<1x16xf32>,
      %get3A_365 = vector.shape_cast %get3A_364 : vector<1x16xf32> to vector<16xf32>
      %mul3A_366 = arith.mulf %get3A_365, %get3A_150 : vector<16xf32>
      %get3A_367 = arith.index_cast %scan3A_146 : i32 to index
      %get3A_368 = arith.constant 208 : index
      %get3A_369 = tpu.vector_load %arg11[%get3A_367, %get3A_368] {strides = array<i32>} : memref<64x768xf32, #tpu.memory_space<vmem>>, vector<1x16xf32>,
      %get3A_370 = vector.shape_cast %get3A_369 : vector<1x16xf32> to vector<16xf32>
      %mul3A_371 = arith.mulf %get3A_370, %get3A_154 : vector<16xf32>
      %add3A_372 = arith.addf %mul3A_366, %mul3A_371 : vector<16xf32>
      %swap3A_373 = arith.index_cast %scan3A_146 : i32 to index
      %swap3A_374 = arith.constant 208 : index
      %swap3A_375 = tpu.vector_load %arg10[%swap3A_373, %swap3A_374] {strides = array<i32>} : memref<64x768xf32, #tpu.memory_space<vmem>>, vector<1x16xf32>,
      %swap3A_376 = vector.shape_cast %swap3A_375 : vector<1x16xf32> to vector<16xf32>
      %swap3A_377 = vector.shape_cast %add3A_372 : vector<16xf32> to vector<1x16xf32>
      tpu.vector_store %arg10[%swap3A_373, %swap3A_374], %swap3A_377 {strides = array<i32>} : memref<64x768xf32, #tpu.memory_space<vmem>>, vector<1x16xf32>,
      %get3A_378 = arith.index_cast %scan3A_146 : i32 to index
      %get3A_379 = arith.constant 224 : index
      %get3A_380 = tpu.vector_load %arg10[%get3A_378, %get3A_379] {strides = array<i32>} : memref<64x768xf32, #tpu.memory_space<vmem>>, vector<1x16xf32>,
      %get3A_381 = vector.shape_cast %get3A_380 : vector<1x16xf32> to vector<16xf32>
      %mul3A_382 = arith.mulf %get3A_381, %get3A_150 : vector<16xf32>
      %get3A_383 = arith.index_cast %scan3A_146 : i32 to index
      %get3A_384 = arith.constant 224 : index
      %get3A_385 = tpu.vector_load %arg11[%get3A_383, %get3A_384] {strides = array<i32>} : memref<64x768xf32, #tpu.memory_space<vmem>>, vector<1x16xf32>,
      %get3A_386 = vector.shape_cast %get3A_385 : vector<1x16xf32> to vector<16xf32>
      %mul3A_387 = arith.mulf %get3A_386, %get3A_154 : vector<16xf32>
      %add3A_388 = arith.addf %mul3A_382, %mul3A_387 : vector<16xf32>
      %swap3A_389 = arith.index_cast %scan3A_146 : i32 to index
      %swap3A_390 = arith.constant 224 : index
      %swap3A_391 = tpu.vector_load %arg10[%swap3A_389, %swap3A_390] {strides = array<i32>} : memref<64x768xf32, #tpu.memory_space<vmem>>, vector<1x16xf32>,
      %swap3A_392 = vector.shape_cast %swap3A_391 : vector<1x16xf32> to vector<16xf32>
      %swap3A_393 = vector.shape_cast %add3A_388 : vector<16xf32> to vector<1x16xf32>
      tpu.vector_store %arg10[%swap3A_389, %swap3A_390], %swap3A_393 {strides = array<i32>} : memref<64x768xf32, #tpu.memory_space<vmem>>, vector<1x16xf32>,
      %get3A_394 = arith.index_cast %scan3A_146 : i32 to index
      %get3A_395 = arith.constant 240 : index
      %get3A_396 = tpu.vector_load %arg10[%get3A_394, %get3A_395] {strides = array<i32>} : memref<64x768xf32, #tpu.memory_space<vmem>>, vector<1x16xf32>,
      %get3A_397 = vector.shape_cast %get3A_396 : vector<1x16xf32> to vector<16xf32>
      %mul3A_398 = arith.mulf %get3A_397, %get3A_150 : vector<16xf32>
      %get3A_399 = arith.index_cast %scan3A_146 : i32 to index
      %get3A_400 = arith.constant 240 : index
      %get3A_401 = tpu.vector_load %arg11[%get3A_399, %get3A_400] {strides = array<i32>} : memref<64x768xf32, #tpu.memory_space<vmem>>, vector<1x16xf32>,
      %get3A_402 = vector.shape_cast %get3A_401 : vector<1x16xf32> to vector<16xf32>
      %mul3A_403 = arith.mulf %get3A_402, %get3A_154 : vector<16xf32>
      %add3A_404 = arith.addf %mul3A_398, %mul3A_403 : vector<16xf32>
      %swap3A_405 = arith.index_cast %scan3A_146 : i32 to index
      %swap3A_406 = arith.constant 240 : index
      %swap3A_407 = tpu.vector_load %arg10[%swap3A_405, %swap3A_406] {strides = array<i32>} : memref<64x768xf32, #tpu.memory_space<vmem>>, vector<1x16xf32>,
      %swap3A_408 = vector.shape_cast %swap3A_407 : vector<1x16xf32> to vector<16xf32>
      %swap3A_409 = vector.shape_cast %add3A_404 : vector<16xf32> to vector<1x16xf32>
      tpu.vector_store %arg10[%swap3A_405, %swap3A_406], %swap3A_409 {strides = array<i32>} : memref<64x768xf32, #tpu.memory_space<vmem>>, vector<1x16xf32>,
      %get3A_410 = arith.index_cast %scan3A_146 : i32 to index
      %get3A_411 = arith.constant 256 : index
      %get3A_412 = tpu.vector_load %arg10[%get3A_410, %get3A_411] {strides = array<i32>} : memref<64x768xf32, #tpu.memory_space<vmem>>, vector<1x16xf32>,
      %get3A_413 = vector.shape_cast %get3A_412 : vector<1x16xf32> to vector<16xf32>
      %mul3A_414 = arith.mulf %get3A_413, %get3A_150 : vector<16xf32>
      %get3A_415 = arith.index_cast %scan3A_146 : i32 to index
      %get3A_416 = arith.constant 256 : index
      %get3A_417 = tpu.vector_load %arg11[%get3A_415, %get3A_416] {strides = array<i32>} : memref<64x768xf32, #tpu.memory_space<vmem>>, vector<1x16xf32>,
      %get3A_418 = vector.shape_cast %get3A_417 : vector<1x16xf32> to vector<16xf32>
      %mul3A_419 = arith.mulf %get3A_418, %get3A_154 : vector<16xf32>
      %add3A_420 = arith.addf %mul3A_414, %mul3A_419 : vector<16xf32>
      %swap3A_421 = arith.index_cast %scan3A_146 : i32 to index
      %swap3A_422 = arith.constant 256 : index
      %swap3A_423 = tpu.vector_load %arg10[%swap3A_421, %swap3A_422] {strides = array<i32>} : memref<64x768xf32, #tpu.memory_space<vmem>>, vector<1x16xf32>,
      %swap3A_424 = vector.shape_cast %swap3A_423 : vector<1x16xf32> to vector<16xf32>
      %swap3A_425 = vector.shape_cast %add3A_420 : vector<16xf32> to vector<1x16xf32>
      tpu.vector_store %arg10[%swap3A_421, %swap3A_422], %swap3A_425 {strides = array<i32>} : memref<64x768xf32, #tpu.memory_space<vmem>>, vector<1x16xf32>,
      %get3A_426 = arith.index_cast %scan3A_146 : i32 to index
      %get3A_427 = arith.constant 272 : index
      %get3A_428 = tpu.vector_load %arg10[%get3A_426, %get3A_427] {strides = array<i32>} : memref<64x768xf32, #tpu.memory_space<vmem>>, vector<1x16xf32>,
      %get3A_429 = vector.shape_cast %get3A_428 : vector<1x16xf32> to vector<16xf32>
      %mul3A_430 = arith.mulf %get3A_429, %get3A_150 : vector<16xf32>
      %get3A_431 = arith.index_cast %scan3A_146 : i32 to index
      %get3A_432 = arith.constant 272 : index
      %get3A_433 = tpu.vector_load %arg11[%get3A_431, %get3A_432] {strides = array<i32>} : memref<64x768xf32, #tpu.memory_space<vmem>>, vector<1x16xf32>,
      %get3A_434 = vector.shape_cast %get3A_433 : vector<1x16xf32> to vector<16xf32>
      %mul3A_435 = arith.mulf %get3A_434, %get3A_154 : vector<16xf32>
      %add3A_436 = arith.addf %mul3A_430, %mul3A_435 : vector<16xf32>
      %swap3A_437 = arith.index_cast %scan3A_146 : i32 to index
      %swap3A_438 = arith.constant 272 : index
      %swap3A_439 = tpu.vector_load %arg10[%swap3A_437, %swap3A_438] {strides = array<i32>} : memref<64x768xf32, #tpu.memory_space<vmem>>, vector<1x16xf32>,
      %swap3A_440 = vector.shape_cast %swap3A_439 : vector<1x16xf32> to vector<16xf32>
      %swap3A_441 = vector.shape_cast %add3A_436 : vector<16xf32> to vector<1x16xf32>
      tpu.vector_store %arg10[%swap3A_437, %swap3A_438], %swap3A_441 {strides = array<i32>} : memref<64x768xf32, #tpu.memory_space<vmem>>, vector<1x16xf32>,
      %get3A_442 = arith.index_cast %scan3A_146 : i32 to index
      %get3A_443 = arith.constant 288 : index
      %get3A_444 = tpu.vector_load %arg10[%get3A_442, %get3A_443] {strides = array<i32>} : memref<64x768xf32, #tpu.memory_space<vmem>>, vector<1x16xf32>,
      %get3A_445 = vector.shape_cast %get3A_444 : vector<1x16xf32> to vector<16xf32>
      %mul3A_446 = arith.mulf %get3A_445, %get3A_150 : vector<16xf32>
      %get3A_447 = arith.index_cast %scan3A_146 : i32 to index
      %get3A_448 = arith.constant 288 : index
      %get3A_449 = tpu.vector_load %arg11[%get3A_447, %get3A_448] {strides = array<i32>} : memref<64x768xf32, #tpu.memory_space<vmem>>, vector<1x16xf32>,
      %get3A_450 = vector.shape_cast %get3A_449 : vector<1x16xf32> to vector<16xf32>
      %mul3A_451 = arith.mulf %get3A_450, %get3A_154 : vector<16xf32>
      %add3A_452 = arith.addf %mul3A_446, %mul3A_451 : vector<16xf32>
      %swap3A_453 = arith.index_cast %scan3A_146 : i32 to index
      %swap3A_454 = arith.constant 288 : index
      %swap3A_455 = tpu.vector_load %arg10[%swap3A_453, %swap3A_454] {strides = array<i32>} : memref<64x768xf32, #tpu.memory_space<vmem>>, vector<1x16xf32>,
      %swap3A_456 = vector.shape_cast %swap3A_455 : vector<1x16xf32> to vector<16xf32>
      %swap3A_457 = vector.shape_cast %add3A_452 : vector<16xf32> to vector<1x16xf32>
      tpu.vector_store %arg10[%swap3A_453, %swap3A_454], %swap3A_457 {strides = array<i32>} : memref<64x768xf32, #tpu.memory_space<vmem>>, vector<1x16xf32>,
      %get3A_458 = arith.index_cast %scan3A_146 : i32 to index
      %get3A_459 = arith.constant 304 : index
      %get3A_460 = tpu.vector_load %arg10[%get3A_458, %get3A_459] {strides = array<i32>} : memref<64x768xf32, #tpu.memory_space<vmem>>, vector<1x16xf32>,
      %get3A_461 = vector.shape_cast %get3A_460 : vector<1x16xf32> to vector<16xf32>
      %mul3A_462 = arith.mulf %get3A_461, %get3A_150 : vector<16xf32>
      %get3A_463 = arith.index_cast %scan3A_146 : i32 to index
      %get3A_464 = arith.constant 304 : index
      %get3A_465 = tpu.vector_load %arg11[%get3A_463, %get3A_464] {strides = array<i32>} : memref<64x768xf32, #tpu.memory_space<vmem>>, vector<1x16xf32>,
      %get3A_466 = vector.shape_cast %get3A_465 : vector<1x16xf32> to vector<16xf32>
      %mul3A_467 = arith.mulf %get3A_466, %get3A_154 : vector<16xf32>
      %add3A_468 = arith.addf %mul3A_462, %mul3A_467 : vector<16xf32>
      %swap3A_469 = arith.index_cast %scan3A_146 : i32 to index
      %swap3A_470 = arith.constant 304 : index
      %swap3A_471 = tpu.vector_load %arg10[%swap3A_469, %swap3A_470] {strides = array<i32>} : memref<64x768xf32, #tpu.memory_space<vmem>>, vector<1x16xf32>,
      %swap3A_472 = vector.shape_cast %swap3A_471 : vector<1x16xf32> to vector<16xf32>
      %swap3A_473 = vector.shape_cast %add3A_468 : vector<16xf32> to vector<1x16xf32>
      tpu.vector_store %arg10[%swap3A_469, %swap3A_470], %swap3A_473 {strides = array<i32>} : memref<64x768xf32, #tpu.memory_space<vmem>>, vector<1x16xf32>,
      %get3A_474 = arith.index_cast %scan3A_146 : i32 to index
      %get3A_475 = arith.constant 320 : index
      %get3A_476 = tpu.vector_load %arg10[%get3A_474, %get3A_475] {strides = array<i32>} : memref<64x768xf32, #tpu.memory_space<vmem>>, vector<1x16xf32>,
      %get3A_477 = vector.shape_cast %get3A_476 : vector<1x16xf32> to vector<16xf32>
      %mul3A_478 = arith.mulf %get3A_477, %get3A_150 : vector<16xf32>
      %get3A_479 = arith.index_cast %scan3A_146 : i32 to index
      %get3A_480 = arith.constant 320 : index
      %get3A_481 = tpu.vector_load %arg11[%get3A_479, %get3A_480] {strides = array<i32>} : memref<64x768xf32, #tpu.memory_space<vmem>>, vector<1x16xf32>,
      %get3A_482 = vector.shape_cast %get3A_481 : vector<1x16xf32> to vector<16xf32>
      %mul3A_483 = arith.mulf %get3A_482, %get3A_154 : vector<16xf32>
      %add3A_484 = arith.addf %mul3A_478, %mul3A_483 : vector<16xf32>
      %swap3A_485 = arith.index_cast %scan3A_146 : i32 to index
      %swap3A_486 = arith.constant 320 : index
      %swap3A_487 = tpu.vector_load %arg10[%swap3A_485, %swap3A_486] {strides = array<i32>} : memref<64x768xf32, #tpu.memory_space<vmem>>, vector<1x16xf32>,
      %swap3A_488 = vector.shape_cast %swap3A_487 : vector<1x16xf32> to vector<16xf32>
      %swap3A_489 = vector.shape_cast %add3A_484 : vector<16xf32> to vector<1x16xf32>
      tpu.vector_store %arg10[%swap3A_485, %swap3A_486], %swap3A_489 {strides = array<i32>} : memref<64x768xf32, #tpu.memory_space<vmem>>, vector<1x16xf32>,
      %get3A_490 = arith.index_cast %scan3A_146 : i32 to index
      %get3A_491 = arith.constant 336 : index
      %get3A_492 = tpu.vector_load %arg10[%get3A_490, %get3A_491] {strides = array<i32>} : memref<64x768xf32, #tpu.memory_space<vmem>>, vector<1x16xf32>,
      %get3A_493 = vector.shape_cast %get3A_492 : vector<1x16xf32> to vector<16xf32>
      %mul3A_494 = arith.mulf %get3A_493, %get3A_150 : vector<16xf32>
      %get3A_495 = arith.index_cast %scan3A_146 : i32 to index
      %get3A_496 = arith.constant 336 : index
      %get3A_497 = tpu.vector_load %arg11[%get3A_495, %get3A_496] {strides = array<i32>} : memref<64x768xf32, #tpu.memory_space<vmem>>, vector<1x16xf32>,
      %get3A_498 = vector.shape_cast %get3A_497 : vector<1x16xf32> to vector<16xf32>
      %mul3A_499 = arith.mulf %get3A_498, %get3A_154 : vector<16xf32>
      %add3A_500 = arith.addf %mul3A_494, %mul3A_499 : vector<16xf32>
      %swap3A_501 = arith.index_cast %scan3A_146 : i32 to index
      %swap3A_502 = arith.constant 336 : index
      %swap3A_503 = tpu.vector_load %arg10[%swap3A_501, %swap3A_502] {strides = array<i32>} : memref<64x768xf32, #tpu.memory_space<vmem>>, vector<1x16xf32>,
      %swap3A_504 = vector.shape_cast %swap3A_503 : vector<1x16xf32> to vector<16xf32>
      %swap3A_505 = vector.shape_cast %add3A_500 : vector<16xf32> to vector<1x16xf32>
      tpu.vector_store %arg10[%swap3A_501, %swap3A_502], %swap3A_505 {strides = array<i32>} : memref<64x768xf32, #tpu.memory_space<vmem>>, vector<1x16xf32>,
      %get3A_506 = arith.index_cast %scan3A_146 : i32 to index
      %get3A_507 = arith.constant 352 : index
      %get3A_508 = tpu.vector_load %arg10[%get3A_506, %get3A_507] {strides = array<i32>} : memref<64x768xf32, #tpu.memory_space<vmem>>, vector<1x16xf32>,
      %get3A_509 = vector.shape_cast %get3A_508 : vector<1x16xf32> to vector<16xf32>
      %mul3A_510 = arith.mulf %get3A_509, %get3A_150 : vector<16xf32>
      %get3A_511 = arith.index_cast %scan3A_146 : i32 to index
      %get3A_512 = arith.constant 352 : index
      %get3A_513 = tpu.vector_load %arg11[%get3A_511, %get3A_512] {strides = array<i32>} : memref<64x768xf32, #tpu.memory_space<vmem>>, vector<1x16xf32>,
      %get3A_514 = vector.shape_cast %get3A_513 : vector<1x16xf32> to vector<16xf32>
      %mul3A_515 = arith.mulf %get3A_514, %get3A_154 : vector<16xf32>
      %add3A_516 = arith.addf %mul3A_510, %mul3A_515 : vector<16xf32>
      %swap3A_517 = arith.index_cast %scan3A_146 : i32 to index
      %swap3A_518 = arith.constant 352 : index
      %swap3A_519 = tpu.vector_load %arg10[%swap3A_517, %swap3A_518] {strides = array<i32>} : memref<64x768xf32, #tpu.memory_space<vmem>>, vector<1x16xf32>,
      %swap3A_520 = vector.shape_cast %swap3A_519 : vector<1x16xf32> to vector<16xf32>
      %swap3A_521 = vector.shape_cast %add3A_516 : vector<16xf32> to vector<1x16xf32>
      tpu.vector_store %arg10[%swap3A_517, %swap3A_518], %swap3A_521 {strides = array<i32>} : memref<64x768xf32, #tpu.memory_space<vmem>>, vector<1x16xf32>,
      %get3A_522 = arith.index_cast %scan3A_146 : i32 to index
      %get3A_523 = arith.constant 368 : index
      %get3A_524 = tpu.vector_load %arg10[%get3A_522, %get3A_523] {strides = array<i32>} : memref<64x768xf32, #tpu.memory_space<vmem>>, vector<1x16xf32>,
      %get3A_525 = vector.shape_cast %get3A_524 : vector<1x16xf32> to vector<16xf32>
      %mul3A_526 = arith.mulf %get3A_525, %get3A_150 : vector<16xf32>
      %get3A_527 = arith.index_cast %scan3A_146 : i32 to index
      %get3A_528 = arith.constant 368 : index
      %get3A_529 = tpu.vector_load %arg11[%get3A_527, %get3A_528] {strides = array<i32>} : memref<64x768xf32, #tpu.memory_space<vmem>>, vector<1x16xf32>,
      %get3A_530 = vector.shape_cast %get3A_529 : vector<1x16xf32> to vector<16xf32>
      %mul3A_531 = arith.mulf %get3A_530, %get3A_154 : vector<16xf32>
      %add3A_532 = arith.addf %mul3A_526, %mul3A_531 : vector<16xf32>
      %swap3A_533 = arith.index_cast %scan3A_146 : i32 to index
      %swap3A_534 = arith.constant 368 : index
      %swap3A_535 = tpu.vector_load %arg10[%swap3A_533, %swap3A_534] {strides = array<i32>} : memref<64x768xf32, #tpu.memory_space<vmem>>, vector<1x16xf32>,
      %swap3A_536 = vector.shape_cast %swap3A_535 : vector<1x16xf32> to vector<16xf32>
      %swap3A_537 = vector.shape_cast %add3A_532 : vector<16xf32> to vector<1x16xf32>
      tpu.vector_store %arg10[%swap3A_533, %swap3A_534], %swap3A_537 {strides = array<i32>} : memref<64x768xf32, #tpu.memory_space<vmem>>, vector<1x16xf32>,
      %get3A_538 = arith.index_cast %scan3A_146 : i32 to index
      %get3A_539 = arith.constant 384 : index
      %get3A_540 = tpu.vector_load %arg10[%get3A_538, %get3A_539] {strides = array<i32>} : memref<64x768xf32, #tpu.memory_space<vmem>>, vector<1x16xf32>,
      %get3A_541 = vector.shape_cast %get3A_540 : vector<1x16xf32> to vector<16xf32>
      %mul3A_542 = arith.mulf %get3A_541, %get3A_150 : vector<16xf32>
      %get3A_543 = arith.index_cast %scan3A_146 : i32 to index
      %get3A_544 = arith.constant 384 : index
      %get3A_545 = tpu.vector_load %arg11[%get3A_543, %get3A_544] {strides = array<i32>} : memref<64x768xf32, #tpu.memory_space<vmem>>, vector<1x16xf32>,
      %get3A_546 = vector.shape_cast %get3A_545 : vector<1x16xf32> to vector<16xf32>
      %mul3A_547 = arith.mulf %get3A_546, %get3A_154 : vector<16xf32>
      %add3A_548 = arith.addf %mul3A_542, %mul3A_547 : vector<16xf32>
      %swap3A_549 = arith.index_cast %scan3A_146 : i32 to index
      %swap3A_550 = arith.constant 384 : index
      %swap3A_551 = tpu.vector_load %arg10[%swap3A_549, %swap3A_550] {strides = array<i32>} : memref<64x768xf32, #tpu.memory_space<vmem>>, vector<1x16xf32>,
      %swap3A_552 = vector.shape_cast %swap3A_551 : vector<1x16xf32> to vector<16xf32>
      %swap3A_553 = vector.shape_cast %add3A_548 : vector<16xf32> to vector<1x16xf32>
      tpu.vector_store %arg10[%swap3A_549, %swap3A_550], %swap3A_553 {strides = array<i32>} : memref<64x768xf32, #tpu.memory_space<vmem>>, vector<1x16xf32>,
      %get3A_554 = arith.index_cast %scan3A_146 : i32 to index
      %get3A_555 = arith.constant 400 : index
      %get3A_556 = tpu.vector_load %arg10[%get3A_554, %get3A_555] {strides = array<i32>} : memref<64x768xf32, #tpu.memory_space<vmem>>, vector<1x16xf32>,
      %get3A_557 = vector.shape_cast %get3A_556 : vector<1x16xf32> to vector<16xf32>
      %mul3A_558 = arith.mulf %get3A_557, %get3A_150 : vector<16xf32>
      %get3A_559 = arith.index_cast %scan3A_146 : i32 to index
      %get3A_560 = arith.constant 400 : index
      %get3A_561 = tpu.vector_load %arg11[%get3A_559, %get3A_560] {strides = array<i32>} : memref<64x768xf32, #tpu.memory_space<vmem>>, vector<1x16xf32>,
      %get3A_562 = vector.shape_cast %get3A_561 : vector<1x16xf32> to vector<16xf32>
      %mul3A_563 = arith.mulf %get3A_562, %get3A_154 : vector<16xf32>
      %add3A_564 = arith.addf %mul3A_558, %mul3A_563 : vector<16xf32>
      %swap3A_565 = arith.index_cast %scan3A_146 : i32 to index
      %swap3A_566 = arith.constant 400 : index
      %swap3A_567 = tpu.vector_load %arg10[%swap3A_565, %swap3A_566] {strides = array<i32>} : memref<64x768xf32, #tpu.memory_space<vmem>>, vector<1x16xf32>,
      %swap3A_568 = vector.shape_cast %swap3A_567 : vector<1x16xf32> to vector<16xf32>
      %swap3A_569 = vector.shape_cast %add3A_564 : vector<16xf32> to vector<1x16xf32>
      tpu.vector_store %arg10[%swap3A_565, %swap3A_566], %swap3A_569 {strides = array<i32>} : memref<64x768xf32, #tpu.memory_space<vmem>>, vector<1x16xf32>,
      %get3A_570 = arith.index_cast %scan3A_146 : i32 to index
      %get3A_571 = arith.constant 416 : index
      %get3A_572 = tpu.vector_load %arg10[%get3A_570, %get3A_571] {strides = array<i32>} : memref<64x768xf32, #tpu.memory_space<vmem>>, vector<1x16xf32>,
      %get3A_573 = vector.shape_cast %get3A_572 : vector<1x16xf32> to vector<16xf32>
      %mul3A_574 = arith.mulf %get3A_573, %get3A_150 : vector<16xf32>
      %get3A_575 = arith.index_cast %scan3A_146 : i32 to index
      %get3A_576 = arith.constant 416 : index
      %get3A_577 = tpu.vector_load %arg11[%get3A_575, %get3A_576] {strides = array<i32>} : memref<64x768xf32, #tpu.memory_space<vmem>>, vector<1x16xf32>,
      %get3A_578 = vector.shape_cast %get3A_577 : vector<1x16xf32> to vector<16xf32>
      %mul3A_579 = arith.mulf %get3A_578, %get3A_154 : vector<16xf32>
      %add3A_580 = arith.addf %mul3A_574, %mul3A_579 : vector<16xf32>
      %swap3A_581 = arith.index_cast %scan3A_146 : i32 to index
      %swap3A_582 = arith.constant 416 : index
      %swap3A_583 = tpu.vector_load %arg10[%swap3A_581, %swap3A_582] {strides = array<i32>} : memref<64x768xf32, #tpu.memory_space<vmem>>, vector<1x16xf32>,
      %swap3A_584 = vector.shape_cast %swap3A_583 : vector<1x16xf32> to vector<16xf32>
      %swap3A_585 = vector.shape_cast %add3A_580 : vector<16xf32> to vector<1x16xf32>
      tpu.vector_store %arg10[%swap3A_581, %swap3A_582], %swap3A_585 {strides = array<i32>} : memref<64x768xf32, #tpu.memory_space<vmem>>, vector<1x16xf32>,
      %get3A_586 = arith.index_cast %scan3A_146 : i32 to index
      %get3A_587 = arith.constant 432 : index
      %get3A_588 = tpu.vector_load %arg10[%get3A_586, %get3A_587] {strides = array<i32>} : memref<64x768xf32, #tpu.memory_space<vmem>>, vector<1x16xf32>,
      %get3A_589 = vector.shape_cast %get3A_588 : vector<1x16xf32> to vector<16xf32>
      %mul3A_590 = arith.mulf %get3A_589, %get3A_150 : vector<16xf32>
      %get3A_591 = arith.index_cast %scan3A_146 : i32 to index
      %get3A_592 = arith.constant 432 : index
      %get3A_593 = tpu.vector_load %arg11[%get3A_591, %get3A_592] {strides = array<i32>} : memref<64x768xf32, #tpu.memory_space<vmem>>, vector<1x16xf32>,
      %get3A_594 = vector.shape_cast %get3A_593 : vector<1x16xf32> to vector<16xf32>
      %mul3A_595 = arith.mulf %get3A_594, %get3A_154 : vector<16xf32>
      %add3A_596 = arith.addf %mul3A_590, %mul3A_595 : vector<16xf32>
      %swap3A_597 = arith.index_cast %scan3A_146 : i32 to index
      %swap3A_598 = arith.constant 432 : index
      %swap3A_599 = tpu.vector_load %arg10[%swap3A_597, %swap3A_598] {strides = array<i32>} : memref<64x768xf32, #tpu.memory_space<vmem>>, vector<1x16xf32>,
      %swap3A_600 = vector.shape_cast %swap3A_599 : vector<1x16xf32> to vector<16xf32>
      %swap3A_601 = vector.shape_cast %add3A_596 : vector<16xf32> to vector<1x16xf32>
      tpu.vector_store %arg10[%swap3A_597, %swap3A_598], %swap3A_601 {strides = array<i32>} : memref<64x768xf32, #tpu.memory_space<vmem>>, vector<1x16xf32>,
      %get3A_602 = arith.index_cast %scan3A_146 : i32 to index
      %get3A_603 = arith.constant 448 : index
      %get3A_604 = tpu.vector_load %arg10[%get3A_602, %get3A_603] {strides = array<i32>} : memref<64x768xf32, #tpu.memory_space<vmem>>, vector<1x16xf32>,
      %get3A_605 = vector.shape_cast %get3A_604 : vector<1x16xf32> to vector<16xf32>
      %mul3A_606 = arith.mulf %get3A_605, %get3A_150 : vector<16xf32>
      %get3A_607 = arith.index_cast %scan3A_146 : i32 to index
      %get3A_608 = arith.constant 448 : index
      %get3A_609 = tpu.vector_load %arg11[%get3A_607, %get3A_608] {strides = array<i32>} : memref<64x768xf32, #tpu.memory_space<vmem>>, vector<1x16xf32>,
      %get3A_610 = vector.shape_cast %get3A_609 : vector<1x16xf32> to vector<16xf32>
      %mul3A_611 = arith.mulf %get3A_610, %get3A_154 : vector<16xf32>
      %add3A_612 = arith.addf %mul3A_606, %mul3A_611 : vector<16xf32>
      %swap3A_613 = arith.index_cast %scan3A_146 : i32 to index
      %swap3A_614 = arith.constant 448 : index
      %swap3A_615 = tpu.vector_load %arg10[%swap3A_613, %swap3A_614] {strides = array<i32>} : memref<64x768xf32, #tpu.memory_space<vmem>>, vector<1x16xf32>,
      %swap3A_616 = vector.shape_cast %swap3A_615 : vector<1x16xf32> to vector<16xf32>
      %swap3A_617 = vector.shape_cast %add3A_612 : vector<16xf32> to vector<1x16xf32>
      tpu.vector_store %arg10[%swap3A_613, %swap3A_614], %swap3A_617 {strides = array<i32>} : memref<64x768xf32, #tpu.memory_space<vmem>>, vector<1x16xf32>,
      %get3A_618 = arith.index_cast %scan3A_146 : i32 to index
      %get3A_619 = arith.constant 464 : index
      %get3A_620 = tpu.vector_load %arg10[%get3A_618, %get3A_619] {strides = array<i32>} : memref<64x768xf32, #tpu.memory_space<vmem>>, vector<1x16xf32>,
      %get3A_621 = vector.shape_cast %get3A_620 : vector<1x16xf32> to vector<16xf32>
      %mul3A_622 = arith.mulf %get3A_621, %get3A_150 : vector<16xf32>
      %get3A_623 = arith.index_cast %scan3A_146 : i32 to index
      %get3A_624 = arith.constant 464 : index
      %get3A_625 = tpu.vector_load %arg11[%get3A_623, %get3A_624] {strides = array<i32>} : memref<64x768xf32, #tpu.memory_space<vmem>>, vector<1x16xf32>,
      %get3A_626 = vector.shape_cast %get3A_625 : vector<1x16xf32> to vector<16xf32>
      %mul3A_627 = arith.mulf %get3A_626, %get3A_154 : vector<16xf32>
      %add3A_628 = arith.addf %mul3A_622, %mul3A_627 : vector<16xf32>
      %swap3A_629 = arith.index_cast %scan3A_146 : i32 to index
      %swap3A_630 = arith.constant 464 : index
      %swap3A_631 = tpu.vector_load %arg10[%swap3A_629, %swap3A_630] {strides = array<i32>} : memref<64x768xf32, #tpu.memory_space<vmem>>, vector<1x16xf32>,
      %swap3A_632 = vector.shape_cast %swap3A_631 : vector<1x16xf32> to vector<16xf32>
      %swap3A_633 = vector.shape_cast %add3A_628 : vector<16xf32> to vector<1x16xf32>
      tpu.vector_store %arg10[%swap3A_629, %swap3A_630], %swap3A_633 {strides = array<i32>} : memref<64x768xf32, #tpu.memory_space<vmem>>, vector<1x16xf32>,
      %get3A_634 = arith.index_cast %scan3A_146 : i32 to index
      %get3A_635 = arith.constant 480 : index
      %get3A_636 = tpu.vector_load %arg10[%get3A_634, %get3A_635] {strides = array<i32>} : memref<64x768xf32, #tpu.memory_space<vmem>>, vector<1x16xf32>,
      %get3A_637 = vector.shape_cast %get3A_636 : vector<1x16xf32> to vector<16xf32>
      %mul3A_638 = arith.mulf %get3A_637, %get3A_150 : vector<16xf32>
      %get3A_639 = arith.index_cast %scan3A_146 : i32 to index
      %get3A_640 = arith.constant 480 : index
      %get3A_641 = tpu.vector_load %arg11[%get3A_639, %get3A_640] {strides = array<i32>} : memref<64x768xf32, #tpu.memory_space<vmem>>, vector<1x16xf32>,
      %get3A_642 = vector.shape_cast %get3A_641 : vector<1x16xf32> to vector<16xf32>
      %mul3A_643 = arith.mulf %get3A_642, %get3A_154 : vector<16xf32>
      %add3A_644 = arith.addf %mul3A_638, %mul3A_643 : vector<16xf32>
      %swap3A_645 = arith.index_cast %scan3A_146 : i32 to index
      %swap3A_646 = arith.constant 480 : index
      %swap3A_647 = tpu.vector_load %arg10[%swap3A_645, %swap3A_646] {strides = array<i32>} : memref<64x768xf32, #tpu.memory_space<vmem>>, vector<1x16xf32>,
      %swap3A_648 = vector.shape_cast %swap3A_647 : vector<1x16xf32> to vector<16xf32>
      %swap3A_649 = vector.shape_cast %add3A_644 : vector<16xf32> to vector<1x16xf32>
      tpu.vector_store %arg10[%swap3A_645, %swap3A_646], %swap3A_649 {strides = array<i32>} : memref<64x768xf32, #tpu.memory_space<vmem>>, vector<1x16xf32>,
      %get3A_650 = arith.index_cast %scan3A_146 : i32 to index
      %get3A_651 = arith.constant 496 : index
      %get3A_652 = tpu.vector_load %arg10[%get3A_650, %get3A_651] {strides = array<i32>} : memref<64x768xf32, #tpu.memory_space<vmem>>, vector<1x16xf32>,
      %get3A_653 = vector.shape_cast %get3A_652 : vector<1x16xf32> to vector<16xf32>
      %mul3A_654 = arith.mulf %get3A_653, %get3A_150 : vector<16xf32>
      %get3A_655 = arith.index_cast %scan3A_146 : i32 to index
      %get3A_656 = arith.constant 496 : index
      %get3A_657 = tpu.vector_load %arg11[%get3A_655, %get3A_656] {strides = array<i32>} : memref<64x768xf32, #tpu.memory_space<vmem>>, vector<1x16xf32>,
      %get3A_658 = vector.shape_cast %get3A_657 : vector<1x16xf32> to vector<16xf32>
      %mul3A_659 = arith.mulf %get3A_658, %get3A_154 : vector<16xf32>
      %add3A_660 = arith.addf %mul3A_654, %mul3A_659 : vector<16xf32>
      %swap3A_661 = arith.index_cast %scan3A_146 : i32 to index
      %swap3A_662 = arith.constant 496 : index
      %swap3A_663 = tpu.vector_load %arg10[%swap3A_661, %swap3A_662] {strides = array<i32>} : memref<64x768xf32, #tpu.memory_space<vmem>>, vector<1x16xf32>,
      %swap3A_664 = vector.shape_cast %swap3A_663 : vector<1x16xf32> to vector<16xf32>
      %swap3A_665 = vector.shape_cast %add3A_660 : vector<16xf32> to vector<1x16xf32>
      tpu.vector_store %arg10[%swap3A_661, %swap3A_662], %swap3A_665 {strides = array<i32>} : memref<64x768xf32, #tpu.memory_space<vmem>>, vector<1x16xf32>,
      %get3A_666 = arith.index_cast %scan3A_146 : i32 to index
      %get3A_667 = arith.constant 512 : index
      %get3A_668 = tpu.vector_load %arg10[%get3A_666, %get3A_667] {strides = array<i32>} : memref<64x768xf32, #tpu.memory_space<vmem>>, vector<1x16xf32>,
      %get3A_669 = vector.shape_cast %get3A_668 : vector<1x16xf32> to vector<16xf32>
      %mul3A_670 = arith.mulf %get3A_669, %get3A_150 : vector<16xf32>
      %get3A_671 = arith.index_cast %scan3A_146 : i32 to index
      %get3A_672 = arith.constant 512 : index
      %get3A_673 = tpu.vector_load %arg11[%get3A_671, %get3A_672] {strides = array<i32>} : memref<64x768xf32, #tpu.memory_space<vmem>>, vector<1x16xf32>,
      %get3A_674 = vector.shape_cast %get3A_673 : vector<1x16xf32> to vector<16xf32>
      %mul3A_675 = arith.mulf %get3A_674, %get3A_154 : vector<16xf32>
      %add3A_676 = arith.addf %mul3A_670, %mul3A_675 : vector<16xf32>
      %swap3A_677 = arith.index_cast %scan3A_146 : i32 to index
      %swap3A_678 = arith.constant 512 : index
      %swap3A_679 = tpu.vector_load %arg10[%swap3A_677, %swap3A_678] {strides = array<i32>} : memref<64x768xf32, #tpu.memory_space<vmem>>, vector<1x16xf32>,
      %swap3A_680 = vector.shape_cast %swap3A_679 : vector<1x16xf32> to vector<16xf32>
      %swap3A_681 = vector.shape_cast %add3A_676 : vector<16xf32> to vector<1x16xf32>
      tpu.vector_store %arg10[%swap3A_677, %swap3A_678], %swap3A_681 {strides = array<i32>} : memref<64x768xf32, #tpu.memory_space<vmem>>, vector<1x16xf32>,
      %get3A_682 = arith.index_cast %scan3A_146 : i32 to index
      %get3A_683 = arith.constant 528 : index
      %get3A_684 = tpu.vector_load %arg10[%get3A_682, %get3A_683] {strides = array<i32>} : memref<64x768xf32, #tpu.memory_space<vmem>>, vector<1x16xf32>,
      %get3A_685 = vector.shape_cast %get3A_684 : vector<1x16xf32> to vector<16xf32>
      %mul3A_686 = arith.mulf %get3A_685, %get3A_150 : vector<16xf32>
      %get3A_687 = arith.index_cast %scan3A_146 : i32 to index
      %get3A_688 = arith.constant 528 : index
      %get3A_689 = tpu.vector_load %arg11[%get3A_687, %get3A_688] {strides = array<i32>} : memref<64x768xf32, #tpu.memory_space<vmem>>, vector<1x16xf32>,
      %get3A_690 = vector.shape_cast %get3A_689 : vector<1x16xf32> to vector<16xf32>
      %mul3A_691 = arith.mulf %get3A_690, %get3A_154 : vector<16xf32>
      %add3A_692 = arith.addf %mul3A_686, %mul3A_691 : vector<16xf32>
      %swap3A_693 = arith.index_cast %scan3A_146 : i32 to index
      %swap3A_694 = arith.constant 528 : index
      %swap3A_695 = tpu.vector_load %arg10[%swap3A_693, %swap3A_694] {strides = array<i32>} : memref<64x768xf32, #tpu.memory_space<vmem>>, vector<1x16xf32>,
      %swap3A_696 = vector.shape_cast %swap3A_695 : vector<1x16xf32> to vector<16xf32>
      %swap3A_697 = vector.shape_cast %add3A_692 : vector<16xf32> to vector<1x16xf32>
      tpu.vector_store %arg10[%swap3A_693, %swap3A_694], %swap3A_697 {strides = array<i32>} : memref<64x768xf32, #tpu.memory_space<vmem>>, vector<1x16xf32>,
      %get3A_698 = arith.index_cast %scan3A_146 : i32 to index
      %get3A_699 = arith.constant 544 : index
      %get3A_700 = tpu.vector_load %arg10[%get3A_698, %get3A_699] {strides = array<i32>} : memref<64x768xf32, #tpu.memory_space<vmem>>, vector<1x16xf32>,
      %get3A_701 = vector.shape_cast %get3A_700 : vector<1x16xf32> to vector<16xf32>
      %mul3A_702 = arith.mulf %get3A_701, %get3A_150 : vector<16xf32>
      %get3A_703 = arith.index_cast %scan3A_146 : i32 to index
      %get3A_704 = arith.constant 544 : index
      %get3A_705 = tpu.vector_load %arg11[%get3A_703, %get3A_704] {strides = array<i32>} : memref<64x768xf32, #tpu.memory_space<vmem>>, vector<1x16xf32>,
      %get3A_706 = vector.shape_cast %get3A_705 : vector<1x16xf32> to vector<16xf32>
      %mul3A_707 = arith.mulf %get3A_706, %get3A_154 : vector<16xf32>
      %add3A_708 = arith.addf %mul3A_702, %mul3A_707 : vector<16xf32>
      %swap3A_709 = arith.index_cast %scan3A_146 : i32 to index
      %swap3A_710 = arith.constant 544 : index
      %swap3A_711 = tpu.vector_load %arg10[%swap3A_709, %swap3A_710] {strides = array<i32>} : memref<64x768xf32, #tpu.memory_space<vmem>>, vector<1x16xf32>,
      %swap3A_712 = vector.shape_cast %swap3A_711 : vector<1x16xf32> to vector<16xf32>
      %swap3A_713 = vector.shape_cast %add3A_708 : vector<16xf32> to vector<1x16xf32>
      tpu.vector_store %arg10[%swap3A_709, %swap3A_710], %swap3A_713 {strides = array<i32>} : memref<64x768xf32, #tpu.memory_space<vmem>>, vector<1x16xf32>,
      %get3A_714 = arith.index_cast %scan3A_146 : i32 to index
      %get3A_715 = arith.constant 560 : index
      %get3A_716 = tpu.vector_load %arg10[%get3A_714, %get3A_715] {strides = array<i32>} : memref<64x768xf32, #tpu.memory_space<vmem>>, vector<1x16xf32>,
      %get3A_717 = vector.shape_cast %get3A_716 : vector<1x16xf32> to vector<16xf32>
      %mul3A_718 = arith.mulf %get3A_717, %get3A_150 : vector<16xf32>
      %get3A_719 = arith.index_cast %scan3A_146 : i32 to index
      %get3A_720 = arith.constant 560 : index
      %get3A_721 = tpu.vector_load %arg11[%get3A_719, %get3A_720] {strides = array<i32>} : memref<64x768xf32, #tpu.memory_space<vmem>>, vector<1x16xf32>,
      %get3A_722 = vector.shape_cast %get3A_721 : vector<1x16xf32> to vector<16xf32>
      %mul3A_723 = arith.mulf %get3A_722, %get3A_154 : vector<16xf32>
      %add3A_724 = arith.addf %mul3A_718, %mul3A_723 : vector<16xf32>
      %swap3A_725 = arith.index_cast %scan3A_146 : i32 to index
      %swap3A_726 = arith.constant 560 : index
      %swap3A_727 = tpu.vector_load %arg10[%swap3A_725, %swap3A_726] {strides = array<i32>} : memref<64x768xf32, #tpu.memory_space<vmem>>, vector<1x16xf32>,
      %swap3A_728 = vector.shape_cast %swap3A_727 : vector<1x16xf32> to vector<16xf32>
      %swap3A_729 = vector.shape_cast %add3A_724 : vector<16xf32> to vector<1x16xf32>
      tpu.vector_store %arg10[%swap3A_725, %swap3A_726], %swap3A_729 {strides = array<i32>} : memref<64x768xf32, #tpu.memory_space<vmem>>, vector<1x16xf32>,
      %get3A_730 = arith.index_cast %scan3A_146 : i32 to index
      %get3A_731 = arith.constant 576 : index
      %get3A_732 = tpu.vector_load %arg10[%get3A_730, %get3A_731] {strides = array<i32>} : memref<64x768xf32, #tpu.memory_space<vmem>>, vector<1x16xf32>,
      %get3A_733 = vector.shape_cast %get3A_732 : vector<1x16xf32> to vector<16xf32>
      %mul3A_734 = arith.mulf %get3A_733, %get3A_150 : vector<16xf32>
      %get3A_735 = arith.index_cast %scan3A_146 : i32 to index
      %get3A_736 = arith.constant 576 : index
      %get3A_737 = tpu.vector_load %arg11[%get3A_735, %get3A_736] {strides = array<i32>} : memref<64x768xf32, #tpu.memory_space<vmem>>, vector<1x16xf32>,
      %get3A_738 = vector.shape_cast %get3A_737 : vector<1x16xf32> to vector<16xf32>
      %mul3A_739 = arith.mulf %get3A_738, %get3A_154 : vector<16xf32>
      %add3A_740 = arith.addf %mul3A_734, %mul3A_739 : vector<16xf32>
      %swap3A_741 = arith.index_cast %scan3A_146 : i32 to index
      %swap3A_742 = arith.constant 576 : index
      %swap3A_743 = tpu.vector_load %arg10[%swap3A_741, %swap3A_742] {strides = array<i32>} : memref<64x768xf32, #tpu.memory_space<vmem>>, vector<1x16xf32>,
      %swap3A_744 = vector.shape_cast %swap3A_743 : vector<1x16xf32> to vector<16xf32>
      %swap3A_745 = vector.shape_cast %add3A_740 : vector<16xf32> to vector<1x16xf32>
      tpu.vector_store %arg10[%swap3A_741, %swap3A_742], %swap3A_745 {strides = array<i32>} : memref<64x768xf32, #tpu.memory_space<vmem>>, vector<1x16xf32>,
      %get3A_746 = arith.index_cast %scan3A_146 : i32 to index
      %get3A_747 = arith.constant 592 : index
      %get3A_748 = tpu.vector_load %arg10[%get3A_746, %get3A_747] {strides = array<i32>} : memref<64x768xf32, #tpu.memory_space<vmem>>, vector<1x16xf32>,
      %get3A_749 = vector.shape_cast %get3A_748 : vector<1x16xf32> to vector<16xf32>
      %mul3A_750 = arith.mulf %get3A_749, %get3A_150 : vector<16xf32>
      %get3A_751 = arith.index_cast %scan3A_146 : i32 to index
      %get3A_752 = arith.constant 592 : index
      %get3A_753 = tpu.vector_load %arg11[%get3A_751, %get3A_752] {strides = array<i32>} : memref<64x768xf32, #tpu.memory_space<vmem>>, vector<1x16xf32>,
      %get3A_754 = vector.shape_cast %get3A_753 : vector<1x16xf32> to vector<16xf32>
      %mul3A_755 = arith.mulf %get3A_754, %get3A_154 : vector<16xf32>
      %add3A_756 = arith.addf %mul3A_750, %mul3A_755 : vector<16xf32>
      %swap3A_757 = arith.index_cast %scan3A_146 : i32 to index
      %swap3A_758 = arith.constant 592 : index
      %swap3A_759 = tpu.vector_load %arg10[%swap3A_757, %swap3A_758] {strides = array<i32>} : memref<64x768xf32, #tpu.memory_space<vmem>>, vector<1x16xf32>,
      %swap3A_760 = vector.shape_cast %swap3A_759 : vector<1x16xf32> to vector<16xf32>
      %swap3A_761 = vector.shape_cast %add3A_756 : vector<16xf32> to vector<1x16xf32>
      tpu.vector_store %arg10[%swap3A_757, %swap3A_758], %swap3A_761 {strides = array<i32>} : memref<64x768xf32, #tpu.memory_space<vmem>>, vector<1x16xf32>,
      %get3A_762 = arith.index_cast %scan3A_146 : i32 to index
      %get3A_763 = arith.constant 608 : index
      %get3A_764 = tpu.vector_load %arg10[%get3A_762, %get3A_763] {strides = array<i32>} : memref<64x768xf32, #tpu.memory_space<vmem>>, vector<1x16xf32>,
      %get3A_765 = vector.shape_cast %get3A_764 : vector<1x16xf32> to vector<16xf32>
      %mul3A_766 = arith.mulf %get3A_765, %get3A_150 : vector<16xf32>
      %get3A_767 = arith.index_cast %scan3A_146 : i32 to index
      %get3A_768 = arith.constant 608 : index
      %get3A_769 = tpu.vector_load %arg11[%get3A_767, %get3A_768] {strides = array<i32>} : memref<64x768xf32, #tpu.memory_space<vmem>>, vector<1x16xf32>,
      %get3A_770 = vector.shape_cast %get3A_769 : vector<1x16xf32> to vector<16xf32>
      %mul3A_771 = arith.mulf %get3A_770, %get3A_154 : vector<16xf32>
      %add3A_772 = arith.addf %mul3A_766, %mul3A_771 : vector<16xf32>
      %swap3A_773 = arith.index_cast %scan3A_146 : i32 to index
      %swap3A_774 = arith.constant 608 : index
      %swap3A_775 = tpu.vector_load %arg10[%swap3A_773, %swap3A_774] {strides = array<i32>} : memref<64x768xf32, #tpu.memory_space<vmem>>, vector<1x16xf32>,
      %swap3A_776 = vector.shape_cast %swap3A_775 : vector<1x16xf32> to vector<16xf32>
      %swap3A_777 = vector.shape_cast %add3A_772 : vector<16xf32> to vector<1x16xf32>
      tpu.vector_store %arg10[%swap3A_773, %swap3A_774], %swap3A_777 {strides = array<i32>} : memref<64x768xf32, #tpu.memory_space<vmem>>, vector<1x16xf32>,
      %get3A_778 = arith.index_cast %scan3A_146 : i32 to index
      %get3A_779 = arith.constant 624 : index
      %get3A_780 = tpu.vector_load %arg10[%get3A_778, %get3A_779] {strides = array<i32>} : memref<64x768xf32, #tpu.memory_space<vmem>>, vector<1x16xf32>,
      %get3A_781 = vector.shape_cast %get3A_780 : vector<1x16xf32> to vector<16xf32>
      %mul3A_782 = arith.mulf %get3A_781, %get3A_150 : vector<16xf32>
      %get3A_783 = arith.index_cast %scan3A_146 : i32 to index
      %get3A_784 = arith.constant 624 : index
      %get3A_785 = tpu.vector_load %arg11[%get3A_783, %get3A_784] {strides = array<i32>} : memref<64x768xf32, #tpu.memory_space<vmem>>, vector<1x16xf32>,
      %get3A_786 = vector.shape_cast %get3A_785 : vector<1x16xf32> to vector<16xf32>
      %mul3A_787 = arith.mulf %get3A_786, %get3A_154 : vector<16xf32>
      %add3A_788 = arith.addf %mul3A_782, %mul3A_787 : vector<16xf32>
      %swap3A_789 = arith.index_cast %scan3A_146 : i32 to index
      %swap3A_790 = arith.constant 624 : index
      %swap3A_791 = tpu.vector_load %arg10[%swap3A_789, %swap3A_790] {strides = array<i32>} : memref<64x768xf32, #tpu.memory_space<vmem>>, vector<1x16xf32>,
      %swap3A_792 = vector.shape_cast %swap3A_791 : vector<1x16xf32> to vector<16xf32>
      %swap3A_793 = vector.shape_cast %add3A_788 : vector<16xf32> to vector<1x16xf32>
      tpu.vector_store %arg10[%swap3A_789, %swap3A_790], %swap3A_793 {strides = array<i32>} : memref<64x768xf32, #tpu.memory_space<vmem>>, vector<1x16xf32>,
      %get3A_794 = arith.index_cast %scan3A_146 : i32 to index
      %get3A_795 = arith.constant 640 : index
      %get3A_796 = tpu.vector_load %arg10[%get3A_794, %get3A_795] {strides = array<i32>} : memref<64x768xf32, #tpu.memory_space<vmem>>, vector<1x16xf32>,
      %get3A_797 = vector.shape_cast %get3A_796 : vector<1x16xf32> to vector<16xf32>
      %mul3A_798 = arith.mulf %get3A_797, %get3A_150 : vector<16xf32>
      %get3A_799 = arith.index_cast %scan3A_146 : i32 to index
      %get3A_800 = arith.constant 640 : index
      %get3A_801 = tpu.vector_load %arg11[%get3A_799, %get3A_800] {strides = array<i32>} : memref<64x768xf32, #tpu.memory_space<vmem>>, vector<1x16xf32>,
      %get3A_802 = vector.shape_cast %get3A_801 : vector<1x16xf32> to vector<16xf32>
      %mul3A_803 = arith.mulf %get3A_802, %get3A_154 : vector<16xf32>
      %add3A_804 = arith.addf %mul3A_798, %mul3A_803 : vector<16xf32>
      %swap3A_805 = arith.index_cast %scan3A_146 : i32 to index
      %swap3A_806 = arith.constant 640 : index
      %swap3A_807 = tpu.vector_load %arg10[%swap3A_805, %swap3A_806] {strides = array<i32>} : memref<64x768xf32, #tpu.memory_space<vmem>>, vector<1x16xf32>,
      %swap3A_808 = vector.shape_cast %swap3A_807 : vector<1x16xf32> to vector<16xf32>
      %swap3A_809 = vector.shape_cast %add3A_804 : vector<16xf32> to vector<1x16xf32>
      tpu.vector_store %arg10[%swap3A_805, %swap3A_806], %swap3A_809 {strides = array<i32>} : memref<64x768xf32, #tpu.memory_space<vmem>>, vector<1x16xf32>,
      %get3A_810 = arith.index_cast %scan3A_146 : i32 to index
      %get3A_811 = arith.constant 656 : index
      %get3A_812 = tpu.vector_load %arg10[%get3A_810, %get3A_811] {strides = array<i32>} : memref<64x768xf32, #tpu.memory_space<vmem>>, vector<1x16xf32>,
      %get3A_813 = vector.shape_cast %get3A_812 : vector<1x16xf32> to vector<16xf32>
      %mul3A_814 = arith.mulf %get3A_813, %get3A_150 : vector<16xf32>
      %get3A_815 = arith.index_cast %scan3A_146 : i32 to index
      %get3A_816 = arith.constant 656 : index
      %get3A_817 = tpu.vector_load %arg11[%get3A_815, %get3A_816] {strides = array<i32>} : memref<64x768xf32, #tpu.memory_space<vmem>>, vector<1x16xf32>,
      %get3A_818 = vector.shape_cast %get3A_817 : vector<1x16xf32> to vector<16xf32>
      %mul3A_819 = arith.mulf %get3A_818, %get3A_154 : vector<16xf32>
      %add3A_820 = arith.addf %mul3A_814, %mul3A_819 : vector<16xf32>
      %swap3A_821 = arith.index_cast %scan3A_146 : i32 to index
      %swap3A_822 = arith.constant 656 : index
      %swap3A_823 = tpu.vector_load %arg10[%swap3A_821, %swap3A_822] {strides = array<i32>} : memref<64x768xf32, #tpu.memory_space<vmem>>, vector<1x16xf32>,
      %swap3A_824 = vector.shape_cast %swap3A_823 : vector<1x16xf32> to vector<16xf32>
      %swap3A_825 = vector.shape_cast %add3A_820 : vector<16xf32> to vector<1x16xf32>
      tpu.vector_store %arg10[%swap3A_821, %swap3A_822], %swap3A_825 {strides = array<i32>} : memref<64x768xf32, #tpu.memory_space<vmem>>, vector<1x16xf32>,
      %get3A_826 = arith.index_cast %scan3A_146 : i32 to index
      %get3A_827 = arith.constant 672 : index
      %get3A_828 = tpu.vector_load %arg10[%get3A_826, %get3A_827] {strides = array<i32>} : memref<64x768xf32, #tpu.memory_space<vmem>>, vector<1x16xf32>,
      %get3A_829 = vector.shape_cast %get3A_828 : vector<1x16xf32> to vector<16xf32>
      %mul3A_830 = arith.mulf %get3A_829, %get3A_150 : vector<16xf32>
      %get3A_831 = arith.index_cast %scan3A_146 : i32 to index
      %get3A_832 = arith.constant 672 : index
      %get3A_833 = tpu.vector_load %arg11[%get3A_831, %get3A_832] {strides = array<i32>} : memref<64x768xf32, #tpu.memory_space<vmem>>, vector<1x16xf32>,
      %get3A_834 = vector.shape_cast %get3A_833 : vector<1x16xf32> to vector<16xf32>
      %mul3A_835 = arith.mulf %get3A_834, %get3A_154 : vector<16xf32>
      %add3A_836 = arith.addf %mul3A_830, %mul3A_835 : vector<16xf32>
      %swap3A_837 = arith.index_cast %scan3A_146 : i32 to index
      %swap3A_838 = arith.constant 672 : index
      %swap3A_839 = tpu.vector_load %arg10[%swap3A_837, %swap3A_838] {strides = array<i32>} : memref<64x768xf32, #tpu.memory_space<vmem>>, vector<1x16xf32>,
      %swap3A_840 = vector.shape_cast %swap3A_839 : vector<1x16xf32> to vector<16xf32>
      %swap3A_841 = vector.shape_cast %add3A_836 : vector<16xf32> to vector<1x16xf32>
      tpu.vector_store %arg10[%swap3A_837, %swap3A_838], %swap3A_841 {strides = array<i32>} : memref<64x768xf32, #tpu.memory_space<vmem>>, vector<1x16xf32>,
      %get3A_842 = arith.index_cast %scan3A_146 : i32 to index
      %get3A_843 = arith.constant 688 : index
      %get3A_844 = tpu.vector_load %arg10[%get3A_842, %get3A_843] {strides = array<i32>} : memref<64x768xf32, #tpu.memory_space<vmem>>, vector<1x16xf32>,
      %get3A_845 = vector.shape_cast %get3A_844 : vector<1x16xf32> to vector<16xf32>
      %mul3A_846 = arith.mulf %get3A_845, %get3A_150 : vector<16xf32>
      %get3A_847 = arith.index_cast %scan3A_146 : i32 to index
      %get3A_848 = arith.constant 688 : index
      %get3A_849 = tpu.vector_load %arg11[%get3A_847, %get3A_848] {strides = array<i32>} : memref<64x768xf32, #tpu.memory_space<vmem>>, vector<1x16xf32>,
      %get3A_850 = vector.shape_cast %get3A_849 : vector<1x16xf32> to vector<16xf32>
      %mul3A_851 = arith.mulf %get3A_850, %get3A_154 : vector<16xf32>
      %add3A_852 = arith.addf %mul3A_846, %mul3A_851 : vector<16xf32>
      %swap3A_853 = arith.index_cast %scan3A_146 : i32 to index
      %swap3A_854 = arith.constant 688 : index
      %swap3A_855 = tpu.vector_load %arg10[%swap3A_853, %swap3A_854] {strides = array<i32>} : memref<64x768xf32, #tpu.memory_space<vmem>>, vector<1x16xf32>,
      %swap3A_856 = vector.shape_cast %swap3A_855 : vector<1x16xf32> to vector<16xf32>
      %swap3A_857 = vector.shape_cast %add3A_852 : vector<16xf32> to vector<1x16xf32>
      tpu.vector_store %arg10[%swap3A_853, %swap3A_854], %swap3A_857 {strides = array<i32>} : memref<64x768xf32, #tpu.memory_space<vmem>>, vector<1x16xf32>,
      %get3A_858 = arith.index_cast %scan3A_146 : i32 to index
      %get3A_859 = arith.constant 704 : index
      %get3A_860 = tpu.vector_load %arg10[%get3A_858, %get3A_859] {strides = array<i32>} : memref<64x768xf32, #tpu.memory_space<vmem>>, vector<1x16xf32>,
      %get3A_861 = vector.shape_cast %get3A_860 : vector<1x16xf32> to vector<16xf32>
      %mul3A_862 = arith.mulf %get3A_861, %get3A_150 : vector<16xf32>
      %get3A_863 = arith.index_cast %scan3A_146 : i32 to index
      %get3A_864 = arith.constant 704 : index
      %get3A_865 = tpu.vector_load %arg11[%get3A_863, %get3A_864] {strides = array<i32>} : memref<64x768xf32, #tpu.memory_space<vmem>>, vector<1x16xf32>,
      %get3A_866 = vector.shape_cast %get3A_865 : vector<1x16xf32> to vector<16xf32>
      %mul3A_867 = arith.mulf %get3A_866, %get3A_154 : vector<16xf32>
      %add3A_868 = arith.addf %mul3A_862, %mul3A_867 : vector<16xf32>
      %swap3A_869 = arith.index_cast %scan3A_146 : i32 to index
      %swap3A_870 = arith.constant 704 : index
      %swap3A_871 = tpu.vector_load %arg10[%swap3A_869, %swap3A_870] {strides = array<i32>} : memref<64x768xf32, #tpu.memory_space<vmem>>, vector<1x16xf32>,
      %swap3A_872 = vector.shape_cast %swap3A_871 : vector<1x16xf32> to vector<16xf32>
      %swap3A_873 = vector.shape_cast %add3A_868 : vector<16xf32> to vector<1x16xf32>
      tpu.vector_store %arg10[%swap3A_869, %swap3A_870], %swap3A_873 {strides = array<i32>} : memref<64x768xf32, #tpu.memory_space<vmem>>, vector<1x16xf32>,
      %get3A_874 = arith.index_cast %scan3A_146 : i32 to index
      %get3A_875 = arith.constant 720 : index
      %get3A_876 = tpu.vector_load %arg10[%get3A_874, %get3A_875] {strides = array<i32>} : memref<64x768xf32, #tpu.memory_space<vmem>>, vector<1x16xf32>,
      %get3A_877 = vector.shape_cast %get3A_876 : vector<1x16xf32> to vector<16xf32>
      %mul3A_878 = arith.mulf %get3A_877, %get3A_150 : vector<16xf32>
      %get3A_879 = arith.index_cast %scan3A_146 : i32 to index
      %get3A_880 = arith.constant 720 : index
      %get3A_881 = tpu.vector_load %arg11[%get3A_879, %get3A_880] {strides = array<i32>} : memref<64x768xf32, #tpu.memory_space<vmem>>, vector<1x16xf32>,
      %get3A_882 = vector.shape_cast %get3A_881 : vector<1x16xf32> to vector<16xf32>
      %mul3A_883 = arith.mulf %get3A_882, %get3A_154 : vector<16xf32>
      %add3A_884 = arith.addf %mul3A_878, %mul3A_883 : vector<16xf32>
      %swap3A_885 = arith.index_cast %scan3A_146 : i32 to index
      %swap3A_886 = arith.constant 720 : index
      %swap3A_887 = tpu.vector_load %arg10[%swap3A_885, %swap3A_886] {strides = array<i32>} : memref<64x768xf32, #tpu.memory_space<vmem>>, vector<1x16xf32>,
      %swap3A_888 = vector.shape_cast %swap3A_887 : vector<1x16xf32> to vector<16xf32>
      %swap3A_889 = vector.shape_cast %add3A_884 : vector<16xf32> to vector<1x16xf32>
      tpu.vector_store %arg10[%swap3A_885, %swap3A_886], %swap3A_889 {strides = array<i32>} : memref<64x768xf32, #tpu.memory_space<vmem>>, vector<1x16xf32>,
      %get3A_890 = arith.index_cast %scan3A_146 : i32 to index
      %get3A_891 = arith.constant 736 : index
      %get3A_892 = tpu.vector_load %arg10[%get3A_890, %get3A_891] {strides = array<i32>} : memref<64x768xf32, #tpu.memory_space<vmem>>, vector<1x16xf32>,
      %get3A_893 = vector.shape_cast %get3A_892 : vector<1x16xf32> to vector<16xf32>
      %mul3A_894 = arith.mulf %get3A_893, %get3A_150 : vector<16xf32>
      %get3A_895 = arith.index_cast %scan3A_146 : i32 to index
      %get3A_896 = arith.constant 736 : index
      %get3A_897 = tpu.vector_load %arg11[%get3A_895, %get3A_896] {strides = array<i32>} : memref<64x768xf32, #tpu.memory_space<vmem>>, vector<1x16xf32>,
      %get3A_898 = vector.shape_cast %get3A_897 : vector<1x16xf32> to vector<16xf32>
      %mul3A_899 = arith.mulf %get3A_898, %get3A_154 : vector<16xf32>
      %add3A_900 = arith.addf %mul3A_894, %mul3A_899 : vector<16xf32>
      %swap3A_901 = arith.index_cast %scan3A_146 : i32 to index
      %swap3A_902 = arith.constant 736 : index
      %swap3A_903 = tpu.vector_load %arg10[%swap3A_901, %swap3A_902] {strides = array<i32>} : memref<64x768xf32, #tpu.memory_space<vmem>>, vector<1x16xf32>,
      %swap3A_904 = vector.shape_cast %swap3A_903 : vector<1x16xf32> to vector<16xf32>
      %swap3A_905 = vector.shape_cast %add3A_900 : vector<16xf32> to vector<1x16xf32>
      tpu.vector_store %arg10[%swap3A_901, %swap3A_902], %swap3A_905 {strides = array<i32>} : memref<64x768xf32, #tpu.memory_space<vmem>>, vector<1x16xf32>,
      %get3A_906 = arith.index_cast %scan3A_146 : i32 to index
      %get3A_907 = arith.constant 752 : index
      %get3A_908 = tpu.vector_load %arg10[%get3A_906, %get3A_907] {strides = array<i32>} : memref<64x768xf32, #tpu.memory_space<vmem>>, vector<1x16xf32>,
      %get3A_909 = vector.shape_cast %get3A_908 : vector<1x16xf32> to vector<16xf32>
      %mul3A_910 = arith.mulf %get3A_909, %get3A_150 : vector<16xf32>
      %get3A_911 = arith.index_cast %scan3A_146 : i32 to index
      %get3A_912 = arith.constant 752 : index
      %get3A_913 = tpu.vector_load %arg11[%get3A_911, %get3A_912] {strides = array<i32>} : memref<64x768xf32, #tpu.memory_space<vmem>>, vector<1x16xf32>,
      %get3A_914 = vector.shape_cast %get3A_913 : vector<1x16xf32> to vector<16xf32>
      %mul3A_915 = arith.mulf %get3A_914, %get3A_154 : vector<16xf32>
      %add3A_916 = arith.addf %mul3A_910, %mul3A_915 : vector<16xf32>
      %swap3A_917 = arith.index_cast %scan3A_146 : i32 to index
      %swap3A_918 = arith.constant 752 : index
      %swap3A_919 = tpu.vector_load %arg10[%swap3A_917, %swap3A_918] {strides = array<i32>} : memref<64x768xf32, #tpu.memory_space<vmem>>, vector<1x16xf32>,
      %swap3A_920 = vector.shape_cast %swap3A_919 : vector<1x16xf32> to vector<16xf32>
      %swap3A_921 = vector.shape_cast %add3A_916 : vector<16xf32> to vector<1x16xf32>
      tpu.vector_store %arg10[%swap3A_917, %swap3A_918], %swap3A_921 {strides = array<i32>} : memref<64x768xf32, #tpu.memory_space<vmem>>, vector<1x16xf32>,
      %scan3A_922 = arith.constant 0 : i32
      scf.yield %scan3A_922 : i32
    }
    %scan3A_78 = arith.constant 32 : i32
    %add3A_79 = arith.constant 0 : i32
    %add3A_80 = arith.addi %mul3A_2, %add3A_79 : i32
    %dma_start3A_81 = arith.constant 0 : i32
    %dma_start3A_82 = arith.constant 0 : i32
    %dma_start3A_83 = tpu.memref_slice %arg10[%dma_start3A_81, %dma_start3A_82] : memref<64x768xf32, #tpu.memory_space<vmem>> -> memref<32x768xf32, #tpu.memory_space<vmem>>
    %dma_start3A_84 = arith.constant 0 : i32
    %dma_start3A_85 = tpu.memref_slice %arg7[%add3A_80, %dma_start3A_84] : memref<2048x768xf32, #tpu.memory_space<hbm>> -> memref<32x768xf32, #tpu.memory_space<hbm>>
    %dma_start3A_86 = arith.constant 0 : i32
    %dma_start3A_87 = tpu.memref_slice %arg7[%add3A_80, %dma_start3A_86] : memref<2048x768xf32, #tpu.memory_space<hbm>> -> memref<32x768xf32, #tpu.memory_space<hbm>>
    %dma_start3A_88 = arith.constant 0 : i32
    %dma_start3A_89 = arith.constant 0 : i32
    %dma_start3A_90 = tpu.memref_slice %arg10[%dma_start3A_88, %dma_start3A_89] : memref<64x768xf32, #tpu.memory_space<vmem>> -> memref<32x768xf32, #tpu.memory_space<vmem>>
    tpu.enqueue_dma source(%dma_start3A_90 : memref<32x768xf32, #tpu.memory_space<vmem>>) target(%dma_start3A_87 : memref<32x768xf32, #tpu.memory_space<hbm>>) target_semaphore(%arg15 : memref<!tpu.dma_semaphore, #tpu.memory_space<semaphore_mem>>)
    %dma_wait3A_91 = arith.constant 32 : i32
    %dma_wait3A_92 = arith.constant 0 : i32
    %dma_wait3A_93 = tpu.memref_slice %arg10[%dma_wait3A_91, %dma_wait3A_92] : memref<64x768xf32, #tpu.memory_space<vmem>> -> memref<32x768xf32, #tpu.memory_space<vmem>>
    %dma_wait3A_94 = arith.constant 32 : i32
    %dma_wait3A_95 = tpu.memref_slice %arg8[%dma_wait3A_94] : memref<64xi32, #tpu.memory_space<vmem>> -> memref<32xi32, #tpu.memory_space<vmem>>
    %dma_wait3A_96 = arith.constant 0 : i32
    %dma_wait3A_97 = arith.constant 0 : i32
    %dma_wait3A_98 = tpu.memref_slice %arg2[%dma_wait3A_96, %dma_wait3A_97] : memref<5120x768xf32, #tpu.memory_space<hbm>> -> memref<5120x768xf32, #tpu.memory_space<hbm>>
    tpu.wait_indirect_dma semaphore(%arg14 : memref<!tpu.dma_semaphore, #tpu.memory_space<semaphore_mem>>) src(%dma_wait3A_98 : memref<5120x768xf32, #tpu.memory_space<hbm>>) dst(%dma_wait3A_93 : memref<32x768xf32, #tpu.memory_space<vmem>>)
    %dma_wait3A_99 = arith.constant 32 : i32
    %dma_wait3A_100 = arith.constant 0 : i32
    %dma_wait3A_101 = tpu.memref_slice %arg11[%dma_wait3A_99, %dma_wait3A_100] : memref<64x768xf32, #tpu.memory_space<vmem>> -> memref<32x768xf32, #tpu.memory_space<vmem>>
    %dma_wait3A_102 = arith.constant 32 : i32
    %dma_wait3A_103 = tpu.memref_slice %arg9[%dma_wait3A_102] : memref<64xi32, #tpu.memory_space<vmem>> -> memref<32xi32, #tpu.memory_space<vmem>>
    %dma_wait3A_104 = arith.constant 0 : i32
    %dma_wait3A_105 = arith.constant 0 : i32
    %dma_wait3A_106 = tpu.memref_slice %arg2[%dma_wait3A_104, %dma_wait3A_105] : memref<5120x768xf32, #tpu.memory_space<hbm>> -> memref<5120x768xf32, #tpu.memory_space<hbm>>
    tpu.wait_indirect_dma semaphore(%arg14 : memref<!tpu.dma_semaphore, #tpu.memory_space<semaphore_mem>>) src(%dma_wait3A_106 : memref<5120x768xf32, #tpu.memory_space<hbm>>) dst(%dma_wait3A_101 : memref<32x768xf32, #tpu.memory_space<vmem>>)
    %scan3A_107 = arith.constant 0 : i32
    %scan3A_108 = arith.constant 32 : i32
    %scan3A_109 = arith.constant 32 : i32
    %scan3A_110 = arith.addi %scan3A_108, %scan3A_109 : i32
    %scan3A_111 = arith.constant 1 : i32
    %scan3A_112 = scf.for %scan3A_146 = %scan3A_108 to %scan3A_110 step %scan3A_111 iter_args(%scan3A_147 = %scan3A_107) -> (i32)  : i32 {
      %get3A = arith.index_cast %scan3A_146 : i32 to index
      %get3A_148 = arith.constant 0 : index
      %get3A_149 = tpu.vector_load %arg12[%get3A, %get3A_148] {strides = array<i32>} : memref<64x16xf32, #tpu.memory_space<vmem>>, vector<1x16xf32>,
      %get3A_150 = vector.shape_cast %get3A_149 : vector<1x16xf32> to vector<16xf32>
      %get3A_151 = arith.index_cast %scan3A_146 : i32 to index
      %get3A_152 = arith.constant 0 : index
      %get3A_153 = tpu.vector_load %arg13[%get3A_151, %get3A_152] {strides = array<i32>} : memref<64x16xf32, #tpu.memory_space<vmem>>, vector<1x16xf32>,
      %get3A_154 = vector.shape_cast %get3A_153 : vector<1x16xf32> to vector<16xf32>
      %get3A_155 = arith.index_cast %scan3A_146 : i32 to index
      %get3A_156 = arith.constant 0 : index
      %get3A_157 = tpu.vector_load %arg10[%get3A_155, %get3A_156] {strides = array<i32>} : memref<64x768xf32, #tpu.memory_space<vmem>>, vector<1x16xf32>,
      %get3A_158 = vector.shape_cast %get3A_157 : vector<1x16xf32> to vector<16xf32>
      %mul3A_159 = arith.mulf %get3A_158, %get3A_150 : vector<16xf32>
      %get3A_160 = arith.index_cast %scan3A_146 : i32 to index
      %get3A_161 = arith.constant 0 : index
      %get3A_162 = tpu.vector_load %arg11[%get3A_160, %get3A_161] {strides = array<i32>} : memref<64x768xf32, #tpu.memory_space<vmem>>, vector<1x16xf32>,
      %get3A_163 = vector.shape_cast %get3A_162 : vector<1x16xf32> to vector<16xf32>
      %mul3A_164 = arith.mulf %get3A_163, %get3A_154 : vector<16xf32>
      %add3A_165 = arith.addf %mul3A_159, %mul3A_164 : vector<16xf32>
      %swap3A = arith.index_cast %scan3A_146 : i32 to index
      %swap3A_166 = arith.constant 0 : index
      %swap3A_167 = tpu.vector_load %arg10[%swap3A, %swap3A_166] {strides = array<i32>} : memref<64x768xf32, #tpu.memory_space<vmem>>, vector<1x16xf32>,
      %swap3A_168 = vector.shape_cast %swap3A_167 : vector<1x16xf32> to vector<16xf32>
      %swap3A_169 = vector.shape_cast %add3A_165 : vector<16xf32> to vector<1x16xf32>
      tpu.vector_store %arg10[%swap3A, %swap3A_166], %swap3A_169 {strides = array<i32>} : memref<64x768xf32, #tpu.memory_space<vmem>>, vector<1x16xf32>,
      %get3A_170 = arith.index_cast %scan3A_146 : i32 to index
      %get3A_171 = arith.constant 16 : index
      %get3A_172 = tpu.vector_load %arg10[%get3A_170, %get3A_171] {strides = array<i32>} : memref<64x768xf32, #tpu.memory_space<vmem>>, vector<1x16xf32>,
      %get3A_173 = vector.shape_cast %get3A_172 : vector<1x16xf32> to vector<16xf32>
      %mul3A_174 = arith.mulf %get3A_173, %get3A_150 : vector<16xf32>
      %get3A_175 = arith.index_cast %scan3A_146 : i32 to index
      %get3A_176 = arith.constant 16 : index
      %get3A_177 = tpu.vector_load %arg11[%get3A_175, %get3A_176] {strides = array<i32>} : memref<64x768xf32, #tpu.memory_space<vmem>>, vector<1x16xf32>,
      %get3A_178 = vector.shape_cast %get3A_177 : vector<1x16xf32> to vector<16xf32>
      %mul3A_179 = arith.mulf %get3A_178, %get3A_154 : vector<16xf32>
      %add3A_180 = arith.addf %mul3A_174, %mul3A_179 : vector<16xf32>
      %swap3A_181 = arith.index_cast %scan3A_146 : i32 to index
      %swap3A_182 = arith.constant 16 : index
      %swap3A_183 = tpu.vector_load %arg10[%swap3A_181, %swap3A_182] {strides = array<i32>} : memref<64x768xf32, #tpu.memory_space<vmem>>, vector<1x16xf32>,
      %swap3A_184 = vector.shape_cast %swap3A_183 : vector<1x16xf32> to vector<16xf32>
      %swap3A_185 = vector.shape_cast %add3A_180 : vector<16xf32> to vector<1x16xf32>
      tpu.vector_store %arg10[%swap3A_181, %swap3A_182], %swap3A_185 {strides = array<i32>} : memref<64x768xf32, #tpu.memory_space<vmem>>, vector<1x16xf32>,
      %get3A_186 = arith.index_cast %scan3A_146 : i32 to index
      %get3A_187 = arith.constant 32 : index
      %get3A_188 = tpu.vector_load %arg10[%get3A_186, %get3A_187] {strides = array<i32>} : memref<64x768xf32, #tpu.memory_space<vmem>>, vector<1x16xf32>,
      %get3A_189 = vector.shape_cast %get3A_188 : vector<1x16xf32> to vector<16xf32>
      %mul3A_190 = arith.mulf %get3A_189, %get3A_150 : vector<16xf32>
      %get3A_191 = arith.index_cast %scan3A_146 : i32 to index
      %get3A_192 = arith.constant 32 : index
      %get3A_193 = tpu.vector_load %arg11[%get3A_191, %get3A_192] {strides = array<i32>} : memref<64x768xf32, #tpu.memory_space<vmem>>, vector<1x16xf32>,
      %get3A_194 = vector.shape_cast %get3A_193 : vector<1x16xf32> to vector<16xf32>
      %mul3A_195 = arith.mulf %get3A_194, %get3A_154 : vector<16xf32>
      %add3A_196 = arith.addf %mul3A_190, %mul3A_195 : vector<16xf32>
      %swap3A_197 = arith.index_cast %scan3A_146 : i32 to index
      %swap3A_198 = arith.constant 32 : index
      %swap3A_199 = tpu.vector_load %arg10[%swap3A_197, %swap3A_198] {strides = array<i32>} : memref<64x768xf32, #tpu.memory_space<vmem>>, vector<1x16xf32>,
      %swap3A_200 = vector.shape_cast %swap3A_199 : vector<1x16xf32> to vector<16xf32>
      %swap3A_201 = vector.shape_cast %add3A_196 : vector<16xf32> to vector<1x16xf32>
      tpu.vector_store %arg10[%swap3A_197, %swap3A_198], %swap3A_201 {strides = array<i32>} : memref<64x768xf32, #tpu.memory_space<vmem>>, vector<1x16xf32>,
      %get3A_202 = arith.index_cast %scan3A_146 : i32 to index
      %get3A_203 = arith.constant 48 : index
      %get3A_204 = tpu.vector_load %arg10[%get3A_202, %get3A_203] {strides = array<i32>} : memref<64x768xf32, #tpu.memory_space<vmem>>, vector<1x16xf32>,
      %get3A_205 = vector.shape_cast %get3A_204 : vector<1x16xf32> to vector<16xf32>
      %mul3A_206 = arith.mulf %get3A_205, %get3A_150 : vector<16xf32>
      %get3A_207 = arith.index_cast %scan3A_146 : i32 to index
      %get3A_208 = arith.constant 48 : index
      %get3A_209 = tpu.vector_load %arg11[%get3A_207, %get3A_208] {strides = array<i32>} : memref<64x768xf32, #tpu.memory_space<vmem>>, vector<1x16xf32>,
      %get3A_210 = vector.shape_cast %get3A_209 : vector<1x16xf32> to vector<16xf32>
      %mul3A_211 = arith.mulf %get3A_210, %get3A_154 : vector<16xf32>
      %add3A_212 = arith.addf %mul3A_206, %mul3A_211 : vector<16xf32>
      %swap3A_213 = arith.index_cast %scan3A_146 : i32 to index
      %swap3A_214 = arith.constant 48 : index
      %swap3A_215 = tpu.vector_load %arg10[%swap3A_213, %swap3A_214] {strides = array<i32>} : memref<64x768xf32, #tpu.memory_space<vmem>>, vector<1x16xf32>,
      %swap3A_216 = vector.shape_cast %swap3A_215 : vector<1x16xf32> to vector<16xf32>
      %swap3A_217 = vector.shape_cast %add3A_212 : vector<16xf32> to vector<1x16xf32>
      tpu.vector_store %arg10[%swap3A_213, %swap3A_214], %swap3A_217 {strides = array<i32>} : memref<64x768xf32, #tpu.memory_space<vmem>>, vector<1x16xf32>,
      %get3A_218 = arith.index_cast %scan3A_146 : i32 to index
      %get3A_219 = arith.constant 64 : index
      %get3A_220 = tpu.vector_load %arg10[%get3A_218, %get3A_219] {strides = array<i32>} : memref<64x768xf32, #tpu.memory_space<vmem>>, vector<1x16xf32>,
      %get3A_221 = vector.shape_cast %get3A_220 : vector<1x16xf32> to vector<16xf32>
      %mul3A_222 = arith.mulf %get3A_221, %get3A_150 : vector<16xf32>
      %get3A_223 = arith.index_cast %scan3A_146 : i32 to index
      %get3A_224 = arith.constant 64 : index
      %get3A_225 = tpu.vector_load %arg11[%get3A_223, %get3A_224] {strides = array<i32>} : memref<64x768xf32, #tpu.memory_space<vmem>>, vector<1x16xf32>,
      %get3A_226 = vector.shape_cast %get3A_225 : vector<1x16xf32> to vector<16xf32>
      %mul3A_227 = arith.mulf %get3A_226, %get3A_154 : vector<16xf32>
      %add3A_228 = arith.addf %mul3A_222, %mul3A_227 : vector<16xf32>
      %swap3A_229 = arith.index_cast %scan3A_146 : i32 to index
      %swap3A_230 = arith.constant 64 : index
      %swap3A_231 = tpu.vector_load %arg10[%swap3A_229, %swap3A_230] {strides = array<i32>} : memref<64x768xf32, #tpu.memory_space<vmem>>, vector<1x16xf32>,
      %swap3A_232 = vector.shape_cast %swap3A_231 : vector<1x16xf32> to vector<16xf32>
      %swap3A_233 = vector.shape_cast %add3A_228 : vector<16xf32> to vector<1x16xf32>
      tpu.vector_store %arg10[%swap3A_229, %swap3A_230], %swap3A_233 {strides = array<i32>} : memref<64x768xf32, #tpu.memory_space<vmem>>, vector<1x16xf32>,
      %get3A_234 = arith.index_cast %scan3A_146 : i32 to index
      %get3A_235 = arith.constant 80 : index
      %get3A_236 = tpu.vector_load %arg10[%get3A_234, %get3A_235] {strides = array<i32>} : memref<64x768xf32, #tpu.memory_space<vmem>>, vector<1x16xf32>,
      %get3A_237 = vector.shape_cast %get3A_236 : vector<1x16xf32> to vector<16xf32>
      %mul3A_238 = arith.mulf %get3A_237, %get3A_150 : vector<16xf32>
      %get3A_239 = arith.index_cast %scan3A_146 : i32 to index
      %get3A_240 = arith.constant 80 : index
      %get3A_241 = tpu.vector_load %arg11[%get3A_239, %get3A_240] {strides = array<i32>} : memref<64x768xf32, #tpu.memory_space<vmem>>, vector<1x16xf32>,
      %get3A_242 = vector.shape_cast %get3A_241 : vector<1x16xf32> to vector<16xf32>
      %mul3A_243 = arith.mulf %get3A_242, %get3A_154 : vector<16xf32>
      %add3A_244 = arith.addf %mul3A_238, %mul3A_243 : vector<16xf32>
      %swap3A_245 = arith.index_cast %scan3A_146 : i32 to index
      %swap3A_246 = arith.constant 80 : index
      %swap3A_247 = tpu.vector_load %arg10[%swap3A_245, %swap3A_246] {strides = array<i32>} : memref<64x768xf32, #tpu.memory_space<vmem>>, vector<1x16xf32>,
      %swap3A_248 = vector.shape_cast %swap3A_247 : vector<1x16xf32> to vector<16xf32>
      %swap3A_249 = vector.shape_cast %add3A_244 : vector<16xf32> to vector<1x16xf32>
      tpu.vector_store %arg10[%swap3A_245, %swap3A_246], %swap3A_249 {strides = array<i32>} : memref<64x768xf32, #tpu.memory_space<vmem>>, vector<1x16xf32>,
      %get3A_250 = arith.index_cast %scan3A_146 : i32 to index
      %get3A_251 = arith.constant 96 : index
      %get3A_252 = tpu.vector_load %arg10[%get3A_250, %get3A_251] {strides = array<i32>} : memref<64x768xf32, #tpu.memory_space<vmem>>, vector<1x16xf32>,
      %get3A_253 = vector.shape_cast %get3A_252 : vector<1x16xf32> to vector<16xf32>
      %mul3A_254 = arith.mulf %get3A_253, %get3A_150 : vector<16xf32>
      %get3A_255 = arith.index_cast %scan3A_146 : i32 to index
      %get3A_256 = arith.constant 96 : index
      %get3A_257 = tpu.vector_load %arg11[%get3A_255, %get3A_256] {strides = array<i32>} : memref<64x768xf32, #tpu.memory_space<vmem>>, vector<1x16xf32>,
      %get3A_258 = vector.shape_cast %get3A_257 : vector<1x16xf32> to vector<16xf32>
      %mul3A_259 = arith.mulf %get3A_258, %get3A_154 : vector<16xf32>
      %add3A_260 = arith.addf %mul3A_254, %mul3A_259 : vector<16xf32>
      %swap3A_261 = arith.index_cast %scan3A_146 : i32 to index
      %swap3A_262 = arith.constant 96 : index
      %swap3A_263 = tpu.vector_load %arg10[%swap3A_261, %swap3A_262] {strides = array<i32>} : memref<64x768xf32, #tpu.memory_space<vmem>>, vector<1x16xf32>,
      %swap3A_264 = vector.shape_cast %swap3A_263 : vector<1x16xf32> to vector<16xf32>
      %swap3A_265 = vector.shape_cast %add3A_260 : vector<16xf32> to vector<1x16xf32>
      tpu.vector_store %arg10[%swap3A_261, %swap3A_262], %swap3A_265 {strides = array<i32>} : memref<64x768xf32, #tpu.memory_space<vmem>>, vector<1x16xf32>,
      %get3A_266 = arith.index_cast %scan3A_146 : i32 to index
      %get3A_267 = arith.constant 112 : index
      %get3A_268 = tpu.vector_load %arg10[%get3A_266, %get3A_267] {strides = array<i32>} : memref<64x768xf32, #tpu.memory_space<vmem>>, vector<1x16xf32>,
      %get3A_269 = vector.shape_cast %get3A_268 : vector<1x16xf32> to vector<16xf32>
      %mul3A_270 = arith.mulf %get3A_269, %get3A_150 : vector<16xf32>
      %get3A_271 = arith.index_cast %scan3A_146 : i32 to index
      %get3A_272 = arith.constant 112 : index
      %get3A_273 = tpu.vector_load %arg11[%get3A_271, %get3A_272] {strides = array<i32>} : memref<64x768xf32, #tpu.memory_space<vmem>>, vector<1x16xf32>,
      %get3A_274 = vector.shape_cast %get3A_273 : vector<1x16xf32> to vector<16xf32>
      %mul3A_275 = arith.mulf %get3A_274, %get3A_154 : vector<16xf32>
      %add3A_276 = arith.addf %mul3A_270, %mul3A_275 : vector<16xf32>
      %swap3A_277 = arith.index_cast %scan3A_146 : i32 to index
      %swap3A_278 = arith.constant 112 : index
      %swap3A_279 = tpu.vector_load %arg10[%swap3A_277, %swap3A_278] {strides = array<i32>} : memref<64x768xf32, #tpu.memory_space<vmem>>, vector<1x16xf32>,
      %swap3A_280 = vector.shape_cast %swap3A_279 : vector<1x16xf32> to vector<16xf32>
      %swap3A_281 = vector.shape_cast %add3A_276 : vector<16xf32> to vector<1x16xf32>
      tpu.vector_store %arg10[%swap3A_277, %swap3A_278], %swap3A_281 {strides = array<i32>} : memref<64x768xf32, #tpu.memory_space<vmem>>, vector<1x16xf32>,
      %get3A_282 = arith.index_cast %scan3A_146 : i32 to index
      %get3A_283 = arith.constant 128 : index
      %get3A_284 = tpu.vector_load %arg10[%get3A_282, %get3A_283] {strides = array<i32>} : memref<64x768xf32, #tpu.memory_space<vmem>>, vector<1x16xf32>,
      %get3A_285 = vector.shape_cast %get3A_284 : vector<1x16xf32> to vector<16xf32>
      %mul3A_286 = arith.mulf %get3A_285, %get3A_150 : vector<16xf32>
      %get3A_287 = arith.index_cast %scan3A_146 : i32 to index
      %get3A_288 = arith.constant 128 : index
      %get3A_289 = tpu.vector_load %arg11[%get3A_287, %get3A_288] {strides = array<i32>} : memref<64x768xf32, #tpu.memory_space<vmem>>, vector<1x16xf32>,
      %get3A_290 = vector.shape_cast %get3A_289 : vector<1x16xf32> to vector<16xf32>
      %mul3A_291 = arith.mulf %get3A_290, %get3A_154 : vector<16xf32>
      %add3A_292 = arith.addf %mul3A_286, %mul3A_291 : vector<16xf32>
      %swap3A_293 = arith.index_cast %scan3A_146 : i32 to index
      %swap3A_294 = arith.constant 128 : index
      %swap3A_295 = tpu.vector_load %arg10[%swap3A_293, %swap3A_294] {strides = array<i32>} : memref<64x768xf32, #tpu.memory_space<vmem>>, vector<1x16xf32>,
      %swap3A_296 = vector.shape_cast %swap3A_295 : vector<1x16xf32> to vector<16xf32>
      %swap3A_297 = vector.shape_cast %add3A_292 : vector<16xf32> to vector<1x16xf32>
      tpu.vector_store %arg10[%swap3A_293, %swap3A_294], %swap3A_297 {strides = array<i32>} : memref<64x768xf32, #tpu.memory_space<vmem>>, vector<1x16xf32>,
      %get3A_298 = arith.index_cast %scan3A_146 : i32 to index
      %get3A_299 = arith.constant 144 : index
      %get3A_300 = tpu.vector_load %arg10[%get3A_298, %get3A_299] {strides = array<i32>} : memref<64x768xf32, #tpu.memory_space<vmem>>, vector<1x16xf32>,
      %get3A_301 = vector.shape_cast %get3A_300 : vector<1x16xf32> to vector<16xf32>
      %mul3A_302 = arith.mulf %get3A_301, %get3A_150 : vector<16xf32>
      %get3A_303 = arith.index_cast %scan3A_146 : i32 to index
      %get3A_304 = arith.constant 144 : index
      %get3A_305 = tpu.vector_load %arg11[%get3A_303, %get3A_304] {strides = array<i32>} : memref<64x768xf32, #tpu.memory_space<vmem>>, vector<1x16xf32>,
      %get3A_306 = vector.shape_cast %get3A_305 : vector<1x16xf32> to vector<16xf32>
      %mul3A_307 = arith.mulf %get3A_306, %get3A_154 : vector<16xf32>
      %add3A_308 = arith.addf %mul3A_302, %mul3A_307 : vector<16xf32>
      %swap3A_309 = arith.index_cast %scan3A_146 : i32 to index
      %swap3A_310 = arith.constant 144 : index
      %swap3A_311 = tpu.vector_load %arg10[%swap3A_309, %swap3A_310] {strides = array<i32>} : memref<64x768xf32, #tpu.memory_space<vmem>>, vector<1x16xf32>,
      %swap3A_312 = vector.shape_cast %swap3A_311 : vector<1x16xf32> to vector<16xf32>
      %swap3A_313 = vector.shape_cast %add3A_308 : vector<16xf32> to vector<1x16xf32>
      tpu.vector_store %arg10[%swap3A_309, %swap3A_310], %swap3A_313 {strides = array<i32>} : memref<64x768xf32, #tpu.memory_space<vmem>>, vector<1x16xf32>,
      %get3A_314 = arith.index_cast %scan3A_146 : i32 to index
      %get3A_315 = arith.constant 160 : index
      %get3A_316 = tpu.vector_load %arg10[%get3A_314, %get3A_315] {strides = array<i32>} : memref<64x768xf32, #tpu.memory_space<vmem>>, vector<1x16xf32>,
      %get3A_317 = vector.shape_cast %get3A_316 : vector<1x16xf32> to vector<16xf32>
      %mul3A_318 = arith.mulf %get3A_317, %get3A_150 : vector<16xf32>
      %get3A_319 = arith.index_cast %scan3A_146 : i32 to index
      %get3A_320 = arith.constant 160 : index
      %get3A_321 = tpu.vector_load %arg11[%get3A_319, %get3A_320] {strides = array<i32>} : memref<64x768xf32, #tpu.memory_space<vmem>>, vector<1x16xf32>,
      %get3A_322 = vector.shape_cast %get3A_321 : vector<1x16xf32> to vector<16xf32>
      %mul3A_323 = arith.mulf %get3A_322, %get3A_154 : vector<16xf32>
      %add3A_324 = arith.addf %mul3A_318, %mul3A_323 : vector<16xf32>
      %swap3A_325 = arith.index_cast %scan3A_146 : i32 to index
      %swap3A_326 = arith.constant 160 : index
      %swap3A_327 = tpu.vector_load %arg10[%swap3A_325, %swap3A_326] {strides = array<i32>} : memref<64x768xf32, #tpu.memory_space<vmem>>, vector<1x16xf32>,
      %swap3A_328 = vector.shape_cast %swap3A_327 : vector<1x16xf32> to vector<16xf32>
      %swap3A_329 = vector.shape_cast %add3A_324 : vector<16xf32> to vector<1x16xf32>
      tpu.vector_store %arg10[%swap3A_325, %swap3A_326], %swap3A_329 {strides = array<i32>} : memref<64x768xf32, #tpu.memory_space<vmem>>, vector<1x16xf32>,
      %get3A_330 = arith.index_cast %scan3A_146 : i32 to index
      %get3A_331 = arith.constant 176 : index
      %get3A_332 = tpu.vector_load %arg10[%get3A_330, %get3A_331] {strides = array<i32>} : memref<64x768xf32, #tpu.memory_space<vmem>>, vector<1x16xf32>,
      %get3A_333 = vector.shape_cast %get3A_332 : vector<1x16xf32> to vector<16xf32>
      %mul3A_334 = arith.mulf %get3A_333, %get3A_150 : vector<16xf32>
      %get3A_335 = arith.index_cast %scan3A_146 : i32 to index
      %get3A_336 = arith.constant 176 : index
      %get3A_337 = tpu.vector_load %arg11[%get3A_335, %get3A_336] {strides = array<i32>} : memref<64x768xf32, #tpu.memory_space<vmem>>, vector<1x16xf32>,
      %get3A_338 = vector.shape_cast %get3A_337 : vector<1x16xf32> to vector<16xf32>
      %mul3A_339 = arith.mulf %get3A_338, %get3A_154 : vector<16xf32>
      %add3A_340 = arith.addf %mul3A_334, %mul3A_339 : vector<16xf32>
      %swap3A_341 = arith.index_cast %scan3A_146 : i32 to index
      %swap3A_342 = arith.constant 176 : index
      %swap3A_343 = tpu.vector_load %arg10[%swap3A_341, %swap3A_342] {strides = array<i32>} : memref<64x768xf32, #tpu.memory_space<vmem>>, vector<1x16xf32>,
      %swap3A_344 = vector.shape_cast %swap3A_343 : vector<1x16xf32> to vector<16xf32>
      %swap3A_345 = vector.shape_cast %add3A_340 : vector<16xf32> to vector<1x16xf32>
      tpu.vector_store %arg10[%swap3A_341, %swap3A_342], %swap3A_345 {strides = array<i32>} : memref<64x768xf32, #tpu.memory_space<vmem>>, vector<1x16xf32>,
      %get3A_346 = arith.index_cast %scan3A_146 : i32 to index
      %get3A_347 = arith.constant 192 : index
      %get3A_348 = tpu.vector_load %arg10[%get3A_346, %get3A_347] {strides = array<i32>} : memref<64x768xf32, #tpu.memory_space<vmem>>, vector<1x16xf32>,
      %get3A_349 = vector.shape_cast %get3A_348 : vector<1x16xf32> to vector<16xf32>
      %mul3A_350 = arith.mulf %get3A_349, %get3A_150 : vector<16xf32>
      %get3A_351 = arith.index_cast %scan3A_146 : i32 to index
      %get3A_352 = arith.constant 192 : index
      %get3A_353 = tpu.vector_load %arg11[%get3A_351, %get3A_352] {strides = array<i32>} : memref<64x768xf32, #tpu.memory_space<vmem>>, vector<1x16xf32>,
      %get3A_354 = vector.shape_cast %get3A_353 : vector<1x16xf32> to vector<16xf32>
      %mul3A_355 = arith.mulf %get3A_354, %get3A_154 : vector<16xf32>
      %add3A_356 = arith.addf %mul3A_350, %mul3A_355 : vector<16xf32>
      %swap3A_357 = arith.index_cast %scan3A_146 : i32 to index
      %swap3A_358 = arith.constant 192 : index
      %swap3A_359 = tpu.vector_load %arg10[%swap3A_357, %swap3A_358] {strides = array<i32>} : memref<64x768xf32, #tpu.memory_space<vmem>>, vector<1x16xf32>,
      %swap3A_360 = vector.shape_cast %swap3A_359 : vector<1x16xf32> to vector<16xf32>
      %swap3A_361 = vector.shape_cast %add3A_356 : vector<16xf32> to vector<1x16xf32>
      tpu.vector_store %arg10[%swap3A_357, %swap3A_358], %swap3A_361 {strides = array<i32>} : memref<64x768xf32, #tpu.memory_space<vmem>>, vector<1x16xf32>,
      %get3A_362 = arith.index_cast %scan3A_146 : i32 to index
      %get3A_363 = arith.constant 208 : index
      %get3A_364 = tpu.vector_load %arg10[%get3A_362, %get3A_363] {strides = array<i32>} : memref<64x768xf32, #tpu.memory_space<vmem>>, vector<1x16xf32>,
      %get3A_365 = vector.shape_cast %get3A_364 : vector<1x16xf32> to vector<16xf32>
      %mul3A_366 = arith.mulf %get3A_365, %get3A_150 : vector<16xf32>
      %get3A_367 = arith.index_cast %scan3A_146 : i32 to index
      %get3A_368 = arith.constant 208 : index
      %get3A_369 = tpu.vector_load %arg11[%get3A_367, %get3A_368] {strides = array<i32>} : memref<64x768xf32, #tpu.memory_space<vmem>>, vector<1x16xf32>,
      %get3A_370 = vector.shape_cast %get3A_369 : vector<1x16xf32> to vector<16xf32>
      %mul3A_371 = arith.mulf %get3A_370, %get3A_154 : vector<16xf32>
      %add3A_372 = arith.addf %mul3A_366, %mul3A_371 : vector<16xf32>
      %swap3A_373 = arith.index_cast %scan3A_146 : i32 to index
      %swap3A_374 = arith.constant 208 : index
      %swap3A_375 = tpu.vector_load %arg10[%swap3A_373, %swap3A_374] {strides = array<i32>} : memref<64x768xf32, #tpu.memory_space<vmem>>, vector<1x16xf32>,
      %swap3A_376 = vector.shape_cast %swap3A_375 : vector<1x16xf32> to vector<16xf32>
      %swap3A_377 = vector.shape_cast %add3A_372 : vector<16xf32> to vector<1x16xf32>
      tpu.vector_store %arg10[%swap3A_373, %swap3A_374], %swap3A_377 {strides = array<i32>} : memref<64x768xf32, #tpu.memory_space<vmem>>, vector<1x16xf32>,
      %get3A_378 = arith.index_cast %scan3A_146 : i32 to index
      %get3A_379 = arith.constant 224 : index
      %get3A_380 = tpu.vector_load %arg10[%get3A_378, %get3A_379] {strides = array<i32>} : memref<64x768xf32, #tpu.memory_space<vmem>>, vector<1x16xf32>,
      %get3A_381 = vector.shape_cast %get3A_380 : vector<1x16xf32> to vector<16xf32>
      %mul3A_382 = arith.mulf %get3A_381, %get3A_150 : vector<16xf32>
      %get3A_383 = arith.index_cast %scan3A_146 : i32 to index
      %get3A_384 = arith.constant 224 : index
      %get3A_385 = tpu.vector_load %arg11[%get3A_383, %get3A_384] {strides = array<i32>} : memref<64x768xf32, #tpu.memory_space<vmem>>, vector<1x16xf32>,
      %get3A_386 = vector.shape_cast %get3A_385 : vector<1x16xf32> to vector<16xf32>
      %mul3A_387 = arith.mulf %get3A_386, %get3A_154 : vector<16xf32>
      %add3A_388 = arith.addf %mul3A_382, %mul3A_387 : vector<16xf32>
      %swap3A_389 = arith.index_cast %scan3A_146 : i32 to index
      %swap3A_390 = arith.constant 224 : index
      %swap3A_391 = tpu.vector_load %arg10[%swap3A_389, %swap3A_390] {strides = array<i32>} : memref<64x768xf32, #tpu.memory_space<vmem>>, vector<1x16xf32>,
      %swap3A_392 = vector.shape_cast %swap3A_391 : vector<1x16xf32> to vector<16xf32>
      %swap3A_393 = vector.shape_cast %add3A_388 : vector<16xf32> to vector<1x16xf32>
      tpu.vector_store %arg10[%swap3A_389, %swap3A_390], %swap3A_393 {strides = array<i32>} : memref<64x768xf32, #tpu.memory_space<vmem>>, vector<1x16xf32>,
      %get3A_394 = arith.index_cast %scan3A_146 : i32 to index
      %get3A_395 = arith.constant 240 : index
      %get3A_396 = tpu.vector_load %arg10[%get3A_394, %get3A_395] {strides = array<i32>} : memref<64x768xf32, #tpu.memory_space<vmem>>, vector<1x16xf32>,
      %get3A_397 = vector.shape_cast %get3A_396 : vector<1x16xf32> to vector<16xf32>
      %mul3A_398 = arith.mulf %get3A_397, %get3A_150 : vector<16xf32>
      %get3A_399 = arith.index_cast %scan3A_146 : i32 to index
      %get3A_400 = arith.constant 240 : index
      %get3A_401 = tpu.vector_load %arg11[%get3A_399, %get3A_400] {strides = array<i32>} : memref<64x768xf32, #tpu.memory_space<vmem>>, vector<1x16xf32>,
      %get3A_402 = vector.shape_cast %get3A_401 : vector<1x16xf32> to vector<16xf32>
      %mul3A_403 = arith.mulf %get3A_402, %get3A_154 : vector<16xf32>
      %add3A_404 = arith.addf %mul3A_398, %mul3A_403 : vector<16xf32>
      %swap3A_405 = arith.index_cast %scan3A_146 : i32 to index
      %swap3A_406 = arith.constant 240 : index
      %swap3A_407 = tpu.vector_load %arg10[%swap3A_405, %swap3A_406] {strides = array<i32>} : memref<64x768xf32, #tpu.memory_space<vmem>>, vector<1x16xf32>,
      %swap3A_408 = vector.shape_cast %swap3A_407 : vector<1x16xf32> to vector<16xf32>
      %swap3A_409 = vector.shape_cast %add3A_404 : vector<16xf32> to vector<1x16xf32>
      tpu.vector_store %arg10[%swap3A_405, %swap3A_406], %swap3A_409 {strides = array<i32>} : memref<64x768xf32, #tpu.memory_space<vmem>>, vector<1x16xf32>,
      %get3A_410 = arith.index_cast %scan3A_146 : i32 to index
      %get3A_411 = arith.constant 256 : index
      %get3A_412 = tpu.vector_load %arg10[%get3A_410, %get3A_411] {strides = array<i32>} : memref<64x768xf32, #tpu.memory_space<vmem>>, vector<1x16xf32>,
      %get3A_413 = vector.shape_cast %get3A_412 : vector<1x16xf32> to vector<16xf32>
      %mul3A_414 = arith.mulf %get3A_413, %get3A_150 : vector<16xf32>
      %get3A_415 = arith.index_cast %scan3A_146 : i32 to index
      %get3A_416 = arith.constant 256 : index
      %get3A_417 = tpu.vector_load %arg11[%get3A_415, %get3A_416] {strides = array<i32>} : memref<64x768xf32, #tpu.memory_space<vmem>>, vector<1x16xf32>,
      %get3A_418 = vector.shape_cast %get3A_417 : vector<1x16xf32> to vector<16xf32>
      %mul3A_419 = arith.mulf %get3A_418, %get3A_154 : vector<16xf32>
      %add3A_420 = arith.addf %mul3A_414, %mul3A_419 : vector<16xf32>
      %swap3A_421 = arith.index_cast %scan3A_146 : i32 to index
      %swap3A_422 = arith.constant 256 : index
      %swap3A_423 = tpu.vector_load %arg10[%swap3A_421, %swap3A_422] {strides = array<i32>} : memref<64x768xf32, #tpu.memory_space<vmem>>, vector<1x16xf32>,
      %swap3A_424 = vector.shape_cast %swap3A_423 : vector<1x16xf32> to vector<16xf32>
      %swap3A_425 = vector.shape_cast %add3A_420 : vector<16xf32> to vector<1x16xf32>
      tpu.vector_store %arg10[%swap3A_421, %swap3A_422], %swap3A_425 {strides = array<i32>} : memref<64x768xf32, #tpu.memory_space<vmem>>, vector<1x16xf32>,
      %get3A_426 = arith.index_cast %scan3A_146 : i32 to index
      %get3A_427 = arith.constant 272 : index
      %get3A_428 = tpu.vector_load %arg10[%get3A_426, %get3A_427] {strides = array<i32>} : memref<64x768xf32, #tpu.memory_space<vmem>>, vector<1x16xf32>,
      %get3A_429 = vector.shape_cast %get3A_428 : vector<1x16xf32> to vector<16xf32>
      %mul3A_430 = arith.mulf %get3A_429, %get3A_150 : vector<16xf32>
      %get3A_431 = arith.index_cast %scan3A_146 : i32 to index
      %get3A_432 = arith.constant 272 : index
      %get3A_433 = tpu.vector_load %arg11[%get3A_431, %get3A_432] {strides = array<i32>} : memref<64x768xf32, #tpu.memory_space<vmem>>, vector<1x16xf32>,
      %get3A_434 = vector.shape_cast %get3A_433 : vector<1x16xf32> to vector<16xf32>
      %mul3A_435 = arith.mulf %get3A_434, %get3A_154 : vector<16xf32>
      %add3A_436 = arith.addf %mul3A_430, %mul3A_435 : vector<16xf32>
      %swap3A_437 = arith.index_cast %scan3A_146 : i32 to index
      %swap3A_438 = arith.constant 272 : index
      %swap3A_439 = tpu.vector_load %arg10[%swap3A_437, %swap3A_438] {strides = array<i32>} : memref<64x768xf32, #tpu.memory_space<vmem>>, vector<1x16xf32>,
      %swap3A_440 = vector.shape_cast %swap3A_439 : vector<1x16xf32> to vector<16xf32>
      %swap3A_441 = vector.shape_cast %add3A_436 : vector<16xf32> to vector<1x16xf32>
      tpu.vector_store %arg10[%swap3A_437, %swap3A_438], %swap3A_441 {strides = array<i32>} : memref<64x768xf32, #tpu.memory_space<vmem>>, vector<1x16xf32>,
      %get3A_442 = arith.index_cast %scan3A_146 : i32 to index
      %get3A_443 = arith.constant 288 : index
      %get3A_444 = tpu.vector_load %arg10[%get3A_442, %get3A_443] {strides = array<i32>} : memref<64x768xf32, #tpu.memory_space<vmem>>, vector<1x16xf32>,
      %get3A_445 = vector.shape_cast %get3A_444 : vector<1x16xf32> to vector<16xf32>
      %mul3A_446 = arith.mulf %get3A_445, %get3A_150 : vector<16xf32>
      %get3A_447 = arith.index_cast %scan3A_146 : i32 to index
      %get3A_448 = arith.constant 288 : index
      %get3A_449 = tpu.vector_load %arg11[%get3A_447, %get3A_448] {strides = array<i32>} : memref<64x768xf32, #tpu.memory_space<vmem>>, vector<1x16xf32>,
      %get3A_450 = vector.shape_cast %get3A_449 : vector<1x16xf32> to vector<16xf32>
      %mul3A_451 = arith.mulf %get3A_450, %get3A_154 : vector<16xf32>
      %add3A_452 = arith.addf %mul3A_446, %mul3A_451 : vector<16xf32>
      %swap3A_453 = arith.index_cast %scan3A_146 : i32 to index
      %swap3A_454 = arith.constant 288 : index
      %swap3A_455 = tpu.vector_load %arg10[%swap3A_453, %swap3A_454] {strides = array<i32>} : memref<64x768xf32, #tpu.memory_space<vmem>>, vector<1x16xf32>,
      %swap3A_456 = vector.shape_cast %swap3A_455 : vector<1x16xf32> to vector<16xf32>
      %swap3A_457 = vector.shape_cast %add3A_452 : vector<16xf32> to vector<1x16xf32>
      tpu.vector_store %arg10[%swap3A_453, %swap3A_454], %swap3A_457 {strides = array<i32>} : memref<64x768xf32, #tpu.memory_space<vmem>>, vector<1x16xf32>,
      %get3A_458 = arith.index_cast %scan3A_146 : i32 to index
      %get3A_459 = arith.constant 304 : index
      %get3A_460 = tpu.vector_load %arg10[%get3A_458, %get3A_459] {strides = array<i32>} : memref<64x768xf32, #tpu.memory_space<vmem>>, vector<1x16xf32>,
      %get3A_461 = vector.shape_cast %get3A_460 : vector<1x16xf32> to vector<16xf32>
      %mul3A_462 = arith.mulf %get3A_461, %get3A_150 : vector<16xf32>
      %get3A_463 = arith.index_cast %scan3A_146 : i32 to index
      %get3A_464 = arith.constant 304 : index
      %get3A_465 = tpu.vector_load %arg11[%get3A_463, %get3A_464] {strides = array<i32>} : memref<64x768xf32, #tpu.memory_space<vmem>>, vector<1x16xf32>,
      %get3A_466 = vector.shape_cast %get3A_465 : vector<1x16xf32> to vector<16xf32>
      %mul3A_467 = arith.mulf %get3A_466, %get3A_154 : vector<16xf32>
      %add3A_468 = arith.addf %mul3A_462, %mul3A_467 : vector<16xf32>
      %swap3A_469 = arith.index_cast %scan3A_146 : i32 to index
      %swap3A_470 = arith.constant 304 : index
      %swap3A_471 = tpu.vector_load %arg10[%swap3A_469, %swap3A_470] {strides = array<i32>} : memref<64x768xf32, #tpu.memory_space<vmem>>, vector<1x16xf32>,
      %swap3A_472 = vector.shape_cast %swap3A_471 : vector<1x16xf32> to vector<16xf32>
      %swap3A_473 = vector.shape_cast %add3A_468 : vector<16xf32> to vector<1x16xf32>
      tpu.vector_store %arg10[%swap3A_469, %swap3A_470], %swap3A_473 {strides = array<i32>} : memref<64x768xf32, #tpu.memory_space<vmem>>, vector<1x16xf32>,
      %get3A_474 = arith.index_cast %scan3A_146 : i32 to index
      %get3A_475 = arith.constant 320 : index
      %get3A_476 = tpu.vector_load %arg10[%get3A_474, %get3A_475] {strides = array<i32>} : memref<64x768xf32, #tpu.memory_space<vmem>>, vector<1x16xf32>,
      %get3A_477 = vector.shape_cast %get3A_476 : vector<1x16xf32> to vector<16xf32>
      %mul3A_478 = arith.mulf %get3A_477, %get3A_150 : vector<16xf32>
      %get3A_479 = arith.index_cast %scan3A_146 : i32 to index
      %get3A_480 = arith.constant 320 : index
      %get3A_481 = tpu.vector_load %arg11[%get3A_479, %get3A_480] {strides = array<i32>} : memref<64x768xf32, #tpu.memory_space<vmem>>, vector<1x16xf32>,
      %get3A_482 = vector.shape_cast %get3A_481 : vector<1x16xf32> to vector<16xf32>
      %mul3A_483 = arith.mulf %get3A_482, %get3A_154 : vector<16xf32>
      %add3A_484 = arith.addf %mul3A_478, %mul3A_483 : vector<16xf32>
      %swap3A_485 = arith.index_cast %scan3A_146 : i32 to index
      %swap3A_486 = arith.constant 320 : index
      %swap3A_487 = tpu.vector_load %arg10[%swap3A_485, %swap3A_486] {strides = array<i32>} : memref<64x768xf32, #tpu.memory_space<vmem>>, vector<1x16xf32>,
      %swap3A_488 = vector.shape_cast %swap3A_487 : vector<1x16xf32> to vector<16xf32>
      %swap3A_489 = vector.shape_cast %add3A_484 : vector<16xf32> to vector<1x16xf32>
      tpu.vector_store %arg10[%swap3A_485, %swap3A_486], %swap3A_489 {strides = array<i32>} : memref<64x768xf32, #tpu.memory_space<vmem>>, vector<1x16xf32>,
      %get3A_490 = arith.index_cast %scan3A_146 : i32 to index
      %get3A_491 = arith.constant 336 : index
      %get3A_492 = tpu.vector_load %arg10[%get3A_490, %get3A_491] {strides = array<i32>} : memref<64x768xf32, #tpu.memory_space<vmem>>, vector<1x16xf32>,
      %get3A_493 = vector.shape_cast %get3A_492 : vector<1x16xf32> to vector<16xf32>
      %mul3A_494 = arith.mulf %get3A_493, %get3A_150 : vector<16xf32>
      %get3A_495 = arith.index_cast %scan3A_146 : i32 to index
      %get3A_496 = arith.constant 336 : index
      %get3A_497 = tpu.vector_load %arg11[%get3A_495, %get3A_496] {strides = array<i32>} : memref<64x768xf32, #tpu.memory_space<vmem>>, vector<1x16xf32>,
      %get3A_498 = vector.shape_cast %get3A_497 : vector<1x16xf32> to vector<16xf32>
      %mul3A_499 = arith.mulf %get3A_498, %get3A_154 : vector<16xf32>
      %add3A_500 = arith.addf %mul3A_494, %mul3A_499 : vector<16xf32>
      %swap3A_501 = arith.index_cast %scan3A_146 : i32 to index
      %swap3A_502 = arith.constant 336 : index
      %swap3A_503 = tpu.vector_load %arg10[%swap3A_501, %swap3A_502] {strides = array<i32>} : memref<64x768xf32, #tpu.memory_space<vmem>>, vector<1x16xf32>,
      %swap3A_504 = vector.shape_cast %swap3A_503 : vector<1x16xf32> to vector<16xf32>
      %swap3A_505 = vector.shape_cast %add3A_500 : vector<16xf32> to vector<1x16xf32>
      tpu.vector_store %arg10[%swap3A_501, %swap3A_502], %swap3A_505 {strides = array<i32>} : memref<64x768xf32, #tpu.memory_space<vmem>>, vector<1x16xf32>,
      %get3A_506 = arith.index_cast %scan3A_146 : i32 to index
      %get3A_507 = arith.constant 352 : index
      %get3A_508 = tpu.vector_load %arg10[%get3A_506, %get3A_507] {strides = array<i32>} : memref<64x768xf32, #tpu.memory_space<vmem>>, vector<1x16xf32>,
      %get3A_509 = vector.shape_cast %get3A_508 : vector<1x16xf32> to vector<16xf32>
      %mul3A_510 = arith.mulf %get3A_509, %get3A_150 : vector<16xf32>
      %get3A_511 = arith.index_cast %scan3A_146 : i32 to index
      %get3A_512 = arith.constant 352 : index
      %get3A_513 = tpu.vector_load %arg11[%get3A_511, %get3A_512] {strides = array<i32>} : memref<64x768xf32, #tpu.memory_space<vmem>>, vector<1x16xf32>,
      %get3A_514 = vector.shape_cast %get3A_513 : vector<1x16xf32> to vector<16xf32>
      %mul3A_515 = arith.mulf %get3A_514, %get3A_154 : vector<16xf32>
      %add3A_516 = arith.addf %mul3A_510, %mul3A_515 : vector<16xf32>
      %swap3A_517 = arith.index_cast %scan3A_146 : i32 to index
      %swap3A_518 = arith.constant 352 : index
      %swap3A_519 = tpu.vector_load %arg10[%swap3A_517, %swap3A_518] {strides = array<i32>} : memref<64x768xf32, #tpu.memory_space<vmem>>, vector<1x16xf32>,
      %swap3A_520 = vector.shape_cast %swap3A_519 : vector<1x16xf32> to vector<16xf32>
      %swap3A_521 = vector.shape_cast %add3A_516 : vector<16xf32> to vector<1x16xf32>
      tpu.vector_store %arg10[%swap3A_517, %swap3A_518], %swap3A_521 {strides = array<i32>} : memref<64x768xf32, #tpu.memory_space<vmem>>, vector<1x16xf32>,
      %get3A_522 = arith.index_cast %scan3A_146 : i32 to index
      %get3A_523 = arith.constant 368 : index
      %get3A_524 = tpu.vector_load %arg10[%get3A_522, %get3A_523] {strides = array<i32>} : memref<64x768xf32, #tpu.memory_space<vmem>>, vector<1x16xf32>,
      %get3A_525 = vector.shape_cast %get3A_524 : vector<1x16xf32> to vector<16xf32>
      %mul3A_526 = arith.mulf %get3A_525, %get3A_150 : vector<16xf32>
      %get3A_527 = arith.index_cast %scan3A_146 : i32 to index
      %get3A_528 = arith.constant 368 : index
      %get3A_529 = tpu.vector_load %arg11[%get3A_527, %get3A_528] {strides = array<i32>} : memref<64x768xf32, #tpu.memory_space<vmem>>, vector<1x16xf32>,
      %get3A_530 = vector.shape_cast %get3A_529 : vector<1x16xf32> to vector<16xf32>
      %mul3A_531 = arith.mulf %get3A_530, %get3A_154 : vector<16xf32>
      %add3A_532 = arith.addf %mul3A_526, %mul3A_531 : vector<16xf32>
      %swap3A_533 = arith.index_cast %scan3A_146 : i32 to index
      %swap3A_534 = arith.constant 368 : index
      %swap3A_535 = tpu.vector_load %arg10[%swap3A_533, %swap3A_534] {strides = array<i32>} : memref<64x768xf32, #tpu.memory_space<vmem>>, vector<1x16xf32>,
      %swap3A_536 = vector.shape_cast %swap3A_535 : vector<1x16xf32> to vector<16xf32>
      %swap3A_537 = vector.shape_cast %add3A_532 : vector<16xf32> to vector<1x16xf32>
      tpu.vector_store %arg10[%swap3A_533, %swap3A_534], %swap3A_537 {strides = array<i32>} : memref<64x768xf32, #tpu.memory_space<vmem>>, vector<1x16xf32>,
      %get3A_538 = arith.index_cast %scan3A_146 : i32 to index
      %get3A_539 = arith.constant 384 : index
      %get3A_540 = tpu.vector_load %arg10[%get3A_538, %get3A_539] {strides = array<i32>} : memref<64x768xf32, #tpu.memory_space<vmem>>, vector<1x16xf32>,
      %get3A_541 = vector.shape_cast %get3A_540 : vector<1x16xf32> to vector<16xf32>
      %mul3A_542 = arith.mulf %get3A_541, %get3A_150 : vector<16xf32>
      %get3A_543 = arith.index_cast %scan3A_146 : i32 to index
      %get3A_544 = arith.constant 384 : index
      %get3A_545 = tpu.vector_load %arg11[%get3A_543, %get3A_544] {strides = array<i32>} : memref<64x768xf32, #tpu.memory_space<vmem>>, vector<1x16xf32>,
      %get3A_546 = vector.shape_cast %get3A_545 : vector<1x16xf32> to vector<16xf32>
      %mul3A_547 = arith.mulf %get3A_546, %get3A_154 : vector<16xf32>
      %add3A_548 = arith.addf %mul3A_542, %mul3A_547 : vector<16xf32>
      %swap3A_549 = arith.index_cast %scan3A_146 : i32 to index
      %swap3A_550 = arith.constant 384 : index
      %swap3A_551 = tpu.vector_load %arg10[%swap3A_549, %swap3A_550] {strides = array<i32>} : memref<64x768xf32, #tpu.memory_space<vmem>>, vector<1x16xf32>,
      %swap3A_552 = vector.shape_cast %swap3A_551 : vector<1x16xf32> to vector<16xf32>
      %swap3A_553 = vector.shape_cast %add3A_548 : vector<16xf32> to vector<1x16xf32>
      tpu.vector_store %arg10[%swap3A_549, %swap3A_550], %swap3A_553 {strides = array<i32>} : memref<64x768xf32, #tpu.memory_space<vmem>>, vector<1x16xf32>,
      %get3A_554 = arith.index_cast %scan3A_146 : i32 to index
      %get3A_555 = arith.constant 400 : index
      %get3A_556 = tpu.vector_load %arg10[%get3A_554, %get3A_555] {strides = array<i32>} : memref<64x768xf32, #tpu.memory_space<vmem>>, vector<1x16xf32>,
      %get3A_557 = vector.shape_cast %get3A_556 : vector<1x16xf32> to vector<16xf32>
      %mul3A_558 = arith.mulf %get3A_557, %get3A_150 : vector<16xf32>
      %get3A_559 = arith.index_cast %scan3A_146 : i32 to index
      %get3A_560 = arith.constant 400 : index
      %get3A_561 = tpu.vector_load %arg11[%get3A_559, %get3A_560] {strides = array<i32>} : memref<64x768xf32, #tpu.memory_space<vmem>>, vector<1x16xf32>,
      %get3A_562 = vector.shape_cast %get3A_561 : vector<1x16xf32> to vector<16xf32>
      %mul3A_563 = arith.mulf %get3A_562, %get3A_154 : vector<16xf32>
      %add3A_564 = arith.addf %mul3A_558, %mul3A_563 : vector<16xf32>
      %swap3A_565 = arith.index_cast %scan3A_146 : i32 to index
      %swap3A_566 = arith.constant 400 : index
      %swap3A_567 = tpu.vector_load %arg10[%swap3A_565, %swap3A_566] {strides = array<i32>} : memref<64x768xf32, #tpu.memory_space<vmem>>, vector<1x16xf32>,
      %swap3A_568 = vector.shape_cast %swap3A_567 : vector<1x16xf32> to vector<16xf32>
      %swap3A_569 = vector.shape_cast %add3A_564 : vector<16xf32> to vector<1x16xf32>
      tpu.vector_store %arg10[%swap3A_565, %swap3A_566], %swap3A_569 {strides = array<i32>} : memref<64x768xf32, #tpu.memory_space<vmem>>, vector<1x16xf32>,
      %get3A_570 = arith.index_cast %scan3A_146 : i32 to index
      %get3A_571 = arith.constant 416 : index
      %get3A_572 = tpu.vector_load %arg10[%get3A_570, %get3A_571] {strides = array<i32>} : memref<64x768xf32, #tpu.memory_space<vmem>>, vector<1x16xf32>,
      %get3A_573 = vector.shape_cast %get3A_572 : vector<1x16xf32> to vector<16xf32>
      %mul3A_574 = arith.mulf %get3A_573, %get3A_150 : vector<16xf32>
      %get3A_575 = arith.index_cast %scan3A_146 : i32 to index
      %get3A_576 = arith.constant 416 : index
      %get3A_577 = tpu.vector_load %arg11[%get3A_575, %get3A_576] {strides = array<i32>} : memref<64x768xf32, #tpu.memory_space<vmem>>, vector<1x16xf32>,
      %get3A_578 = vector.shape_cast %get3A_577 : vector<1x16xf32> to vector<16xf32>
      %mul3A_579 = arith.mulf %get3A_578, %get3A_154 : vector<16xf32>
      %add3A_580 = arith.addf %mul3A_574, %mul3A_579 : vector<16xf32>
      %swap3A_581 = arith.index_cast %scan3A_146 : i32 to index
      %swap3A_582 = arith.constant 416 : index
      %swap3A_583 = tpu.vector_load %arg10[%swap3A_581, %swap3A_582] {strides = array<i32>} : memref<64x768xf32, #tpu.memory_space<vmem>>, vector<1x16xf32>,
      %swap3A_584 = vector.shape_cast %swap3A_583 : vector<1x16xf32> to vector<16xf32>
      %swap3A_585 = vector.shape_cast %add3A_580 : vector<16xf32> to vector<1x16xf32>
      tpu.vector_store %arg10[%swap3A_581, %swap3A_582], %swap3A_585 {strides = array<i32>} : memref<64x768xf32, #tpu.memory_space<vmem>>, vector<1x16xf32>,
      %get3A_586 = arith.index_cast %scan3A_146 : i32 to index
      %get3A_587 = arith.constant 432 : index
      %get3A_588 = tpu.vector_load %arg10[%get3A_586, %get3A_587] {strides = array<i32>} : memref<64x768xf32, #tpu.memory_space<vmem>>, vector<1x16xf32>,
      %get3A_589 = vector.shape_cast %get3A_588 : vector<1x16xf32> to vector<16xf32>
      %mul3A_590 = arith.mulf %get3A_589, %get3A_150 : vector<16xf32>
      %get3A_591 = arith.index_cast %scan3A_146 : i32 to index
      %get3A_592 = arith.constant 432 : index
      %get3A_593 = tpu.vector_load %arg11[%get3A_591, %get3A_592] {strides = array<i32>} : memref<64x768xf32, #tpu.memory_space<vmem>>, vector<1x16xf32>,
      %get3A_594 = vector.shape_cast %get3A_593 : vector<1x16xf32> to vector<16xf32>
      %mul3A_595 = arith.mulf %get3A_594, %get3A_154 : vector<16xf32>
      %add3A_596 = arith.addf %mul3A_590, %mul3A_595 : vector<16xf32>
      %swap3A_597 = arith.index_cast %scan3A_146 : i32 to index
      %swap3A_598 = arith.constant 432 : index
      %swap3A_599 = tpu.vector_load %arg10[%swap3A_597, %swap3A_598] {strides = array<i32>} : memref<64x768xf32, #tpu.memory_space<vmem>>, vector<1x16xf32>,
      %swap3A_600 = vector.shape_cast %swap3A_599 : vector<1x16xf32> to vector<16xf32>
      %swap3A_601 = vector.shape_cast %add3A_596 : vector<16xf32> to vector<1x16xf32>
      tpu.vector_store %arg10[%swap3A_597, %swap3A_598], %swap3A_601 {strides = array<i32>} : memref<64x768xf32, #tpu.memory_space<vmem>>, vector<1x16xf32>,
      %get3A_602 = arith.index_cast %scan3A_146 : i32 to index
      %get3A_603 = arith.constant 448 : index
      %get3A_604 = tpu.vector_load %arg10[%get3A_602, %get3A_603] {strides = array<i32>} : memref<64x768xf32, #tpu.memory_space<vmem>>, vector<1x16xf32>,
      %get3A_605 = vector.shape_cast %get3A_604 : vector<1x16xf32> to vector<16xf32>
      %mul3A_606 = arith.mulf %get3A_605, %get3A_150 : vector<16xf32>
      %get3A_607 = arith.index_cast %scan3A_146 : i32 to index
      %get3A_608 = arith.constant 448 : index
      %get3A_609 = tpu.vector_load %arg11[%get3A_607, %get3A_608] {strides = array<i32>} : memref<64x768xf32, #tpu.memory_space<vmem>>, vector<1x16xf32>,
      %get3A_610 = vector.shape_cast %get3A_609 : vector<1x16xf32> to vector<16xf32>
      %mul3A_611 = arith.mulf %get3A_610, %get3A_154 : vector<16xf32>
      %add3A_612 = arith.addf %mul3A_606, %mul3A_611 : vector<16xf32>
      %swap3A_613 = arith.index_cast %scan3A_146 : i32 to index
      %swap3A_614 = arith.constant 448 : index
      %swap3A_615 = tpu.vector_load %arg10[%swap3A_613, %swap3A_614] {strides = array<i32>} : memref<64x768xf32, #tpu.memory_space<vmem>>, vector<1x16xf32>,
      %swap3A_616 = vector.shape_cast %swap3A_615 : vector<1x16xf32> to vector<16xf32>
      %swap3A_617 = vector.shape_cast %add3A_612 : vector<16xf32> to vector<1x16xf32>
      tpu.vector_store %arg10[%swap3A_613, %swap3A_614], %swap3A_617 {strides = array<i32>} : memref<64x768xf32, #tpu.memory_space<vmem>>, vector<1x16xf32>,
      %get3A_618 = arith.index_cast %scan3A_146 : i32 to index
      %get3A_619 = arith.constant 464 : index
      %get3A_620 = tpu.vector_load %arg10[%get3A_618, %get3A_619] {strides = array<i32>} : memref<64x768xf32, #tpu.memory_space<vmem>>, vector<1x16xf32>,
      %get3A_621 = vector.shape_cast %get3A_620 : vector<1x16xf32> to vector<16xf32>
      %mul3A_622 = arith.mulf %get3A_621, %get3A_150 : vector<16xf32>
      %get3A_623 = arith.index_cast %scan3A_146 : i32 to index
      %get3A_624 = arith.constant 464 : index
      %get3A_625 = tpu.vector_load %arg11[%get3A_623, %get3A_624] {strides = array<i32>} : memref<64x768xf32, #tpu.memory_space<vmem>>, vector<1x16xf32>,
      %get3A_626 = vector.shape_cast %get3A_625 : vector<1x16xf32> to vector<16xf32>
      %mul3A_627 = arith.mulf %get3A_626, %get3A_154 : vector<16xf32>
      %add3A_628 = arith.addf %mul3A_622, %mul3A_627 : vector<16xf32>
      %swap3A_629 = arith.index_cast %scan3A_146 : i32 to index
      %swap3A_630 = arith.constant 464 : index
      %swap3A_631 = tpu.vector_load %arg10[%swap3A_629, %swap3A_630] {strides = array<i32>} : memref<64x768xf32, #tpu.memory_space<vmem>>, vector<1x16xf32>,
      %swap3A_632 = vector.shape_cast %swap3A_631 : vector<1x16xf32> to vector<16xf32>
      %swap3A_633 = vector.shape_cast %add3A_628 : vector<16xf32> to vector<1x16xf32>
      tpu.vector_store %arg10[%swap3A_629, %swap3A_630], %swap3A_633 {strides = array<i32>} : memref<64x768xf32, #tpu.memory_space<vmem>>, vector<1x16xf32>,
      %get3A_634 = arith.index_cast %scan3A_146 : i32 to index
      %get3A_635 = arith.constant 480 : index
      %get3A_636 = tpu.vector_load %arg10[%get3A_634, %get3A_635] {strides = array<i32>} : memref<64x768xf32, #tpu.memory_space<vmem>>, vector<1x16xf32>,
      %get3A_637 = vector.shape_cast %get3A_636 : vector<1x16xf32> to vector<16xf32>
      %mul3A_638 = arith.mulf %get3A_637, %get3A_150 : vector<16xf32>
      %get3A_639 = arith.index_cast %scan3A_146 : i32 to index
      %get3A_640 = arith.constant 480 : index
      %get3A_641 = tpu.vector_load %arg11[%get3A_639, %get3A_640] {strides = array<i32>} : memref<64x768xf32, #tpu.memory_space<vmem>>, vector<1x16xf32>,
      %get3A_642 = vector.shape_cast %get3A_641 : vector<1x16xf32> to vector<16xf32>
      %mul3A_643 = arith.mulf %get3A_642, %get3A_154 : vector<16xf32>
      %add3A_644 = arith.addf %mul3A_638, %mul3A_643 : vector<16xf32>
      %swap3A_645 = arith.index_cast %scan3A_146 : i32 to index
      %swap3A_646 = arith.constant 480 : index
      %swap3A_647 = tpu.vector_load %arg10[%swap3A_645, %swap3A_646] {strides = array<i32>} : memref<64x768xf32, #tpu.memory_space<vmem>>, vector<1x16xf32>,
      %swap3A_648 = vector.shape_cast %swap3A_647 : vector<1x16xf32> to vector<16xf32>
      %swap3A_649 = vector.shape_cast %add3A_644 : vector<16xf32> to vector<1x16xf32>
      tpu.vector_store %arg10[%swap3A_645, %swap3A_646], %swap3A_649 {strides = array<i32>} : memref<64x768xf32, #tpu.memory_space<vmem>>, vector<1x16xf32>,
      %get3A_650 = arith.index_cast %scan3A_146 : i32 to index
      %get3A_651 = arith.constant 496 : index
      %get3A_652 = tpu.vector_load %arg10[%get3A_650, %get3A_651] {strides = array<i32>} : memref<64x768xf32, #tpu.memory_space<vmem>>, vector<1x16xf32>,
      %get3A_653 = vector.shape_cast %get3A_652 : vector<1x16xf32> to vector<16xf32>
      %mul3A_654 = arith.mulf %get3A_653, %get3A_150 : vector<16xf32>
      %get3A_655 = arith.index_cast %scan3A_146 : i32 to index
      %get3A_656 = arith.constant 496 : index
      %get3A_657 = tpu.vector_load %arg11[%get3A_655, %get3A_656] {strides = array<i32>} : memref<64x768xf32, #tpu.memory_space<vmem>>, vector<1x16xf32>,
      %get3A_658 = vector.shape_cast %get3A_657 : vector<1x16xf32> to vector<16xf32>
      %mul3A_659 = arith.mulf %get3A_658, %get3A_154 : vector<16xf32>
      %add3A_660 = arith.addf %mul3A_654, %mul3A_659 : vector<16xf32>
      %swap3A_661 = arith.index_cast %scan3A_146 : i32 to index
      %swap3A_662 = arith.constant 496 : index
      %swap3A_663 = tpu.vector_load %arg10[%swap3A_661, %swap3A_662] {strides = array<i32>} : memref<64x768xf32, #tpu.memory_space<vmem>>, vector<1x16xf32>,
      %swap3A_664 = vector.shape_cast %swap3A_663 : vector<1x16xf32> to vector<16xf32>
      %swap3A_665 = vector.shape_cast %add3A_660 : vector<16xf32> to vector<1x16xf32>
      tpu.vector_store %arg10[%swap3A_661, %swap3A_662], %swap3A_665 {strides = array<i32>} : memref<64x768xf32, #tpu.memory_space<vmem>>, vector<1x16xf32>,
      %get3A_666 = arith.index_cast %scan3A_146 : i32 to index
      %get3A_667 = arith.constant 512 : index
      %get3A_668 = tpu.vector_load %arg10[%get3A_666, %get3A_667] {strides = array<i32>} : memref<64x768xf32, #tpu.memory_space<vmem>>, vector<1x16xf32>,
      %get3A_669 = vector.shape_cast %get3A_668 : vector<1x16xf32> to vector<16xf32>
      %mul3A_670 = arith.mulf %get3A_669, %get3A_150 : vector<16xf32>
      %get3A_671 = arith.index_cast %scan3A_146 : i32 to index
      %get3A_672 = arith.constant 512 : index
      %get3A_673 = tpu.vector_load %arg11[%get3A_671, %get3A_672] {strides = array<i32>} : memref<64x768xf32, #tpu.memory_space<vmem>>, vector<1x16xf32>,
      %get3A_674 = vector.shape_cast %get3A_673 : vector<1x16xf32> to vector<16xf32>
      %mul3A_675 = arith.mulf %get3A_674, %get3A_154 : vector<16xf32>
      %add3A_676 = arith.addf %mul3A_670, %mul3A_675 : vector<16xf32>
      %swap3A_677 = arith.index_cast %scan3A_146 : i32 to index
      %swap3A_678 = arith.constant 512 : index
      %swap3A_679 = tpu.vector_load %arg10[%swap3A_677, %swap3A_678] {strides = array<i32>} : memref<64x768xf32, #tpu.memory_space<vmem>>, vector<1x16xf32>,
      %swap3A_680 = vector.shape_cast %swap3A_679 : vector<1x16xf32> to vector<16xf32>
      %swap3A_681 = vector.shape_cast %add3A_676 : vector<16xf32> to vector<1x16xf32>
      tpu.vector_store %arg10[%swap3A_677, %swap3A_678], %swap3A_681 {strides = array<i32>} : memref<64x768xf32, #tpu.memory_space<vmem>>, vector<1x16xf32>,
      %get3A_682 = arith.index_cast %scan3A_146 : i32 to index
      %get3A_683 = arith.constant 528 : index
      %get3A_684 = tpu.vector_load %arg10[%get3A_682, %get3A_683] {strides = array<i32>} : memref<64x768xf32, #tpu.memory_space<vmem>>, vector<1x16xf32>,
      %get3A_685 = vector.shape_cast %get3A_684 : vector<1x16xf32> to vector<16xf32>
      %mul3A_686 = arith.mulf %get3A_685, %get3A_150 : vector<16xf32>
      %get3A_687 = arith.index_cast %scan3A_146 : i32 to index
      %get3A_688 = arith.constant 528 : index
      %get3A_689 = tpu.vector_load %arg11[%get3A_687, %get3A_688] {strides = array<i32>} : memref<64x768xf32, #tpu.memory_space<vmem>>, vector<1x16xf32>,
      %get3A_690 = vector.shape_cast %get3A_689 : vector<1x16xf32> to vector<16xf32>
      %mul3A_691 = arith.mulf %get3A_690, %get3A_154 : vector<16xf32>
      %add3A_692 = arith.addf %mul3A_686, %mul3A_691 : vector<16xf32>
      %swap3A_693 = arith.index_cast %scan3A_146 : i32 to index
      %swap3A_694 = arith.constant 528 : index
      %swap3A_695 = tpu.vector_load %arg10[%swap3A_693, %swap3A_694] {strides = array<i32>} : memref<64x768xf32, #tpu.memory_space<vmem>>, vector<1x16xf32>,
      %swap3A_696 = vector.shape_cast %swap3A_695 : vector<1x16xf32> to vector<16xf32>
      %swap3A_697 = vector.shape_cast %add3A_692 : vector<16xf32> to vector<1x16xf32>
      tpu.vector_store %arg10[%swap3A_693, %swap3A_694], %swap3A_697 {strides = array<i32>} : memref<64x768xf32, #tpu.memory_space<vmem>>, vector<1x16xf32>,
      %get3A_698 = arith.index_cast %scan3A_146 : i32 to index
      %get3A_699 = arith.constant 544 : index
      %get3A_700 = tpu.vector_load %arg10[%get3A_698, %get3A_699] {strides = array<i32>} : memref<64x768xf32, #tpu.memory_space<vmem>>, vector<1x16xf32>,
      %get3A_701 = vector.shape_cast %get3A_700 : vector<1x16xf32> to vector<16xf32>
      %mul3A_702 = arith.mulf %get3A_701, %get3A_150 : vector<16xf32>
      %get3A_703 = arith.index_cast %scan3A_146 : i32 to index
      %get3A_704 = arith.constant 544 : index
      %get3A_705 = tpu.vector_load %arg11[%get3A_703, %get3A_704] {strides = array<i32>} : memref<64x768xf32, #tpu.memory_space<vmem>>, vector<1x16xf32>,
      %get3A_706 = vector.shape_cast %get3A_705 : vector<1x16xf32> to vector<16xf32>
      %mul3A_707 = arith.mulf %get3A_706, %get3A_154 : vector<16xf32>
      %add3A_708 = arith.addf %mul3A_702, %mul3A_707 : vector<16xf32>
      %swap3A_709 = arith.index_cast %scan3A_146 : i32 to index
      %swap3A_710 = arith.constant 544 : index
      %swap3A_711 = tpu.vector_load %arg10[%swap3A_709, %swap3A_710] {strides = array<i32>} : memref<64x768xf32, #tpu.memory_space<vmem>>, vector<1x16xf32>,
      %swap3A_712 = vector.shape_cast %swap3A_711 : vector<1x16xf32> to vector<16xf32>
      %swap3A_713 = vector.shape_cast %add3A_708 : vector<16xf32> to vector<1x16xf32>
      tpu.vector_store %arg10[%swap3A_709, %swap3A_710], %swap3A_713 {strides = array<i32>} : memref<64x768xf32, #tpu.memory_space<vmem>>, vector<1x16xf32>,
      %get3A_714 = arith.index_cast %scan3A_146 : i32 to index
      %get3A_715 = arith.constant 560 : index
      %get3A_716 = tpu.vector_load %arg10[%get3A_714, %get3A_715] {strides = array<i32>} : memref<64x768xf32, #tpu.memory_space<vmem>>, vector<1x16xf32>,
      %get3A_717 = vector.shape_cast %get3A_716 : vector<1x16xf32> to vector<16xf32>
      %mul3A_718 = arith.mulf %get3A_717, %get3A_150 : vector<16xf32>
      %get3A_719 = arith.index_cast %scan3A_146 : i32 to index
      %get3A_720 = arith.constant 560 : index
      %get3A_721 = tpu.vector_load %arg11[%get3A_719, %get3A_720] {strides = array<i32>} : memref<64x768xf32, #tpu.memory_space<vmem>>, vector<1x16xf32>,
      %get3A_722 = vector.shape_cast %get3A_721 : vector<1x16xf32> to vector<16xf32>
      %mul3A_723 = arith.mulf %get3A_722, %get3A_154 : vector<16xf32>
      %add3A_724 = arith.addf %mul3A_718, %mul3A_723 : vector<16xf32>
      %swap3A_725 = arith.index_cast %scan3A_146 : i32 to index
      %swap3A_726 = arith.constant 560 : index
      %swap3A_727 = tpu.vector_load %arg10[%swap3A_725, %swap3A_726] {strides = array<i32>} : memref<64x768xf32, #tpu.memory_space<vmem>>, vector<1x16xf32>,
      %swap3A_728 = vector.shape_cast %swap3A_727 : vector<1x16xf32> to vector<16xf32>
      %swap3A_729 = vector.shape_cast %add3A_724 : vector<16xf32> to vector<1x16xf32>
      tpu.vector_store %arg10[%swap3A_725, %swap3A_726], %swap3A_729 {strides = array<i32>} : memref<64x768xf32, #tpu.memory_space<vmem>>, vector<1x16xf32>,
      %get3A_730 = arith.index_cast %scan3A_146 : i32 to index
      %get3A_731 = arith.constant 576 : index
      %get3A_732 = tpu.vector_load %arg10[%get3A_730, %get3A_731] {strides = array<i32>} : memref<64x768xf32, #tpu.memory_space<vmem>>, vector<1x16xf32>,
      %get3A_733 = vector.shape_cast %get3A_732 : vector<1x16xf32> to vector<16xf32>
      %mul3A_734 = arith.mulf %get3A_733, %get3A_150 : vector<16xf32>
      %get3A_735 = arith.index_cast %scan3A_146 : i32 to index
      %get3A_736 = arith.constant 576 : index
      %get3A_737 = tpu.vector_load %arg11[%get3A_735, %get3A_736] {strides = array<i32>} : memref<64x768xf32, #tpu.memory_space<vmem>>, vector<1x16xf32>,
      %get3A_738 = vector.shape_cast %get3A_737 : vector<1x16xf32> to vector<16xf32>
      %mul3A_739 = arith.mulf %get3A_738, %get3A_154 : vector<16xf32>
      %add3A_740 = arith.addf %mul3A_734, %mul3A_739 : vector<16xf32>
      %swap3A_741 = arith.index_cast %scan3A_146 : i32 to index
      %swap3A_742 = arith.constant 576 : index
      %swap3A_743 = tpu.vector_load %arg10[%swap3A_741, %swap3A_742] {strides = array<i32>} : memref<64x768xf32, #tpu.memory_space<vmem>>, vector<1x16xf32>,
      %swap3A_744 = vector.shape_cast %swap3A_743 : vector<1x16xf32> to vector<16xf32>
      %swap3A_745 = vector.shape_cast %add3A_740 : vector<16xf32> to vector<1x16xf32>
      tpu.vector_store %arg10[%swap3A_741, %swap3A_742], %swap3A_745 {strides = array<i32>} : memref<64x768xf32, #tpu.memory_space<vmem>>, vector<1x16xf32>,
      %get3A_746 = arith.index_cast %scan3A_146 : i32 to index
      %get3A_747 = arith.constant 592 : index
      %get3A_748 = tpu.vector_load %arg10[%get3A_746, %get3A_747] {strides = array<i32>} : memref<64x768xf32, #tpu.memory_space<vmem>>, vector<1x16xf32>,
      %get3A_749 = vector.shape_cast %get3A_748 : vector<1x16xf32> to vector<16xf32>
      %mul3A_750 = arith.mulf %get3A_749, %get3A_150 : vector<16xf32>
      %get3A_751 = arith.index_cast %scan3A_146 : i32 to index
      %get3A_752 = arith.constant 592 : index
      %get3A_753 = tpu.vector_load %arg11[%get3A_751, %get3A_752] {strides = array<i32>} : memref<64x768xf32, #tpu.memory_space<vmem>>, vector<1x16xf32>,
      %get3A_754 = vector.shape_cast %get3A_753 : vector<1x16xf32> to vector<16xf32>
      %mul3A_755 = arith.mulf %get3A_754, %get3A_154 : vector<16xf32>
      %add3A_756 = arith.addf %mul3A_750, %mul3A_755 : vector<16xf32>
      %swap3A_757 = arith.index_cast %scan3A_146 : i32 to index
      %swap3A_758 = arith.constant 592 : index
      %swap3A_759 = tpu.vector_load %arg10[%swap3A_757, %swap3A_758] {strides = array<i32>} : memref<64x768xf32, #tpu.memory_space<vmem>>, vector<1x16xf32>,
      %swap3A_760 = vector.shape_cast %swap3A_759 : vector<1x16xf32> to vector<16xf32>
      %swap3A_761 = vector.shape_cast %add3A_756 : vector<16xf32> to vector<1x16xf32>
      tpu.vector_store %arg10[%swap3A_757, %swap3A_758], %swap3A_761 {strides = array<i32>} : memref<64x768xf32, #tpu.memory_space<vmem>>, vector<1x16xf32>,
      %get3A_762 = arith.index_cast %scan3A_146 : i32 to index
      %get3A_763 = arith.constant 608 : index
      %get3A_764 = tpu.vector_load %arg10[%get3A_762, %get3A_763] {strides = array<i32>} : memref<64x768xf32, #tpu.memory_space<vmem>>, vector<1x16xf32>,
      %get3A_765 = vector.shape_cast %get3A_764 : vector<1x16xf32> to vector<16xf32>
      %mul3A_766 = arith.mulf %get3A_765, %get3A_150 : vector<16xf32>
      %get3A_767 = arith.index_cast %scan3A_146 : i32 to index
      %get3A_768 = arith.constant 608 : index
      %get3A_769 = tpu.vector_load %arg11[%get3A_767, %get3A_768] {strides = array<i32>} : memref<64x768xf32, #tpu.memory_space<vmem>>, vector<1x16xf32>,
      %get3A_770 = vector.shape_cast %get3A_769 : vector<1x16xf32> to vector<16xf32>
      %mul3A_771 = arith.mulf %get3A_770, %get3A_154 : vector<16xf32>
      %add3A_772 = arith.addf %mul3A_766, %mul3A_771 : vector<16xf32>
      %swap3A_773 = arith.index_cast %scan3A_146 : i32 to index
      %swap3A_774 = arith.constant 608 : index
      %swap3A_775 = tpu.vector_load %arg10[%swap3A_773, %swap3A_774] {strides = array<i32>} : memref<64x768xf32, #tpu.memory_space<vmem>>, vector<1x16xf32>,
      %swap3A_776 = vector.shape_cast %swap3A_775 : vector<1x16xf32> to vector<16xf32>
      %swap3A_777 = vector.shape_cast %add3A_772 : vector<16xf32> to vector<1x16xf32>
      tpu.vector_store %arg10[%swap3A_773, %swap3A_774], %swap3A_777 {strides = array<i32>} : memref<64x768xf32, #tpu.memory_space<vmem>>, vector<1x16xf32>,
      %get3A_778 = arith.index_cast %scan3A_146 : i32 to index
      %get3A_779 = arith.constant 624 : index
      %get3A_780 = tpu.vector_load %arg10[%get3A_778, %get3A_779] {strides = array<i32>} : memref<64x768xf32, #tpu.memory_space<vmem>>, vector<1x16xf32>,
      %get3A_781 = vector.shape_cast %get3A_780 : vector<1x16xf32> to vector<16xf32>
      %mul3A_782 = arith.mulf %get3A_781, %get3A_150 : vector<16xf32>
      %get3A_783 = arith.index_cast %scan3A_146 : i32 to index
      %get3A_784 = arith.constant 624 : index
      %get3A_785 = tpu.vector_load %arg11[%get3A_783, %get3A_784] {strides = array<i32>} : memref<64x768xf32, #tpu.memory_space<vmem>>, vector<1x16xf32>,
      %get3A_786 = vector.shape_cast %get3A_785 : vector<1x16xf32> to vector<16xf32>
      %mul3A_787 = arith.mulf %get3A_786, %get3A_154 : vector<16xf32>
      %add3A_788 = arith.addf %mul3A_782, %mul3A_787 : vector<16xf32>
      %swap3A_789 = arith.index_cast %scan3A_146 : i32 to index
      %swap3A_790 = arith.constant 624 : index
      %swap3A_791 = tpu.vector_load %arg10[%swap3A_789, %swap3A_790] {strides = array<i32>} : memref<64x768xf32, #tpu.memory_space<vmem>>, vector<1x16xf32>,
      %swap3A_792 = vector.shape_cast %swap3A_791 : vector<1x16xf32> to vector<16xf32>
      %swap3A_793 = vector.shape_cast %add3A_788 : vector<16xf32> to vector<1x16xf32>
      tpu.vector_store %arg10[%swap3A_789, %swap3A_790], %swap3A_793 {strides = array<i32>} : memref<64x768xf32, #tpu.memory_space<vmem>>, vector<1x16xf32>,
      %get3A_794 = arith.index_cast %scan3A_146 : i32 to index
      %get3A_795 = arith.constant 640 : index
      %get3A_796 = tpu.vector_load %arg10[%get3A_794, %get3A_795] {strides = array<i32>} : memref<64x768xf32, #tpu.memory_space<vmem>>, vector<1x16xf32>,
      %get3A_797 = vector.shape_cast %get3A_796 : vector<1x16xf32> to vector<16xf32>
      %mul3A_798 = arith.mulf %get3A_797, %get3A_150 : vector<16xf32>
      %get3A_799 = arith.index_cast %scan3A_146 : i32 to index
      %get3A_800 = arith.constant 640 : index
      %get3A_801 = tpu.vector_load %arg11[%get3A_799, %get3A_800] {strides = array<i32>} : memref<64x768xf32, #tpu.memory_space<vmem>>, vector<1x16xf32>,
      %get3A_802 = vector.shape_cast %get3A_801 : vector<1x16xf32> to vector<16xf32>
      %mul3A_803 = arith.mulf %get3A_802, %get3A_154 : vector<16xf32>
      %add3A_804 = arith.addf %mul3A_798, %mul3A_803 : vector<16xf32>
      %swap3A_805 = arith.index_cast %scan3A_146 : i32 to index
      %swap3A_806 = arith.constant 640 : index
      %swap3A_807 = tpu.vector_load %arg10[%swap3A_805, %swap3A_806] {strides = array<i32>} : memref<64x768xf32, #tpu.memory_space<vmem>>, vector<1x16xf32>,
      %swap3A_808 = vector.shape_cast %swap3A_807 : vector<1x16xf32> to vector<16xf32>
      %swap3A_809 = vector.shape_cast %add3A_804 : vector<16xf32> to vector<1x16xf32>
      tpu.vector_store %arg10[%swap3A_805, %swap3A_806], %swap3A_809 {strides = array<i32>} : memref<64x768xf32, #tpu.memory_space<vmem>>, vector<1x16xf32>,
      %get3A_810 = arith.index_cast %scan3A_146 : i32 to index
      %get3A_811 = arith.constant 656 : index
      %get3A_812 = tpu.vector_load %arg10[%get3A_810, %get3A_811] {strides = array<i32>} : memref<64x768xf32, #tpu.memory_space<vmem>>, vector<1x16xf32>,
      %get3A_813 = vector.shape_cast %get3A_812 : vector<1x16xf32> to vector<16xf32>
      %mul3A_814 = arith.mulf %get3A_813, %get3A_150 : vector<16xf32>
      %get3A_815 = arith.index_cast %scan3A_146 : i32 to index
      %get3A_816 = arith.constant 656 : index
      %get3A_817 = tpu.vector_load %arg11[%get3A_815, %get3A_816] {strides = array<i32>} : memref<64x768xf32, #tpu.memory_space<vmem>>, vector<1x16xf32>,
      %get3A_818 = vector.shape_cast %get3A_817 : vector<1x16xf32> to vector<16xf32>
      %mul3A_819 = arith.mulf %get3A_818, %get3A_154 : vector<16xf32>
      %add3A_820 = arith.addf %mul3A_814, %mul3A_819 : vector<16xf32>
      %swap3A_821 = arith.index_cast %scan3A_146 : i32 to index
      %swap3A_822 = arith.constant 656 : index
      %swap3A_823 = tpu.vector_load %arg10[%swap3A_821, %swap3A_822] {strides = array<i32>} : memref<64x768xf32, #tpu.memory_space<vmem>>, vector<1x16xf32>,
      %swap3A_824 = vector.shape_cast %swap3A_823 : vector<1x16xf32> to vector<16xf32>
      %swap3A_825 = vector.shape_cast %add3A_820 : vector<16xf32> to vector<1x16xf32>
      tpu.vector_store %arg10[%swap3A_821, %swap3A_822], %swap3A_825 {strides = array<i32>} : memref<64x768xf32, #tpu.memory_space<vmem>>, vector<1x16xf32>,
      %get3A_826 = arith.index_cast %scan3A_146 : i32 to index
      %get3A_827 = arith.constant 672 : index
      %get3A_828 = tpu.vector_load %arg10[%get3A_826, %get3A_827] {strides = array<i32>} : memref<64x768xf32, #tpu.memory_space<vmem>>, vector<1x16xf32>,
      %get3A_829 = vector.shape_cast %get3A_828 : vector<1x16xf32> to vector<16xf32>
      %mul3A_830 = arith.mulf %get3A_829, %get3A_150 : vector<16xf32>
      %get3A_831 = arith.index_cast %scan3A_146 : i32 to index
      %get3A_832 = arith.constant 672 : index
      %get3A_833 = tpu.vector_load %arg11[%get3A_831, %get3A_832] {strides = array<i32>} : memref<64x768xf32, #tpu.memory_space<vmem>>, vector<1x16xf32>,
      %get3A_834 = vector.shape_cast %get3A_833 : vector<1x16xf32> to vector<16xf32>
      %mul3A_835 = arith.mulf %get3A_834, %get3A_154 : vector<16xf32>
      %add3A_836 = arith.addf %mul3A_830, %mul3A_835 : vector<16xf32>
      %swap3A_837 = arith.index_cast %scan3A_146 : i32 to index
      %swap3A_838 = arith.constant 672 : index
      %swap3A_839 = tpu.vector_load %arg10[%swap3A_837, %swap3A_838] {strides = array<i32>} : memref<64x768xf32, #tpu.memory_space<vmem>>, vector<1x16xf32>,
      %swap3A_840 = vector.shape_cast %swap3A_839 : vector<1x16xf32> to vector<16xf32>
      %swap3A_841 = vector.shape_cast %add3A_836 : vector<16xf32> to vector<1x16xf32>
      tpu.vector_store %arg10[%swap3A_837, %swap3A_838], %swap3A_841 {strides = array<i32>} : memref<64x768xf32, #tpu.memory_space<vmem>>, vector<1x16xf32>,
      %get3A_842 = arith.index_cast %scan3A_146 : i32 to index
      %get3A_843 = arith.constant 688 : index
      %get3A_844 = tpu.vector_load %arg10[%get3A_842, %get3A_843] {strides = array<i32>} : memref<64x768xf32, #tpu.memory_space<vmem>>, vector<1x16xf32>,
      %get3A_845 = vector.shape_cast %get3A_844 : vector<1x16xf32> to vector<16xf32>
      %mul3A_846 = arith.mulf %get3A_845, %get3A_150 : vector<16xf32>
      %get3A_847 = arith.index_cast %scan3A_146 : i32 to index
      %get3A_848 = arith.constant 688 : index
      %get3A_849 = tpu.vector_load %arg11[%get3A_847, %get3A_848] {strides = array<i32>} : memref<64x768xf32, #tpu.memory_space<vmem>>, vector<1x16xf32>,
      %get3A_850 = vector.shape_cast %get3A_849 : vector<1x16xf32> to vector<16xf32>
      %mul3A_851 = arith.mulf %get3A_850, %get3A_154 : vector<16xf32>
      %add3A_852 = arith.addf %mul3A_846, %mul3A_851 : vector<16xf32>
      %swap3A_853 = arith.index_cast %scan3A_146 : i32 to index
      %swap3A_854 = arith.constant 688 : index
      %swap3A_855 = tpu.vector_load %arg10[%swap3A_853, %swap3A_854] {strides = array<i32>} : memref<64x768xf32, #tpu.memory_space<vmem>>, vector<1x16xf32>,
      %swap3A_856 = vector.shape_cast %swap3A_855 : vector<1x16xf32> to vector<16xf32>
      %swap3A_857 = vector.shape_cast %add3A_852 : vector<16xf32> to vector<1x16xf32>
      tpu.vector_store %arg10[%swap3A_853, %swap3A_854], %swap3A_857 {strides = array<i32>} : memref<64x768xf32, #tpu.memory_space<vmem>>, vector<1x16xf32>,
      %get3A_858 = arith.index_cast %scan3A_146 : i32 to index
      %get3A_859 = arith.constant 704 : index
      %get3A_860 = tpu.vector_load %arg10[%get3A_858, %get3A_859] {strides = array<i32>} : memref<64x768xf32, #tpu.memory_space<vmem>>, vector<1x16xf32>,
      %get3A_861 = vector.shape_cast %get3A_860 : vector<1x16xf32> to vector<16xf32>
      %mul3A_862 = arith.mulf %get3A_861, %get3A_150 : vector<16xf32>
      %get3A_863 = arith.index_cast %scan3A_146 : i32 to index
      %get3A_864 = arith.constant 704 : index
      %get3A_865 = tpu.vector_load %arg11[%get3A_863, %get3A_864] {strides = array<i32>} : memref<64x768xf32, #tpu.memory_space<vmem>>, vector<1x16xf32>,
      %get3A_866 = vector.shape_cast %get3A_865 : vector<1x16xf32> to vector<16xf32>
      %mul3A_867 = arith.mulf %get3A_866, %get3A_154 : vector<16xf32>
      %add3A_868 = arith.addf %mul3A_862, %mul3A_867 : vector<16xf32>
      %swap3A_869 = arith.index_cast %scan3A_146 : i32 to index
      %swap3A_870 = arith.constant 704 : index
      %swap3A_871 = tpu.vector_load %arg10[%swap3A_869, %swap3A_870] {strides = array<i32>} : memref<64x768xf32, #tpu.memory_space<vmem>>, vector<1x16xf32>,
      %swap3A_872 = vector.shape_cast %swap3A_871 : vector<1x16xf32> to vector<16xf32>
      %swap3A_873 = vector.shape_cast %add3A_868 : vector<16xf32> to vector<1x16xf32>
      tpu.vector_store %arg10[%swap3A_869, %swap3A_870], %swap3A_873 {strides = array<i32>} : memref<64x768xf32, #tpu.memory_space<vmem>>, vector<1x16xf32>,
      %get3A_874 = arith.index_cast %scan3A_146 : i32 to index
      %get3A_875 = arith.constant 720 : index
      %get3A_876 = tpu.vector_load %arg10[%get3A_874, %get3A_875] {strides = array<i32>} : memref<64x768xf32, #tpu.memory_space<vmem>>, vector<1x16xf32>,
      %get3A_877 = vector.shape_cast %get3A_876 : vector<1x16xf32> to vector<16xf32>
      %mul3A_878 = arith.mulf %get3A_877, %get3A_150 : vector<16xf32>
      %get3A_879 = arith.index_cast %scan3A_146 : i32 to index
      %get3A_880 = arith.constant 720 : index
      %get3A_881 = tpu.vector_load %arg11[%get3A_879, %get3A_880] {strides = array<i32>} : memref<64x768xf32, #tpu.memory_space<vmem>>, vector<1x16xf32>,
      %get3A_882 = vector.shape_cast %get3A_881 : vector<1x16xf32> to vector<16xf32>
      %mul3A_883 = arith.mulf %get3A_882, %get3A_154 : vector<16xf32>
      %add3A_884 = arith.addf %mul3A_878, %mul3A_883 : vector<16xf32>
      %swap3A_885 = arith.index_cast %scan3A_146 : i32 to index
      %swap3A_886 = arith.constant 720 : index
      %swap3A_887 = tpu.vector_load %arg10[%swap3A_885, %swap3A_886] {strides = array<i32>} : memref<64x768xf32, #tpu.memory_space<vmem>>, vector<1x16xf32>,
      %swap3A_888 = vector.shape_cast %swap3A_887 : vector<1x16xf32> to vector<16xf32>
      %swap3A_889 = vector.shape_cast %add3A_884 : vector<16xf32> to vector<1x16xf32>
      tpu.vector_store %arg10[%swap3A_885, %swap3A_886], %swap3A_889 {strides = array<i32>} : memref<64x768xf32, #tpu.memory_space<vmem>>, vector<1x16xf32>,
      %get3A_890 = arith.index_cast %scan3A_146 : i32 to index
      %get3A_891 = arith.constant 736 : index
      %get3A_892 = tpu.vector_load %arg10[%get3A_890, %get3A_891] {strides = array<i32>} : memref<64x768xf32, #tpu.memory_space<vmem>>, vector<1x16xf32>,
      %get3A_893 = vector.shape_cast %get3A_892 : vector<1x16xf32> to vector<16xf32>
      %mul3A_894 = arith.mulf %get3A_893, %get3A_150 : vector<16xf32>
      %get3A_895 = arith.index_cast %scan3A_146 : i32 to index
      %get3A_896 = arith.constant 736 : index
      %get3A_897 = tpu.vector_load %arg11[%get3A_895, %get3A_896] {strides = array<i32>} : memref<64x768xf32, #tpu.memory_space<vmem>>, vector<1x16xf32>,
      %get3A_898 = vector.shape_cast %get3A_897 : vector<1x16xf32> to vector<16xf32>
      %mul3A_899 = arith.mulf %get3A_898, %get3A_154 : vector<16xf32>
      %add3A_900 = arith.addf %mul3A_894, %mul3A_899 : vector<16xf32>
      %swap3A_901 = arith.index_cast %scan3A_146 : i32 to index
      %swap3A_902 = arith.constant 736 : index
      %swap3A_903 = tpu.vector_load %arg10[%swap3A_901, %swap3A_902] {strides = array<i32>} : memref<64x768xf32, #tpu.memory_space<vmem>>, vector<1x16xf32>,
      %swap3A_904 = vector.shape_cast %swap3A_903 : vector<1x16xf32> to vector<16xf32>
      %swap3A_905 = vector.shape_cast %add3A_900 : vector<16xf32> to vector<1x16xf32>
      tpu.vector_store %arg10[%swap3A_901, %swap3A_902], %swap3A_905 {strides = array<i32>} : memref<64x768xf32, #tpu.memory_space<vmem>>, vector<1x16xf32>,
      %get3A_906 = arith.index_cast %scan3A_146 : i32 to index
      %get3A_907 = arith.constant 752 : index
      %get3A_908 = tpu.vector_load %arg10[%get3A_906, %get3A_907] {strides = array<i32>} : memref<64x768xf32, #tpu.memory_space<vmem>>, vector<1x16xf32>,
      %get3A_909 = vector.shape_cast %get3A_908 : vector<1x16xf32> to vector<16xf32>
      %mul3A_910 = arith.mulf %get3A_909, %get3A_150 : vector<16xf32>
      %get3A_911 = arith.index_cast %scan3A_146 : i32 to index
      %get3A_912 = arith.constant 752 : index
      %get3A_913 = tpu.vector_load %arg11[%get3A_911, %get3A_912] {strides = array<i32>} : memref<64x768xf32, #tpu.memory_space<vmem>>, vector<1x16xf32>,
      %get3A_914 = vector.shape_cast %get3A_913 : vector<1x16xf32> to vector<16xf32>
      %mul3A_915 = arith.mulf %get3A_914, %get3A_154 : vector<16xf32>
      %add3A_916 = arith.addf %mul3A_910, %mul3A_915 : vector<16xf32>
      %swap3A_917 = arith.index_cast %scan3A_146 : i32 to index
      %swap3A_918 = arith.constant 752 : index
      %swap3A_919 = tpu.vector_load %arg10[%swap3A_917, %swap3A_918] {strides = array<i32>} : memref<64x768xf32, #tpu.memory_space<vmem>>, vector<1x16xf32>,
      %swap3A_920 = vector.shape_cast %swap3A_919 : vector<1x16xf32> to vector<16xf32>
      %swap3A_921 = vector.shape_cast %add3A_916 : vector<16xf32> to vector<1x16xf32>
      tpu.vector_store %arg10[%swap3A_917, %swap3A_918], %swap3A_921 {strides = array<i32>} : memref<64x768xf32, #tpu.memory_space<vmem>>, vector<1x16xf32>,
      %scan3A_922 = arith.constant 0 : i32
      scf.yield %scan3A_922 : i32
    }
    %scan3A_113 = arith.constant 32 : i32
    %add3A_114 = arith.constant 32 : i32
    %add3A_115 = arith.addi %mul3A_2, %add3A_114 : i32
    %dma_start3A_116 = arith.constant 32 : i32
    %dma_start3A_117 = arith.constant 0 : i32
    %dma_start3A_118 = tpu.memref_slice %arg10[%dma_start3A_116, %dma_start3A_117] : memref<64x768xf32, #tpu.memory_space<vmem>> -> memref<32x768xf32, #tpu.memory_space<vmem>>
    %dma_start3A_119 = arith.constant 0 : i32
    %dma_start3A_120 = tpu.memref_slice %arg7[%add3A_115, %dma_start3A_119] : memref<2048x768xf32, #tpu.memory_space<hbm>> -> memref<32x768xf32, #tpu.memory_space<hbm>>
    %dma_start3A_121 = arith.constant 0 : i32
    %dma_start3A_122 = tpu.memref_slice %arg7[%add3A_115, %dma_start3A_121] : memref<2048x768xf32, #tpu.memory_space<hbm>> -> memref<32x768xf32, #tpu.memory_space<hbm>>
    %dma_start3A_123 = arith.constant 32 : i32
    %dma_start3A_124 = arith.constant 0 : i32
    %dma_start3A_125 = tpu.memref_slice %arg10[%dma_start3A_123, %dma_start3A_124] : memref<64x768xf32, #tpu.memory_space<vmem>> -> memref<32x768xf32, #tpu.memory_space<vmem>>
    tpu.enqueue_dma source(%dma_start3A_125 : memref<32x768xf32, #tpu.memory_space<vmem>>) target(%dma_start3A_122 : memref<32x768xf32, #tpu.memory_space<hbm>>) target_semaphore(%arg15 : memref<!tpu.dma_semaphore, #tpu.memory_space<semaphore_mem>>)
    %dma_wait3A_126 = arith.constant 0 : i32
    %dma_wait3A_127 = arith.constant 0 : i32
    %dma_wait3A_128 = tpu.memref_slice %arg10[%dma_wait3A_126, %dma_wait3A_127] : memref<64x768xf32, #tpu.memory_space<vmem>> -> memref<32x768xf32, #tpu.memory_space<vmem>>
    %dma_wait3A_129 = arith.constant 0 : i32
    %dma_wait3A_130 = tpu.memref_slice %arg7[%add3A_80, %dma_wait3A_129] : memref<2048x768xf32, #tpu.memory_space<hbm>> -> memref<32x768xf32, #tpu.memory_space<hbm>>
    %dma_wait3A_131 = arith.constant 0 : i32
    %dma_wait3A_132 = tpu.memref_slice %arg7[%add3A_80, %dma_wait3A_131] : memref<2048x768xf32, #tpu.memory_space<hbm>> -> memref<32x768xf32, #tpu.memory_space<hbm>>
    %dma_wait3A_133 = arith.constant 0 : i32
    %dma_wait3A_134 = arith.constant 0 : i32
    %dma_wait3A_135 = tpu.memref_slice %arg10[%dma_wait3A_133, %dma_wait3A_134] : memref<64x768xf32, #tpu.memory_space<vmem>> -> memref<32x768xf32, #tpu.memory_space<vmem>>
    tpu.wait_dma2 semaphore(%arg15 : memref<!tpu.dma_semaphore, #tpu.memory_space<semaphore_mem>>) src(%dma_wait3A_135 : memref<32x768xf32, #tpu.memory_space<vmem>>) dst(%dma_wait3A_132 : memref<32x768xf32, #tpu.memory_space<hbm>>)
    %dma_wait3A_136 = arith.constant 32 : i32
    %dma_wait3A_137 = arith.constant 0 : i32
    %dma_wait3A_138 = tpu.memref_slice %arg10[%dma_wait3A_136, %dma_wait3A_137] : memref<64x768xf32, #tpu.memory_space<vmem>> -> memref<32x768xf32, #tpu.memory_space<vmem>>
    %dma_wait3A_139 = arith.constant 0 : i32
    %dma_wait3A_140 = tpu.memref_slice %arg7[%add3A_115, %dma_wait3A_139] : memref<2048x768xf32, #tpu.memory_space<hbm>> -> memref<32x768xf32, #tpu.memory_space<hbm>>
    %dma_wait3A_141 = arith.constant 0 : i32
    %dma_wait3A_142 = tpu.memref_slice %arg7[%add3A_115, %dma_wait3A_141] : memref<2048x768xf32, #tpu.memory_space<hbm>> -> memref<32x768xf32, #tpu.memory_space<hbm>>
    %dma_wait3A_143 = arith.constant 32 : i32
    %dma_wait3A_144 = arith.constant 0 : i32
    %dma_wait3A_145 = tpu.memref_slice %arg10[%dma_wait3A_143, %dma_wait3A_144] : memref<64x768xf32, #tpu.memory_space<vmem>> -> memref<32x768xf32, #tpu.memory_space<vmem>>
    tpu.wait_dma2 semaphore(%arg15 : memref<!tpu.dma_semaphore, #tpu.memory_space<semaphore_mem>>) src(%dma_wait3A_145 : memref<32x768xf32, #tpu.memory_space<vmem>>) dst(%dma_wait3A_142 : memref<32x768xf32, #tpu.memory_space<hbm>>)
    return
  }
}

#map = affine_map<(d0, d1) -> (0, 0)>
#map1 = affine_map<(d0, d1) -> (0)>
module attributes {stable_mosaic.version = 14 : i64} {
  func.func @_sc_dist_body(%arg0: i32, %arg1: i32, %arg2: memref<2048x768xf32, #tpu.memory_space<hbm>>, %arg3: memref<2048xi32, #tpu.memory_space<hbm>>, %arg4: memref<2048xi32, #tpu.memory_space<hbm>>, %arg5: memref<5120x768xf32, #tpu.memory_space<hbm>>, %arg6: memref<32xi32, #tpu.memory_space<vmem>>, %arg7: memref<32xi32, #tpu.memory_space<vmem>>, %arg8: memref<32xi32, #tpu.memory_space<vmem>>, %arg9: memref<32xi32, #tpu.memory_space<vmem>>, %arg10: memref<64x768xf32, #tpu.memory_space<vmem>>, %arg11: memref<!tpu.dma_semaphore, #tpu.memory_space<semaphore_mem>>, %arg12: memref<!tpu.dma_semaphore, #tpu.memory_space<semaphore_mem>>) attributes {dimension_semantics = [#tpu.dimension_semantics<core_parallel>, #tpu.dimension_semantics<subcore_parallel>], iteration_bounds = array<i64: 2, 16>, scalar_prefetch = 0 : i64, scratch_operands = 7 : i64, tpu.core_type = #tpu.core_type<sc_vector_subcore>, window_params = [{transform_indices = #map}, {transform_indices = #map1}, {transform_indices = #map1}, {transform_indices = #map}]} {
    %mul3A = arith.constant 2 : i32
    %mul3A_0 = arith.muli %arg1, %mul3A : i32
    %add3A = arith.addi %mul3A_0, %arg0 : i32
    %mul3A_1 = arith.constant 64 : i32
    %mul3A_2 = arith.muli %add3A, %mul3A_1 : i32
    %dma_start3A = tpu.memref_slice %arg3[%mul3A_2] : memref<2048xi32, #tpu.memory_space<hbm>> -> memref<32xi32, #tpu.memory_space<hbm>>
    %dma_start3A_3 = tpu.memref_slice %arg3[%mul3A_2] : memref<2048xi32, #tpu.memory_space<hbm>> -> memref<32xi32, #tpu.memory_space<hbm>>
    tpu.enqueue_dma source(%dma_start3A_3 : memref<32xi32, #tpu.memory_space<hbm>>) target(%arg6 : memref<32xi32, #tpu.memory_space<vmem>>) target_semaphore(%arg11 : memref<!tpu.dma_semaphore, #tpu.memory_space<semaphore_mem>>)
    %dma_start3A_4 = tpu.memref_slice %arg4[%mul3A_2] : memref<2048xi32, #tpu.memory_space<hbm>> -> memref<32xi32, #tpu.memory_space<hbm>>
    %dma_start3A_5 = tpu.memref_slice %arg4[%mul3A_2] : memref<2048xi32, #tpu.memory_space<hbm>> -> memref<32xi32, #tpu.memory_space<hbm>>
    tpu.enqueue_dma source(%dma_start3A_5 : memref<32xi32, #tpu.memory_space<hbm>>) target(%arg8 : memref<32xi32, #tpu.memory_space<vmem>>) target_semaphore(%arg11 : memref<!tpu.dma_semaphore, #tpu.memory_space<semaphore_mem>>)
    %dma_start3A_6 = arith.constant 0 : i32
    %dma_start3A_7 = arith.constant 0 : i32
    %dma_start3A_8 = tpu.memref_slice %arg10[%dma_start3A_6, %dma_start3A_7] : memref<64x768xf32, #tpu.memory_space<vmem>> -> memref<32x768xf32, #tpu.memory_space<vmem>>
    %dma_start3A_9 = arith.constant 0 : i32
    %dma_start3A_10 = tpu.memref_slice %arg2[%mul3A_2, %dma_start3A_9] : memref<2048x768xf32, #tpu.memory_space<hbm>> -> memref<32x768xf32, #tpu.memory_space<hbm>>
    %dma_start3A_11 = arith.constant 0 : i32
    %dma_start3A_12 = arith.constant 0 : i32
    %dma_start3A_13 = tpu.memref_slice %arg10[%dma_start3A_11, %dma_start3A_12] : memref<64x768xf32, #tpu.memory_space<vmem>> -> memref<32x768xf32, #tpu.memory_space<vmem>>
    %dma_start3A_14 = arith.constant 0 : i32
    %dma_start3A_15 = tpu.memref_slice %arg2[%mul3A_2, %dma_start3A_14] : memref<2048x768xf32, #tpu.memory_space<hbm>> -> memref<32x768xf32, #tpu.memory_space<hbm>>
    tpu.enqueue_dma source(%dma_start3A_15 : memref<32x768xf32, #tpu.memory_space<hbm>>) target(%dma_start3A_13 : memref<32x768xf32, #tpu.memory_space<vmem>>) target_semaphore(%arg11 : memref<!tpu.dma_semaphore, #tpu.memory_space<semaphore_mem>>)
    %add3A_16 = arith.constant 32 : i32
    %add3A_17 = arith.addi %mul3A_2, %add3A_16 : i32
    %dma_start3A_18 = tpu.memref_slice %arg3[%add3A_17] : memref<2048xi32, #tpu.memory_space<hbm>> -> memref<32xi32, #tpu.memory_space<hbm>>
    %dma_start3A_19 = tpu.memref_slice %arg3[%add3A_17] : memref<2048xi32, #tpu.memory_space<hbm>> -> memref<32xi32, #tpu.memory_space<hbm>>
    tpu.enqueue_dma source(%dma_start3A_19 : memref<32xi32, #tpu.memory_space<hbm>>) target(%arg7 : memref<32xi32, #tpu.memory_space<vmem>>) target_semaphore(%arg11 : memref<!tpu.dma_semaphore, #tpu.memory_space<semaphore_mem>>)
    %add3A_20 = arith.constant 32 : i32
    %add3A_21 = arith.addi %mul3A_2, %add3A_20 : i32
    %dma_start3A_22 = tpu.memref_slice %arg4[%add3A_21] : memref<2048xi32, #tpu.memory_space<hbm>> -> memref<32xi32, #tpu.memory_space<hbm>>
    %dma_start3A_23 = tpu.memref_slice %arg4[%add3A_21] : memref<2048xi32, #tpu.memory_space<hbm>> -> memref<32xi32, #tpu.memory_space<hbm>>
    tpu.enqueue_dma source(%dma_start3A_23 : memref<32xi32, #tpu.memory_space<hbm>>) target(%arg9 : memref<32xi32, #tpu.memory_space<vmem>>) target_semaphore(%arg11 : memref<!tpu.dma_semaphore, #tpu.memory_space<semaphore_mem>>)
    %add3A_24 = arith.constant 32 : i32
    %add3A_25 = arith.addi %mul3A_2, %add3A_24 : i32
    %dma_start3A_26 = arith.constant 32 : i32
    %dma_start3A_27 = arith.constant 0 : i32
    %dma_start3A_28 = tpu.memref_slice %arg10[%dma_start3A_26, %dma_start3A_27] : memref<64x768xf32, #tpu.memory_space<vmem>> -> memref<32x768xf32, #tpu.memory_space<vmem>>
    %dma_start3A_29 = arith.constant 0 : i32
    %dma_start3A_30 = tpu.memref_slice %arg2[%add3A_25, %dma_start3A_29] : memref<2048x768xf32, #tpu.memory_space<hbm>> -> memref<32x768xf32, #tpu.memory_space<hbm>>
    %dma_start3A_31 = arith.constant 32 : i32
    %dma_start3A_32 = arith.constant 0 : i32
    %dma_start3A_33 = tpu.memref_slice %arg10[%dma_start3A_31, %dma_start3A_32] : memref<64x768xf32, #tpu.memory_space<vmem>> -> memref<32x768xf32, #tpu.memory_space<vmem>>
    %dma_start3A_34 = arith.constant 0 : i32
    %dma_start3A_35 = tpu.memref_slice %arg2[%add3A_25, %dma_start3A_34] : memref<2048x768xf32, #tpu.memory_space<hbm>> -> memref<32x768xf32, #tpu.memory_space<hbm>>
    tpu.enqueue_dma source(%dma_start3A_35 : memref<32x768xf32, #tpu.memory_space<hbm>>) target(%dma_start3A_33 : memref<32x768xf32, #tpu.memory_space<vmem>>) target_semaphore(%arg11 : memref<!tpu.dma_semaphore, #tpu.memory_space<semaphore_mem>>)
    %dma_wait3A = tpu.memref_slice %arg3[%mul3A_2] : memref<2048xi32, #tpu.memory_space<hbm>> -> memref<32xi32, #tpu.memory_space<hbm>>
    %dma_wait3A_36 = tpu.memref_slice %arg3[%mul3A_2] : memref<2048xi32, #tpu.memory_space<hbm>> -> memref<32xi32, #tpu.memory_space<hbm>>
    tpu.wait_dma2 semaphore(%arg11 : memref<!tpu.dma_semaphore, #tpu.memory_space<semaphore_mem>>) src(%dma_wait3A_36 : memref<32xi32, #tpu.memory_space<hbm>>) dst(%arg6 : memref<32xi32, #tpu.memory_space<vmem>>)
    %dma_wait3A_37 = tpu.memref_slice %arg4[%mul3A_2] : memref<2048xi32, #tpu.memory_space<hbm>> -> memref<32xi32, #tpu.memory_space<hbm>>
    %dma_wait3A_38 = tpu.memref_slice %arg4[%mul3A_2] : memref<2048xi32, #tpu.memory_space<hbm>> -> memref<32xi32, #tpu.memory_space<hbm>>
    tpu.wait_dma2 semaphore(%arg11 : memref<!tpu.dma_semaphore, #tpu.memory_space<semaphore_mem>>) src(%dma_wait3A_38 : memref<32xi32, #tpu.memory_space<hbm>>) dst(%arg8 : memref<32xi32, #tpu.memory_space<vmem>>)
    %dma_wait3A_39 = arith.constant 0 : i32
    %dma_wait3A_40 = arith.constant 0 : i32
    %dma_wait3A_41 = tpu.memref_slice %arg10[%dma_wait3A_39, %dma_wait3A_40] : memref<64x768xf32, #tpu.memory_space<vmem>> -> memref<32x768xf32, #tpu.memory_space<vmem>>
    %dma_wait3A_42 = arith.constant 0 : i32
    %dma_wait3A_43 = tpu.memref_slice %arg2[%mul3A_2, %dma_wait3A_42] : memref<2048x768xf32, #tpu.memory_space<hbm>> -> memref<32x768xf32, #tpu.memory_space<hbm>>
    %dma_wait3A_44 = arith.constant 0 : i32
    %dma_wait3A_45 = arith.constant 0 : i32
    %dma_wait3A_46 = tpu.memref_slice %arg10[%dma_wait3A_44, %dma_wait3A_45] : memref<64x768xf32, #tpu.memory_space<vmem>> -> memref<32x768xf32, #tpu.memory_space<vmem>>
    %dma_wait3A_47 = arith.constant 0 : i32
    %dma_wait3A_48 = tpu.memref_slice %arg2[%mul3A_2, %dma_wait3A_47] : memref<2048x768xf32, #tpu.memory_space<hbm>> -> memref<32x768xf32, #tpu.memory_space<hbm>>
    tpu.wait_dma2 semaphore(%arg11 : memref<!tpu.dma_semaphore, #tpu.memory_space<semaphore_mem>>) src(%dma_wait3A_48 : memref<32x768xf32, #tpu.memory_space<hbm>>) dst(%dma_wait3A_46 : memref<32x768xf32, #tpu.memory_space<vmem>>)
    %dma_start3A_49 = arith.constant 0 : i32
    %dma_start3A_50 = arith.constant 0 : i32
    %dma_start3A_51 = tpu.memref_slice %arg10[%dma_start3A_49, %dma_start3A_50] : memref<64x768xf32, #tpu.memory_space<vmem>> -> memref<32x768xf32, #tpu.memory_space<vmem>>
    %dma_start3A_52 = arith.constant 0 : i32
    %dma_start3A_53 = arith.constant 0 : i32
    %dma_start3A_54 = tpu.memref_slice %arg5[%dma_start3A_52, %dma_start3A_53] : memref<5120x768xf32, #tpu.memory_space<hbm>> -> memref<5120x768xf32, #tpu.memory_space<hbm>>
    tpu.enqueue_indirect_dma source(%dma_start3A_51 : memref<32x768xf32, #tpu.memory_space<vmem>>) target(%dma_start3A_54 : memref<5120x768xf32, #tpu.memory_space<hbm>>) offsets(%arg6 : memref<32xi32, #tpu.memory_space<vmem>>) semaphore(%arg12 : memref<!tpu.dma_semaphore, #tpu.memory_space<semaphore_mem>>)
    %dma_start3A_55 = arith.constant 0 : i32
    %dma_start3A_56 = arith.constant 0 : i32
    %dma_start3A_57 = tpu.memref_slice %arg10[%dma_start3A_55, %dma_start3A_56] : memref<64x768xf32, #tpu.memory_space<vmem>> -> memref<32x768xf32, #tpu.memory_space<vmem>>
    %dma_start3A_58 = arith.constant 0 : i32
    %dma_start3A_59 = arith.constant 0 : i32
    %dma_start3A_60 = tpu.memref_slice %arg5[%dma_start3A_58, %dma_start3A_59] : memref<5120x768xf32, #tpu.memory_space<hbm>> -> memref<5120x768xf32, #tpu.memory_space<hbm>>
    tpu.enqueue_indirect_dma source(%dma_start3A_57 : memref<32x768xf32, #tpu.memory_space<vmem>>) target(%dma_start3A_60 : memref<5120x768xf32, #tpu.memory_space<hbm>>) offsets(%arg8 : memref<32xi32, #tpu.memory_space<vmem>>) semaphore(%arg12 : memref<!tpu.dma_semaphore, #tpu.memory_space<semaphore_mem>>)
    %dma_wait3A_61 = tpu.memref_slice %arg3[%add3A_17] : memref<2048xi32, #tpu.memory_space<hbm>> -> memref<32xi32, #tpu.memory_space<hbm>>
    %dma_wait3A_62 = tpu.memref_slice %arg3[%add3A_17] : memref<2048xi32, #tpu.memory_space<hbm>> -> memref<32xi32, #tpu.memory_space<hbm>>
    tpu.wait_dma2 semaphore(%arg11 : memref<!tpu.dma_semaphore, #tpu.memory_space<semaphore_mem>>) src(%dma_wait3A_62 : memref<32xi32, #tpu.memory_space<hbm>>) dst(%arg7 : memref<32xi32, #tpu.memory_space<vmem>>)
    %dma_wait3A_63 = tpu.memref_slice %arg4[%add3A_21] : memref<2048xi32, #tpu.memory_space<hbm>> -> memref<32xi32, #tpu.memory_space<hbm>>
    %dma_wait3A_64 = tpu.memref_slice %arg4[%add3A_21] : memref<2048xi32, #tpu.memory_space<hbm>> -> memref<32xi32, #tpu.memory_space<hbm>>
    tpu.wait_dma2 semaphore(%arg11 : memref<!tpu.dma_semaphore, #tpu.memory_space<semaphore_mem>>) src(%dma_wait3A_64 : memref<32xi32, #tpu.memory_space<hbm>>) dst(%arg9 : memref<32xi32, #tpu.memory_space<vmem>>)
    %dma_wait3A_65 = arith.constant 32 : i32
    %dma_wait3A_66 = arith.constant 0 : i32
    %dma_wait3A_67 = tpu.memref_slice %arg10[%dma_wait3A_65, %dma_wait3A_66] : memref<64x768xf32, #tpu.memory_space<vmem>> -> memref<32x768xf32, #tpu.memory_space<vmem>>
    %dma_wait3A_68 = arith.constant 0 : i32
    %dma_wait3A_69 = tpu.memref_slice %arg2[%add3A_25, %dma_wait3A_68] : memref<2048x768xf32, #tpu.memory_space<hbm>> -> memref<32x768xf32, #tpu.memory_space<hbm>>
    %dma_wait3A_70 = arith.constant 32 : i32
    %dma_wait3A_71 = arith.constant 0 : i32
    %dma_wait3A_72 = tpu.memref_slice %arg10[%dma_wait3A_70, %dma_wait3A_71] : memref<64x768xf32, #tpu.memory_space<vmem>> -> memref<32x768xf32, #tpu.memory_space<vmem>>
    %dma_wait3A_73 = arith.constant 0 : i32
    %dma_wait3A_74 = tpu.memref_slice %arg2[%add3A_25, %dma_wait3A_73] : memref<2048x768xf32, #tpu.memory_space<hbm>> -> memref<32x768xf32, #tpu.memory_space<hbm>>
    tpu.wait_dma2 semaphore(%arg11 : memref<!tpu.dma_semaphore, #tpu.memory_space<semaphore_mem>>) src(%dma_wait3A_74 : memref<32x768xf32, #tpu.memory_space<hbm>>) dst(%dma_wait3A_72 : memref<32x768xf32, #tpu.memory_space<vmem>>)
    %dma_start3A_75 = arith.constant 32 : i32
    %dma_start3A_76 = arith.constant 0 : i32
    %dma_start3A_77 = tpu.memref_slice %arg10[%dma_start3A_75, %dma_start3A_76] : memref<64x768xf32, #tpu.memory_space<vmem>> -> memref<32x768xf32, #tpu.memory_space<vmem>>
    %dma_start3A_78 = arith.constant 0 : i32
    %dma_start3A_79 = arith.constant 0 : i32
    %dma_start3A_80 = tpu.memref_slice %arg5[%dma_start3A_78, %dma_start3A_79] : memref<5120x768xf32, #tpu.memory_space<hbm>> -> memref<5120x768xf32, #tpu.memory_space<hbm>>
    tpu.enqueue_indirect_dma source(%dma_start3A_77 : memref<32x768xf32, #tpu.memory_space<vmem>>) target(%dma_start3A_80 : memref<5120x768xf32, #tpu.memory_space<hbm>>) offsets(%arg7 : memref<32xi32, #tpu.memory_space<vmem>>) semaphore(%arg12 : memref<!tpu.dma_semaphore, #tpu.memory_space<semaphore_mem>>)
    %dma_start3A_81 = arith.constant 32 : i32
    %dma_start3A_82 = arith.constant 0 : i32
    %dma_start3A_83 = tpu.memref_slice %arg10[%dma_start3A_81, %dma_start3A_82] : memref<64x768xf32, #tpu.memory_space<vmem>> -> memref<32x768xf32, #tpu.memory_space<vmem>>
    %dma_start3A_84 = arith.constant 0 : i32
    %dma_start3A_85 = arith.constant 0 : i32
    %dma_start3A_86 = tpu.memref_slice %arg5[%dma_start3A_84, %dma_start3A_85] : memref<5120x768xf32, #tpu.memory_space<hbm>> -> memref<5120x768xf32, #tpu.memory_space<hbm>>
    tpu.enqueue_indirect_dma source(%dma_start3A_83 : memref<32x768xf32, #tpu.memory_space<vmem>>) target(%dma_start3A_86 : memref<5120x768xf32, #tpu.memory_space<hbm>>) offsets(%arg9 : memref<32xi32, #tpu.memory_space<vmem>>) semaphore(%arg12 : memref<!tpu.dma_semaphore, #tpu.memory_space<semaphore_mem>>)
    %dma_wait3A_87 = arith.constant 0 : i32
    %dma_wait3A_88 = arith.constant 0 : i32
    %dma_wait3A_89 = tpu.memref_slice %arg10[%dma_wait3A_87, %dma_wait3A_88] : memref<64x768xf32, #tpu.memory_space<vmem>> -> memref<32x768xf32, #tpu.memory_space<vmem>>
    %dma_wait3A_90 = arith.constant 0 : i32
    %dma_wait3A_91 = arith.constant 0 : i32
    %dma_wait3A_92 = tpu.memref_slice %arg5[%dma_wait3A_90, %dma_wait3A_91] : memref<5120x768xf32, #tpu.memory_space<hbm>> -> memref<5120x768xf32, #tpu.memory_space<hbm>>
    tpu.wait_indirect_dma semaphore(%arg12 : memref<!tpu.dma_semaphore, #tpu.memory_space<semaphore_mem>>) src(%dma_wait3A_89 : memref<32x768xf32, #tpu.memory_space<vmem>>) dst(%dma_wait3A_92 : memref<5120x768xf32, #tpu.memory_space<hbm>>)
    %dma_wait3A_93 = arith.constant 0 : i32
    %dma_wait3A_94 = arith.constant 0 : i32
    %dma_wait3A_95 = tpu.memref_slice %arg10[%dma_wait3A_93, %dma_wait3A_94] : memref<64x768xf32, #tpu.memory_space<vmem>> -> memref<32x768xf32, #tpu.memory_space<vmem>>
    %dma_wait3A_96 = arith.constant 0 : i32
    %dma_wait3A_97 = arith.constant 0 : i32
    %dma_wait3A_98 = tpu.memref_slice %arg5[%dma_wait3A_96, %dma_wait3A_97] : memref<5120x768xf32, #tpu.memory_space<hbm>> -> memref<5120x768xf32, #tpu.memory_space<hbm>>
    tpu.wait_indirect_dma semaphore(%arg12 : memref<!tpu.dma_semaphore, #tpu.memory_space<semaphore_mem>>) src(%dma_wait3A_95 : memref<32x768xf32, #tpu.memory_space<vmem>>) dst(%dma_wait3A_98 : memref<5120x768xf32, #tpu.memory_space<hbm>>)
    %dma_wait3A_99 = arith.constant 32 : i32
    %dma_wait3A_100 = arith.constant 0 : i32
    %dma_wait3A_101 = tpu.memref_slice %arg10[%dma_wait3A_99, %dma_wait3A_100] : memref<64x768xf32, #tpu.memory_space<vmem>> -> memref<32x768xf32, #tpu.memory_space<vmem>>
    %dma_wait3A_102 = arith.constant 0 : i32
    %dma_wait3A_103 = arith.constant 0 : i32
    %dma_wait3A_104 = tpu.memref_slice %arg5[%dma_wait3A_102, %dma_wait3A_103] : memref<5120x768xf32, #tpu.memory_space<hbm>> -> memref<5120x768xf32, #tpu.memory_space<hbm>>
    tpu.wait_indirect_dma semaphore(%arg12 : memref<!tpu.dma_semaphore, #tpu.memory_space<semaphore_mem>>) src(%dma_wait3A_101 : memref<32x768xf32, #tpu.memory_space<vmem>>) dst(%dma_wait3A_104 : memref<5120x768xf32, #tpu.memory_space<hbm>>)
    %dma_wait3A_105 = arith.constant 32 : i32
    %dma_wait3A_106 = arith.constant 0 : i32
    %dma_wait3A_107 = tpu.memref_slice %arg10[%dma_wait3A_105, %dma_wait3A_106] : memref<64x768xf32, #tpu.memory_space<vmem>> -> memref<32x768xf32, #tpu.memory_space<vmem>>
    %dma_wait3A_108 = arith.constant 0 : i32
    %dma_wait3A_109 = arith.constant 0 : i32
    %dma_wait3A_110 = tpu.memref_slice %arg5[%dma_wait3A_108, %dma_wait3A_109] : memref<5120x768xf32, #tpu.memory_space<hbm>> -> memref<5120x768xf32, #tpu.memory_space<hbm>>
    tpu.wait_indirect_dma semaphore(%arg12 : memref<!tpu.dma_semaphore, #tpu.memory_space<semaphore_mem>>) src(%dma_wait3A_107 : memref<32x768xf32, #tpu.memory_space<vmem>>) dst(%dma_wait3A_110 : memref<5120x768xf32, #tpu.memory_space<hbm>>)
    return
  }
}

module attributes {stable_mosaic.version = 14 : i64} {
  func.func @_tc_body(%arg0: i32, %arg1: memref<40xi32, #tpu.memory_space<smem>>, %arg2: memref<40xi32, #tpu.memory_space<smem>>, %arg3: memref<128x768xf32, #tpu.memory_space<vmem>>, %arg4: memref<1x768x3072xf32, #tpu.memory_space<vmem>>, %arg5: memref<1x1536x768xf32, #tpu.memory_space<vmem>>, %arg6: memref<1x768x32xf32, #tpu.memory_space<vmem>>, %arg7: memref<1x16x1536xf32, #tpu.memory_space<vmem>>, %arg8: memref<1x16x1536xf32, #tpu.memory_space<vmem>>, %arg9: memref<1x1536x16xf32, #tpu.memory_space<vmem>>, %arg10: memref<1x16x768xf32, #tpu.memory_space<vmem>>, %arg11: memref<128x768xf32, #tpu.memory_space<vmem>>) attributes {dimension_semantics = [#tpu.dimension_semantics<arbitrary>], iteration_bounds = array<i64: 40>, scalar_prefetch = 2 : i64, scratch_operands = 0 : i64, tpu.core_type = #tpu.core_type<tc>, window_params = [{transform_indices = @transform_0, window_bounds = array<i64: 128, 768>}, {transform_indices = @transform_1, window_bounds = array<i64: 1, 768, 3072>}, {transform_indices = @transform_2, window_bounds = array<i64: 1, 1536, 768>}, {transform_indices = @transform_3, window_bounds = array<i64: 1, 768, 32>}, {transform_indices = @transform_4, window_bounds = array<i64: 1, 16, 1536>}, {transform_indices = @transform_5, window_bounds = array<i64: 1, 16, 1536>}, {transform_indices = @transform_6, window_bounds = array<i64: 1, 1536, 16>}, {transform_indices = @transform_7, window_bounds = array<i64: 1, 16, 768>}, {transform_indices = @transform_8, window_bounds = array<i64: 128, 768>}]} {
    %get3A = arith.index_cast %arg0 : i32 to index
    %get3A_0 = memref.load %arg2[%get3A] : memref<40xi32, #tpu.memory_space<smem>>
    %eq3A = arith.constant 1 : i32
    %eq3A_1 = arith.cmpi eq, %get3A_0, %eq3A : i32
    %convert_element_type3A = arith.extui %eq3A_1 : i1 to i32
    %cond3A = arith.constant 0 : i32
    %cond3A_2 = arith.cmpi ne, %convert_element_type3A, %cond3A : i32
    scf.if %cond3A_2 {
      %get3A_10 = arith.constant 0 : index
      %get3A_11 = arith.constant 0 : index
      %get3A_12 = vector.load %arg3[%get3A_10, %get3A_11] : memref<128x768xf32, #tpu.memory_space<vmem>>, vector<128x768xf32>
      %get3A_13 = arith.constant 0 : index
      %get3A_14 = arith.constant 0 : index
      %get3A_15 = arith.constant 0 : index
      %get3A_16 = vector.load %arg4[%get3A_13, %get3A_14, %get3A_15] : memref<1x768x3072xf32, #tpu.memory_space<vmem>>, vector<1x768x3072xf32>
      %get3A_17 = vector.shape_cast %get3A_16 : vector<1x768x3072xf32> to vector<768x3072xf32>
      %dot_general3A = arith.constant dense<0.000000e+00> : vector<128x3072xf32>
      %dot_general3A_18 = tpu.matmul %get3A_12, %get3A_17, %dot_general3A {dimension_numbers = #tpu.dot_dimension_numbers<[1], [0], [0], [1], [0, 0, 1, 1], [], []>, transpose_lhs_hint = false} : vector<128x768xf32>, vector<768x3072xf32>, vector<128x3072xf32> -> vector<128x3072xf32>
      %get3A_19 = arith.constant 0 : index
      %get3A_20 = arith.constant 0 : index
      %get3A_21 = arith.constant 0 : index
      %get3A_22 = vector.load %arg6[%get3A_19, %get3A_20, %get3A_21] : memref<1x768x32xf32, #tpu.memory_space<vmem>>, vector<1x768x32xf32>
      %get3A_23 = vector.shape_cast %get3A_22 : vector<1x768x32xf32> to vector<768x32xf32>
      %dot_general3A_24 = arith.constant dense<0.000000e+00> : vector<128x32xf32>
      %dot_general3A_25 = tpu.matmul %get3A_12, %get3A_23, %dot_general3A_24 {dimension_numbers = #tpu.dot_dimension_numbers<[1], [0], [0], [1], [0, 0, 1, 1], [], []>, transpose_lhs_hint = false} : vector<128x768xf32>, vector<768x32xf32>, vector<128x32xf32> -> vector<128x32xf32>
      %slice3A = vector.extract_strided_slice %dot_general3A_25 {offsets = [0, 0], sizes = [128, 16], strides = [1, 1]} : vector<128x32xf32> to vector<128x16xf32>
      %get3A_26 = arith.constant 0 : index
      %get3A_27 = arith.constant 0 : index
      %get3A_28 = arith.constant 0 : index
      %get3A_29 = vector.load %arg7[%get3A_26, %get3A_27, %get3A_28] : memref<1x16x1536xf32, #tpu.memory_space<vmem>>, vector<1x16x1536xf32>
      %get3A_30 = vector.shape_cast %get3A_29 : vector<1x16x1536xf32> to vector<16x1536xf32>
      %dot_general3A_31 = arith.constant dense<0.000000e+00> : vector<128x1536xf32>
      %dot_general3A_32 = tpu.matmul %slice3A, %get3A_30, %dot_general3A_31 {dimension_numbers = #tpu.dot_dimension_numbers<[1], [0], [0], [1], [0, 0, 1, 1], [], []>, transpose_lhs_hint = false} : vector<128x16xf32>, vector<16x1536xf32>, vector<128x1536xf32> -> vector<128x1536xf32>
      %slice3A_33 = vector.extract_strided_slice %dot_general3A_25 {offsets = [0, 16], sizes = [128, 16], strides = [1, 1]} : vector<128x32xf32> to vector<128x16xf32>
      %get3A_34 = arith.constant 0 : index
      %get3A_35 = arith.constant 0 : index
      %get3A_36 = arith.constant 0 : index
      %get3A_37 = vector.load %arg8[%get3A_34, %get3A_35, %get3A_36] : memref<1x16x1536xf32, #tpu.memory_space<vmem>>, vector<1x16x1536xf32>
      %get3A_38 = vector.shape_cast %get3A_37 : vector<1x16x1536xf32> to vector<16x1536xf32>
      %dot_general3A_39 = arith.constant dense<0.000000e+00> : vector<128x1536xf32>
      %dot_general3A_40 = tpu.matmul %slice3A_33, %get3A_38, %dot_general3A_39 {dimension_numbers = #tpu.dot_dimension_numbers<[1], [0], [0], [1], [0, 0, 1, 1], [], []>, transpose_lhs_hint = false} : vector<128x16xf32>, vector<16x1536xf32>, vector<128x1536xf32> -> vector<128x1536xf32>
      %slice3A_41 = vector.extract_strided_slice %dot_general3A_18 {offsets = [0, 0], sizes = [128, 1536], strides = [1, 1]} : vector<128x3072xf32> to vector<128x1536xf32>
      %add3A = arith.addf %slice3A_41, %dot_general3A_32 : vector<128x1536xf32>
      %slice3A_42 = vector.extract_strided_slice %dot_general3A_18 {offsets = [0, 1536], sizes = [128, 1536], strides = [1, 1]} : vector<128x3072xf32> to vector<128x1536xf32>
      %add3A_43 = arith.addf %slice3A_42, %dot_general3A_40 : vector<128x1536xf32>
      %logistic3A = arith.negf %add3A : vector<128x1536xf32>
      %logistic3A_44 = math.exp %logistic3A : vector<128x1536xf32>
      %logistic3A_45 = arith.constant 1.000000e+00 : f32
      %logistic3A_46 = vector.broadcast %logistic3A_45 : f32 to vector<128x1536xf32>
      %logistic3A_47 = arith.addf %logistic3A_46, %logistic3A_44 : vector<128x1536xf32>
      %logistic3A_48 = arith.divf %logistic3A_46, %logistic3A_47 : vector<128x1536xf32>
      %mul3A = arith.mulf %add3A, %logistic3A_48 : vector<128x1536xf32>
      %mul3A_49 = arith.mulf %mul3A, %add3A_43 : vector<128x1536xf32>
      %get3A_50 = arith.constant 0 : index
      %get3A_51 = arith.constant 0 : index
      %get3A_52 = arith.constant 0 : index
      %get3A_53 = vector.load %arg5[%get3A_50, %get3A_51, %get3A_52] : memref<1x1536x768xf32, #tpu.memory_space<vmem>>, vector<1x1536x768xf32>
      %get3A_54 = vector.shape_cast %get3A_53 : vector<1x1536x768xf32> to vector<1536x768xf32>
      %dot_general3A_55 = arith.constant dense<0.000000e+00> : vector<128x768xf32>
      %dot_general3A_56 = tpu.matmul %mul3A_49, %get3A_54, %dot_general3A_55 {dimension_numbers = #tpu.dot_dimension_numbers<[1], [0], [0], [1], [0, 0, 1, 1], [], []>, transpose_lhs_hint = false} : vector<128x1536xf32>, vector<1536x768xf32>, vector<128x768xf32> -> vector<128x768xf32>
      %get3A_57 = arith.constant 0 : index
      %get3A_58 = arith.constant 0 : index
      %get3A_59 = arith.constant 0 : index
      %get3A_60 = vector.load %arg9[%get3A_57, %get3A_58, %get3A_59] : memref<1x1536x16xf32, #tpu.memory_space<vmem>>, vector<1x1536x16xf32>
      %get3A_61 = vector.shape_cast %get3A_60 : vector<1x1536x16xf32> to vector<1536x16xf32>
      %dot_general3A_62 = arith.constant dense<0.000000e+00> : vector<128x16xf32>
      %dot_general3A_63 = tpu.matmul %mul3A_49, %get3A_61, %dot_general3A_62 {dimension_numbers = #tpu.dot_dimension_numbers<[1], [0], [0], [1], [0, 0, 1, 1], [], []>, transpose_lhs_hint = false} : vector<128x1536xf32>, vector<1536x16xf32>, vector<128x16xf32> -> vector<128x16xf32>
      %get3A_64 = arith.constant 0 : index
      %get3A_65 = arith.constant 0 : index
      %get3A_66 = arith.constant 0 : index
      %get3A_67 = vector.load %arg10[%get3A_64, %get3A_65, %get3A_66] : memref<1x16x768xf32, #tpu.memory_space<vmem>>, vector<1x16x768xf32>
      %get3A_68 = vector.shape_cast %get3A_67 : vector<1x16x768xf32> to vector<16x768xf32>
      %dot_general3A_69 = arith.constant dense<0.000000e+00> : vector<128x768xf32>
      %dot_general3A_70 = tpu.matmul %dot_general3A_63, %get3A_68, %dot_general3A_69 {dimension_numbers = #tpu.dot_dimension_numbers<[1], [0], [0], [1], [0, 0, 1, 1], [], []>, transpose_lhs_hint = false} : vector<128x16xf32>, vector<16x768xf32>, vector<128x768xf32> -> vector<128x768xf32>
      %add3A_71 = arith.addf %dot_general3A_56, %dot_general3A_70 : vector<128x768xf32>
      %swap3A = arith.constant 0 : index
      %swap3A_72 = arith.constant 0 : index
      %swap3A_73 = vector.load %arg11[%swap3A, %swap3A_72] : memref<128x768xf32, #tpu.memory_space<vmem>>, vector<128x768xf32>
      tpu.vector_store %arg11[%swap3A, %swap3A_72], %add3A_71 {strides = array<i32>} : memref<128x768xf32, #tpu.memory_space<vmem>>, vector<128x768xf32>,
    } else {
    }
    %get3A_3 = arith.index_cast %arg0 : i32 to index
    %get3A_4 = memref.load %arg2[%get3A_3] : memref<40xi32, #tpu.memory_space<smem>>
    %eq3A_5 = arith.constant 0 : i32
    %eq3A_6 = arith.cmpi eq, %get3A_4, %eq3A_5 : i32
    %convert_element_type3A_7 = arith.extui %eq3A_6 : i1 to i32
    %cond3A_8 = arith.constant 0 : i32
    %cond3A_9 = arith.cmpi ne, %convert_element_type3A_7, %cond3A_8 : i32
    scf.if %cond3A_9 {
      %broadcast_in_dim3A = arith.constant 0.000000e+00 : f32
      %broadcast_in_dim3A_10 = vector.broadcast %broadcast_in_dim3A : f32 to vector<128x768xf32>
      %swap3A = arith.constant 0 : index
      %swap3A_11 = arith.constant 0 : index
      %swap3A_12 = vector.load %arg11[%swap3A, %swap3A_11] : memref<128x768xf32, #tpu.memory_space<vmem>>, vector<128x768xf32>
      tpu.vector_store %arg11[%swap3A, %swap3A_11], %broadcast_in_dim3A_10 {strides = array<i32>} : memref<128x768xf32, #tpu.memory_space<vmem>>, vector<128x768xf32>,
    } else {
    }
    return
  }
  func.func @transform_0(%arg0: i32, %arg1: memref<40xi32, #tpu.memory_space<smem>>, %arg2: memref<40xi32, #tpu.memory_space<smem>>) -> (i32, i32) {
    %c0_i32 = arith.constant 0 : i32
    %c0_i32_0 = arith.constant 0 : i32
    return %arg0, %c0_i32 : i32, i32
  }
  func.func @transform_1(%arg0: i32, %arg1: memref<40xi32, #tpu.memory_space<smem>>, %arg2: memref<40xi32, #tpu.memory_space<smem>>) -> (i32, i32, i32) {
    %get3A = arith.index_cast %arg0 : i32 to index
    %get3A_0 = memref.load %arg1[%get3A] : memref<40xi32, #tpu.memory_space<smem>>
    %c0_i32 = arith.constant 0 : i32
    %c0_i32_1 = arith.constant 0 : i32
    %c0_i32_2 = arith.constant 0 : i32
    return %get3A_0, %c0_i32, %c0_i32_1 : i32, i32, i32
  }
  func.func @transform_2(%arg0: i32, %arg1: memref<40xi32, #tpu.memory_space<smem>>, %arg2: memref<40xi32, #tpu.memory_space<smem>>) -> (i32, i32, i32) {
    %get3A = arith.index_cast %arg0 : i32 to index
    %get3A_0 = memref.load %arg1[%get3A] : memref<40xi32, #tpu.memory_space<smem>>
    %c0_i32 = arith.constant 0 : i32
    %c0_i32_1 = arith.constant 0 : i32
    %c0_i32_2 = arith.constant 0 : i32
    return %get3A_0, %c0_i32, %c0_i32_1 : i32, i32, i32
  }
  func.func @transform_3(%arg0: i32, %arg1: memref<40xi32, #tpu.memory_space<smem>>, %arg2: memref<40xi32, #tpu.memory_space<smem>>) -> (i32, i32, i32) {
    %get3A = arith.index_cast %arg0 : i32 to index
    %get3A_0 = memref.load %arg1[%get3A] : memref<40xi32, #tpu.memory_space<smem>>
    %c0_i32 = arith.constant 0 : i32
    %c0_i32_1 = arith.constant 0 : i32
    %c0_i32_2 = arith.constant 0 : i32
    return %get3A_0, %c0_i32, %c0_i32_1 : i32, i32, i32
  }
  func.func @transform_4(%arg0: i32, %arg1: memref<40xi32, #tpu.memory_space<smem>>, %arg2: memref<40xi32, #tpu.memory_space<smem>>) -> (i32, i32, i32) {
    %get3A = arith.index_cast %arg0 : i32 to index
    %get3A_0 = memref.load %arg1[%get3A] : memref<40xi32, #tpu.memory_space<smem>>
    %c0_i32 = arith.constant 0 : i32
    %c0_i32_1 = arith.constant 0 : i32
    %c0_i32_2 = arith.constant 0 : i32
    return %get3A_0, %c0_i32, %c0_i32_1 : i32, i32, i32
  }
  func.func @transform_5(%arg0: i32, %arg1: memref<40xi32, #tpu.memory_space<smem>>, %arg2: memref<40xi32, #tpu.memory_space<smem>>) -> (i32, i32, i32) {
    %get3A = arith.index_cast %arg0 : i32 to index
    %get3A_0 = memref.load %arg1[%get3A] : memref<40xi32, #tpu.memory_space<smem>>
    %c0_i32 = arith.constant 0 : i32
    %c0_i32_1 = arith.constant 0 : i32
    %c0_i32_2 = arith.constant 0 : i32
    return %get3A_0, %c0_i32, %c0_i32_1 : i32, i32, i32
  }
  func.func @transform_6(%arg0: i32, %arg1: memref<40xi32, #tpu.memory_space<smem>>, %arg2: memref<40xi32, #tpu.memory_space<smem>>) -> (i32, i32, i32) {
    %get3A = arith.index_cast %arg0 : i32 to index
    %get3A_0 = memref.load %arg1[%get3A] : memref<40xi32, #tpu.memory_space<smem>>
    %c0_i32 = arith.constant 0 : i32
    %c0_i32_1 = arith.constant 0 : i32
    %c0_i32_2 = arith.constant 0 : i32
    return %get3A_0, %c0_i32, %c0_i32_1 : i32, i32, i32
  }
  func.func @transform_7(%arg0: i32, %arg1: memref<40xi32, #tpu.memory_space<smem>>, %arg2: memref<40xi32, #tpu.memory_space<smem>>) -> (i32, i32, i32) {
    %get3A = arith.index_cast %arg0 : i32 to index
    %get3A_0 = memref.load %arg1[%get3A] : memref<40xi32, #tpu.memory_space<smem>>
    %c0_i32 = arith.constant 0 : i32
    %c0_i32_1 = arith.constant 0 : i32
    %c0_i32_2 = arith.constant 0 : i32
    return %get3A_0, %c0_i32, %c0_i32_1 : i32, i32, i32
  }
  func.func @transform_8(%arg0: i32, %arg1: memref<40xi32, #tpu.memory_space<smem>>, %arg2: memref<40xi32, #tpu.memory_space<smem>>) -> (i32, i32) {
    %c0_i32 = arith.constant 0 : i32
    %c0_i32_0 = arith.constant 0 : i32
    return %arg0, %c0_i32 : i32, i32
  }
}

</mosaic_0001>

<sc_bundles>
// kernel: gather_offload_async_start
scs
__scs_entry_jumppad:
0x0: {  	(pc) =	sbr.rel $0x88, $3  }
0x1: {  	(tag) =	ssettag $0x0;
	lr =	simm.s32 $0x1  }
0x2: {  	[smem:$0x3F94] =	sst lr;
	_ =	strace $0xD0000000  }
0x3: {  	_ = 	snop  }
0x4: {  	_ = 	snop  }
0x5: {  	_ = 	snop  }
0x6: {  	_ = 	snop  }
0x7: {  	_ = 	snop  }
__scs_overlays_trampoline_lowered:
0x8: {  	[smem:$0x3FA3] =	sst s0  }
0x9: {  	[smem:$0x3FA4] =	sst s1  }
0xa: {  	[smem:$0x3FA5] =	sst s2  }
0xb: {  	[smem:$0x3FA6] =	sst s3  }
0xc: {  	[smem:$0x3FA7] =	sst s4  }
0xd: {  	[smem:$0x3FA8] =	sst s5  }
0xe: {  	[smem:$0x3FA9] =	sst s6  }
0xf: {  	[smem:$0x3FAA] =	sst s7  }
0x10: {  	[smem:$0x3FAB] =	sst s8  }
0x11: {  	[smem:$0x3FAC] =	sst s9;
	s0 =	simm.s32 @!p0 $0x0  }
0x12: {  	s1 =	sld [smem:$0x3F92];
	s0 =	simm.s32 @p0 $0x1  }
0x13: {  	[smem:$0x3FAD] =	sst s0;
	s0 =	simm.s32 @!p1 $0x0  }
0x14: {  	s2 =	sld [smem:$0x3F91];
	s0 =	simm.s32 @p1 $0x1  }
0x15: {  	[smem:$0x3FAE] =	sst s0;
	s0 =	simm.s32 @!p2 $0x0  }
0x16: {  	s3 =	sld [smem:$0x3FDB];
	s0 =	simm.s32 @p2 $0x1  }
0x17: {  	s4 =	simm.s32 $0x1BF5;
	[smem:$0x3FB0] =	sst s0  }
0x18: {  	s0 =	sld [smem:$0x3F93];
	_ =	swait.ge [sflag:s4], $0x0  }
0x19: {  	s7 =	sld [smem:$0x3F94]  }
0x1a: {  	s8 =	sadd.s32 $0xFFFFE003, lr  }
0x1b: {  	s9 =	sadd.s32 $0xFFFFFEF7, lr;
	s5 =	simm.s32 $0xFFFFFFFF;
	p2 =	slt.u32 s8, $0xFFFFF086  }
0x1c: {  	p1 =	slt.u32 s9, $0xF7A;
	s5 =	simm.s32 @!p2 $0x0  }
0x1d: {  	s5 =	simm.s32 @p1 $0x1;
	p0 =	seq.s32 s7, s2  }
0x1e: {  	s7 =	smul.u32 @!p0 $0xF7A, s2;
	p2 =	seq.s32 @!p0 s5, $0x0  }
0x1f: {  	s9 =	smul.u32 $0xF7A, s1;
	s8 =	simm.s32 @!p0 $0x1BF5;
	p2 =	por !p2, p0  }
0x20: {  	[sflag:s8] =	ssyncset.s32 @!p0 $0xFFFFF086;
	s6 =	sadd.s32 @!p0 s3, s7;
	s7 =	simm.s32 @!p0 $0x108  }
0x21: {  	s3 =	sadd.s32 s3, s9;
	s6 =	sadd.s32 @!p0 $0x88, s6;
	s7 =	simm.s32 @p2 $0x1082  }
0x22: {  	[simem:s7], [sflag:s8] =	dma.local @!p0 [hbm:s6], $0xF7A  }
0x23: {  	s9 =	sor.u32 $0xD0000000, s2;
	s6 =	simm.s32 $0x108;
	_ =	swait.ge @!p0 [sflag:s8], $0x0  }
0x24: {  	s3 =	sadd.s32 $0x88, s3;
	s6 =	simm.s32 @!p1 $0x1082;
	[sflag:s4] =	ssyncset.s32 $0xFFFFF086  }
0x25: {  	[simem:s6], [sflag:s4] =	dma.local [hbm:s3], $0xF7A  }
0x26: {  	[smem:$0x3F94] =	sst s1;
	(tag) =	ssettag s2;
	_ =	strace s9  }
0x27: {  	s1 =	sld [smem:$0x3FA4]  }
0x28: {  	s2 =	sld [smem:$0x3FA5]  }
0x29: {  	s4 =	sld [smem:$0x3FA7]  }
0x2a: {  	p0 =	seq.s32 s5, $0x0;
	s5 =	sld [smem:$0x3FA8]  }
0x2b: {  	s6 =	sld [smem:$0x3FA9]  }
0x2c: {  	s7 =	sld [smem:$0x3FAA]  }
0x2d: {  	s3 =	simm.s32 $0x108;
	s8 =	sld [smem:$0x3FAB]  }
0x2e: {  	s3 =	simm.s32 @!p0 $0x1082;
	s9 =	sld [smem:$0x3FAC]  }
0x2f: {  	lr =	sadd.s32 s0, s3;
	s0 =	sld [smem:$0x3FA3]  }
0x30: {  	s3 =	sld [smem:$0x3FA6]  }
0x31: {  	[smem:$0x3FAF] =	sst s10  }
0x32: {  	s10 =	sld [smem:$0x3FAD];
	_ =	sdelay $0x3  }
0x33: {  	p0 =	seq.s32 s10, $0x1;
	s10 =	sld [smem:$0x3FAF];
	_ =	sdelay $0x3  }
0x34: {  	[smem:$0x3FAF] =	sst s10  }
0x35: {  	s10 =	sld [smem:$0x3FAE];
	_ =	sdelay $0x3  }
0x36: {  	p1 =	seq.s32 s10, $0x1;
	s10 =	sld [smem:$0x3FAF];
	_ =	sdelay $0x3  }
0x37: {  	[smem:$0x3FAF] =	sst s10  }
0x38: {  	s10 =	sld [smem:$0x3FB0]  }
0x39: {  	_ = 	snop;
	(pc) =	sbr.ind lr, $3  }
0x3a: {  	_ = 	snop  }
0x3b: {  	_ = 	snop  }
0x3c: {  	p2 =	seq.s32 s10, $0x1;
	s10 =	sld [smem:$0x3FAF]  }
0x3d: {  	_ =	shalt  }
0x3e: {  	_ =	shalt  }
0x3f: {  	_ =	shalt  }
0x40: {  	_ =	shalt  }
0x41: {  	_ =	shalt  }
0x42: {  	_ =	shalt  }
0x43: {  	_ =	shalt  }
0x44: {  	_ =	shalt  }
0x45: {  	_ =	shalt  }
0x46: {  	_ =	shalt  }
0x47: {  	_ =	shalt  }
0x48: {  	_ =	shalt  }
0x49: {  	_ =	shalt  }
0x4a: {  	_ =	shalt  }
0x4b: {  	_ =	shalt  }
0x4c: {  	_ =	shalt  }
0x4d: {  	_ =	shalt  }
0x4e: {  	_ =	shalt  }
0x4f: {  	_ =	shalt  }
0x50: {  	_ =	shalt  }
0x51: {  	_ =	shalt  }
0x52: {  	_ =	shalt  }
0x53: {  	_ =	shalt  }
0x54: {  	_ =	shalt  }
0x55: {  	_ =	shalt  }
0x56: {  	_ =	shalt  }
0x57: {  	_ =	shalt  }
0x58: {  	_ =	shalt  }
0x59: {  	_ =	shalt  }
0x5a: {  	_ =	shalt  }
0x5b: {  	_ =	shalt  }
0x5c: {  	_ =	shalt  }
0x5d: {  	_ =	shalt  }
0x5e: {  	_ =	shalt  }
0x5f: {  	_ =	shalt  }
0x60: {  	_ =	shalt  }
0x61: {  	_ =	shalt  }
0x62: {  	_ =	shalt  }
0x63: {  	_ =	shalt  }
0x64: {  	_ =	shalt  }
0x65: {  	_ =	shalt  }
0x66: {  	_ =	shalt  }
0x67: {  	_ =	shalt  }
0x68: {  	_ =	shalt  }
0x69: {  	_ =	shalt  }
0x6a: {  	_ =	shalt  }
0x6b: {  	_ =	shalt  }
0x6c: {  	_ =	shalt  }
0x6d: {  	_ =	shalt  }
0x6e: {  	_ =	shalt  }
0x6f: {  	_ =	shalt  }
0x70: {  	_ =	shalt  }
0x71: {  	_ =	shalt  }
0x72: {  	_ =	shalt  }
0x73: {  	_ =	shalt  }
0x74: {  	_ =	shalt  }
0x75: {  	_ =	shalt  }
0x76: {  	_ =	shalt  }
0x77: {  	_ =	shalt  }
0x78: {  	_ =	shalt  }
0x79: {  	_ =	shalt  }
0x7a: {  	_ =	shalt  }
0x7b: {  	_ =	shalt  }
0x7c: {  	_ =	shalt  }
0x7d: {  	_ =	shalt  }
0x7e: {  	_ =	shalt  }
0x7f: {  	_ =	shalt  }
0x80: {  	_ =	shalt  }
0x81: {  	_ =	shalt  }
0x82: {  	_ =	shalt  }
0x83: {  	_ =	shalt  }
0x84: {  	_ =	shalt  }
0x85: {  	_ =	shalt  }
0x86: {  	_ =	shalt  }
0x87: {  	_ =	shalt  }
.Lfunc_end0:
.L_simem_size_0:
called_computation_lowered:
.L_overlay_start_0:
0x88: {  	s2 =	sld [smem:$0x3FD9]  }
0x89: {  	s3 =	sld [smem:$0x3FFE];
	_ =	sdelay $0x1  }
0x8a: {  	s1 =	srdreg.scid  }
0x8b: {  	s0 =	sand.u32 $0x1, s1  }
0x8c: {  	s17 =	sshll.u32 s0, $0xA;
	s2 =	sadd.s32 s3, s2  }
0x8d: {  	s2 =	sadd.s32 s2, s17  }
0x8e: {  	[smem:$0x3FBB] =	sst s2  }
0x8f: {  	_ = 	snop  }
0x90: {  	s2 =	sld [smem:$0x3FD0];
	(tm) =	ssettm $0x1  }
0x91: {  	s18 =	sld [smem:$0x3FFB];
	_ =	sdelay $0x3  }
0x92: {  	_ =	strace s18  }
0x93: {  	s3 =	sld [smem:$0x3FFC];
	_ =	sdelay $0x3  }
0x94: {  	_ =	strace s3  }
0x95: {  	s3 =	sld [smem:$0x3FFD];
	_ =	sdelay $0x3  }
0x96: {  	_ =	strace s3  }
0x97: {  	_ =	strace $0x8FFFFFFF  }
0x98: {  	s19 =	sld [smem:$0x3FDB];
	_ =	sdelay $0x1  }
0x99: {  	s4 =	simm.s32 $_scs_section_size  }
0x9a: {  	s5 =	simm.s32 $_size__tile_overlayer_lowered;
	s6 =	simm.s32 $_tile_overlayer_lowered  }
0x9b: {  	s22 =	simm.s32 $0x1BFF;
	s21 =	sshll.u32 s6, $0x1;
	s3 =	sadd.s32 s4, s19  }
0x9c: {  	s7 =	simm.s32 $0x0;
	s20 =	sshll.u32 s5, $0x1;
	s5 =	sadd.s32 s21, s3  }
0x9d: {  	[timem:s7], [sflag:s22] =	dma.local [hbm:s5], s20  }
0x9e: {  	_ =	swait.ge [sflag:s22], s20  }
0x9f: {  	s4 =	ssub.s32 $0x0, s20;
	[sflag:s22] =	ssyncset.done $0x0  }
0xa0: {  	[sflag:s22] =	ssyncadd.s32 s4;
	_ =	sdelay $0x1  }
0xa1: {  	s23 =	simm.s32 $0x1B8B  }
0xa2: {  	_ =	swait.ge [sflag:s23], $0x1  }
0xa3: {  	[sflag:s23] =	ssyncset.done $0x0  }
0xa4: {  	s25 =	simm.s32 $0x1B8E;
	s24 =	sld [smem:$0x3FFE];
	[sflag:s23] =	ssyncadd.s32 $0xFFFFFFFF  }
0xa5: {  	s26 =	simm.s32 $execute0_lowered;
	[smem:$0x3FD2] =	sst s25  }
0xa6: {  	s5 =	sshll.u32 s26, $0x1;
	_ =	strace $0x80000046;
	[dreg:$0x1] =	wrdreg $0xFFFFFFFF  }
0xa7: {  	s28 =	simm.s32 $_size_execute0_lowered;
	s3 =	sadd.s32 s3, s5;
	[dreg:$0x0] =	wrdreg $0x0  }
0xa8: {  	s5 =	sshll.u32 s28, $0x1;
	[dreg:$0x2] =	wrdreg s3  }
0xa9: {  	[dreg:$0x3] =	wrdreg s5  }
0xaa: {  	[dreg:$0x4] =	wrdreg $0xC0  }
0xab: {  	_ =	task [dreg:s7], $0x5FFFF  }
0xac: {  	[dreg:$0x1] =	wrdreg $0xFFFFFFFF  }
0xad: {  	[dreg:$0x0] =	wrdreg $0x60  }
0xae: {  	[dreg:$0x2] =	wrdreg s2  }
0xaf: {  	[dreg:$0x3] =	wrdreg s24  }
0xb0: {  	[dreg:$0x4] =	wrdreg $0x9  }
0xb1: {  	_ =	task.clear_ibuf [dreg:s7], $0x5FFFF;
	_ =	strace $0x90000046  }
0xb2: {  	s29 =	simm.s32 $0x9;
	_ =	strace $0x80000048  }
0xb3: {  	_ =	swait.ge [sflag:s29], $0x1  }
0xb4: {  	[sflag:s29] =	ssyncadd.s32 $0xFFFFFFFF  }
0xb5: {  	_ =	strace $0x90000048  }
0xb6: {  	_ =	sfence  }
0xb7: {  	s30 =	sld [smem:$0x0];
	_ =	sdelay $0x2  }
0xb8: {  	s31 =	sshll.u32 s1, $0xD;
	s1 =	sshrl.u32 s1, $0x2  }
0xb9: {  	s3 =	sand.u32 $0x4000, s31;
	s1 =	sadd.s32 s1, s30  }
0xba: {  	s0 =	sor.u32 s3, s0;
	s1 =	sshll.u32 s1, $0x11  }
0xbb: {  	s0 =	sor.u32 s1, s0  }
0xbc: {  	s0 =	sadd.s32 $0x8F2B, s0  }
0xbd: {  	[sflag:s0] =	ssyncadd.remote.s32 $0x1  }
0xbe: {  	_ =	sfence.sel $0xFFFF  }
0xbf: {  	[dreg:$0x0] =	wrdreg $0xFFFFFFFF;
	(pc) =	sbr.abs _section_cstart, $3  }
0xc0: {  	[dreg:$0x1] =	wrdreg $0xFFFFFFFF  }
0xc1: {  	_ =	task.clear_ibuf [dreg:s7], $0x2FFFF;
	_ =	strace $0x9FFFFFFF  }
0xc2: {  	(tm) =	ssettm $0x7FFFFFFF  }
0xc3: {  	_ =	shalt  }
tec
execute0_lowered:
.L_overlay_start_1:
0x0: {  	(tag) =	ssettag $0x1  }
0x1: {  	s1 =	srdreg.scid;
	s2 =	rddreg [dreg:$0x0]  }
0x2: {  	s0 =	stileid.u32;
	s3 =	rddreg [dreg:$0x1]  }
0x3: {  	s6 =	simm.s32 $0x1;
	s9 =	simm.s32 $0x1;
	s1 =	sshll.u32 s1, $0x6  }
0x4: {  	s10 =	simm.s32 $0x3;
	s4 =	sshll.u32 s0, $0x7;
	s5 =	sand.u32 $0x40, s1  }
0x5: {  	s13 =	simm.s32 $0x0;
	s12 =	simm.s32 $0x0;
	s4 =	sor.u32 s4, s5  }
0x6: {  	s1 =	rddreg [dreg:$0x2];
	_ =	strace $0x80000047;
	s8 =	ssub.s32 $0x1000, s4  }
.Ltmp0:
0x7: {  	s5 =	sadd.s32 $0x200, s3;
	s7 =	sand.u32 $0x7C0, s8;
	(pc) =	sbr.rel .LBB2_1-.Ltmp0, $4  }
0x8: {  	[sflag:s6] =	ssyncpa.u1 $0x0;
	s11 =	smov.u32 s4;
	p0 =	sne.s32 s7, $0x0  }
0x9: {  	s8 =	sshrl.u32 s8, $0xB;
	s7 =	simm.s32 $0x2;
	s9 =	simm.s32 @!p0 $0x0  }
0xa: {  	[sflag:s7] =	ssyncpa.u1 $0x0;
	p0 =	por $0x0, $0x0;
	s8 =	sadd.s32 s9, s8  }
0xb: {  	vm0 =	vmmov $0xffff;
	[sflag:s10] =	ssyncpa.u1 $0x0;
	s10 =	simm.s32 $0x0;
	s9 =	sadd.s32 $0x1, s8  }
.LBB2_4:
0xc: {  	v5 =	vshrl.u32 v1, $0xC;
	v6 =	vshll.u32 v1, $0x7  }
0xd: {  	vm1 =	veq.s32 v1, $0x80000000;
	v58 =	vand.u32 $0x7, v5;
	v59 =	vand.u32 $0x7FF80, v6  }
0xe: {  	v1 =	vsel vm1, $0xFFFFFFFF, v58;
	v5 =	vsel vm1, $0xFFFFFF80, v59  }
0xf: {  	v3 =	vor.u32 v4, v3;
	v60 =	vand.u32 $0xFFFFFC00, v5;
	v61 =	vand.u32 $0xFFFFFC00, v1  }
0x10: {  	v2 =	vor.u32 v2, v3;
	v63 =	vand.u32 $0x380, v5;
	v62 =	vadd.s32 v61, v60  }
0x11: {  	v1 =	vand.u32 $0x7F, v1;
	v3 =	vor.u32 v63, v62  }
0x12: {  	v1 =	vor.u32 v1, v3  }
0x13: {  	[tilespmem:s15], [sflag:$0x1] =	stream.indirect_vreg.gather [hbm4b:s2+s10], $0x1, v0, vm0, $0x4038;
	[tilespmem:$0x100] =	vst v63  }
0x14: {  	(ifvalue) =	ssetifvalue $0x7FFFFFFF  }
0x15: {  	[tilespmem:s16], [sflag:$0x1] =	stream.indirect_vreg.gather [hbm4b:s2+s10], $0x1, v2, vm0, $0x4038;
	[tilespmem:$0x100] =	vst v63  }
0x16: {  	s29 =	sadd.s32 $0x10, s16;
	(ifvalue) =	ssetifvalue $0x7FFFFFFF  }
0x17: {  	[tilespmem:s29], [sflag:$0x1] =	stream.indirect_vreg.gather [hbm4b:s2+s10], $0x1, v1, vm0, $0x4038;
	[tilespmem:$0x100] =	vst v63  }
0x18: {  	_ =	swait.ge [sflag:s6], $0x40  }
0x19: {  	s30 =	sshrl.u32 s13, $0x3;
	[sflag:s6] =	ssyncset.done $0x0  }
0x1a: {  	s31 =	sand.u32 $0x7, s13;
	s15 =	sadd.s32 s5, s30;
	[sflag:s6] =	ssyncadd.s32 $0xFFFFFFC0  }
0x1b: {  	[hbm4b:s15+s31] =	stream.linear.scatter [tilespmem:s14], [sflag:$0x3], $0x40, $0x38;
	[tilespmem:$0x100] =	vst v63  }
.LBB2_5:
0x1c: {  	s15 =	sadd.s32 $0x800, s11  }
0x1d: {  	p2 =	sgt.s32 s15, $0xFFF  }
0x1e: {  	s15 =	smov.u32 @p2 s4;
	p2 =	sne.s32 s12, s9  }
.Ltmp1:
0x1f: {  	p1 =	slt.u32 s12, $0x2;
	(pc) =	sbr.rel @!p2 .LBB2_6-.Ltmp1, $4  }
0x20: {  	s14 =	simm.s32 @!p1 $0x3  }
0x21: {  	s16 =	sadd.s32 $0x1, s12;
	_ =	swait.ge @!p1 [sflag:s14], $0x40  }
0x22: {  	s13 =	smov.u32 s11;
	p0 =	por !p0, !p0;
	[sflag:s14] =	ssyncset.done @!p1 $0x0  }
0x23: {  	s12 =	smov.u32 s16;
	s11 =	smov.u32 s15;
	[sflag:s14] =	ssyncadd.s32 @!p1 $0xFFFFFFC0  }
.LBB2_1:
0x24: {  	p1 =	sge.u32 s12, s8  }
0x25: {  	s14 =	sxor.u32 @!p1 $0xFFFFFFFF, s12  }
0x26: {  	s31 =	sadd.s32 $0xFFFFFFFF, s12;
	s15 =	sshrl.u32 @!p1 s11, $0x3;
	s14 =	sshll.u32 @!p1 s14, $0x6  }
0x27: {  	s16 =	sand.u32 @!p1 $0x7, s11;
	s15 =	sadd.s32 @!p1 s3, s15;
	s14 =	sand.u32 @!p1 $0x40, s14  }
0x28: {  	[tilespmem:s14], [sflag:$0x2] =	stream.linear.gather @!p1 [hbm4b:s15+s16], $0x40, $0x38;
	[tilespmem:$0x100] =	vst v63  }
0x29: {  	p1 =	sge.u32 s31, s8  }
.Ltmp2:
0x2a: {  	_ = 	snop;
	(pc) =	sbr.rel @p1 .LBB2_5-.Ltmp2, $1  }
0x2b: {  	_ =	sdelay $0x3  }
0x2c: {  	s14 =	simm.s32 $0x1  }
0x2d: {  	_ =	swait.ge [sflag:s7], $0x40;
	s14 =	simm.s32 @!p0 $0x0  }
0x2e: {  	[sflag:s7] =	ssyncset.done $0x0;
	s14 =	sshll.u32 s14, $0x6  }
0x2f: {  	[sflag:s7] =	ssyncadd.s32 $0xFFFFFFC0;
	(ifvalue) =	ssetifvalue $0x7FFFFFFF;
	v0 =	vld.msk [tilespmem:s14+$0x0 ss:$0x1], $0xffff;
	_ =	sdelay $0x4  }
0x30: {  	s15 =	sadd.s32 $0x10, s14;
	v2 =	vshrl.u32 v0, $0xC;
	v3 =	vshll.u32 v0, $0x7  }
0x31: {  	v1 =	vld.msk [tilespmem:s15+$0x0 ss:$0x1], $0xffff;
	vm1 =	veq.s32 v0, $0x80000000;
	v0 =	vand.u32 $0x7, v2;
	v2 =	vand.u32 $0x7FF80, v3  }
0x32: {  	v0 =	vsel vm1, $0xFFFFFFFF, v0;
	v2 =	vsel vm1, $0xFFFFFF80, v2  }
0x33: {  	v3 =	vand.u32 $0xFFFFFC00, v2;
	v4 =	vand.u32 $0xFFFFFC00, v0  }
0x34: {  	v2 =	vand.u32 $0x380, v2;
	v3 =	vadd.s32 v4, v3  }
0x35: {  	v0 =	vand.u32 $0x7F, v0;
	v2 =	vor.u32 v2, v3  }
0x36: {  	v5 =	vshll.u32 v1, $0x7;
	v4 =	vshrl.u32 v1, $0xC;
	v0 =	vor.u32 v0, v2  }
0x37: {  	s16 =	sshll.u32 s12, $0x6;
	vm1 =	veq.s32 v1, $0x80000000;
	v1 =	vand.u32 $0x7, v4;
	v4 =	vand.u32 $0x7FF80, v5  }
0x38: {  	s16 =	sand.u32 $0x40, s16;
	s18 =	sadd.s32 $0x10, s15;
	v3 =	vsel vm1, $0xFFFFFFFF, v1;
	v4 =	vsel vm1, $0xFFFFFF80, v4  }
0x39: {  	s17 =	simm.s32 $0x20;
	s15 =	sor.u32 $0x80, s14;
	s14 =	sor.u32 $0x80, s16;
	v1 =	vld.msk [tilespmem:s18+$0x0 ss:$0x1], $0xffff;
	v5 =	vand.u32 $0xFFFFFC00, v4;
	v6 =	vand.u32 $0xFFFFFC00, v3  }
0x3a: {  	s16 =	sadd.s32 $0x10, s15;
	s18 =	sadd.s32 $0x10, s18;
	(ifvalue) =	ssetifvalue $0x7FFFFFFF;
	v2 =	vand.u32 $0x7F, v3;
	v4 =	vand.u32 $0x380, v4;
	v3 =	vadd.s32 v6, v5  }
.LBB2_3:
0x3b: {  	[tilespmem:s15], [sflag:$0x1] =	stream.indirect_vreg.gather [hbm4b:s2+s10], $0x1, v0, vm0, $0x4038;
	[tilespmem:$0x100] =	vst v63  }
0x3c: {  	s17 =	sadd.s32 $0x10, s17  }
0x3d: {  	v3 =	vor.u32 v4, v3;
	p1 =	slt.u32 s17, $0x30  }
.Ltmp3:
0x3e: {  	v4 =	vshrl.u32 v1, $0xC;
	v5 =	vshll.u32 v1, $0x7;
	s15 =	smov.u32 s16;
	v0 =	vor.u32 v2, v3;
	v2 =	vmovc v1;
	v1 =	vld.msk [tilespmem:s18+$0x0 ss:$0x1], $0xffff;
	(pc) =	sbr.rel @p1 .LBB2_3-.Ltmp3, $4  }
0x3f: {  	v3 =	vand.u32 $0x7FF80, v5;
	vm1 =	veq.s32 v2, $0x80000000;
	v2 =	vand.u32 $0x7, v4  }
0x40: {  	v4 =	vsel vm1, $0xFFFFFFFF, v2;
	v5 =	vsel vm1, $0xFFFFFF80, v3  }
0x41: {  	v2 =	vand.u32 $0x7F, v4;
	v3 =	vand.u32 $0xFFFFFC00, v5;
	v4 =	vand.u32 $0xFFFFFC00, v4  }
0x42: {  	s16 =	sadd.s32 $0x10, s16;
	s18 =	sadd.s32 $0x10, s18;
	v3 =	vadd.s32 v4, v3;
	v4 =	vand.u32 $0x380, v5;
	(ifvalue) =	ssetifvalue $0x7FFFFFFF  }
.Ltmp4:
0x43: {  	_ = 	snop;
	(pc) =	sbr.rel .LBB2_4-.Ltmp4, $1  }
0x44: {  	_ =	sdelay $0x3  }
.LBB2_6:
0x45: {  	_ =	sfence.sel $0x180000  }
0x46: {  	s2 =	simm.s32 $0x2;
	[bflag:$0x0] =	sbarrier.arrive $0xFFFF  }
0x47: {  	s30 =	simm.s32 $0x3;
	[sflag:s2] =	ssyncpa.u1 $0x1  }
0x48: {  	s31 =	simm.s32 $0x1;
	[sflag:s30] =	ssyncpa.u1 $0x1  }
0x49: {  	[sflag:s31] =	ssyncpa.u1 $0x1  }
0x4a: {  	p0 =	sne.s32 s0, $0x0;
	_ =	strace $0x90000047  }
0x4b: {  	s0 =	sadd.s32 @!p0 $0x100000, s1;
	[bflag:$0x2] =	sbarrier.arrive $0xFFFF  }
0x4c: {  	[sflag:s0] =	ssyncadd.tile.s32 @!p0 $0x1;
	_ =	shalt  }
.Lfunc_end2:
_tile_overlayer_lowered:
.L_overlay_start_2:
0x4d: {  	(tag) =	ssettag $0x2  }
0x4e: {  	s0 =	rddreg [dreg:$0x0];
	s2 =	stileid.u32  }
0x4f: {  	s1 =	rddreg [dreg:$0x1];
	p0 =	sne.s32 s2, $0x0  }
0x50: {  	s3 =	rddreg [dreg:$0x2];
	[bflag:$0x3] =	sbarrier.arrive $0xFFFF;
	s2 =	simm.s32 @!p0 $0x1C01  }
0x51: {  	[timem:s3], [sflag:s2] =	dma.local @!p0 [hbm:s0], s1  }
0x52: {  	s0 =	simm.s32 @!p0 $0x1  }
0x53: {  	_ =	swait.ge @!p0 [sflag:s0], s1  }
0x54: {  	s1 =	ssub.s32 @!p0 $0x0, s1;
	[sflag:s0] =	ssyncset.done @!p0 $0x0  }
0x55: {  	[sflag:s0] =	ssyncadd.s32 @!p0 s1  }
0x56: {  	[bflag:$0x3] =	sbarrier.arrive $0xFFFF  }
0x57: {  	_ =	shalt  }

// kernel: kernel.5.cloned.1.call-start
scs
__scs_entry_jumppad:
0x0: {  	(pc) =	sbr.rel $0x88, $3  }
0x1: {  	(tag) =	ssettag $0x0;
	lr =	simm.s32 $0x1  }
0x2: {  	[smem:$0x3F94] =	sst lr;
	_ =	strace $0xD0000000  }
0x3: {  	_ = 	snop  }
0x4: {  	_ = 	snop  }
0x5: {  	_ = 	snop  }
0x6: {  	_ = 	snop  }
0x7: {  	_ = 	snop  }
__scs_overlays_trampoline_lowered:
0x8: {  	[smem:$0x3FA3] =	sst s0  }
0x9: {  	[smem:$0x3FA4] =	sst s1  }
0xa: {  	[smem:$0x3FA5] =	sst s2  }
0xb: {  	[smem:$0x3FA6] =	sst s3  }
0xc: {  	[smem:$0x3FA7] =	sst s4  }
0xd: {  	[smem:$0x3FA8] =	sst s5  }
0xe: {  	[smem:$0x3FA9] =	sst s6  }
0xf: {  	[smem:$0x3FAA] =	sst s7  }
0x10: {  	[smem:$0x3FAB] =	sst s8  }
0x11: {  	[smem:$0x3FAC] =	sst s9;
	s0 =	simm.s32 @!p0 $0x0  }
0x12: {  	s1 =	sld [smem:$0x3F92];
	s0 =	simm.s32 @p0 $0x1  }
0x13: {  	[smem:$0x3FAD] =	sst s0;
	s0 =	simm.s32 @!p1 $0x0  }
0x14: {  	s2 =	sld [smem:$0x3F91];
	s0 =	simm.s32 @p1 $0x1  }
0x15: {  	[smem:$0x3FAE] =	sst s0;
	s0 =	simm.s32 @!p2 $0x0  }
0x16: {  	s3 =	sld [smem:$0x3FDB];
	s0 =	simm.s32 @p2 $0x1  }
0x17: {  	s4 =	simm.s32 $0x1BF5;
	[smem:$0x3FB0] =	sst s0  }
0x18: {  	s0 =	sld [smem:$0x3F93];
	_ =	swait.ge [sflag:s4], $0x0  }
0x19: {  	s7 =	sld [smem:$0x3F94]  }
0x1a: {  	s8 =	sadd.s32 $0xFFFFE003, lr  }
0x1b: {  	s9 =	sadd.s32 $0xFFFFFEF7, lr;
	s5 =	simm.s32 $0xFFFFFFFF;
	p2 =	slt.u32 s8, $0xFFFFF086  }
0x1c: {  	p1 =	slt.u32 s9, $0xF7A;
	s5 =	simm.s32 @!p2 $0x0  }
0x1d: {  	s5 =	simm.s32 @p1 $0x1;
	p0 =	seq.s32 s7, s2  }
0x1e: {  	s7 =	smul.u32 @!p0 $0xF7A, s2;
	p2 =	seq.s32 @!p0 s5, $0x0  }
0x1f: {  	s9 =	smul.u32 $0xF7A, s1;
	s8 =	simm.s32 @!p0 $0x1BF5;
	p2 =	por !p2, p0  }
0x20: {  	[sflag:s8] =	ssyncset.s32 @!p0 $0xFFFFF086;
	s6 =	sadd.s32 @!p0 s3, s7;
	s7 =	simm.s32 @!p0 $0x108  }
0x21: {  	s3 =	sadd.s32 s3, s9;
	s6 =	sadd.s32 @!p0 $0x88, s6;
	s7 =	simm.s32 @p2 $0x1082  }
0x22: {  	[simem:s7], [sflag:s8] =	dma.local @!p0 [hbm:s6], $0xF7A  }
0x23: {  	s9 =	sor.u32 $0xD0000000, s2;
	s6 =	simm.s32 $0x108;
	_ =	swait.ge @!p0 [sflag:s8], $0x0  }
0x24: {  	s3 =	sadd.s32 $0x88, s3;
	s6 =	simm.s32 @!p1 $0x1082;
	[sflag:s4] =	ssyncset.s32 $0xFFFFF086  }
0x25: {  	[simem:s6], [sflag:s4] =	dma.local [hbm:s3], $0xF7A  }
0x26: {  	[smem:$0x3F94] =	sst s1;
	(tag) =	ssettag s2;
	_ =	strace s9  }
0x27: {  	s1 =	sld [smem:$0x3FA4]  }
0x28: {  	s2 =	sld [smem:$0x3FA5]  }
0x29: {  	s4 =	sld [smem:$0x3FA7]  }
0x2a: {  	p0 =	seq.s32 s5, $0x0;
	s5 =	sld [smem:$0x3FA8]  }
0x2b: {  	s6 =	sld [smem:$0x3FA9]  }
0x2c: {  	s7 =	sld [smem:$0x3FAA]  }
0x2d: {  	s3 =	simm.s32 $0x108;
	s8 =	sld [smem:$0x3FAB]  }
0x2e: {  	s3 =	simm.s32 @!p0 $0x1082;
	s9 =	sld [smem:$0x3FAC]  }
0x2f: {  	lr =	sadd.s32 s0, s3;
	s0 =	sld [smem:$0x3FA3]  }
0x30: {  	s3 =	sld [smem:$0x3FA6]  }
0x31: {  	[smem:$0x3FAF] =	sst s10  }
0x32: {  	s10 =	sld [smem:$0x3FAD];
	_ =	sdelay $0x3  }
0x33: {  	p0 =	seq.s32 s10, $0x1;
	s10 =	sld [smem:$0x3FAF];
	_ =	sdelay $0x3  }
0x34: {  	[smem:$0x3FAF] =	sst s10  }
0x35: {  	s10 =	sld [smem:$0x3FAE];
	_ =	sdelay $0x3  }
0x36: {  	p1 =	seq.s32 s10, $0x1;
	s10 =	sld [smem:$0x3FAF];
	_ =	sdelay $0x3  }
0x37: {  	[smem:$0x3FAF] =	sst s10  }
0x38: {  	s10 =	sld [smem:$0x3FB0]  }
0x39: {  	_ = 	snop;
	(pc) =	sbr.ind lr, $3  }
0x3a: {  	_ = 	snop  }
0x3b: {  	_ = 	snop  }
0x3c: {  	p2 =	seq.s32 s10, $0x1;
	s10 =	sld [smem:$0x3FAF]  }
0x3d: {  	_ =	shalt  }
0x3e: {  	_ =	shalt  }
0x3f: {  	_ =	shalt  }
0x40: {  	_ =	shalt  }
0x41: {  	_ =	shalt  }
0x42: {  	_ =	shalt  }
0x43: {  	_ =	shalt  }
0x44: {  	_ =	shalt  }
0x45: {  	_ =	shalt  }
0x46: {  	_ =	shalt  }
0x47: {  	_ =	shalt  }
0x48: {  	_ =	shalt  }
0x49: {  	_ =	shalt  }
0x4a: {  	_ =	shalt  }
0x4b: {  	_ =	shalt  }
0x4c: {  	_ =	shalt  }
0x4d: {  	_ =	shalt  }
0x4e: {  	_ =	shalt  }
0x4f: {  	_ =	shalt  }
0x50: {  	_ =	shalt  }
0x51: {  	_ =	shalt  }
0x52: {  	_ =	shalt  }
0x53: {  	_ =	shalt  }
0x54: {  	_ =	shalt  }
0x55: {  	_ =	shalt  }
0x56: {  	_ =	shalt  }
0x57: {  	_ =	shalt  }
0x58: {  	_ =	shalt  }
0x59: {  	_ =	shalt  }
0x5a: {  	_ =	shalt  }
0x5b: {  	_ =	shalt  }
0x5c: {  	_ =	shalt  }
0x5d: {  	_ =	shalt  }
0x5e: {  	_ =	shalt  }
0x5f: {  	_ =	shalt  }
0x60: {  	_ =	shalt  }
0x61: {  	_ =	shalt  }
0x62: {  	_ =	shalt  }
0x63: {  	_ =	shalt  }
0x64: {  	_ =	shalt  }
0x65: {  	_ =	shalt  }
0x66: {  	_ =	shalt  }
0x67: {  	_ =	shalt  }
0x68: {  	_ =	shalt  }
0x69: {  	_ =	shalt  }
0x6a: {  	_ =	shalt  }
0x6b: {  	_ =	shalt  }
0x6c: {  	_ =	shalt  }
0x6d: {  	_ =	shalt  }
0x6e: {  	_ =	shalt  }
0x6f: {  	_ =	shalt  }
0x70: {  	_ =	shalt  }
0x71: {  	_ =	shalt  }
0x72: {  	_ =	shalt  }
0x73: {  	_ =	shalt  }
0x74: {  	_ =	shalt  }
0x75: {  	_ =	shalt  }
0x76: {  	_ =	shalt  }
0x77: {  	_ =	shalt  }
0x78: {  	_ =	shalt  }
0x79: {  	_ =	shalt  }
0x7a: {  	_ =	shalt  }
0x7b: {  	_ =	shalt  }
0x7c: {  	_ =	shalt  }
0x7d: {  	_ =	shalt  }
0x7e: {  	_ =	shalt  }
0x7f: {  	_ =	shalt  }
0x80: {  	_ =	shalt  }
0x81: {  	_ =	shalt  }
0x82: {  	_ =	shalt  }
0x83: {  	_ =	shalt  }
0x84: {  	_ =	shalt  }
0x85: {  	_ =	shalt  }
0x86: {  	_ =	shalt  }
0x87: {  	_ =	shalt  }
.Lfunc_end0:
.L_simem_size_0:
called_computation.1_lowered:
.L_overlay_start_0:
0x88: {  	s2 =	sld [smem:$0x3FD9]  }
0x89: {  	s3 =	sld [smem:$0x3FFE];
	_ =	sdelay $0x1  }
0x8a: {  	s1 =	srdreg.scid  }
0x8b: {  	s0 =	sand.u32 $0x1, s1  }
0x8c: {  	s17 =	sshll.u32 s0, $0xA;
	s2 =	sadd.s32 s3, s2  }
0x8d: {  	s2 =	sadd.s32 s2, s17  }
0x8e: {  	[smem:$0x3FBB] =	sst s2  }
0x8f: {  	_ = 	snop  }
0x90: {  	s2 =	sld [smem:$0x3FC9];
	(tm) =	ssettm $0x1  }
0x91: {  	s18 =	sld [smem:$0x3FFB];
	_ =	sdelay $0x3  }
0x92: {  	_ =	strace s18  }
0x93: {  	s3 =	sld [smem:$0x3FFC];
	_ =	sdelay $0x3  }
0x94: {  	_ =	strace s3  }
0x95: {  	s3 =	sld [smem:$0x3FFD];
	_ =	sdelay $0x3  }
0x96: {  	_ =	strace s3  }
0x97: {  	_ =	strace $0x8FFFFFFF  }
0x98: {  	s19 =	sld [smem:$0x3FDB];
	_ =	sdelay $0x1  }
0x99: {  	s4 =	simm.s32 $_scs_section_size  }
0x9a: {  	s5 =	simm.s32 $_size__tile_overlayer_lowered;
	s6 =	simm.s32 $_tile_overlayer_lowered  }
0x9b: {  	s22 =	simm.s32 $0x1BFF;
	s21 =	sshll.u32 s6, $0x1;
	s3 =	sadd.s32 s4, s19  }
0x9c: {  	s7 =	simm.s32 $0x0;
	s20 =	sshll.u32 s5, $0x1;
	s5 =	sadd.s32 s21, s3  }
0x9d: {  	[timem:s7], [sflag:s22] =	dma.local [hbm:s5], s20  }
0x9e: {  	_ =	swait.ge [sflag:s22], s20  }
0x9f: {  	s4 =	ssub.s32 $0x0, s20;
	[sflag:s22] =	ssyncset.done $0x0  }
0xa0: {  	[sflag:s22] =	ssyncadd.s32 s4;
	_ =	sdelay $0x1  }
0xa1: {  	s23 =	simm.s32 $0x1B8B  }
0xa2: {  	_ =	swait.ge [sflag:s23], $0x1  }
0xa3: {  	[sflag:s23] =	ssyncset.done $0x0  }
0xa4: {  	s25 =	simm.s32 $0x1B8E;
	s24 =	sld [smem:$0x3FFE];
	[sflag:s23] =	ssyncadd.s32 $0xFFFFFFFF  }
0xa5: {  	s26 =	simm.s32 $execute0_lowered;
	[smem:$0x3FD2] =	sst s25  }
0xa6: {  	s5 =	sshll.u32 s26, $0x1;
	_ =	strace $0x80000049;
	[dreg:$0x1] =	wrdreg $0xFFFFFFFF  }
0xa7: {  	s28 =	simm.s32 $_size_execute0_lowered;
	s3 =	sadd.s32 s3, s5;
	[dreg:$0x0] =	wrdreg $0x0  }
0xa8: {  	s5 =	sshll.u32 s28, $0x1;
	[dreg:$0x2] =	wrdreg s3  }
0xa9: {  	[dreg:$0x3] =	wrdreg s5  }
0xaa: {  	[dreg:$0x4] =	wrdreg $0xC0  }
0xab: {  	_ =	task [dreg:s7], $0x5FFFF  }
0xac: {  	[dreg:$0x1] =	wrdreg $0xFFFFFFFF  }
0xad: {  	[dreg:$0x0] =	wrdreg $0x60  }
0xae: {  	[dreg:$0x2] =	wrdreg s2  }
0xaf: {  	[dreg:$0x3] =	wrdreg s24  }
0xb0: {  	[dreg:$0x4] =	wrdreg $0x9  }
0xb1: {  	_ =	task.clear_ibuf [dreg:s7], $0x5FFFF;
	_ =	strace $0x90000049  }
0xb2: {  	s29 =	simm.s32 $0x9;
	_ =	strace $0x8000004B  }
0xb3: {  	_ =	swait.ge [sflag:s29], $0x1  }
0xb4: {  	[sflag:s29] =	ssyncadd.s32 $0xFFFFFFFF  }
0xb5: {  	_ =	strace $0x9000004B  }
0xb6: {  	_ =	sfence  }
0xb7: {  	s30 =	sld [smem:$0x0];
	_ =	sdelay $0x2  }
0xb8: {  	s31 =	sshll.u32 s1, $0xD;
	s1 =	sshrl.u32 s1, $0x2  }
0xb9: {  	s3 =	sand.u32 $0x4000, s31;
	s1 =	sadd.s32 s1, s30  }
0xba: {  	s0 =	sor.u32 s3, s0;
	s1 =	sshll.u32 s1, $0x11  }
0xbb: {  	s0 =	sor.u32 s1, s0  }
0xbc: {  	s0 =	sadd.s32 $0x8F2B, s0  }
0xbd: {  	[sflag:s0] =	ssyncadd.remote.s32 $0x1  }
0xbe: {  	_ =	sfence.sel $0xFFFF  }
0xbf: {  	[dreg:$0x0] =	wrdreg $0xFFFFFFFF;
	(pc) =	sbr.abs _section_cstart, $3  }
0xc0: {  	[dreg:$0x1] =	wrdreg $0xFFFFFFFF  }
0xc1: {  	_ =	task.clear_ibuf [dreg:s7], $0x2FFFF;
	_ =	strace $0x9FFFFFFF  }
0xc2: {  	(tm) =	ssettm $0x7FFFFFFF  }
0xc3: {  	_ =	shalt  }
tec
execute0_lowered:
.L_overlay_start_1:
0x0: {  	(tag) =	ssettag $0x1  }
0x1: {  	s0 =	rddreg [dreg:$0x0]  }
0x2: {  	s1 =	rddreg [dreg:$0x1]  }
0x3: {  	s3 =	srdreg.scid;
	s2 =	simm.s32 $0x0;
	s5 =	stileid.u32  }
0x4: {  	s24 =	simm.s32 $0x100;
	s25 =	simm.s32 $0x80;
	s26 =	simm.s32 $0x180  }
0x5: {  	s9 =	simm.s32 $0x1;
	s14 =	simm.s32 $0x2A00;
	s15 =	simm.s32 $0x3200  }
0x6: {  	s16 =	simm.s32 $0x3A00;
	s28 =	simm.s32 $0x9A00;
	s29 =	simm.s32 $0xA200  }
0x7: {  	s30 =	simm.s32 $0xAA00;
	s31 =	simm.s32 $0xB200;
	s4 =	sand.u32 $0x1, s3  }
0x8: {  	[smem:$0x7FF] =	sst s2;
	s17 =	sshll.u32 s5, $0x4;
	s6 =	sadd.s32 $0x200, s1  }
0x9: {  	s3 =	sadd.s32 $0x400, s1;
	_ =	strace $0x8000004A;
	[dreg:$0x9] =	wrdreg s24  }
0xa: {  	s18 =	sshll.u32 s4, $0x3;
	s4 =	ssub.s32 $0x2, s4;
	[dreg:$0xa] =	wrdreg s25  }
0xb: {  	[dreg:$0xb] =	wrdreg s26;
	s24 =	simm.s32 $0x8200;
	s25 =	simm.s32 $0x8A00  }
0xc: {  	s26 =	simm.s32 $0x9200;
	s5 =	sor.u32 s18, s17;
	s22 =	sshrl.u32 s4, $0x1  }
0xd: {  	s17 =	simm.s32 $0x4200;
	s18 =	simm.s32 $0x4A00;
	s7 =	sadd.s32 s6, s5  }
0xe: {  	s8 =	smul.u32 $0x300, s5;
	s19 =	sadd.s32 s1, s5;
	s5 =	sor.u32 $0x4, s5  }
0xf: {  	s23 =	ssub.s32 s4, s22;
	s4 =	sadd.s32 $0x500, s1;
	[dreg:$0x3] =	wrdreg s7  }
0x10: {  	s22 =	simm.s32 $0x7200;
	[dreg:$0x4] =	wrdreg s19;
	s6 =	sadd.s32 s6, s5  }
0x11: {  	s21 =	smul.u32 $0x300, s5;
	s5 =	sadd.s32 s1, s5;
	s7 =	simm.s32 $0x200  }
0x12: {  	s19 =	simm.s32 $0x5200;
	s20 =	sadd.s32 s0, s8;
	[dreg:$0x6] =	wrdreg s6  }
0x13: {  	[dreg:$0x7] =	wrdreg s5;
	s5 =	sadd.s32 $0x600, s1;
	s6 =	smax.u32 s23, $0x1  }
0x14: {  	v2 =	vlaneseq.u32;
	s8 =	simm.s32 $0x6200;
	s23 =	simm.s32 $0x7A00;
	s1 =	simm.s32 $0x2  }
0x15: {  	vm0 =	vmmov $0xffff;
	v1 =	vshrl.u32 v2, $0x3;
	[dreg:$0x5] =	wrdreg s20;
	s0 =	sadd.s32 s0, s21;
	s20 =	simm.s32 $0x5A00  }
0x16: {  	v0 =	vand.u32 $0x7, v2;
	v2 =	vor.u32 $0x8, v2;
	v1 =	vmul.u32 $0x8, v1;
	s21 =	simm.s32 $0x6A00;
	[dreg:$0x8] =	wrdreg s0;
	s0 =	simm.s32 $0xBA00  }
.LBB2_1:
0x17: {  	s10 =	rddreg [dreg:$0x3]  }
0x18: {  	s11 =	rddreg [dreg:$0x4]  }
0x19: {  	s12 =	rddreg [dreg:$0x9]  }
0x1a: {  	s13 =	rddreg [dreg:$0x5]  }
0x1b: {  	[tilespmem:s2], [sflag:$0x1] =	stream.linear.gather [hbm4b:s10+s2], $0x20, $0x38;
	[tilespmem:$0xC200] =	vst v63  }
0x1c: {  	s10 =	rddreg [dreg:$0x6]  }
0x1d: {  	[tilespmem:s12], [sflag:$0x1] =	stream.linear.gather [hbm4b:s11+s2], $0x20, $0x38;
	[tilespmem:$0xC200] =	vst v63  }
0x1e: {  	s11 =	rddreg [dreg:$0xa]  }
0x1f: {  	[tilespmem:s7], [sflag:$0x1] =	stream.linear.gather [hbm4b:s13+s2], $0x6000, $0x38;
	[tilespmem:$0xC200] =	vst v63  }
0x20: {  	s12 =	rddreg [dreg:$0x7]  }
0x21: {  	[tilespmem:s11], [sflag:$0x1] =	stream.linear.gather [hbm4b:s10+s2], $0x20, $0x38;
	[tilespmem:$0xC200] =	vst v63  }
0x22: {  	s13 =	rddreg [dreg:$0xb]  }
0x23: {  	[tilespmem:s13], [sflag:$0x1] =	stream.linear.gather [hbm4b:s12+s2], $0x20, $0x38;
	[tilespmem:$0xC200] =	vst v63  }
0x24: {  	s11 =	rddreg [dreg:$0x8]  }
0x25: {  	[tilespmem:s8], [sflag:$0x1] =	stream.linear.gather [hbm4b:s11+s2], $0x6000, $0x38;
	[tilespmem:$0xC200] =	vst v63  }
0x26: {  	_ =	swait.ge [sflag:s9], $0x20  }
0x27: {  	[sflag:s9] =	ssyncset.done $0x0  }
0x28: {  	[sflag:s9] =	ssyncadd.s32 $0xFFFFFFE0  }
0x29: {  	_ =	swait.ge [sflag:s9], $0x20  }
0x2a: {  	[sflag:s9] =	ssyncset.done $0x0  }
0x2b: {  	[sflag:s9] =	ssyncadd.s32 $0xFFFFFFE0  }
0x2c: {  	_ =	swait.ge [sflag:s9], $0x6000  }
0x2d: {  	[sflag:s9] =	ssyncset.done $0x0  }
0x2e: {  	[sflag:s9] =	ssyncadd.s32 $0xFFFFA000  }
0x2f: {  	v3 =	vld [tilespmem:$0x0];
	_ =	sdelay $0x4  }
0x30: {  	v4 =	vshrl.u32 v3, $0x3  }
0x31: {  	v4 =	vmul.u32 $0x30, v4  }
0x32: {  	v3 =	vand.u32 $0x7, v3  }
0x33: {  	v3 =	vor.u32 v3, v4  }
0x34: {  	v4 =	vperm.xlane v3, v0;
	_ =	sdelay $0x1  }
0x35: {  	v4 =	vadd.s32 v1, v4;
	_ =	sdelay $0x3  }
0x36: {  	v3 =	vperm.xlane v3, v2  }
0x37: {  	[hbm4b:s3+s2] =	stream.indirect_vreg.scatter [tilespmem:s7], [sflag:$0x2], $0x80, v4, vm0, $0xb8;
	[tilespmem:$0xC200] =	vst v63  }
0x38: {  	s10 =	simm.s32 $0xA00;
	v3 =	vadd.s32 v1, v3  }
0x39: {  	[hbm4b:s4+s2] =	stream.indirect_vreg.scatter [tilespmem:s10], [sflag:$0x2], $0x80, v4, vm0, $0xb8;
	[tilespmem:$0xC200] =	vst v63  }
0x3a: {  	s11 =	simm.s32 $0x1200  }
0x3b: {  	[hbm4b:s5+s2] =	stream.indirect_vreg.scatter [tilespmem:s11], [sflag:$0x2], $0x80, v4, vm0, $0xb8;
	[tilespmem:$0xC200] =	vst v63  }
0x3c: {  	s12 =	simm.s32 $0x1A00  }
0x3d: {  	[hbm4b:s3+s2] =	stream.indirect_vreg.scatter [tilespmem:s12], [sflag:$0x2], $0x80, v3, vm0, $0xb8;
	[tilespmem:$0xC200] =	vst v63  }
0x3e: {  	s13 =	simm.s32 $0x2200  }
0x3f: {  	[hbm4b:s4+s2] =	stream.indirect_vreg.scatter [tilespmem:s13], [sflag:$0x2], $0x80, v3, vm0, $0xb8;
	[tilespmem:$0xC200] =	vst v63  }
0x40: {  	_ = 	snop  }
0x41: {  	[hbm4b:s5+s2] =	stream.indirect_vreg.scatter [tilespmem:s14], [sflag:$0x2], $0x80, v3, vm0, $0xb8;
	[tilespmem:$0xC200] =	vst v63  }
0x42: {  	v3 =	vld [tilespmem:$0x10];
	_ =	sdelay $0x4  }
0x43: {  	v57 =	vshrl.u32 v3, $0x3  }
0x44: {  	v4 =	vmul.u32 $0x30, v57  }
0x45: {  	v3 =	vand.u32 $0x7, v3  }
0x46: {  	v3 =	vor.u32 v3, v4  }
0x47: {  	v4 =	vperm.xlane v3, v0;
	_ =	sdelay $0x1  }
0x48: {  	v4 =	vadd.s32 v1, v4;
	_ =	sdelay $0x3  }
0x49: {  	v3 =	vperm.xlane v3, v2  }
0x4a: {  	[hbm4b:s3+s2] =	stream.indirect_vreg.scatter [tilespmem:s15], [sflag:$0x2], $0x80, v4, vm0, $0xb8;
	[tilespmem:$0xC200] =	vst v63  }
0x4b: {  	v3 =	vadd.s32 v1, v3  }
0x4c: {  	[hbm4b:s4+s2] =	stream.indirect_vreg.scatter [tilespmem:s16], [sflag:$0x2], $0x80, v4, vm0, $0xb8;
	[tilespmem:$0xC200] =	vst v63  }
0x4d: {  	_ = 	snop  }
0x4e: {  	[hbm4b:s5+s2] =	stream.indirect_vreg.scatter [tilespmem:s17], [sflag:$0x2], $0x80, v4, vm0, $0xb8;
	[tilespmem:$0xC200] =	vst v63  }
0x4f: {  	_ = 	snop  }
0x50: {  	[hbm4b:s3+s2] =	stream.indirect_vreg.scatter [tilespmem:s18], [sflag:$0x2], $0x80, v3, vm0, $0xb8;
	[tilespmem:$0xC200] =	vst v63  }
0x51: {  	_ = 	snop  }
0x52: {  	[hbm4b:s4+s2] =	stream.indirect_vreg.scatter [tilespmem:s19], [sflag:$0x2], $0x80, v3, vm0, $0xb8;
	[tilespmem:$0xC200] =	vst v63  }
0x53: {  	_ = 	snop  }
0x54: {  	[hbm4b:s5+s2] =	stream.indirect_vreg.scatter [tilespmem:s20], [sflag:$0x2], $0x80, v3, vm0, $0xb8;
	[tilespmem:$0xC200] =	vst v63  }
0x55: {  	v3 =	vld [tilespmem:$0x100];
	_ =	sdelay $0x4  }
0x56: {  	v58 =	vshrl.u32 v3, $0x3  }
0x57: {  	v4 =	vmul.u32 $0x30, v58  }
0x58: {  	v3 =	vand.u32 $0x7, v3  }
0x59: {  	v3 =	vor.u32 v3, v4  }
0x5a: {  	v4 =	vperm.xlane v3, v0;
	_ =	sdelay $0x1  }
0x5b: {  	v4 =	vadd.s32 v1, v4;
	_ =	sdelay $0x3  }
0x5c: {  	v3 =	vperm.xlane v3, v2  }
0x5d: {  	[hbm4b:s3+s2] =	stream.indirect_vreg.scatter [tilespmem:s7], [sflag:$0x2], $0x80, v4, vm0, $0xb8;
	[tilespmem:$0xC200] =	vst v63  }
0x5e: {  	v3 =	vadd.s32 v1, v3  }
0x5f: {  	[hbm4b:s4+s2] =	stream.indirect_vreg.scatter [tilespmem:s10], [sflag:$0x2], $0x80, v4, vm0, $0xb8;
	[tilespmem:$0xC200] =	vst v63  }
0x60: {  	_ = 	snop  }
0x61: {  	[hbm4b:s5+s2] =	stream.indirect_vreg.scatter [tilespmem:s11], [sflag:$0x2], $0x80, v4, vm0, $0xb8;
	[tilespmem:$0xC200] =	vst v63  }
0x62: {  	_ = 	snop  }
0x63: {  	[hbm4b:s3+s2] =	stream.indirect_vreg.scatter [tilespmem:s12], [sflag:$0x2], $0x80, v3, vm0, $0xb8;
	[tilespmem:$0xC200] =	vst v63  }
0x64: {  	_ = 	snop  }
0x65: {  	[hbm4b:s4+s2] =	stream.indirect_vreg.scatter [tilespmem:s13], [sflag:$0x2], $0x80, v3, vm0, $0xb8;
	[tilespmem:$0xC200] =	vst v63  }
0x66: {  	_ = 	snop  }
0x67: {  	[hbm4b:s5+s2] =	stream.indirect_vreg.scatter [tilespmem:s14], [sflag:$0x2], $0x80, v3, vm0, $0xb8;
	[tilespmem:$0xC200] =	vst v63  }
0x68: {  	v3 =	vld [tilespmem:$0x110];
	_ =	sdelay $0x4  }
0x69: {  	v59 =	vshrl.u32 v3, $0x3  }
0x6a: {  	v4 =	vmul.u32 $0x30, v59  }
0x6b: {  	v3 =	vand.u32 $0x7, v3  }
0x6c: {  	v3 =	vor.u32 v3, v4  }
0x6d: {  	v4 =	vperm.xlane v3, v0;
	_ =	sdelay $0x1  }
0x6e: {  	v4 =	vadd.s32 v1, v4;
	_ =	sdelay $0x3  }
0x6f: {  	v3 =	vperm.xlane v3, v2  }
0x70: {  	[hbm4b:s3+s2] =	stream.indirect_vreg.scatter [tilespmem:s15], [sflag:$0x2], $0x80, v4, vm0, $0xb8;
	[tilespmem:$0xC200] =	vst v63  }
0x71: {  	v3 =	vadd.s32 v1, v3  }
0x72: {  	[hbm4b:s4+s2] =	stream.indirect_vreg.scatter [tilespmem:s16], [sflag:$0x2], $0x80, v4, vm0, $0xb8;
	[tilespmem:$0xC200] =	vst v63  }
0x73: {  	_ = 	snop  }
0x74: {  	[hbm4b:s5+s2] =	stream.indirect_vreg.scatter [tilespmem:s17], [sflag:$0x2], $0x80, v4, vm0, $0xb8;
	[tilespmem:$0xC200] =	vst v63  }
0x75: {  	_ = 	snop  }
0x76: {  	[hbm4b:s3+s2] =	stream.indirect_vreg.scatter [tilespmem:s18], [sflag:$0x2], $0x80, v3, vm0, $0xb8;
	[tilespmem:$0xC200] =	vst v63  }
0x77: {  	_ = 	snop  }
0x78: {  	[hbm4b:s4+s2] =	stream.indirect_vreg.scatter [tilespmem:s19], [sflag:$0x2], $0x80, v3, vm0, $0xb8;
	[tilespmem:$0xC200] =	vst v63  }
0x79: {  	_ = 	snop  }
0x7a: {  	[hbm4b:s5+s2] =	stream.indirect_vreg.scatter [tilespmem:s20], [sflag:$0x2], $0x80, v3, vm0, $0xb8;
	[tilespmem:$0xC200] =	vst v63  }
0x7b: {  	_ =	swait.ge [sflag:s9], $0x20  }
0x7c: {  	[sflag:s9] =	ssyncset.done $0x0  }
0x7d: {  	[sflag:s9] =	ssyncadd.s32 $0xFFFFFFE0  }
0x7e: {  	_ =	swait.ge [sflag:s9], $0x20  }
0x7f: {  	[sflag:s9] =	ssyncset.done $0x0  }
0x80: {  	[sflag:s9] =	ssyncadd.s32 $0xFFFFFFE0  }
0x81: {  	_ =	swait.ge [sflag:s9], $0x6000  }
0x82: {  	[sflag:s9] =	ssyncset.done $0x0  }
0x83: {  	[sflag:s9] =	ssyncadd.s32 $0xFFFFA000  }
0x84: {  	v3 =	vld [tilespmem:$0x80];
	_ =	sdelay $0x4  }
0x85: {  	v60 =	vshrl.u32 v3, $0x3  }
0x86: {  	v4 =	vmul.u32 $0x30, v60  }
0x87: {  	v3 =	vand.u32 $0x7, v3  }
0x88: {  	v3 =	vor.u32 v3, v4  }
0x89: {  	v4 =	vperm.xlane v3, v0;
	_ =	sdelay $0x1  }
0x8a: {  	v4 =	vadd.s32 v1, v4;
	_ =	sdelay $0x3  }
0x8b: {  	v3 =	vperm.xlane v3, v2  }
0x8c: {  	[hbm4b:s3+s2] =	stream.indirect_vreg.scatter [tilespmem:s8], [sflag:$0x2], $0x80, v4, vm0, $0xb8;
	[tilespmem:$0xC200] =	vst v63  }
0x8d: {  	v3 =	vadd.s32 v1, v3  }
0x8e: {  	[hbm4b:s4+s2] =	stream.indirect_vreg.scatter [tilespmem:s21], [sflag:$0x2], $0x80, v4, vm0, $0xb8;
	[tilespmem:$0xC200] =	vst v63  }
0x8f: {  	_ = 	snop  }
0x90: {  	[hbm4b:s5+s2] =	stream.indirect_vreg.scatter [tilespmem:s22], [sflag:$0x2], $0x80, v4, vm0, $0xb8;
	[tilespmem:$0xC200] =	vst v63  }
0x91: {  	_ = 	snop  }
0x92: {  	[hbm4b:s3+s2] =	stream.indirect_vreg.scatter [tilespmem:s23], [sflag:$0x2], $0x80, v3, vm0, $0xb8;
	[tilespmem:$0xC200] =	vst v63  }
0x93: {  	_ = 	snop  }
0x94: {  	[hbm4b:s4+s2] =	stream.indirect_vreg.scatter [tilespmem:s24], [sflag:$0x2], $0x80, v3, vm0, $0xb8;
	[tilespmem:$0xC200] =	vst v63  }
0x95: {  	_ = 	snop  }
0x96: {  	[hbm4b:s5+s2] =	stream.indirect_vreg.scatter [tilespmem:s25], [sflag:$0x2], $0x80, v3, vm0, $0xb8;
	[tilespmem:$0xC200] =	vst v63  }
0x97: {  	v3 =	vld [tilespmem:$0x90];
	_ =	sdelay $0x4  }
0x98: {  	v61 =	vshrl.u32 v3, $0x3  }
0x99: {  	v4 =	vmul.u32 $0x30, v61  }
0x9a: {  	v3 =	vand.u32 $0x7, v3  }
0x9b: {  	v3 =	vor.u32 v3, v4  }
0x9c: {  	v4 =	vperm.xlane v3, v0;
	_ =	sdelay $0x1  }
0x9d: {  	v4 =	vadd.s32 v1, v4;
	_ =	sdelay $0x3  }
0x9e: {  	v3 =	vperm.xlane v3, v2  }
0x9f: {  	[hbm4b:s3+s2] =	stream.indirect_vreg.scatter [tilespmem:s26], [sflag:$0x2], $0x80, v4, vm0, $0xb8;
	[tilespmem:$0xC200] =	vst v63  }
0xa0: {  	v3 =	vadd.s32 v1, v3  }
0xa1: {  	[hbm4b:s4+s2] =	stream.indirect_vreg.scatter [tilespmem:s28], [sflag:$0x2], $0x80, v4, vm0, $0xb8;
	[tilespmem:$0xC200] =	vst v63  }
0xa2: {  	_ = 	snop  }
0xa3: {  	[hbm4b:s5+s2] =	stream.indirect_vreg.scatter [tilespmem:s29], [sflag:$0x2], $0x80, v4, vm0, $0xb8;
	[tilespmem:$0xC200] =	vst v63  }
0xa4: {  	_ = 	snop  }
0xa5: {  	[hbm4b:s3+s2] =	stream.indirect_vreg.scatter [tilespmem:s30], [sflag:$0x2], $0x80, v3, vm0, $0xb8;
	[tilespmem:$0xC200] =	vst v63  }
0xa6: {  	_ = 	snop  }
0xa7: {  	[hbm4b:s4+s2] =	stream.indirect_vreg.scatter [tilespmem:s31], [sflag:$0x2], $0x80, v3, vm0, $0xb8;
	[tilespmem:$0xC200] =	vst v63  }
0xa8: {  	_ = 	snop  }
0xa9: {  	[hbm4b:s5+s2] =	stream.indirect_vreg.scatter [tilespmem:s0], [sflag:$0x2], $0x80, v3, vm0, $0xb8;
	[tilespmem:$0xC200] =	vst v63  }
0xaa: {  	v3 =	vld [tilespmem:$0x180];
	_ =	sdelay $0x4  }
0xab: {  	v62 =	vshrl.u32 v3, $0x3  }
0xac: {  	v4 =	vmul.u32 $0x30, v62  }
0xad: {  	v3 =	vand.u32 $0x7, v3  }
0xae: {  	v3 =	vor.u32 v3, v4  }
0xaf: {  	v4 =	vperm.xlane v3, v0;
	_ =	sdelay $0x1  }
0xb0: {  	v4 =	vadd.s32 v1, v4;
	_ =	sdelay $0x3  }
0xb1: {  	v3 =	vperm.xlane v3, v2  }
0xb2: {  	[hbm4b:s3+s2] =	stream.indirect_vreg.scatter [tilespmem:s8], [sflag:$0x2], $0x80, v4, vm0, $0xb8;
	[tilespmem:$0xC200] =	vst v63  }
0xb3: {  	v3 =	vadd.s32 v1, v3  }
0xb4: {  	[hbm4b:s4+s2] =	stream.indirect_vreg.scatter [tilespmem:s21], [sflag:$0x2], $0x80, v4, vm0, $0xb8;
	[tilespmem:$0xC200] =	vst v63  }
0xb5: {  	_ = 	snop  }
0xb6: {  	[hbm4b:s5+s2] =	stream.indirect_vreg.scatter [tilespmem:s22], [sflag:$0x2], $0x80, v4, vm0, $0xb8;
	[tilespmem:$0xC200] =	vst v63  }
0xb7: {  	_ = 	snop  }
0xb8: {  	[hbm4b:s3+s2] =	stream.indirect_vreg.scatter [tilespmem:s23], [sflag:$0x2], $0x80, v3, vm0, $0xb8;
	[tilespmem:$0xC200] =	vst v63  }
0xb9: {  	_ = 	snop  }
0xba: {  	[hbm4b:s4+s2] =	stream.indirect_vreg.scatter [tilespmem:s24], [sflag:$0x2], $0x80, v3, vm0, $0xb8;
	[tilespmem:$0xC200] =	vst v63  }
0xbb: {  	_ = 	snop  }
0xbc: {  	[hbm4b:s5+s2] =	stream.indirect_vreg.scatter [tilespmem:s25], [sflag:$0x2], $0x80, v3, vm0, $0xb8;
	[tilespmem:$0xC200] =	vst v63  }
0xbd: {  	v3 =	vld [tilespmem:$0x190];
	_ =	sdelay $0x4  }
0xbe: {  	v63 =	vshrl.u32 v3, $0x3  }
0xbf: {  	v4 =	vmul.u32 $0x30, v63  }
0xc0: {  	v3 =	vand.u32 $0x7, v3  }
0xc1: {  	v3 =	vor.u32 v3, v4  }
0xc2: {  	v4 =	vperm.xlane v3, v0;
	_ =	sdelay $0x1  }
0xc3: {  	v4 =	vadd.s32 v1, v4;
	_ =	sdelay $0x3  }
0xc4: {  	v3 =	vperm.xlane v3, v2  }
0xc5: {  	[hbm4b:s3+s2] =	stream.indirect_vreg.scatter [tilespmem:s26], [sflag:$0x2], $0x80, v4, vm0, $0xb8;
	[tilespmem:$0xC200] =	vst v63  }
0xc6: {  	v3 =	vadd.s32 v1, v3  }
0xc7: {  	[hbm4b:s4+s2] =	stream.indirect_vreg.scatter [tilespmem:s28], [sflag:$0x2], $0x80, v4, vm0, $0xb8;
	[tilespmem:$0xC200] =	vst v63  }
0xc8: {  	_ = 	snop  }
0xc9: {  	[hbm4b:s5+s2] =	stream.indirect_vreg.scatter [tilespmem:s29], [sflag:$0x2], $0x80, v4, vm0, $0xb8;
	[tilespmem:$0xC200] =	vst v63  }
0xca: {  	_ = 	snop  }
0xcb: {  	[hbm4b:s3+s2] =	stream.indirect_vreg.scatter [tilespmem:s30], [sflag:$0x2], $0x80, v3, vm0, $0xb8;
	[tilespmem:$0xC200] =	vst v63  }
0xcc: {  	_ = 	snop  }
0xcd: {  	[hbm4b:s4+s2] =	stream.indirect_vreg.scatter [tilespmem:s31], [sflag:$0x2], $0x80, v3, vm0, $0xb8;
	[tilespmem:$0xC200] =	vst v63  }
0xce: {  	_ = 	snop  }
0xcf: {  	[hbm4b:s5+s2] =	stream.indirect_vreg.scatter [tilespmem:s0], [sflag:$0x2], $0x80, v3, vm0, $0xb8;
	[tilespmem:$0xC200] =	vst v63  }
0xd0: {  	_ =	swait.ge [sflag:s1], $0x6000  }
0xd1: {  	[sflag:s1] =	ssyncset.done $0x0  }
0xd2: {  	[sflag:s1] =	ssyncadd.s32 $0xFFFFA000  }
0xd3: {  	_ =	swait.ge [sflag:s1], $0x6000  }
0xd4: {  	[sflag:s1] =	ssyncset.done $0x0  }
0xd5: {  	[sflag:s1] =	ssyncadd.s32 $0xFFFFA000  }
0xd6: {  	p0 =	sne.s32 s6, $0x1;
	_ =	swait.ge [sflag:s1], $0x6000  }
.Ltmp0:
0xd7: {  	[sflag:s1] =	ssyncset.done $0x0;
	(pc) =	sbr.rel @p0 .LBB2_1-.Ltmp0, $4  }
0xd8: {  	[sflag:s1] =	ssyncadd.s32 $0xFFFFA000  }
0xd9: {  	_ =	swait.ge [sflag:s1], $0x6000  }
0xda: {  	[sflag:s1] =	ssyncset.done $0x0  }
0xdb: {  	s6 =	sadd.s32 $0xFFFFFFFF, s6;
	[sflag:s1] =	ssyncadd.s32 $0xFFFFA000  }
0xdc: {  	_ =	sfence.sel $0x180000  }
0xdd: {  	[bflag:$0x0] =	sbarrier.arrive $0xFFFF  }
0xde: {  	_ =	strace $0x9000004A  }
0xdf: {  	s0 =	stileid.u32;
	[bflag:$0x2] =	sbarrier.arrive $0xFFFF  }
0xe0: {  	p0 =	sne.s32 s0, $0x0;
	s0 =	rddreg [dreg:$0x2]  }
0xe1: {  	s0 =	sadd.s32 @!p0 $0x100000, s0  }
0xe2: {  	[sflag:s0] =	ssyncadd.tile.s32 @!p0 $0x1;
	_ =	shalt  }
.Lfunc_end2:
_tile_overlayer_lowered:
.L_overlay_start_2:
0xe3: {  	(tag) =	ssettag $0x2  }
0xe4: {  	s0 =	rddreg [dreg:$0x0];
	s2 =	stileid.u32  }
0xe5: {  	s1 =	rddreg [dreg:$0x1];
	p0 =	sne.s32 s2, $0x0  }
0xe6: {  	s3 =	rddreg [dreg:$0x2];
	[bflag:$0x3] =	sbarrier.arrive $0xFFFF;
	s2 =	simm.s32 @!p0 $0x1C03  }
0xe7: {  	[timem:s3], [sflag:s2] =	dma.local @!p0 [hbm:s0], s1  }
0xe8: {  	s0 =	simm.s32 @!p0 $0x3  }
0xe9: {  	_ =	swait.ge @!p0 [sflag:s0], s1  }
0xea: {  	s1 =	ssub.s32 @!p0 $0x0, s1;
	[sflag:s0] =	ssyncset.done @!p0 $0x0  }
0xeb: {  	[sflag:s0] =	ssyncadd.s32 @!p0 s1  }
0xec: {  	[bflag:$0x3] =	sbarrier.arrive $0xFFFF  }
0xed: {  	_ =	shalt  }

// kernel: kernel.8.cloned.1.call-start
scs
__scs_entry_jumppad:
0x0: {  	(pc) =	sbr.rel $0x88, $3  }
0x1: {  	(tag) =	ssettag $0x0;
	lr =	simm.s32 $0x1  }
0x2: {  	[smem:$0x3F94] =	sst lr;
	_ =	strace $0xD0000000  }
0x3: {  	_ = 	snop  }
0x4: {  	_ = 	snop  }
0x5: {  	_ = 	snop  }
0x6: {  	_ = 	snop  }
0x7: {  	_ = 	snop  }
__scs_overlays_trampoline_lowered:
0x8: {  	[smem:$0x3FA3] =	sst s0  }
0x9: {  	[smem:$0x3FA4] =	sst s1  }
0xa: {  	[smem:$0x3FA5] =	sst s2  }
0xb: {  	[smem:$0x3FA6] =	sst s3  }
0xc: {  	[smem:$0x3FA7] =	sst s4  }
0xd: {  	[smem:$0x3FA8] =	sst s5  }
0xe: {  	[smem:$0x3FA9] =	sst s6  }
0xf: {  	[smem:$0x3FAA] =	sst s7  }
0x10: {  	[smem:$0x3FAB] =	sst s8  }
0x11: {  	[smem:$0x3FAC] =	sst s9;
	s0 =	simm.s32 @!p0 $0x0  }
0x12: {  	s1 =	sld [smem:$0x3F92];
	s0 =	simm.s32 @p0 $0x1  }
0x13: {  	[smem:$0x3FAD] =	sst s0;
	s0 =	simm.s32 @!p1 $0x0  }
0x14: {  	s2 =	sld [smem:$0x3F91];
	s0 =	simm.s32 @p1 $0x1  }
0x15: {  	[smem:$0x3FAE] =	sst s0;
	s0 =	simm.s32 @!p2 $0x0  }
0x16: {  	s3 =	sld [smem:$0x3FDB];
	s0 =	simm.s32 @p2 $0x1  }
0x17: {  	s4 =	simm.s32 $0x1BF5;
	[smem:$0x3FB0] =	sst s0  }
0x18: {  	s0 =	sld [smem:$0x3F93];
	_ =	swait.ge [sflag:s4], $0x0  }
0x19: {  	s7 =	sld [smem:$0x3F94]  }
0x1a: {  	s8 =	sadd.s32 $0xFFFFE003, lr  }
0x1b: {  	s9 =	sadd.s32 $0xFFFFFEF7, lr;
	s5 =	simm.s32 $0xFFFFFFFF;
	p2 =	slt.u32 s8, $0xFFFFF086  }
0x1c: {  	p1 =	slt.u32 s9, $0xF7A;
	s5 =	simm.s32 @!p2 $0x0  }
0x1d: {  	s5 =	simm.s32 @p1 $0x1;
	p0 =	seq.s32 s7, s2  }
0x1e: {  	s7 =	smul.u32 @!p0 $0xF7A, s2;
	p2 =	seq.s32 @!p0 s5, $0x0  }
0x1f: {  	s9 =	smul.u32 $0xF7A, s1;
	s8 =	simm.s32 @!p0 $0x1BF5;
	p2 =	por !p2, p0  }
0x20: {  	[sflag:s8] =	ssyncset.s32 @!p0 $0xFFFFF086;
	s6 =	sadd.s32 @!p0 s3, s7;
	s7 =	simm.s32 @!p0 $0x108  }
0x21: {  	s3 =	sadd.s32 s3, s9;
	s6 =	sadd.s32 @!p0 $0x88, s6;
	s7 =	simm.s32 @p2 $0x1082  }
0x22: {  	[simem:s7], [sflag:s8] =	dma.local @!p0 [hbm:s6], $0xF7A  }
0x23: {  	s9 =	sor.u32 $0xD0000000, s2;
	s6 =	simm.s32 $0x108;
	_ =	swait.ge @!p0 [sflag:s8], $0x0  }
0x24: {  	s3 =	sadd.s32 $0x88, s3;
	s6 =	simm.s32 @!p1 $0x1082;
	[sflag:s4] =	ssyncset.s32 $0xFFFFF086  }
0x25: {  	[simem:s6], [sflag:s4] =	dma.local [hbm:s3], $0xF7A  }
0x26: {  	[smem:$0x3F94] =	sst s1;
	(tag) =	ssettag s2;
	_ =	strace s9  }
0x27: {  	s1 =	sld [smem:$0x3FA4]  }
0x28: {  	s2 =	sld [smem:$0x3FA5]  }
0x29: {  	s4 =	sld [smem:$0x3FA7]  }
0x2a: {  	p0 =	seq.s32 s5, $0x0;
	s5 =	sld [smem:$0x3FA8]  }
0x2b: {  	s6 =	sld [smem:$0x3FA9]  }
0x2c: {  	s7 =	sld [smem:$0x3FAA]  }
0x2d: {  	s3 =	simm.s32 $0x108;
	s8 =	sld [smem:$0x3FAB]  }
0x2e: {  	s3 =	simm.s32 @!p0 $0x1082;
	s9 =	sld [smem:$0x3FAC]  }
0x2f: {  	lr =	sadd.s32 s0, s3;
	s0 =	sld [smem:$0x3FA3]  }
0x30: {  	s3 =	sld [smem:$0x3FA6]  }
0x31: {  	[smem:$0x3FAF] =	sst s10  }
0x32: {  	s10 =	sld [smem:$0x3FAD];
	_ =	sdelay $0x3  }
0x33: {  	p0 =	seq.s32 s10, $0x1;
	s10 =	sld [smem:$0x3FAF];
	_ =	sdelay $0x3  }
0x34: {  	[smem:$0x3FAF] =	sst s10  }
0x35: {  	s10 =	sld [smem:$0x3FAE];
	_ =	sdelay $0x3  }
0x36: {  	p1 =	seq.s32 s10, $0x1;
	s10 =	sld [smem:$0x3FAF];
	_ =	sdelay $0x3  }
0x37: {  	[smem:$0x3FAF] =	sst s10  }
0x38: {  	s10 =	sld [smem:$0x3FB0]  }
0x39: {  	_ = 	snop;
	(pc) =	sbr.ind lr, $3  }
0x3a: {  	_ = 	snop  }
0x3b: {  	_ = 	snop  }
0x3c: {  	p2 =	seq.s32 s10, $0x1;
	s10 =	sld [smem:$0x3FAF]  }
0x3d: {  	_ =	shalt  }
0x3e: {  	_ =	shalt  }
0x3f: {  	_ =	shalt  }
0x40: {  	_ =	shalt  }
0x41: {  	_ =	shalt  }
0x42: {  	_ =	shalt  }
0x43: {  	_ =	shalt  }
0x44: {  	_ =	shalt  }
0x45: {  	_ =	shalt  }
0x46: {  	_ =	shalt  }
0x47: {  	_ =	shalt  }
0x48: {  	_ =	shalt  }
0x49: {  	_ =	shalt  }
0x4a: {  	_ =	shalt  }
0x4b: {  	_ =	shalt  }
0x4c: {  	_ =	shalt  }
0x4d: {  	_ =	shalt  }
0x4e: {  	_ =	shalt  }
0x4f: {  	_ =	shalt  }
0x50: {  	_ =	shalt  }
0x51: {  	_ =	shalt  }
0x52: {  	_ =	shalt  }
0x53: {  	_ =	shalt  }
0x54: {  	_ =	shalt  }
0x55: {  	_ =	shalt  }
0x56: {  	_ =	shalt  }
0x57: {  	_ =	shalt  }
0x58: {  	_ =	shalt  }
0x59: {  	_ =	shalt  }
0x5a: {  	_ =	shalt  }
0x5b: {  	_ =	shalt  }
0x5c: {  	_ =	shalt  }
0x5d: {  	_ =	shalt  }
0x5e: {  	_ =	shalt  }
0x5f: {  	_ =	shalt  }
0x60: {  	_ =	shalt  }
0x61: {  	_ =	shalt  }
0x62: {  	_ =	shalt  }
0x63: {  	_ =	shalt  }
0x64: {  	_ =	shalt  }
0x65: {  	_ =	shalt  }
0x66: {  	_ =	shalt  }
0x67: {  	_ =	shalt  }
0x68: {  	_ =	shalt  }
0x69: {  	_ =	shalt  }
0x6a: {  	_ =	shalt  }
0x6b: {  	_ =	shalt  }
0x6c: {  	_ =	shalt  }
0x6d: {  	_ =	shalt  }
0x6e: {  	_ =	shalt  }
0x6f: {  	_ =	shalt  }
0x70: {  	_ =	shalt  }
0x71: {  	_ =	shalt  }
0x72: {  	_ =	shalt  }
0x73: {  	_ =	shalt  }
0x74: {  	_ =	shalt  }
0x75: {  	_ =	shalt  }
0x76: {  	_ =	shalt  }
0x77: {  	_ =	shalt  }
0x78: {  	_ =	shalt  }
0x79: {  	_ =	shalt  }
0x7a: {  	_ =	shalt  }
0x7b: {  	_ =	shalt  }
0x7c: {  	_ =	shalt  }
0x7d: {  	_ =	shalt  }
0x7e: {  	_ =	shalt  }
0x7f: {  	_ =	shalt  }
0x80: {  	_ =	shalt  }
0x81: {  	_ =	shalt  }
0x82: {  	_ =	shalt  }
0x83: {  	_ =	shalt  }
0x84: {  	_ =	shalt  }
0x85: {  	_ =	shalt  }
0x86: {  	_ =	shalt  }
0x87: {  	_ =	shalt  }
.Lfunc_end0:
.L_simem_size_0:
called_computation.2_lowered:
.L_overlay_start_0:
0x88: {  	s2 =	sld [smem:$0x3FD9]  }
0x89: {  	s3 =	sld [smem:$0x3FFE];
	_ =	sdelay $0x1  }
0x8a: {  	s1 =	srdreg.scid  }
0x8b: {  	s0 =	sand.u32 $0x1, s1  }
0x8c: {  	s17 =	sshll.u32 s0, $0xA;
	s2 =	sadd.s32 s3, s2  }
0x8d: {  	s2 =	sadd.s32 s2, s17  }
0x8e: {  	[smem:$0x3FBB] =	sst s2  }
0x8f: {  	_ = 	snop  }
0x90: {  	s2 =	sld [smem:$0x3FD0];
	(tm) =	ssettm $0x1  }
0x91: {  	s18 =	sld [smem:$0x3FFB];
	_ =	sdelay $0x3  }
0x92: {  	_ =	strace s18  }
0x93: {  	s3 =	sld [smem:$0x3FFC];
	_ =	sdelay $0x3  }
0x94: {  	_ =	strace s3  }
0x95: {  	s3 =	sld [smem:$0x3FFD];
	_ =	sdelay $0x3  }
0x96: {  	_ =	strace s3  }
0x97: {  	_ =	strace $0x8FFFFFFF  }
0x98: {  	s19 =	sld [smem:$0x3FDB];
	_ =	sdelay $0x1  }
0x99: {  	s4 =	simm.s32 $_scs_section_size  }
0x9a: {  	s5 =	simm.s32 $_size__tile_overlayer_lowered;
	s6 =	simm.s32 $_tile_overlayer_lowered  }
0x9b: {  	s22 =	simm.s32 $0x1BFF;
	s21 =	sshll.u32 s6, $0x1;
	s3 =	sadd.s32 s4, s19  }
0x9c: {  	s7 =	simm.s32 $0x0;
	s20 =	sshll.u32 s5, $0x1;
	s5 =	sadd.s32 s21, s3  }
0x9d: {  	[timem:s7], [sflag:s22] =	dma.local [hbm:s5], s20  }
0x9e: {  	_ =	swait.ge [sflag:s22], s20  }
0x9f: {  	s4 =	ssub.s32 $0x0, s20;
	[sflag:s22] =	ssyncset.done $0x0  }
0xa0: {  	[sflag:s22] =	ssyncadd.s32 s4;
	_ =	sdelay $0x1  }
0xa1: {  	s23 =	simm.s32 $0x1B8B  }
0xa2: {  	_ =	swait.ge [sflag:s23], $0x1  }
0xa3: {  	[sflag:s23] =	ssyncset.done $0x0  }
0xa4: {  	s25 =	simm.s32 $0x1B8E;
	s24 =	sld [smem:$0x3FFE];
	[sflag:s23] =	ssyncadd.s32 $0xFFFFFFFF  }
0xa5: {  	s26 =	simm.s32 $execute0_lowered;
	[smem:$0x3FD2] =	sst s25  }
0xa6: {  	s5 =	sshll.u32 s26, $0x1;
	_ =	strace $0x8000004C;
	[dreg:$0x1] =	wrdreg $0xFFFFFFFF  }
0xa7: {  	s28 =	simm.s32 $_size_execute0_lowered;
	s3 =	sadd.s32 s3, s5;
	[dreg:$0x0] =	wrdreg $0x0  }
0xa8: {  	s5 =	sshll.u32 s28, $0x1;
	[dreg:$0x2] =	wrdreg s3  }
0xa9: {  	[dreg:$0x3] =	wrdreg s5  }
0xaa: {  	[dreg:$0x4] =	wrdreg $0xC0  }
0xab: {  	_ =	task [dreg:s7], $0x5FFFF  }
0xac: {  	[dreg:$0x1] =	wrdreg $0xFFFFFFFF  }
0xad: {  	[dreg:$0x0] =	wrdreg $0x60  }
0xae: {  	[dreg:$0x2] =	wrdreg s24  }
0xaf: {  	[dreg:$0x3] =	wrdreg s2  }
0xb0: {  	[dreg:$0x4] =	wrdreg $0x9  }
0xb1: {  	_ =	task.clear_ibuf [dreg:s7], $0x5FFFF;
	_ =	strace $0x9000004C  }
0xb2: {  	s29 =	simm.s32 $0x9;
	_ =	strace $0x8000004E  }
0xb3: {  	_ =	swait.ge [sflag:s29], $0x1  }
0xb4: {  	[sflag:s29] =	ssyncadd.s32 $0xFFFFFFFF  }
0xb5: {  	_ =	strace $0x9000004E  }
0xb6: {  	_ =	sfence  }
0xb7: {  	s30 =	sld [smem:$0x0];
	_ =	sdelay $0x2  }
0xb8: {  	s31 =	sshll.u32 s1, $0xD;
	s1 =	sshrl.u32 s1, $0x2  }
0xb9: {  	s3 =	sand.u32 $0x4000, s31;
	s1 =	sadd.s32 s1, s30  }
0xba: {  	s0 =	sor.u32 s3, s0;
	s1 =	sshll.u32 s1, $0x11  }
0xbb: {  	s0 =	sor.u32 s1, s0  }
0xbc: {  	s0 =	sadd.s32 $0x8F2B, s0  }
0xbd: {  	[sflag:s0] =	ssyncadd.remote.s32 $0x1  }
0xbe: {  	_ =	sfence.sel $0xFFFF  }
0xbf: {  	[dreg:$0x0] =	wrdreg $0xFFFFFFFF;
	(pc) =	sbr.abs _section_cstart, $3  }
0xc0: {  	[dreg:$0x1] =	wrdreg $0xFFFFFFFF  }
0xc1: {  	_ =	task.clear_ibuf [dreg:s7], $0x2FFFF;
	_ =	strace $0x9FFFFFFF  }
0xc2: {  	(tm) =	ssettm $0x7FFFFFFF  }
0xc3: {  	_ =	shalt  }
tec
execute0_lowered:
.L_overlay_start_1:
0x0: {  	(tag) =	ssettag $0x1  }
0x1: {  	s0 =	rddreg [dreg:$0x0]  }
0x2: {  	s1 =	rddreg [dreg:$0x1]  }
0x3: {  	s3 =	srdreg.scid;
	s2 =	simm.s32 $0x0;
	s5 =	stileid.u32  }
0x4: {  	s14 =	simm.s32 $0x2;
	s15 =	simm.s32 $0x100;
	s21 =	simm.s32 $0x6100  }
0x5: {  	s19 =	simm.s32 $0x14100;
	s20 =	simm.s32 $0x14900;
	s22 =	simm.s32 $0x15100  }
0x6: {  	s23 =	simm.s32 $0x15900;
	s28 =	simm.s32 $0x17900;
	s29 =	simm.s32 $0x1  }
0x7: {  	s30 =	simm.s32 $0x0;
	s4 =	sand.u32 $0x1, s3;
	[smem:$0x7FF] =	sst s2  }
0x8: {  	s24 =	sshll.u32 s5, $0x7;
	s3 =	sadd.s32 $0x9FE00, s0;
	s25 =	sshll.u32 s4, $0x6  }
0x9: {  	_ =	strace $0x8000004D;
	s4 =	ssub.s32 $0x2, s4;
	s5 =	sor.u32 s25, s24  }
0xa: {  	s26 =	sshrl.u32 s4, $0x1;
	s24 =	simm.s32 $0x16100;
	s25 =	simm.s32 $0x16900  }
0xb: {  	s6 =	sshll.u32 s5, $0x4;
	s8 =	sshrl.u32 s5, $0x3;
	s12 =	ssub.s32 s4, s26  }
0xc: {  	s26 =	simm.s32 $0x17100;
	s7 =	sadd.s32 s6, s0;
	s9 =	smul.u32 $0x1800, s8  }
0xd: {  	s4 =	sadd.s32 s0, s8;
	s10 =	smul.u32 $0x300, s8;
	s8 =	sadd.s32 $0x9FF00, s0  }
0xe: {  	v2 =	vlaneseq.u32;
	s12 =	smax.u32 s12, $0x1;
	s5 =	sadd.s32 $0x200, s4;
	s11 =	sshrl.u32 s9, $0x3  }
0xf: {  	vm0 =	vmmov $0xffff;
	v1 =	vshrl.u32 v2, $0x3;
	s6 =	sadd.s32 $0x400, s7;
	s7 =	sadd.s32 $0x8400, s7;
	s31 =	sadd.s32 s1, s11  }
0x10: {  	v0 =	vand.u32 $0x7, v2;
	v2 =	vor.u32 $0x8, v2;
	v1 =	vmul.u32 $0x8, v1;
	s9 =	sadd.s32 $0xA0000, s0;
	s10 =	sadd.s32 s1, s10;
	s11 =	sadd.s32 $0xC00, s31  }
.LBB2_1:
0x11: {  	[tilespmem:s2], [sflag:$0x2] =	stream.linear.gather [hbm4b:s5+s2], $0x40, $0x38;
	[tilespmem:$0x1C100] =	vst v63  }
0x12: {  	s0 =	simm.s32 $0x80  }
0x13: {  	[tilespmem:s0], [sflag:$0x2] =	stream.linear.gather [hbm4b:s4+s2], $0x40, $0x38;
	[tilespmem:$0x1C100] =	vst v63  }
0x14: {  	s31 =	simm.s32 $0x18100  }
0x15: {  	[tilespmem:s31], [sflag:$0x2] =	stream.linear.gather [hbm4b:s6+s2], $0x2000, $0x38;
	[tilespmem:$0x1C100] =	vst v63  }
0x16: {  	s0 =	simm.s32 $0x1A100  }
0x17: {  	[tilespmem:s0], [sflag:$0x2] =	stream.linear.gather [hbm4b:s7+s2], $0x2000, $0x38;
	[tilespmem:$0x1C100] =	vst v63  }
0x18: {  	_ =	swait.ge [sflag:s14], $0x40  }
0x19: {  	[sflag:s14] =	ssyncset.done $0x0  }
0x1a: {  	[sflag:s14] =	ssyncadd.s32 $0xFFFFFFC0  }
0x1b: {  	_ =	swait.ge [sflag:s14], $0x40  }
0x1c: {  	[sflag:s14] =	ssyncset.done $0x0  }
0x1d: {  	[sflag:s14] =	ssyncadd.s32 $0xFFFFFFC0  }
0x1e: {  	_ =	swait.ge [sflag:s14], $0x2000  }
0x1f: {  	[sflag:s14] =	ssyncset.done $0x0  }
0x20: {  	[sflag:s14] =	ssyncadd.s32 $0xFFFFE000  }
0x21: {  	_ =	swait.ge [sflag:s14], $0x2000  }
0x22: {  	[sflag:s14] =	ssyncset.done $0x0  }
0x23: {  	[sflag:s14] =	ssyncadd.s32 $0xFFFFE000  }
0x24: {  	v3 =	vld [tilespmem:$0x0];
	_ =	sdelay $0x4  }
0x25: {  	v4 =	vshrl.u32 v3, $0x3  }
0x26: {  	v4 =	vmul.u32 $0x30, v4  }
0x27: {  	v3 =	vand.u32 $0x7, v3  }
0x28: {  	v3 =	vor.u32 v3, v4  }
0x29: {  	v4 =	vperm.xlane v3, v0;
	_ =	sdelay $0x1  }
0x2a: {  	v4 =	vadd.s32 v1, v4;
	_ =	sdelay $0x3  }
0x2b: {  	v3 =	vperm.xlane v3, v2  }
0x2c: {  	[tilespmem:s15], [sflag:$0x1] =	stream.indirect_vreg.gather [hbm4b:s3+s2], $0x80, v4, vm0, $0xb8;
	[tilespmem:$0x1C100] =	vst v63  }
0x2d: {  	s1 =	simm.s32 $0x900;
	v3 =	vadd.s32 v1, v3  }
0x2e: {  	[tilespmem:s1], [sflag:$0x1] =	stream.indirect_vreg.gather [hbm4b:s8+s2], $0x80, v4, vm0, $0xb8;
	[tilespmem:$0x1C100] =	vst v63  }
0x2f: {  	s16 =	simm.s32 $0x1100  }
0x30: {  	[tilespmem:s16], [sflag:$0x1] =	stream.indirect_vreg.gather [hbm4b:s9+s2], $0x80, v4, vm0, $0xb8;
	[tilespmem:$0x1C100] =	vst v63  }
0x31: {  	s17 =	simm.s32 $0x1900  }
0x32: {  	[tilespmem:s17], [sflag:$0x1] =	stream.indirect_vreg.gather [hbm4b:s3+s2], $0x80, v3, vm0, $0xb8;
	[tilespmem:$0x1C100] =	vst v63  }
0x33: {  	s18 =	simm.s32 $0x2100  }
0x34: {  	[tilespmem:s18], [sflag:$0x1] =	stream.indirect_vreg.gather [hbm4b:s8+s2], $0x80, v3, vm0, $0xb8;
	[tilespmem:$0x1C100] =	vst v63  }
0x35: {  	s13 =	simm.s32 $0x2900  }
0x36: {  	[tilespmem:s13], [sflag:$0x1] =	stream.indirect_vreg.gather [hbm4b:s9+s2], $0x80, v3, vm0, $0xb8;
	[tilespmem:$0x1C100] =	vst v63  }
0x37: {  	v3 =	vld [tilespmem:$0x10];
	_ =	sdelay $0x4  }
0x38: {  	v4 =	vshrl.u32 v3, $0x3  }
0x39: {  	v4 =	vmul.u32 $0x30, v4  }
0x3a: {  	v3 =	vand.u32 $0x7, v3  }
0x3b: {  	v3 =	vor.u32 v3, v4  }
0x3c: {  	v4 =	vperm.xlane v3, v0;
	_ =	sdelay $0x1  }
0x3d: {  	v4 =	vadd.s32 v1, v4;
	_ =	sdelay $0x3  }
0x3e: {  	s16 =	simm.s32 $0x3100;
	v3 =	vperm.xlane v3, v2  }
0x3f: {  	[tilespmem:s16], [sflag:$0x1] =	stream.indirect_vreg.gather [hbm4b:s3+s2], $0x80, v4, vm0, $0xb8;
	[tilespmem:$0x1C100] =	vst v63  }
0x40: {  	s17 =	simm.s32 $0x3900;
	v3 =	vadd.s32 v1, v3  }
0x41: {  	[tilespmem:s17], [sflag:$0x1] =	stream.indirect_vreg.gather [hbm4b:s8+s2], $0x80, v4, vm0, $0xb8;
	[tilespmem:$0x1C100] =	vst v63  }
0x42: {  	s18 =	simm.s32 $0x4100  }
0x43: {  	[tilespmem:s18], [sflag:$0x1] =	stream.indirect_vreg.gather [hbm4b:s9+s2], $0x80, v4, vm0, $0xb8;
	[tilespmem:$0x1C100] =	vst v63  }
0x44: {  	s13 =	simm.s32 $0x4900  }
0x45: {  	[tilespmem:s13], [sflag:$0x1] =	stream.indirect_vreg.gather [hbm4b:s3+s2], $0x80, v3, vm0, $0xb8;
	[tilespmem:$0x1C100] =	vst v63  }
0x46: {  	s16 =	simm.s32 $0x5100  }
0x47: {  	[tilespmem:s16], [sflag:$0x1] =	stream.indirect_vreg.gather [hbm4b:s8+s2], $0x80, v3, vm0, $0xb8;
	[tilespmem:$0x1C100] =	vst v63  }
0x48: {  	s17 =	simm.s32 $0x5900  }
0x49: {  	[tilespmem:s17], [sflag:$0x1] =	stream.indirect_vreg.gather [hbm4b:s9+s2], $0x80, v3, vm0, $0xb8;
	[tilespmem:$0x1C100] =	vst v63  }
0x4a: {  	v3 =	vld [tilespmem:$0x80];
	_ =	sdelay $0x4  }
0x4b: {  	v4 =	vshrl.u32 v3, $0x3  }
0x4c: {  	v4 =	vmul.u32 $0x30, v4  }
0x4d: {  	v3 =	vand.u32 $0x7, v3  }
0x4e: {  	v3 =	vor.u32 v3, v4  }
0x4f: {  	v4 =	vperm.xlane v3, v0;
	_ =	sdelay $0x1  }
0x50: {  	v4 =	vadd.s32 v1, v4;
	_ =	sdelay $0x3  }
0x51: {  	s18 =	simm.s32 $0xC100;
	v3 =	vperm.xlane v3, v2  }
0x52: {  	[tilespmem:s18], [sflag:$0x1] =	stream.indirect_vreg.gather [hbm4b:s3+s2], $0x80, v4, vm0, $0xb8;
	[tilespmem:$0x1C100] =	vst v63  }
0x53: {  	s13 =	simm.s32 $0xC900;
	v3 =	vadd.s32 v1, v3  }
0x54: {  	[tilespmem:s13], [sflag:$0x1] =	stream.indirect_vreg.gather [hbm4b:s8+s2], $0x80, v4, vm0, $0xb8;
	[tilespmem:$0x1C100] =	vst v63  }
0x55: {  	s16 =	simm.s32 $0xD100  }
0x56: {  	[tilespmem:s16], [sflag:$0x1] =	stream.indirect_vreg.gather [hbm4b:s9+s2], $0x80, v4, vm0, $0xb8;
	[tilespmem:$0x1C100] =	vst v63  }
0x57: {  	s17 =	simm.s32 $0xD900  }
0x58: {  	[tilespmem:s17], [sflag:$0x1] =	stream.indirect_vreg.gather [hbm4b:s3+s2], $0x80, v3, vm0, $0xb8;
	[tilespmem:$0x1C100] =	vst v63  }
0x59: {  	s18 =	simm.s32 $0xE100  }
0x5a: {  	[tilespmem:s18], [sflag:$0x1] =	stream.indirect_vreg.gather [hbm4b:s8+s2], $0x80, v3, vm0, $0xb8;
	[tilespmem:$0x1C100] =	vst v63  }
0x5b: {  	s13 =	simm.s32 $0xE900  }
0x5c: {  	[tilespmem:s13], [sflag:$0x1] =	stream.indirect_vreg.gather [hbm4b:s9+s2], $0x80, v3, vm0, $0xb8;
	[tilespmem:$0x1C100] =	vst v63  }
0x5d: {  	v3 =	vld [tilespmem:$0x90];
	_ =	sdelay $0x4  }
0x5e: {  	v4 =	vshrl.u32 v3, $0x3  }
0x5f: {  	v4 =	vmul.u32 $0x30, v4  }
0x60: {  	v3 =	vand.u32 $0x7, v3  }
0x61: {  	v3 =	vor.u32 v3, v4  }
0x62: {  	v4 =	vperm.xlane v3, v0;
	_ =	sdelay $0x1  }
0x63: {  	v4 =	vadd.s32 v1, v4;
	_ =	sdelay $0x3  }
0x64: {  	s16 =	simm.s32 $0xF100;
	v3 =	vperm.xlane v3, v2  }
0x65: {  	[tilespmem:s16], [sflag:$0x1] =	stream.indirect_vreg.gather [hbm4b:s3+s2], $0x80, v4, vm0, $0xb8;
	[tilespmem:$0x1C100] =	vst v63  }
0x66: {  	s17 =	simm.s32 $0xF900;
	v3 =	vadd.s32 v1, v3  }
0x67: {  	[tilespmem:s17], [sflag:$0x1] =	stream.indirect_vreg.gather [hbm4b:s8+s2], $0x80, v4, vm0, $0xb8;
	[tilespmem:$0x1C100] =	vst v63  }
0x68: {  	s18 =	simm.s32 $0x10100  }
0x69: {  	[tilespmem:s18], [sflag:$0x1] =	stream.indirect_vreg.gather [hbm4b:s9+s2], $0x80, v4, vm0, $0xb8;
	[tilespmem:$0x1C100] =	vst v63  }
0x6a: {  	s13 =	simm.s32 $0x10900  }
0x6b: {  	[tilespmem:s13], [sflag:$0x1] =	stream.indirect_vreg.gather [hbm4b:s3+s2], $0x80, v3, vm0, $0xb8;
	[tilespmem:$0x1C100] =	vst v63  }
0x6c: {  	s16 =	simm.s32 $0x11100  }
0x6d: {  	[tilespmem:s16], [sflag:$0x1] =	stream.indirect_vreg.gather [hbm4b:s8+s2], $0x80, v3, vm0, $0xb8;
	[tilespmem:$0x1C100] =	vst v63  }
0x6e: {  	s17 =	simm.s32 $0x11900  }
0x6f: {  	[tilespmem:s17], [sflag:$0x1] =	stream.indirect_vreg.gather [hbm4b:s9+s2], $0x80, v3, vm0, $0xb8;
	[tilespmem:$0x1C100] =	vst v63  }
0x70: {  	v3 =	vld [tilespmem:$0x20];
	_ =	sdelay $0x4  }
0x71: {  	v4 =	vshrl.u32 v3, $0x3  }
0x72: {  	v4 =	vmul.u32 $0x30, v4  }
0x73: {  	v3 =	vand.u32 $0x7, v3  }
0x74: {  	v3 =	vor.u32 v3, v4  }
0x75: {  	v4 =	vperm.xlane v3, v0;
	_ =	sdelay $0x1  }
0x76: {  	v4 =	vadd.s32 v1, v4;
	_ =	sdelay $0x3  }
0x77: {  	v3 =	vperm.xlane v3, v2  }
0x78: {  	[tilespmem:s21], [sflag:$0x1] =	stream.indirect_vreg.gather [hbm4b:s3+s2], $0x80, v4, vm0, $0xb8;
	[tilespmem:$0x1C100] =	vst v63  }
0x79: {  	s18 =	simm.s32 $0x6900;
	v3 =	vadd.s32 v1, v3  }
0x7a: {  	[tilespmem:s18], [sflag:$0x1] =	stream.indirect_vreg.gather [hbm4b:s8+s2], $0x80, v4, vm0, $0xb8;
	[tilespmem:$0x1C100] =	vst v63  }
0x7b: {  	s13 =	simm.s32 $0x7100  }
0x7c: {  	[tilespmem:s13], [sflag:$0x1] =	stream.indirect_vreg.gather [hbm4b:s9+s2], $0x80, v4, vm0, $0xb8;
	[tilespmem:$0x1C100] =	vst v63  }
0x7d: {  	s16 =	simm.s32 $0x7900  }
0x7e: {  	[tilespmem:s16], [sflag:$0x1] =	stream.indirect_vreg.gather [hbm4b:s3+s2], $0x80, v3, vm0, $0xb8;
	[tilespmem:$0x1C100] =	vst v63  }
0x7f: {  	s17 =	simm.s32 $0x8100  }
0x80: {  	[tilespmem:s17], [sflag:$0x1] =	stream.indirect_vreg.gather [hbm4b:s8+s2], $0x80, v3, vm0, $0xb8;
	[tilespmem:$0x1C100] =	vst v63  }
0x81: {  	s18 =	simm.s32 $0x8900  }
0x82: {  	[tilespmem:s18], [sflag:$0x1] =	stream.indirect_vreg.gather [hbm4b:s9+s2], $0x80, v3, vm0, $0xb8;
	[tilespmem:$0x1C100] =	vst v63  }
0x83: {  	v3 =	vld [tilespmem:$0x30];
	_ =	sdelay $0x4  }
0x84: {  	v4 =	vshrl.u32 v3, $0x3  }
0x85: {  	v4 =	vmul.u32 $0x30, v4  }
0x86: {  	v3 =	vand.u32 $0x7, v3  }
0x87: {  	v3 =	vor.u32 v3, v4  }
0x88: {  	v4 =	vperm.xlane v3, v0;
	_ =	sdelay $0x1  }
0x89: {  	v4 =	vadd.s32 v1, v4;
	_ =	sdelay $0x3  }
0x8a: {  	s13 =	simm.s32 $0x9100;
	v3 =	vperm.xlane v3, v2  }
0x8b: {  	[tilespmem:s13], [sflag:$0x1] =	stream.indirect_vreg.gather [hbm4b:s3+s2], $0x80, v4, vm0, $0xb8;
	[tilespmem:$0x1C100] =	vst v63  }
0x8c: {  	s16 =	simm.s32 $0x9900;
	v3 =	vadd.s32 v1, v3  }
0x8d: {  	[tilespmem:s16], [sflag:$0x1] =	stream.indirect_vreg.gather [hbm4b:s8+s2], $0x80, v4, vm0, $0xb8;
	[tilespmem:$0x1C100] =	vst v63  }
0x8e: {  	s17 =	simm.s32 $0xA100  }
0x8f: {  	[tilespmem:s17], [sflag:$0x1] =	stream.indirect_vreg.gather [hbm4b:s9+s2], $0x80, v4, vm0, $0xb8;
	[tilespmem:$0x1C100] =	vst v63  }
0x90: {  	s18 =	simm.s32 $0xA900  }
0x91: {  	[tilespmem:s18], [sflag:$0x1] =	stream.indirect_vreg.gather [hbm4b:s3+s2], $0x80, v3, vm0, $0xb8;
	[tilespmem:$0x1C100] =	vst v63  }
0x92: {  	s13 =	simm.s32 $0xB100  }
0x93: {  	[tilespmem:s13], [sflag:$0x1] =	stream.indirect_vreg.gather [hbm4b:s8+s2], $0x80, v3, vm0, $0xb8;
	[tilespmem:$0x1C100] =	vst v63  }
0x94: {  	s16 =	simm.s32 $0xB900  }
0x95: {  	[tilespmem:s16], [sflag:$0x1] =	stream.indirect_vreg.gather [hbm4b:s9+s2], $0x80, v3, vm0, $0xb8;
	[tilespmem:$0x1C100] =	vst v63  }
0x96: {  	v3 =	vld [tilespmem:$0xA0];
	_ =	sdelay $0x4  }
0x97: {  	v4 =	vshrl.u32 v3, $0x3  }
0x98: {  	v4 =	vmul.u32 $0x30, v4  }
0x99: {  	v3 =	vand.u32 $0x7, v3  }
0x9a: {  	v3 =	vor.u32 v3, v4  }
0x9b: {  	v4 =	vperm.xlane v3, v0;
	_ =	sdelay $0x1  }
0x9c: {  	v4 =	vadd.s32 v1, v4;
	_ =	sdelay $0x3  }
0x9d: {  	s17 =	simm.s32 $0x12100;
	v3 =	vperm.xlane v3, v2  }
0x9e: {  	[tilespmem:s17], [sflag:$0x1] =	stream.indirect_vreg.gather [hbm4b:s3+s2], $0x80, v4, vm0, $0xb8;
	[tilespmem:$0x1C100] =	vst v63  }
0x9f: {  	s18 =	simm.s32 $0x12900;
	v3 =	vadd.s32 v1, v3  }
0xa0: {  	[tilespmem:s18], [sflag:$0x1] =	stream.indirect_vreg.gather [hbm4b:s8+s2], $0x80, v4, vm0, $0xb8;
	[tilespmem:$0x1C100] =	vst v63  }
0xa1: {  	s13 =	simm.s32 $0x13100  }
0xa2: {  	[tilespmem:s13], [sflag:$0x1] =	stream.indirect_vreg.gather [hbm4b:s9+s2], $0x80, v4, vm0, $0xb8;
	[tilespmem:$0x1C100] =	vst v63  }
0xa3: {  	s16 =	simm.s32 $0x13900  }
0xa4: {  	[tilespmem:s16], [sflag:$0x1] =	stream.indirect_vreg.gather [hbm4b:s3+s2], $0x80, v3, vm0, $0xb8;
	[tilespmem:$0x1C100] =	vst v63  }
0xa5: {  	_ = 	snop  }
0xa6: {  	[tilespmem:s19], [sflag:$0x1] =	stream.indirect_vreg.gather [hbm4b:s8+s2], $0x80, v3, vm0, $0xb8;
	[tilespmem:$0x1C100] =	vst v63  }
0xa7: {  	_ = 	snop  }
0xa8: {  	[tilespmem:s20], [sflag:$0x1] =	stream.indirect_vreg.gather [hbm4b:s9+s2], $0x80, v3, vm0, $0xb8;
	[tilespmem:$0x1C100] =	vst v63  }
0xa9: {  	v3 =	vld [tilespmem:$0xB0];
	_ =	sdelay $0x4  }
0xaa: {  	v4 =	vshrl.u32 v3, $0x3  }
0xab: {  	v4 =	vmul.u32 $0x30, v4  }
0xac: {  	v3 =	vand.u32 $0x7, v3  }
0xad: {  	v3 =	vor.u32 v3, v4  }
0xae: {  	v4 =	vperm.xlane v3, v0;
	_ =	sdelay $0x1  }
0xaf: {  	v4 =	vadd.s32 v1, v4;
	_ =	sdelay $0x3  }
0xb0: {  	v3 =	vperm.xlane v3, v2  }
0xb1: {  	[tilespmem:s22], [sflag:$0x1] =	stream.indirect_vreg.gather [hbm4b:s3+s2], $0x80, v4, vm0, $0xb8;
	[tilespmem:$0x1C100] =	vst v63  }
0xb2: {  	v3 =	vadd.s32 v1, v3  }
0xb3: {  	[tilespmem:s23], [sflag:$0x1] =	stream.indirect_vreg.gather [hbm4b:s8+s2], $0x80, v4, vm0, $0xb8;
	[tilespmem:$0x1C100] =	vst v63  }
0xb4: {  	_ = 	snop  }
0xb5: {  	[tilespmem:s24], [sflag:$0x1] =	stream.indirect_vreg.gather [hbm4b:s9+s2], $0x80, v4, vm0, $0xb8;
	[tilespmem:$0x1C100] =	vst v63  }
0xb6: {  	_ = 	snop  }
0xb7: {  	[tilespmem:s25], [sflag:$0x1] =	stream.indirect_vreg.gather [hbm4b:s3+s2], $0x80, v3, vm0, $0xb8;
	[tilespmem:$0x1C100] =	vst v63  }
0xb8: {  	_ = 	snop  }
0xb9: {  	[tilespmem:s26], [sflag:$0x1] =	stream.indirect_vreg.gather [hbm4b:s8+s2], $0x80, v3, vm0, $0xb8;
	[tilespmem:$0x1C100] =	vst v63  }
0xba: {  	_ = 	snop  }
0xbb: {  	[tilespmem:s28], [sflag:$0x1] =	stream.indirect_vreg.gather [hbm4b:s9+s2], $0x80, v3, vm0, $0xb8;
	[tilespmem:$0x1C100] =	vst v63  }
0xbc: {  	_ =	swait.ge [sflag:s29], $0x6000  }
0xbd: {  	[sflag:s29] =	ssyncset.done $0x0  }
0xbe: {  	s17 =	simm.s32 $0x0;
	[sflag:s29] =	ssyncadd.s32 $0xFFFFA000  }
0xbf: {  	s1 =	smul.u32 $0x1800, s17;
	_ =	swait.ge [sflag:s29], $0x6000  }
0xc0: {  	s13 =	sand.u32 $0x380, s2;
	[sflag:s29] =	ssyncset.done $0x0  }
0xc1: {  	s16 =	sor.u32 s13, s1;
	[sflag:s29] =	ssyncadd.s32 $0xFFFFA000  }
0xc2: {  	v4 =	vld [tilespmem:s16+$0x110]  }
0xc3: {  	v3 =	vld [tilespmem:s16+$0xC110]  }
0xc4: {  	v6 =	vld [tilespmem:s16+$0x120]  }
0xc5: {  	v5 =	vld [tilespmem:s16+$0xC120]  }
0xc6: {  	v10 =	vld [tilespmem:s16+$0x130]  }
0xc7: {  	v9 =	vld [tilespmem:s16+$0xC130]  }
0xc8: {  	v12 =	vld [tilespmem:s16+$0x140]  }
0xc9: {  	v11 =	vld [tilespmem:s16+$0xC140]  }
0xca: {  	v13 =	vld [tilespmem:s16+$0x160]  }
0xcb: {  	v14 =	vld [tilespmem:s16+$0x170]  }
0xcc: {  	v15 =	vld [tilespmem:s16+$0x500]  }
0xcd: {  	v16 =	vld [tilespmem:s16+$0x510]  }
0xce: {  	v17 =	vld [tilespmem:s16+$0x520]  }
0xcf: {  	v18 =	vld [tilespmem:s16+$0x530]  }
0xd0: {  	v19 =	vld [tilespmem:s16+$0x540]  }
0xd1: {  	v20 =	vld [tilespmem:s16+$0x550]  }
0xd2: {  	v21 =	vld [tilespmem:s16+$0x560]  }
0xd3: {  	v22 =	vld [tilespmem:s16+$0x570]  }
0xd4: {  	v23 =	vld [tilespmem:s16+$0x900]  }
0xd5: {  	v24 =	vld [tilespmem:s16+$0x910]  }
0xd6: {  	v25 =	vld [tilespmem:s16+$0x920]  }
0xd7: {  	v26 =	vld [tilespmem:s16+$0x930]  }
0xd8: {  	v27 =	vld [tilespmem:s16+$0x940]  }
0xd9: {  	v28 =	vld [tilespmem:s16+$0x950]  }
0xda: {  	v29 =	vld [tilespmem:s16+$0x960]  }
0xdb: {  	v30 =	vld [tilespmem:s16+$0x970]  }
0xdc: {  	v31 =	vld [tilespmem:s16+$0xD00]  }
0xdd: {  	v32 =	vld [tilespmem:s16+$0xD10]  }
0xde: {  	v33 =	vld [tilespmem:s16+$0xD20]  }
0xdf: {  	v34 =	vld [tilespmem:s16+$0xD30]  }
0xe0: {  	v35 =	vld [tilespmem:s16+$0xD40]  }
0xe1: {  	v36 =	vld [tilespmem:s16+$0xD50]  }
0xe2: {  	v37 =	vld [tilespmem:s16+$0xD60]  }
0xe3: {  	v38 =	vld [tilespmem:s16+$0xD70]  }
0xe4: {  	v39 =	vld [tilespmem:s16+$0x1100]  }
0xe5: {  	v40 =	vld [tilespmem:s16+$0x1110]  }
0xe6: {  	v41 =	vld [tilespmem:s16+$0x1120]  }
0xe7: {  	v42 =	vld [tilespmem:s16+$0x1130]  }
0xe8: {  	v43 =	vld [tilespmem:s16+$0x1140]  }
0xe9: {  	v44 =	vld [tilespmem:s16+$0x1150]  }
0xea: {  	v45 =	vld [tilespmem:s16+$0x1160]  }
0xeb: {  	v46 =	vld [tilespmem:s16+$0x1500]  }
0xec: {  	v47 =	vld [tilespmem:s16+$0x1510]  }
0xed: {  	v48 =	vld [tilespmem:s16+$0xD510]  }
0xee: {  	v49 =	vld [tilespmem:s16+$0xD530]  }
0xef: {  	v50 =	vld [tilespmem:s16+$0x1530]  }
0xf0: {  	v51 =	vld [tilespmem:s16+$0x1520]  }
0xf1: {  	v7 =	vld [tilespmem:s31+$0x0]  }
0xf2: {  	v8 =	vld [tilespmem:s0+$0x0]  }
0xf3: {  	v52 =	vld [tilespmem:s16+$0xD520]  }
0xf4: {  	v53 =	vld [tilespmem:s16+$0xD500]  }
0xf5: {  	v54 =	vld [tilespmem:s16+$0x1170]  }
0xf6: {  	v55 =	vld [tilespmem:s16+$0xD170];
	v50 =	vmul.f32 v50, v7  }
0xf7: {  	v56 =	vld [tilespmem:s16+$0xD160];
	v49 =	vmul.f32 v49, v8;
	v51 =	vmul.f32 v51, v7  }
0xf8: {  	v57 =	vld [tilespmem:s16+$0xD150];
	v52 =	vmul.f32 v52, v8;
	v47 =	vmul.f32 v47, v7  }
0xf9: {  	v61 =	vld [tilespmem:s16+$0xD100];
	v48 =	vmul.f32 v48, v8;
	v46 =	vmul.f32 v46, v7  }
0xfa: {  	v58 =	vld [tilespmem:s16+$0xD140];
	v62 =	vmul.f32 v53, v8;
	v63 =	vmul.f32 v54, v7;
	v49 =	vadd.f32 v49, v50  }
0xfb: {  	v53 =	vld [tilespmem:s16+$0xD130];
	v59 =	vmul.f32 v55, v8;
	v45 =	vmul.f32 v45, v7;
	v51 =	vadd.f32 v52, v51  }
0xfc: {  	v60 =	vmul.f32 v56, v8;
	v44 =	vmul.f32 v44, v7;
	v56 =	vld [tilespmem:s16+$0xCD60];
	v47 =	vadd.f32 v48, v47;
	[tilespmem:s16+$0x1530] =	vst v49  }
0xfd: {  	v43 =	vmul.f32 v43, v7;
	v39 =	vmul.f32 v39, v7;
	v55 =	vld [tilespmem:s16+$0xC970];
	v46 =	vadd.f32 v62, v46;
	[tilespmem:s16+$0x1520] =	vst v51  }
0xfe: {  	v61 =	vmul.f32 v61, v8;
	v12 =	vmul.f32 v12, v7;
	v48 =	vld [tilespmem:s16+$0xD120];
	v52 =	vadd.f32 v59, v63;
	[tilespmem:s16+$0x1510] =	vst v47  }
0xff: {  	v11 =	vmul.f32 v11, v8;
	v63 =	vmul.f32 v58, v8;
	v45 =	vadd.f32 v60, v45;
	v58 =	vld [tilespmem:s16+$0xCD50];
	[tilespmem:s16+$0x1500] =	vst v46  }
0x100: {  	v42 =	vmul.f32 v42, v7;
	v62 =	vmul.f32 v57, v8;
	v59 =	vld [tilespmem:s16+$0xCD40];
	v39 =	vadd.f32 v61, v39;
	[tilespmem:s16+$0x1170] =	vst v52  }
0x101: {  	v41 =	vmul.f32 v41, v7;
	v40 =	vmul.f32 v40, v7;
	v60 =	vld [tilespmem:s16+$0xCD30];
	v11 =	vadd.f32 v11, v12;
	[tilespmem:s16+$0x1160] =	vst v45  }
0x102: {  	v38 =	vmul.f32 v38, v7;
	v61 =	vld [tilespmem:s16+$0xC910];
	v44 =	vadd.f32 v62, v44;
	[tilespmem:s16+$0x1100] =	vst v39;
	v57 =	vmul.f32 v53, v8  }
0x103: {  	v37 =	vmul.f32 v37, v7;
	v49 =	vld [tilespmem:s16+$0xD110];
	v43 =	vadd.f32 v63, v43;
	[tilespmem:s16+$0x140] =	vst v11;
	v46 =	vmul.f32 v56, v8  }
0x104: {  	v36 =	vmul.f32 v36, v7;
	v47 =	vld [tilespmem:s16+$0xCD70];
	[tilespmem:s16+$0x1150] =	vst v44;
	v48 =	vmul.f32 v48, v8;
	v42 =	vadd.f32 v57, v42  }
0x105: {  	v35 =	vmul.f32 v35, v7;
	v62 =	vld [tilespmem:s16+$0xCD20];
	[tilespmem:s16+$0x1140] =	vst v43;
	v54 =	vmul.f32 v58, v8;
	v37 =	vadd.f32 v46, v37  }
0x106: {  	v34 =	vmul.f32 v34, v7;
	v63 =	vld [tilespmem:s16+$0xCD10];
	v45 =	vmul.f32 v59, v8;
	v41 =	vadd.f32 v48, v41;
	[tilespmem:s16+$0x1130] =	vst v42  }
0x107: {  	v33 =	vmul.f32 v33, v7;
	v56 =	vld [tilespmem:s16+$0xC960];
	v44 =	vmul.f32 v60, v8;
	v36 =	vadd.f32 v54, v36;
	[tilespmem:s16+$0xD60] =	vst v37  }
0x108: {  	v32 =	vmul.f32 v32, v7;
	v53 =	vld [tilespmem:s16+$0xCD00];
	v49 =	vmul.f32 v49, v8;
	v35 =	vadd.f32 v45, v35;
	[tilespmem:s16+$0x1120] =	vst v41  }
0x109: {  	v6 =	vmul.f32 v6, v7;
	v12 =	vld [tilespmem:s16+$0x1560];
	v47 =	vmul.f32 v47, v8;
	v34 =	vadd.f32 v44, v34;
	[tilespmem:s16+$0xD50] =	vst v36  }
0x10a: {  	v5 =	vmul.f32 v5, v8;
	v58 =	vld [tilespmem:s16+$0xC940];
	v43 =	vmul.f32 v62, v8;
	v40 =	vadd.f32 v49, v40;
	[tilespmem:s16+$0xD40] =	vst v35  }
0x10b: {  	v29 =	vmul.f32 v29, v7;
	v59 =	vld [tilespmem:s16+$0xC930];
	v42 =	vmul.f32 v63, v8;
	v38 =	vadd.f32 v47, v38;
	[tilespmem:s16+$0xD30] =	vst v34  }
0x10c: {  	v5 =	vadd.f32 v5, v6;
	v6 =	vld [tilespmem:s16+$0x100];
	v39 =	vmul.f32 v56, v8;
	v33 =	vadd.f32 v43, v33;
	[tilespmem:s16+$0x1110] =	vst v40  }
0x10d: {  	v31 =	vmul.f32 v31, v7;
	v60 =	vld [tilespmem:s16+$0xC920];
	v41 =	vmul.f32 v53, v8;
	v32 =	vadd.f32 v42, v32;
	[tilespmem:s16+$0xD70] =	vst v38  }
0x10e: {  	v24 =	vmul.f32 v24, v7;
	v57 =	vld [tilespmem:s16+$0xC950];
	v34 =	vmul.f32 v61, v8;
	v29 =	vadd.f32 v39, v29;
	[tilespmem:s16+$0xD20] =	vst v33  }
0x10f: {  	v27 =	vmul.f32 v27, v7;
	v62 =	vld [tilespmem:s16+$0xC900];
	v37 =	vmul.f32 v58, v8;
	v31 =	vadd.f32 v41, v31;
	[tilespmem:s16+$0xD10] =	vst v32  }
0x110: {  	v26 =	vmul.f32 v26, v7;
	v63 =	vld [tilespmem:s16+$0xC570];
	v36 =	vmul.f32 v59, v8;
	v24 =	vadd.f32 v34, v24;
	[tilespmem:s16+$0x960] =	vst v29  }
0x111: {  	v30 =	vmul.f32 v30, v7;
	v40 =	vmul.f32 v55, v8;
	v27 =	vadd.f32 v37, v27;
	v29 =	vld [tilespmem:s16+$0xC540];
	[tilespmem:s16+$0xD00] =	vst v31  }
0x112: {  	v25 =	vmul.f32 v25, v7;
	v35 =	vmul.f32 v60, v8;
	v26 =	vadd.f32 v36, v26;
	v31 =	vld [tilespmem:s16+$0xC560];
	[tilespmem:s16+$0x910] =	vst v24  }
0x113: {  	v28 =	vmul.f32 v28, v7;
	v38 =	vmul.f32 v57, v8;
	v30 =	vadd.f32 v40, v30;
	v24 =	vld [tilespmem:s16+$0xC170];
	[tilespmem:s16+$0x940] =	vst v27  }
0x114: {  	v23 =	vmul.f32 v23, v7;
	v33 =	vmul.f32 v62, v8;
	v25 =	vadd.f32 v35, v25;
	v27 =	vld [tilespmem:s16+$0xC520];
	[tilespmem:s16+$0x930] =	vst v26  }
0x115: {  	v22 =	vmul.f32 v22, v7;
	v32 =	vmul.f32 v63, v8;
	v28 =	vadd.f32 v38, v28;
	[tilespmem:s16+$0x970] =	vst v30;
	v30 =	vld [tilespmem:s16+$0xC550]  }
0x116: {  	v19 =	vmul.f32 v19, v7;
	v23 =	vadd.f32 v33, v23;
	[tilespmem:s16+$0x920] =	vst v25;
	v25 =	vld [tilespmem:s16+$0xC500];
	v29 =	vmul.f32 v29, v8  }
0x117: {  	v21 =	vmul.f32 v21, v7;
	v22 =	vadd.f32 v32, v22;
	[tilespmem:s16+$0x950] =	vst v28;
	v28 =	vld [tilespmem:s16+$0xC530];
	v31 =	vmul.f32 v31, v8  }
0x118: {  	v14 =	vmul.f32 v14, v7;
	[tilespmem:s16+$0x900] =	vst v23;
	v23 =	vld [tilespmem:s16+$0xC160];
	v24 =	vmul.f32 v24, v8;
	v19 =	vadd.f32 v29, v19  }
0x119: {  	v17 =	vmul.f32 v17, v7;
	v26 =	vld [tilespmem:s16+$0xC510];
	[tilespmem:s16+$0x570] =	vst v22;
	v27 =	vmul.f32 v27, v8;
	v21 =	vadd.f32 v31, v21  }
0x11a: {  	v20 =	vmul.f32 v20, v7;
	v22 =	vld [tilespmem:s16+$0x150];
	v30 =	vmul.f32 v30, v8;
	v14 =	vadd.f32 v24, v14;
	[tilespmem:s16+$0x540] =	vst v19  }
0x11b: {  	v15 =	vmul.f32 v15, v7;
	v25 =	vmul.f32 v25, v8;
	v17 =	vadd.f32 v27, v17;
	v19 =	vld [tilespmem:s16+$0xD550];
	[tilespmem:s16+$0x560] =	vst v21  }
0x11c: {  	v18 =	vmul.f32 v18, v7;
	v28 =	vmul.f32 v28, v8;
	v20 =	vadd.f32 v30, v20;
	v21 =	vld [tilespmem:s16+$0xC150];
	[tilespmem:s16+$0x170] =	vst v14  }
0x11d: {  	v13 =	vmul.f32 v13, v7;
	v23 =	vmul.f32 v23, v8;
	v15 =	vadd.f32 v25, v15;
	[tilespmem:s16+$0x520] =	vst v17;
	v17 =	vld [tilespmem:s16+$0x1540]  }
0x11e: {  	v16 =	vmul.f32 v16, v7;
	v26 =	vmul.f32 v26, v8;
	v18 =	vadd.f32 v28, v18;
	[tilespmem:s16+$0x550] =	vst v20;
	v20 =	vld [tilespmem:s16+$0xD540]  }
0x11f: {  	v10 =	vmul.f32 v10, v7;
	v9 =	vmul.f32 v9, v8;
	v13 =	vadd.f32 v23, v13;
	[tilespmem:s16+$0x500] =	vst v15;
	v15 =	vld [tilespmem:s16+$0x1550]  }
0x120: {  	v4 =	vmul.f32 v4, v7;
	v3 =	vmul.f32 v3, v8;
	v16 =	vadd.f32 v26, v16;
	[tilespmem:s16+$0x530] =	vst v18;
	v18 =	vld [tilespmem:s16+$0xD560]  }
0x121: {  	v9 =	vadd.f32 v9, v10;
	v10 =	vmul.f32 v22, v7;
	v14 =	vld [tilespmem:s16+$0x1570];
	[tilespmem:s16+$0x160] =	vst v13;
	v13 =	vmul.f32 v21, v8  }
0x122: {  	v3 =	vadd.f32 v3, v4;
	[tilespmem:s16+$0x510] =	vst v16;
	v16 =	vld [tilespmem:s16+$0xD570]  }
0x123: {  	s18 =	simm.s32 $0x0;
	[tilespmem:s16+$0x130] =	vst v9;
	v9 =	vld [tilespmem:s16+$0xC100];
	v11 =	vmul.f32 v17, v7;
	v17 =	vmul.f32 v20, v8;
	v4 =	vadd.f32 v13, v10  }
0x124: {  	s1 =	smul.u32 $0x1800, s18;
	s13 =	simm.s32 $0x80;
	[tilespmem:s16+$0x120] =	vst v5;
	v5 =	vmul.f32 v15, v7;
	v10 =	vmul.f32 v19, v8  }
0x125: {  	s17 =	sand.u32 $0x380, s13;
	v11 =	vadd.f32 v17, v11;
	[tilespmem:s16+$0x150] =	vst v4;
	v4 =	vmul.f32 v12, v7;
	v12 =	vmul.f32 v18, v8  }
0x126: {  	s1 =	sor.u32 s17, s1;
	[tilespmem:s16+$0x110] =	vst v3;
	v5 =	vadd.f32 v10, v5  }
0x127: {  	v3 =	vld [tilespmem:s1+$0x110];
	v10 =	vmul.f32 v14, v7;
	[tilespmem:s16+$0x1540] =	vst v11;
	v11 =	vmul.f32 v16, v8;
	v12 =	vadd.f32 v12, v4  }
0x128: {  	v7 =	vmul.f32 v6, v7;
	v8 =	vmul.f32 v9, v8;
	v4 =	vld [tilespmem:s1+$0xC110];
	[tilespmem:s16+$0x1550] =	vst v5  }
0x129: {  	v9 =	vadd.f32 v11, v10;
	v6 =	vld [tilespmem:s1+$0x120];
	[tilespmem:s16+$0x1560] =	vst v12  }
0x12a: {  	v7 =	vadd.f32 v8, v7;
	v5 =	vld [tilespmem:s1+$0xC120]  }
0x12b: {  	v8 =	vld [tilespmem:s1+$0x130];
	[tilespmem:s16+$0x1570] =	vst v9  }
0x12c: {  	v18 =	vld [tilespmem:s1+$0x530];
	[tilespmem:s16+$0x100] =	vst v7  }
0x12d: {  	v7 =	vld [tilespmem:s1+$0xC130]  }
0x12e: {  	v10 =	vld [tilespmem:s1+$0x140]  }
0x12f: {  	v9 =	vld [tilespmem:s1+$0xC140]  }
0x130: {  	v12 =	vld [tilespmem:s1+$0x150]  }
0x131: {  	v11 =	vld [tilespmem:s1+$0xC150]  }
0x132: {  	v13 =	vld [tilespmem:s1+$0x160]  }
0x133: {  	v14 =	vld [tilespmem:s1+$0x170]  }
0x134: {  	v15 =	vld [tilespmem:s1+$0x500]  }
0x135: {  	v16 =	vld [tilespmem:s1+$0x510]  }
0x136: {  	v17 =	vld [tilespmem:s1+$0x520]  }
0x137: {  	v19 =	vld [tilespmem:s1+$0x540]  }
0x138: {  	v20 =	vld [tilespmem:s1+$0x550]  }
0x139: {  	v21 =	vld [tilespmem:s1+$0x560]  }
0x13a: {  	v22 =	vld [tilespmem:s1+$0x570]  }
0x13b: {  	v23 =	vld [tilespmem:s1+$0x900]  }
0x13c: {  	v24 =	vld [tilespmem:s1+$0x910]  }
0x13d: {  	v25 =	vld [tilespmem:s1+$0x920]  }
0x13e: {  	v26 =	vld [tilespmem:s1+$0x930]  }
0x13f: {  	v27 =	vld [tilespmem:s1+$0x940]  }
0x140: {  	v28 =	vld [tilespmem:s1+$0x950]  }
0x141: {  	v29 =	vld [tilespmem:s1+$0x960]  }
0x142: {  	v30 =	vld [tilespmem:s1+$0x970]  }
0x143: {  	v31 =	vld [tilespmem:s1+$0xD00]  }
0x144: {  	v34 =	vld [tilespmem:s1+$0xD10]  }
0x145: {  	v35 =	vld [tilespmem:s1+$0xD20]  }
0x146: {  	v36 =	vld [tilespmem:s1+$0xD30]  }
0x147: {  	v37 =	vld [tilespmem:s1+$0xD40]  }
0x148: {  	v38 =	vld [tilespmem:s1+$0xD50]  }
0x149: {  	v39 =	vld [tilespmem:s1+$0xD60]  }
0x14a: {  	v40 =	vld [tilespmem:s1+$0xD70]  }
0x14b: {  	v41 =	vld [tilespmem:s1+$0x1100]  }
0x14c: {  	v42 =	vld [tilespmem:s1+$0x1110]  }
0x14d: {  	v43 =	vld [tilespmem:s1+$0x1120]  }
0x14e: {  	v44 =	vld [tilespmem:s1+$0x1130]  }
0x14f: {  	v45 =	vld [tilespmem:s1+$0x1140]  }
0x150: {  	v46 =	vld [tilespmem:s1+$0x1150]  }
0x151: {  	v47 =	vld [tilespmem:s1+$0x1160]  }
0x152: {  	v48 =	vld [tilespmem:s1+$0x1500]  }
0x153: {  	v50 =	vld [tilespmem:s1+$0x1510]  }
0x154: {  	v49 =	vld [tilespmem:s1+$0xD510]  }
0x155: {  	s16 =	simm.s32 $0x2;
	v51 =	vld [tilespmem:s1+$0xD530]  }
.LBB2_2:
0x156: {  	p0 =	sne.s32 s16, $0x1F;
	v52 =	vld [tilespmem:s1+$0x1530]  }
0x157: {  	s31 =	sadd.s32 $0x80, s31;
	v53 =	vld [tilespmem:s1+$0x1520]  }
0x158: {  	s0 =	sadd.s32 $0x80, s0;
	v33 =	vld [tilespmem:s31+$0x0]  }
0x159: {  	v32 =	vld [tilespmem:s0+$0x0]  }
0x15a: {  	v54 =	vld [tilespmem:s1+$0xD520]  }
0x15b: {  	v55 =	vld [tilespmem:s1+$0xD500]  }
0x15c: {  	v56 =	vld [tilespmem:s1+$0x1170]  }
0x15d: {  	v57 =	vld [tilespmem:s1+$0xD170];
	v50 =	vmul.f32 v50, v33;
	v53 =	vmul.f32 v53, v33  }
0x15e: {  	v52 =	vmul.f32 v52, v33;
	v58 =	vld [tilespmem:s1+$0xD160];
	v51 =	vmul.f32 v51, v32  }
0x15f: {  	v49 =	vmul.f32 v49, v32;
	v59 =	vld [tilespmem:s1+$0xD150];
	v54 =	vmul.f32 v54, v32  }
0x160: {  	v48 =	vmul.f32 v48, v33;
	v60 =	vld [tilespmem:s1+$0xD140];
	v55 =	vmul.f32 v55, v32;
	v51 =	vadd.f32 v51, v52  }
0x161: {  	v49 =	vadd.f32 v49, v50;
	v52 =	vld [tilespmem:s1+$0xD130];
	v56 =	vmul.f32 v56, v33;
	v50 =	vadd.f32 v54, v53  }
0x162: {  	v47 =	vmul.f32 v47, v33;
	v53 =	vld [tilespmem:s1+$0xD120];
	v54 =	vmul.f32 v57, v32;
	v48 =	vadd.f32 v55, v48;
	[tilespmem:s1+$0x1530] =	vst v51  }
0x163: {  	v46 =	vmul.f32 v46, v33;
	v51 =	vld [tilespmem:s1+$0xD110];
	v55 =	vmul.f32 v58, v32;
	[tilespmem:s1+$0x1520] =	vst v50  }
0x164: {  	v45 =	vmul.f32 v45, v33;
	v50 =	vld [tilespmem:s1+$0xD100];
	v57 =	vmul.f32 v59, v32;
	v54 =	vadd.f32 v54, v56;
	[tilespmem:s1+$0x1510] =	vst v49  }
0x165: {  	v44 =	vmul.f32 v44, v33;
	v49 =	vld [tilespmem:s1+$0xCD70];
	v56 =	vmul.f32 v60, v32;
	v47 =	vadd.f32 v55, v47;
	[tilespmem:s1+$0x1500] =	vst v48  }
0x166: {  	v43 =	vmul.f32 v43, v33;
	v48 =	vld [tilespmem:s1+$0xCD60];
	v52 =	vmul.f32 v52, v32;
	v46 =	vadd.f32 v57, v46;
	[tilespmem:s1+$0x1170] =	vst v54  }
0x167: {  	v42 =	vmul.f32 v42, v33;
	v54 =	vld [tilespmem:s1+$0xCD50];
	v53 =	vmul.f32 v53, v32;
	v45 =	vadd.f32 v56, v45;
	[tilespmem:s1+$0x1160] =	vst v47  }
0x168: {  	v41 =	vmul.f32 v41, v33;
	v47 =	vld [tilespmem:s1+$0xCD40];
	v51 =	vmul.f32 v51, v32;
	v44 =	vadd.f32 v52, v44;
	[tilespmem:s1+$0x1150] =	vst v46  }
0x169: {  	v40 =	vmul.f32 v40, v33;
	v46 =	vld [tilespmem:s1+$0xCD30];
	v50 =	vmul.f32 v50, v32;
	v43 =	vadd.f32 v53, v43;
	[tilespmem:s1+$0x1140] =	vst v45  }
0x16a: {  	v39 =	vmul.f32 v39, v33;
	v45 =	vld [tilespmem:s1+$0xCD20];
	v49 =	vmul.f32 v49, v32;
	v42 =	vadd.f32 v51, v42;
	[tilespmem:s1+$0x1130] =	vst v44  }
0x16b: {  	v38 =	vmul.f32 v38, v33;
	v44 =	vld [tilespmem:s1+$0xCD10];
	v48 =	vmul.f32 v48, v32;
	v41 =	vadd.f32 v50, v41;
	[tilespmem:s1+$0x1120] =	vst v43  }
0x16c: {  	v37 =	vmul.f32 v37, v33;
	v43 =	vld [tilespmem:s1+$0xCD00];
	v50 =	vmul.f32 v54, v32;
	v40 =	vadd.f32 v49, v40;
	[tilespmem:s1+$0x1110] =	vst v42  }
0x16d: {  	v36 =	vmul.f32 v36, v33;
	v42 =	vld [tilespmem:s1+$0xC970];
	v47 =	vmul.f32 v47, v32;
	v39 =	vadd.f32 v48, v39;
	[tilespmem:s1+$0x1100] =	vst v41  }
0x16e: {  	v35 =	vmul.f32 v35, v33;
	v41 =	vld [tilespmem:s1+$0xC960];
	v46 =	vmul.f32 v46, v32;
	v38 =	vadd.f32 v50, v38;
	[tilespmem:s1+$0xD70] =	vst v40  }
0x16f: {  	v34 =	vmul.f32 v34, v33;
	v40 =	vld [tilespmem:s1+$0xC950];
	v45 =	vmul.f32 v45, v32;
	v37 =	vadd.f32 v47, v37;
	[tilespmem:s1+$0xD60] =	vst v39  }
0x170: {  	v31 =	vmul.f32 v31, v33;
	v39 =	vld [tilespmem:s1+$0xC940];
	v44 =	vmul.f32 v44, v32;
	v36 =	vadd.f32 v46, v36;
	[tilespmem:s1+$0xD50] =	vst v38  }
0x171: {  	v30 =	vmul.f32 v30, v33;
	v38 =	vld [tilespmem:s1+$0xC930];
	v43 =	vmul.f32 v43, v32;
	v35 =	vadd.f32 v45, v35;
	[tilespmem:s1+$0xD40] =	vst v37  }
0x172: {  	v29 =	vmul.f32 v29, v33;
	v37 =	vld [tilespmem:s1+$0xC920];
	v42 =	vmul.f32 v42, v32;
	v34 =	vadd.f32 v44, v34;
	[tilespmem:s1+$0xD30] =	vst v36  }
0x173: {  	v28 =	vmul.f32 v28, v33;
	v36 =	vld [tilespmem:s1+$0xC910];
	v41 =	vmul.f32 v41, v32;
	v31 =	vadd.f32 v43, v31;
	[tilespmem:s1+$0xD20] =	vst v35  }
0x174: {  	v27 =	vmul.f32 v27, v33;
	v35 =	vld [tilespmem:s1+$0xC900];
	v40 =	vmul.f32 v40, v32;
	v30 =	vadd.f32 v42, v30;
	[tilespmem:s1+$0xD10] =	vst v34  }
0x175: {  	v26 =	vmul.f32 v26, v33;
	v34 =	vld [tilespmem:s1+$0xC570];
	v39 =	vmul.f32 v39, v32;
	v29 =	vadd.f32 v41, v29;
	[tilespmem:s1+$0xD00] =	vst v31  }
0x176: {  	v25 =	vmul.f32 v25, v33;
	v31 =	vld [tilespmem:s1+$0xC560];
	v38 =	vmul.f32 v38, v32;
	v28 =	vadd.f32 v40, v28;
	[tilespmem:s1+$0x970] =	vst v30  }
0x177: {  	v24 =	vmul.f32 v24, v33;
	v30 =	vld [tilespmem:s1+$0xC550];
	v37 =	vmul.f32 v37, v32;
	v27 =	vadd.f32 v39, v27;
	[tilespmem:s1+$0x960] =	vst v29  }
0x178: {  	v23 =	vmul.f32 v23, v33;
	v29 =	vld [tilespmem:s1+$0xC540];
	v36 =	vmul.f32 v36, v32;
	v26 =	vadd.f32 v38, v26;
	[tilespmem:s1+$0x950] =	vst v28  }
0x179: {  	v22 =	vmul.f32 v22, v33;
	v28 =	vld [tilespmem:s1+$0xC530];
	v35 =	vmul.f32 v35, v32;
	v25 =	vadd.f32 v37, v25;
	[tilespmem:s1+$0x940] =	vst v27  }
0x17a: {  	v21 =	vmul.f32 v21, v33;
	v27 =	vld [tilespmem:s1+$0xC520];
	v34 =	vmul.f32 v34, v32;
	v24 =	vadd.f32 v36, v24;
	[tilespmem:s1+$0x930] =	vst v26  }
0x17b: {  	v20 =	vmul.f32 v20, v33;
	v26 =	vld [tilespmem:s1+$0xC510];
	v31 =	vmul.f32 v31, v32;
	v23 =	vadd.f32 v35, v23;
	[tilespmem:s1+$0x920] =	vst v25  }
0x17c: {  	v19 =	vmul.f32 v19, v33;
	v25 =	vld [tilespmem:s1+$0xC500];
	v30 =	vmul.f32 v30, v32;
	v22 =	vadd.f32 v34, v22;
	[tilespmem:s1+$0x910] =	vst v24  }
0x17d: {  	v18 =	vmul.f32 v18, v33;
	v24 =	vld [tilespmem:s1+$0xC170];
	v29 =	vmul.f32 v29, v32;
	v21 =	vadd.f32 v31, v21;
	[tilespmem:s1+$0x900] =	vst v23  }
0x17e: {  	v17 =	vmul.f32 v17, v33;
	v23 =	vld [tilespmem:s1+$0xC160];
	v28 =	vmul.f32 v28, v32;
	v20 =	vadd.f32 v30, v20;
	[tilespmem:s1+$0x570] =	vst v22  }
0x17f: {  	v16 =	vmul.f32 v16, v33;
	v22 =	vmul.f32 v27, v32;
	v19 =	vadd.f32 v29, v19;
	[tilespmem:s1+$0x560] =	vst v21;
	v21 =	vld [tilespmem:s1+$0xD540]  }
0x180: {  	v15 =	vmul.f32 v15, v33;
	v26 =	vmul.f32 v26, v32;
	v18 =	vadd.f32 v28, v18;
	[tilespmem:s1+$0x550] =	vst v20;
	v20 =	vld [tilespmem:s1+$0xD550]  }
0x181: {  	v14 =	vmul.f32 v14, v33;
	v25 =	vmul.f32 v25, v32;
	v17 =	vadd.f32 v22, v17;
	[tilespmem:s1+$0x540] =	vst v19;
	v19 =	vld [tilespmem:s1+$0xD560]  }
0x182: {  	v13 =	vmul.f32 v13, v33;
	v22 =	vmul.f32 v24, v32;
	v16 =	vadd.f32 v26, v16;
	[tilespmem:s1+$0x530] =	vst v18;
	v18 =	vld [tilespmem:s1+$0xD570]  }
0x183: {  	v12 =	vmul.f32 v12, v33;
	v23 =	vmul.f32 v23, v32;
	v15 =	vadd.f32 v25, v15;
	[tilespmem:s1+$0x520] =	vst v17;
	v17 =	vld [tilespmem:s1+$0x1540]  }
0x184: {  	v10 =	vmul.f32 v10, v33;
	v11 =	vmul.f32 v11, v32;
	v14 =	vadd.f32 v22, v14;
	[tilespmem:s1+$0x510] =	vst v16;
	v16 =	vld [tilespmem:s1+$0x1550]  }
0x185: {  	v8 =	vmul.f32 v8, v33;
	v9 =	vmul.f32 v9, v32;
	v13 =	vadd.f32 v23, v13;
	[tilespmem:s1+$0x500] =	vst v15;
	v15 =	vld [tilespmem:s1+$0x1560]  }
0x186: {  	v6 =	vmul.f32 v6, v33;
	v7 =	vmul.f32 v7, v32;
	v11 =	vadd.f32 v11, v12;
	[tilespmem:s1+$0x170] =	vst v14;
	v12 =	vld [tilespmem:s1+$0x1570]  }
0x187: {  	v3 =	vmul.f32 v3, v33;
	v5 =	vmul.f32 v5, v32;
	v9 =	vadd.f32 v9, v10;
	v14 =	vld [tilespmem:s1+$0x100];
	[tilespmem:s1+$0x160] =	vst v13  }
0x188: {  	v4 =	vmul.f32 v4, v32;
	v7 =	vadd.f32 v7, v8;
	v10 =	vld [tilespmem:s1+$0xC100];
	[tilespmem:s1+$0x150] =	vst v11;
	v8 =	vmul.f32 v17, v33  }
0x189: {  	s17 =	sshrl.u32 s16, $0x3;
	v5 =	vadd.f32 v5, v6;
	v6 =	vmul.f32 v21, v32;
	[tilespmem:s1+$0x140] =	vst v9;
	v9 =	vmul.f32 v16, v33  }
0x18a: {  	s13 =	sadd.s32 $0x80, s13;
	s17 =	smul.u32 $0x1800, s17;
	v3 =	vadd.f32 v4, v3;
	v4 =	vmul.f32 v20, v32;
	[tilespmem:s1+$0x130] =	vst v7;
	v7 =	vmul.f32 v15, v33  }
0x18b: {  	s18 =	sand.u32 $0x380, s13;
	[tilespmem:s1+$0x120] =	vst v5;
	v5 =	vadd.f32 v6, v8;
	v6 =	vmul.f32 v19, v32;
	v8 =	vmul.f32 v12, v33  }
0x18c: {  	s17 =	sor.u32 s18, s17;
	v9 =	vadd.f32 v4, v9;
	v12 =	vmul.f32 v18, v32;
	v11 =	vmul.f32 v14, v33;
	[tilespmem:s1+$0x110] =	vst v3  }
0x18d: {  	v3 =	vld [tilespmem:s17+$0x110];
	v10 =	vmul.f32 v10, v32;
	[tilespmem:s1+$0x1540] =	vst v5;
	v5 =	vadd.f32 v6, v7  }
0x18e: {  	v7 =	vadd.f32 v12, v8;
	v4 =	vld [tilespmem:s17+$0xC110];
	[tilespmem:s1+$0x1550] =	vst v9  }
0x18f: {  	v6 =	vld [tilespmem:s17+$0x120];
	v9 =	vadd.f32 v10, v11;
	[tilespmem:s1+$0x1560] =	vst v5  }
0x190: {  	v5 =	vld [tilespmem:s17+$0xC120];
	[tilespmem:s1+$0x1570] =	vst v7  }
0x191: {  	v8 =	vld [tilespmem:s17+$0x130];
	[tilespmem:s1+$0x100] =	vst v9;
	s1 =	smov.u32 s17  }
0x192: {  	v7 =	vld [tilespmem:s1+$0xC130]  }
0x193: {  	v10 =	vld [tilespmem:s1+$0x140]  }
0x194: {  	v9 =	vld [tilespmem:s1+$0xC140]  }
0x195: {  	v12 =	vld [tilespmem:s1+$0x150]  }
0x196: {  	v11 =	vld [tilespmem:s1+$0xC150]  }
0x197: {  	v13 =	vld [tilespmem:s1+$0x160]  }
0x198: {  	v14 =	vld [tilespmem:s1+$0x170]  }
0x199: {  	v15 =	vld [tilespmem:s1+$0x500]  }
0x19a: {  	v16 =	vld [tilespmem:s1+$0x510]  }
0x19b: {  	v17 =	vld [tilespmem:s1+$0x520]  }
0x19c: {  	v18 =	vld [tilespmem:s1+$0x530]  }
0x19d: {  	v19 =	vld [tilespmem:s1+$0x540]  }
0x19e: {  	v20 =	vld [tilespmem:s1+$0x550]  }
0x19f: {  	v21 =	vld [tilespmem:s1+$0x560]  }
0x1a0: {  	v22 =	vld [tilespmem:s1+$0x570]  }
0x1a1: {  	v23 =	vld [tilespmem:s1+$0x900]  }
0x1a2: {  	v24 =	vld [tilespmem:s1+$0x910]  }
0x1a3: {  	v25 =	vld [tilespmem:s1+$0x920]  }
0x1a4: {  	v26 =	vld [tilespmem:s1+$0x930]  }
0x1a5: {  	v27 =	vld [tilespmem:s1+$0x940]  }
0x1a6: {  	v28 =	vld [tilespmem:s1+$0x950]  }
0x1a7: {  	v29 =	vld [tilespmem:s1+$0x960]  }
0x1a8: {  	v30 =	vld [tilespmem:s1+$0x970]  }
0x1a9: {  	v31 =	vld [tilespmem:s1+$0xD00]  }
0x1aa: {  	v34 =	vld [tilespmem:s1+$0xD10]  }
0x1ab: {  	v35 =	vld [tilespmem:s1+$0xD20]  }
0x1ac: {  	v36 =	vld [tilespmem:s1+$0xD30]  }
0x1ad: {  	v37 =	vld [tilespmem:s1+$0xD40]  }
0x1ae: {  	v38 =	vld [tilespmem:s1+$0xD50]  }
0x1af: {  	v39 =	vld [tilespmem:s1+$0xD60]  }
0x1b0: {  	v40 =	vld [tilespmem:s1+$0xD70]  }
0x1b1: {  	v41 =	vld [tilespmem:s1+$0x1100]  }
0x1b2: {  	v42 =	vld [tilespmem:s1+$0x1110]  }
0x1b3: {  	v43 =	vld [tilespmem:s1+$0x1120]  }
0x1b4: {  	v44 =	vld [tilespmem:s1+$0x1130]  }
0x1b5: {  	v45 =	vld [tilespmem:s1+$0x1140]  }
0x1b6: {  	v46 =	vld [tilespmem:s1+$0x1150]  }
.Ltmp0:
0x1b7: {  	v47 =	vld [tilespmem:s1+$0x1160];
	(pc) =	sbr.rel @p0 .LBB2_2-.Ltmp0, $4  }
0x1b8: {  	v48 =	vld [tilespmem:s1+$0x1500]  }
0x1b9: {  	v50 =	vld [tilespmem:s1+$0x1510]  }
0x1ba: {  	v49 =	vld [tilespmem:s1+$0xD510]  }
0x1bb: {  	s16 =	sadd.s32 $0x1, s16;
	v51 =	vld [tilespmem:s1+$0xD530]  }
0x1bc: {  	v52 =	vld [tilespmem:s1+$0x1530]  }
0x1bd: {  	v53 =	vld [tilespmem:s1+$0x1520];
	s13 =	sadd.s32 $0x80, s31  }
0x1be: {  	s0 =	sadd.s32 $0x80, s0;
	v32 =	vld [tilespmem:s13+$0x0]  }
0x1bf: {  	v33 =	vld [tilespmem:s0+$0x0]  }
0x1c0: {  	v54 =	vld [tilespmem:s1+$0xD520]  }
0x1c1: {  	v55 =	vld [tilespmem:s1+$0xD500]  }
0x1c2: {  	v56 =	vld [tilespmem:s1+$0x1170]  }
0x1c3: {  	v57 =	vld [tilespmem:s1+$0xD170]  }
0x1c4: {  	v58 =	vld [tilespmem:s1+$0xD160];
	v52 =	vmul.f32 v52, v32;
	v51 =	vmul.f32 v51, v33  }
0x1c5: {  	v53 =	vmul.f32 v53, v32;
	v54 =	vmul.f32 v54, v33  }
0x1c6: {  	v59 =	vld [tilespmem:s1+$0xD150];
	v50 =	vmul.f32 v50, v32;
	v49 =	vmul.f32 v49, v33  }
0x1c7: {  	v61 =	vld [tilespmem:s1+$0xD120];
	v48 =	vmul.f32 v48, v32;
	v62 =	vmul.f32 v55, v33;
	v51 =	vadd.f32 v51, v52  }
0x1c8: {  	v60 =	vld [tilespmem:s1+$0xD140];
	v63 =	vmul.f32 v56, v32;
	v57 =	vmul.f32 v57, v33;
	v53 =	vadd.f32 v54, v53  }
0x1c9: {  	v47 =	vmul.f32 v47, v32;
	v58 =	vmul.f32 v58, v33;
	v52 =	vld [tilespmem:s1+$0xD130];
	v49 =	vadd.f32 v49, v50;
	[tilespmem:s1+$0x1530] =	vst v51  }
0x1ca: {  	v46 =	vmul.f32 v46, v32;
	v45 =	vmul.f32 v45, v32;
	v50 =	vld [tilespmem:s1+$0xD100];
	v48 =	vadd.f32 v62, v48;
	[tilespmem:s1+$0x1520] =	vst v53  }
0x1cb: {  	v44 =	vmul.f32 v44, v32;
	v62 =	vmul.f32 v59, v33;
	v47 =	vadd.f32 v58, v47;
	v58 =	vld [tilespmem:s1+$0xCD30];
	[tilespmem:s1+$0x1510] =	vst v49  }
0x1cc: {  	v43 =	vmul.f32 v43, v32;
	v59 =	vmul.f32 v61, v33;
	v51 =	vld [tilespmem:s1+$0xD110];
	v53 =	vadd.f32 v57, v63;
	[tilespmem:s1+$0x1500] =	vst v48  }
0x1cd: {  	v42 =	vmul.f32 v42, v32;
	v49 =	vld [tilespmem:s1+$0xCD70];
	v63 =	vmul.f32 v60, v33;
	v46 =	vadd.f32 v62, v46;
	[tilespmem:s1+$0x1160] =	vst v47  }
0x1ce: {  	v41 =	vmul.f32 v41, v32;
	v48 =	vld [tilespmem:s1+$0xCD60];
	v43 =	vadd.f32 v59, v43;
	[tilespmem:s1+$0x1170] =	vst v53;
	v52 =	vmul.f32 v52, v33  }
0x1cf: {  	v40 =	vmul.f32 v40, v32;
	v57 =	vld [tilespmem:s1+$0xCD40];
	v45 =	vadd.f32 v63, v45;
	[tilespmem:s1+$0x1150] =	vst v46;
	v50 =	vmul.f32 v50, v33  }
0x1d0: {  	v36 =	vmul.f32 v36, v32;
	v60 =	vld [tilespmem:s1+$0xCD20];
	[tilespmem:s1+$0x1120] =	vst v43;
	v46 =	vmul.f32 v58, v33;
	v44 =	vadd.f32 v52, v44  }
0x1d1: {  	v39 =	vmul.f32 v39, v32;
	v62 =	vld [tilespmem:s1+$0xCD00];
	[tilespmem:s1+$0x1140] =	vst v45;
	v51 =	vmul.f32 v51, v33;
	v41 =	vadd.f32 v50, v41  }
0x1d2: {  	v38 =	vmul.f32 v38, v32;
	v53 =	vld [tilespmem:s1+$0xCD50];
	v49 =	vmul.f32 v49, v33;
	v36 =	vadd.f32 v46, v36;
	[tilespmem:s1+$0x1130] =	vst v44  }
0x1d3: {  	v37 =	vmul.f32 v37, v32;
	v61 =	vld [tilespmem:s1+$0xCD10];
	v48 =	vmul.f32 v48, v33;
	v42 =	vadd.f32 v51, v42;
	[tilespmem:s1+$0x1100] =	vst v41  }
0x1d4: {  	v35 =	vmul.f32 v35, v32;
	v59 =	vld [tilespmem:s1+$0xC910];
	v47 =	vmul.f32 v57, v33;
	v40 =	vadd.f32 v49, v40;
	[tilespmem:s1+$0xD30] =	vst v36  }
0x1d5: {  	v34 =	vmul.f32 v34, v32;
	v63 =	vld [tilespmem:s1+$0xC970];
	v45 =	vmul.f32 v60, v33;
	v39 =	vadd.f32 v48, v39;
	[tilespmem:s1+$0x1110] =	vst v42  }
0x1d6: {  	v55 =	vld [tilespmem:s1+$0xC950];
	v31 =	vmul.f32 v31, v32;
	v43 =	vmul.f32 v62, v33;
	v37 =	vadd.f32 v47, v37;
	[tilespmem:s1+$0xD70] =	vst v40  }
0x1d7: {  	v30 =	vmul.f32 v30, v32;
	v52 =	vld [tilespmem:s1+$0xC960];
	v54 =	vmul.f32 v53, v33;
	v35 =	vadd.f32 v45, v35;
	[tilespmem:s1+$0xD60] =	vst v39  }
0x1d8: {  	v56 =	vld [tilespmem:s1+$0xC940];
	v29 =	vmul.f32 v29, v32;
	v44 =	vmul.f32 v61, v33;
	v31 =	vadd.f32 v43, v31;
	[tilespmem:s1+$0xD40] =	vst v37  }
0x1d9: {  	v24 =	vmul.f32 v24, v32;
	v58 =	vld [tilespmem:s1+$0xC920];
	v36 =	vmul.f32 v59, v33;
	v38 =	vadd.f32 v54, v38;
	[tilespmem:s1+$0xD20] =	vst v35  }
0x1da: {  	v28 =	vmul.f32 v28, v32;
	v60 =	vld [tilespmem:s1+$0xC900];
	v34 =	vadd.f32 v44, v34;
	v42 =	vmul.f32 v63, v33;
	[tilespmem:s1+$0xD00] =	vst v31  }
0x1db: {  	v27 =	vmul.f32 v27, v32;
	v57 =	vld [tilespmem:s1+$0xC930];
	v40 =	vmul.f32 v55, v33;
	v24 =	vadd.f32 v36, v24;
	[tilespmem:s1+$0xD50] =	vst v38  }
0x1dc: {  	v26 =	vmul.f32 v26, v32;
	v61 =	vld [tilespmem:s1+$0xC570];
	v41 =	vmul.f32 v52, v33;
	[tilespmem:s1+$0xD10] =	vst v34;
	v30 =	vadd.f32 v42, v30  }
0x1dd: {  	v25 =	vmul.f32 v25, v32;
	v39 =	vmul.f32 v56, v33;
	v28 =	vadd.f32 v40, v28;
	[tilespmem:s1+$0x910] =	vst v24  }
0x1de: {  	v23 =	vmul.f32 v23, v32;
	v31 =	vld [tilespmem:s1+$0xC560];
	v37 =	vmul.f32 v58, v33;
	v29 =	vadd.f32 v41, v29;
	[tilespmem:s1+$0x970] =	vst v30  }
0x1df: {  	v22 =	vmul.f32 v22, v32;
	v35 =	vmul.f32 v60, v33;
	v27 =	vadd.f32 v39, v27;
	v30 =	vld [tilespmem:s1+$0xC550];
	[tilespmem:s1+$0x950] =	vst v28  }
0x1e0: {  	v10 =	vmul.f32 v10, v32;
	v38 =	vmul.f32 v57, v33;
	v25 =	vadd.f32 v37, v25;
	[tilespmem:s1+$0x960] =	vst v29;
	v29 =	vld [tilespmem:s1+$0xC540]  }
0x1e1: {  	v9 =	vmul.f32 v9, v33;
	v34 =	vmul.f32 v61, v33;
	v23 =	vadd.f32 v35, v23;
	v28 =	vld [tilespmem:s1+$0xC530];
	[tilespmem:s1+$0x940] =	vst v27  }
0x1e2: {  	v21 =	vmul.f32 v21, v32;
	v26 =	vadd.f32 v38, v26;
	v27 =	vld [tilespmem:s1+$0xC520];
	[tilespmem:s1+$0x920] =	vst v25  }
0x1e3: {  	v9 =	vadd.f32 v9, v10;
	v10 =	vld [tilespmem:s1+$0xC100];
	v24 =	vmul.f32 v31, v33;
	v22 =	vadd.f32 v34, v22;
	[tilespmem:s1+$0x900] =	vst v23  }
0x1e4: {  	v20 =	vmul.f32 v20, v32;
	[tilespmem:s1+$0x930] =	vst v26;
	v26 =	vld [tilespmem:s1+$0xC510];
	v23 =	vmul.f32 v30, v33  }
0x1e5: {  	v19 =	vmul.f32 v19, v32;
	v25 =	vld [tilespmem:s1+$0xC500];
	v21 =	vadd.f32 v24, v21;
	[tilespmem:s1+$0x570] =	vst v22;
	v22 =	vmul.f32 v29, v33  }
0x1e6: {  	v18 =	vmul.f32 v18, v32;
	v31 =	vld [tilespmem:s1+$0xC170];
	v20 =	vadd.f32 v23, v20;
	v23 =	vmul.f32 v28, v33  }
0x1e7: {  	v17 =	vmul.f32 v17, v32;
	v24 =	vld [tilespmem:s1+$0xC160];
	[tilespmem:s1+$0x560] =	vst v21;
	v19 =	vadd.f32 v22, v19;
	v22 =	vmul.f32 v27, v33  }
0x1e8: {  	v12 =	vmul.f32 v12, v32;
	v11 =	vmul.f32 v11, v33;
	v21 =	vld [tilespmem:s1+$0xD540];
	[tilespmem:s1+$0x550] =	vst v20;
	v18 =	vadd.f32 v23, v18  }
0x1e9: {  	v16 =	vmul.f32 v16, v32;
	v20 =	vld [tilespmem:s1+$0xD550];
	v23 =	vmul.f32 v26, v33;
	[tilespmem:s1+$0x540] =	vst v19;
	v17 =	vadd.f32 v22, v17  }
0x1ea: {  	v15 =	vmul.f32 v15, v32;
	v11 =	vadd.f32 v11, v12;
	v19 =	vld [tilespmem:s1+$0xD560];
	[tilespmem:s1+$0x530] =	vst v18;
	v18 =	vmul.f32 v25, v33  }
0x1eb: {  	v14 =	vmul.f32 v14, v32;
	v22 =	vld [tilespmem:s1+$0xD570];
	v16 =	vadd.f32 v23, v16;
	[tilespmem:s1+$0x520] =	vst v17;
	v17 =	vmul.f32 v31, v33  }
0x1ec: {  	[tilespmem:s1+$0x150] =	vst v11;
	v15 =	vadd.f32 v18, v15;
	v18 =	vld [tilespmem:s1+$0x1540]  }
0x1ed: {  	v8 =	vmul.f32 v8, v32;
	v7 =	vmul.f32 v7, v33;
	[tilespmem:s1+$0x510] =	vst v16;
	v16 =	vld [tilespmem:s1+$0x1550];
	v14 =	vadd.f32 v17, v14  }
0x1ee: {  	v6 =	vmul.f32 v6, v32;
	v5 =	vmul.f32 v5, v33;
	[tilespmem:s1+$0x500] =	vst v15;
	v15 =	vld [tilespmem:s1+$0x1560]  }
0x1ef: {  	v3 =	vmul.f32 v3, v32;
	v4 =	vmul.f32 v4, v33;
	v7 =	vadd.f32 v7, v8;
	[tilespmem:s1+$0x170] =	vst v14;
	v14 =	vld [tilespmem:s1+$0x1570]  }
0x1f0: {  	v13 =	vmul.f32 v13, v32;
	v12 =	vld [tilespmem:s1+$0x100];
	v5 =	vadd.f32 v5, v6;
	[tilespmem:s1+$0x140] =	vst v9;
	v23 =	vmul.f32 v24, v33  }
0x1f1: {  	v3 =	vadd.f32 v4, v3;
	[tilespmem:s1+$0x130] =	vst v7;
	v6 =	vmul.f32 v21, v33;
	v8 =	vmul.f32 v18, v32  }
0x1f2: {  	[tilespmem:s1+$0x120] =	vst v5;
	v13 =	vadd.f32 v23, v13;
	v4 =	vmul.f32 v20, v33;
	v9 =	vmul.f32 v16, v32  }
0x1f3: {  	[tilespmem:s1+$0x110] =	vst v3;
	v7 =	vmul.f32 v15, v32;
	v5 =	vadd.f32 v6, v8;
	v6 =	vmul.f32 v19, v33  }
0x1f4: {  	[tilespmem:s1+$0x160] =	vst v13;
	v3 =	vadd.f32 v4, v9;
	v4 =	vmul.f32 v22, v33;
	v8 =	vmul.f32 v14, v32  }
0x1f5: {  	v10 =	vmul.f32 v10, v33;
	v9 =	vmul.f32 v12, v32;
	[tilespmem:s1+$0x1540] =	vst v5;
	v5 =	vadd.f32 v6, v7  }
0x1f6: {  	[tilespmem:s1+$0x1550] =	vst v3;
	v3 =	vadd.f32 v4, v8  }
0x1f7: {  	v4 =	vadd.f32 v10, v9;
	[tilespmem:s1+$0x1560] =	vst v5  }
0x1f8: {  	[tilespmem:s1+$0x1570] =	vst v3  }
0x1f9: {  	[tilespmem:s1+$0x100] =	vst v4  }
0x1fa: {  	[hbm4b:s10+s2] =	stream.linear.scatter [tilespmem:s15], [sflag:$0x2], $0x6000, $0x38;
	[tilespmem:$0x1C100] =	vst v63  }
0x1fb: {  	_ =	swait.ge [sflag:s29], $0x6000  }
0x1fc: {  	[sflag:s29] =	ssyncset.done $0x0  }
0x1fd: {  	s13 =	simm.s32 $0x4;
	[sflag:s29] =	ssyncadd.s32 $0xFFFFA000  }
0x1fe: {  	s16 =	simm.s32 $0x1000;
	s0 =	smul.u32 $0x1800, s13;
	_ =	swait.ge [sflag:s29], $0x6000  }
0x1ff: {  	s1 =	sand.u32 $0x380, s16;
	[sflag:s29] =	ssyncset.done $0x0  }
0x200: {  	s17 =	sor.u32 s1, s0;
	[sflag:s29] =	ssyncadd.s32 $0xFFFFA000  }
0x201: {  	v4 =	vld [tilespmem:s17+$0x110]  }
0x202: {  	v3 =	vld [tilespmem:s17+$0xC110]  }
0x203: {  	v6 =	vld [tilespmem:s17+$0x120]  }
0x204: {  	v5 =	vld [tilespmem:s17+$0xC120]  }
0x205: {  	v10 =	vld [tilespmem:s17+$0x130]  }
0x206: {  	v7 =	vld [tilespmem:s17+$0xC130]  }
0x207: {  	v12 =	vld [tilespmem:s17+$0x140]  }
0x208: {  	v11 =	vld [tilespmem:s17+$0xC140]  }
0x209: {  	v13 =	vld [tilespmem:s17+$0x160]  }
0x20a: {  	v14 =	vld [tilespmem:s17+$0x170]  }
0x20b: {  	v15 =	vld [tilespmem:s17+$0x500]  }
0x20c: {  	v16 =	vld [tilespmem:s17+$0x510]  }
0x20d: {  	v17 =	vld [tilespmem:s17+$0x520]  }
0x20e: {  	v18 =	vld [tilespmem:s17+$0x530]  }
0x20f: {  	v19 =	vld [tilespmem:s17+$0x540]  }
0x210: {  	v20 =	vld [tilespmem:s17+$0x550]  }
0x211: {  	v21 =	vld [tilespmem:s17+$0x560]  }
0x212: {  	v22 =	vld [tilespmem:s17+$0x570]  }
0x213: {  	v23 =	vld [tilespmem:s17+$0x900]  }
0x214: {  	v24 =	vld [tilespmem:s17+$0x910]  }
0x215: {  	v25 =	vld [tilespmem:s17+$0x920]  }
0x216: {  	v26 =	vld [tilespmem:s17+$0x930]  }
0x217: {  	v27 =	vld [tilespmem:s17+$0x940]  }
0x218: {  	v28 =	vld [tilespmem:s17+$0x950]  }
0x219: {  	v29 =	vld [tilespmem:s17+$0x960]  }
0x21a: {  	v30 =	vld [tilespmem:s17+$0x970]  }
0x21b: {  	v31 =	vld [tilespmem:s17+$0xD00]  }
0x21c: {  	v32 =	vld [tilespmem:s17+$0xD10]  }
0x21d: {  	v33 =	vld [tilespmem:s17+$0xD20]  }
0x21e: {  	v34 =	vld [tilespmem:s17+$0xD30]  }
0x21f: {  	v35 =	vld [tilespmem:s17+$0xD40]  }
0x220: {  	v36 =	vld [tilespmem:s17+$0xD50]  }
0x221: {  	v37 =	vld [tilespmem:s17+$0xD60]  }
0x222: {  	v38 =	vld [tilespmem:s17+$0xD70]  }
0x223: {  	v39 =	vld [tilespmem:s17+$0x1100]  }
0x224: {  	v40 =	vld [tilespmem:s17+$0x1110]  }
0x225: {  	v41 =	vld [tilespmem:s17+$0x1120]  }
0x226: {  	v42 =	vld [tilespmem:s17+$0x1130]  }
0x227: {  	v43 =	vld [tilespmem:s17+$0x1140]  }
0x228: {  	v44 =	vld [tilespmem:s17+$0x1150]  }
0x229: {  	v45 =	vld [tilespmem:s17+$0x1160]  }
0x22a: {  	v46 =	vld [tilespmem:s17+$0x1500]  }
0x22b: {  	v47 =	vld [tilespmem:s17+$0x1510]  }
0x22c: {  	v48 =	vld [tilespmem:s17+$0xD510]  }
0x22d: {  	v49 =	vld [tilespmem:s17+$0xD530]  }
0x22e: {  	v50 =	vld [tilespmem:s17+$0x1530]  }
0x22f: {  	s1 =	simm.s32 $0x19100;
	v51 =	vld [tilespmem:s17+$0x1520]  }
0x230: {  	s31 =	simm.s32 $0x1B100;
	v8 =	vld [tilespmem:s1+$0x0]  }
0x231: {  	v9 =	vld [tilespmem:s31+$0x0]  }
0x232: {  	v52 =	vld [tilespmem:s17+$0xD520]  }
0x233: {  	v62 =	vld [tilespmem:s17+$0xD500]  }
0x234: {  	v63 =	vld [tilespmem:s17+$0x1170]  }
0x235: {  	v60 =	vld [tilespmem:s17+$0xD170];
	v50 =	vmul.f32 v50, v8  }
0x236: {  	v61 =	vld [tilespmem:s17+$0xD160];
	v49 =	vmul.f32 v49, v9;
	v51 =	vmul.f32 v51, v8  }
0x237: {  	v57 =	vld [tilespmem:s17+$0xD150];
	v52 =	vmul.f32 v52, v9;
	v47 =	vmul.f32 v47, v8  }
0x238: {  	v58 =	vld [tilespmem:s17+$0xD140];
	v48 =	vmul.f32 v48, v9;
	v46 =	vmul.f32 v46, v8;
	v49 =	vadd.f32 v49, v50  }
0x239: {  	v53 =	vld [tilespmem:s17+$0xD130];
	v62 =	vmul.f32 v62, v9;
	v63 =	vmul.f32 v63, v8;
	v51 =	vadd.f32 v52, v51  }
0x23a: {  	v56 =	vld [tilespmem:s17+$0xCD60];
	v59 =	vmul.f32 v60, v9;
	v45 =	vmul.f32 v45, v8;
	v47 =	vadd.f32 v48, v47;
	[tilespmem:s17+$0x1530] =	vst v49  }
0x23b: {  	v55 =	vld [tilespmem:s17+$0xC970];
	v60 =	vmul.f32 v61, v9;
	v44 =	vmul.f32 v44, v8;
	v46 =	vadd.f32 v62, v46;
	[tilespmem:s17+$0x1520] =	vst v51  }
0x23c: {  	v61 =	vld [tilespmem:s17+$0xD100];
	v12 =	vmul.f32 v12, v8;
	v11 =	vmul.f32 v11, v9;
	v52 =	vadd.f32 v59, v63;
	[tilespmem:s17+$0x1510] =	vst v47  }
0x23d: {  	v10 =	vmul.f32 v10, v8;
	v7 =	vmul.f32 v7, v9;
	v48 =	vld [tilespmem:s17+$0xD120];
	v45 =	vadd.f32 v60, v45;
	[tilespmem:s17+$0x1500] =	vst v46  }
0x23e: {  	v62 =	vmul.f32 v57, v9;
	v63 =	vmul.f32 v58, v9;
	v58 =	vld [tilespmem:s17+$0xCD50];
	v11 =	vadd.f32 v11, v12;
	[tilespmem:s17+$0x1170] =	vst v52  }
0x23f: {  	v43 =	vmul.f32 v43, v8;
	v59 =	vld [tilespmem:s17+$0xCD40];
	v7 =	vadd.f32 v7, v10;
	[tilespmem:s17+$0x1160] =	vst v45  }
0x240: {  	v42 =	vmul.f32 v42, v8;
	v57 =	vmul.f32 v53, v9;
	v60 =	vld [tilespmem:s17+$0xCD30];
	v44 =	vadd.f32 v62, v44;
	[tilespmem:s17+$0x140] =	vst v11  }
0x241: {  	v37 =	vmul.f32 v37, v8;
	v53 =	vld [tilespmem:s17+$0xCD00];
	v43 =	vadd.f32 v63, v43;
	v46 =	vmul.f32 v56, v9;
	[tilespmem:s17+$0x130] =	vst v7  }
0x242: {  	v39 =	vmul.f32 v39, v8;
	v49 =	vld [tilespmem:s17+$0xD110];
	v42 =	vadd.f32 v57, v42;
	v61 =	vmul.f32 v61, v9;
	[tilespmem:s17+$0x1150] =	vst v44  }
0x243: {  	v41 =	vmul.f32 v41, v8;
	v47 =	vld [tilespmem:s17+$0xCD70];
	[tilespmem:s17+$0x1140] =	vst v43;
	v37 =	vadd.f32 v46, v37;
	v48 =	vmul.f32 v48, v9  }
0x244: {  	v36 =	vmul.f32 v36, v8;
	v62 =	vld [tilespmem:s17+$0xCD20];
	[tilespmem:s17+$0x1130] =	vst v42;
	v39 =	vadd.f32 v61, v39;
	v54 =	vmul.f32 v58, v9  }
0x245: {  	v35 =	vmul.f32 v35, v8;
	v63 =	vld [tilespmem:s17+$0xCD10];
	v45 =	vmul.f32 v59, v9;
	[tilespmem:s17+$0xD60] =	vst v37;
	v41 =	vadd.f32 v48, v41  }
0x246: {  	v34 =	vmul.f32 v34, v8;
	v56 =	vld [tilespmem:s17+$0xC960];
	v44 =	vmul.f32 v60, v9;
	[tilespmem:s17+$0x1100] =	vst v39;
	v36 =	vadd.f32 v54, v36  }
0x247: {  	v40 =	vmul.f32 v40, v8;
	v12 =	vld [tilespmem:s17+$0x1560];
	v49 =	vmul.f32 v49, v9;
	v35 =	vadd.f32 v45, v35;
	[tilespmem:s17+$0x1120] =	vst v41  }
0x248: {  	v38 =	vmul.f32 v38, v8;
	v58 =	vld [tilespmem:s17+$0xC940];
	v47 =	vmul.f32 v47, v9;
	v34 =	vadd.f32 v44, v34;
	[tilespmem:s17+$0xD50] =	vst v36  }
0x249: {  	v33 =	vmul.f32 v33, v8;
	v59 =	vld [tilespmem:s17+$0xC930];
	v43 =	vmul.f32 v62, v9;
	v40 =	vadd.f32 v49, v40;
	[tilespmem:s17+$0xD40] =	vst v35  }
0x24a: {  	v32 =	vmul.f32 v32, v8;
	v57 =	vld [tilespmem:s17+$0xC950];
	v42 =	vmul.f32 v63, v9;
	v38 =	vadd.f32 v47, v38;
	[tilespmem:s17+$0xD30] =	vst v34  }
0x24b: {  	v29 =	vmul.f32 v29, v8;
	v60 =	vld [tilespmem:s17+$0xC920];
	v39 =	vmul.f32 v56, v9;
	v33 =	vadd.f32 v43, v33;
	[tilespmem:s17+$0x1110] =	vst v40  }
0x24c: {  	v31 =	vmul.f32 v31, v8;
	v61 =	vld [tilespmem:s17+$0xC910];
	v41 =	vmul.f32 v53, v9;
	v32 =	vadd.f32 v42, v32;
	[tilespmem:s17+$0xD70] =	vst v38  }
0x24d: {  	v27 =	vmul.f32 v27, v8;
	v62 =	vld [tilespmem:s17+$0xC900];
	v29 =	vadd.f32 v39, v29;
	v37 =	vmul.f32 v58, v9;
	[tilespmem:s17+$0xD20] =	vst v33  }
0x24e: {  	v26 =	vmul.f32 v26, v8;
	v63 =	vld [tilespmem:s17+$0xC570];
	v36 =	vmul.f32 v59, v9;
	v31 =	vadd.f32 v41, v31;
	[tilespmem:s17+$0xD10] =	vst v32  }
0x24f: {  	v30 =	vmul.f32 v30, v8;
	v40 =	vmul.f32 v55, v9;
	[tilespmem:s17+$0x960] =	vst v29;
	v29 =	vld [tilespmem:s17+$0xC540];
	v27 =	vadd.f32 v37, v27  }
0x250: {  	v25 =	vmul.f32 v25, v8;
	v35 =	vmul.f32 v60, v9;
	v26 =	vadd.f32 v36, v26;
	[tilespmem:s17+$0xD00] =	vst v31;
	v31 =	vld [tilespmem:s17+$0xC560]  }
0x251: {  	v28 =	vmul.f32 v28, v8;
	v38 =	vmul.f32 v57, v9;
	v30 =	vadd.f32 v40, v30;
	[tilespmem:s17+$0x940] =	vst v27;
	v27 =	vld [tilespmem:s17+$0xC520]  }
0x252: {  	v23 =	vmul.f32 v23, v8;
	v33 =	vmul.f32 v62, v9;
	v25 =	vadd.f32 v35, v25;
	[tilespmem:s17+$0x930] =	vst v26;
	v26 =	vld [tilespmem:s17+$0xC510]  }
0x253: {  	v24 =	vmul.f32 v24, v8;
	v34 =	vmul.f32 v61, v9;
	v28 =	vadd.f32 v38, v28;
	[tilespmem:s17+$0x970] =	vst v30;
	v30 =	vld [tilespmem:s17+$0xC550]  }
0x254: {  	v22 =	vmul.f32 v22, v8;
	v32 =	vmul.f32 v63, v9;
	v23 =	vadd.f32 v33, v23;
	[tilespmem:s17+$0x920] =	vst v25;
	v25 =	vld [tilespmem:s17+$0xC500]  }
0x255: {  	v19 =	vmul.f32 v19, v8;
	v24 =	vadd.f32 v34, v24;
	[tilespmem:s17+$0x950] =	vst v28;
	v28 =	vld [tilespmem:s17+$0xC530];
	v29 =	vmul.f32 v29, v9  }
0x256: {  	v21 =	vmul.f32 v21, v8;
	v22 =	vadd.f32 v32, v22;
	[tilespmem:s17+$0x900] =	vst v23;
	v23 =	vld [tilespmem:s17+$0xC160];
	v31 =	vmul.f32 v31, v9  }
0x257: {  	v17 =	vmul.f32 v17, v8;
	[tilespmem:s17+$0x910] =	vst v24;
	v24 =	vld [tilespmem:s17+$0xC170];
	v19 =	vadd.f32 v29, v19;
	v27 =	vmul.f32 v27, v9  }
0x258: {  	v20 =	vmul.f32 v20, v8;
	[tilespmem:s17+$0x570] =	vst v22;
	v22 =	vld [tilespmem:s17+$0x150];
	v30 =	vmul.f32 v30, v9;
	v21 =	vadd.f32 v31, v21  }
0x259: {  	v15 =	vmul.f32 v15, v8;
	v25 =	vmul.f32 v25, v9;
	[tilespmem:s17+$0x540] =	vst v19;
	v19 =	vld [tilespmem:s17+$0xD550];
	v17 =	vadd.f32 v27, v17  }
0x25a: {  	v18 =	vmul.f32 v18, v8;
	v28 =	vmul.f32 v28, v9;
	v20 =	vadd.f32 v30, v20;
	[tilespmem:s17+$0x560] =	vst v21;
	v21 =	vld [tilespmem:s17+$0xC150]  }
0x25b: {  	v13 =	vmul.f32 v13, v8;
	v23 =	vmul.f32 v23, v9;
	v15 =	vadd.f32 v25, v15;
	[tilespmem:s17+$0x520] =	vst v17;
	v17 =	vld [tilespmem:s17+$0x1540]  }
0x25c: {  	v6 =	vmul.f32 v6, v8;
	v5 =	vmul.f32 v5, v9;
	v18 =	vadd.f32 v28, v18;
	[tilespmem:s17+$0x550] =	vst v20;
	v20 =	vld [tilespmem:s17+$0xD540]  }
0x25d: {  	v14 =	vmul.f32 v14, v8;
	v24 =	vmul.f32 v24, v9;
	v13 =	vadd.f32 v23, v13;
	[tilespmem:s17+$0x500] =	vst v15;
	v15 =	vld [tilespmem:s17+$0x1550]  }
0x25e: {  	v4 =	vmul.f32 v4, v8;
	v3 =	vmul.f32 v3, v9;
	v5 =	vadd.f32 v5, v6;
	[tilespmem:s17+$0x530] =	vst v18;
	v18 =	vld [tilespmem:s17+$0xD560]  }
0x25f: {  	v6 =	vld [tilespmem:s17+$0x100];
	v14 =	vadd.f32 v24, v14;
	v10 =	vmul.f32 v22, v8;
	[tilespmem:s17+$0x160] =	vst v13;
	v13 =	vmul.f32 v21, v9  }
0x260: {  	s18 =	simm.s32 $0x4;
	v16 =	vmul.f32 v16, v8;
	v3 =	vadd.f32 v3, v4;
	v7 =	vld [tilespmem:s17+$0xC100];
	[tilespmem:s17+$0x120] =	vst v5;
	v26 =	vmul.f32 v26, v9  }
0x261: {  	s16 =	simm.s32 $0x1080;
	s0 =	smul.u32 $0x1800, s18;
	[tilespmem:s17+$0x170] =	vst v14;
	v14 =	vld [tilespmem:s17+$0x1570];
	v11 =	vmul.f32 v17, v8;
	v17 =	vmul.f32 v20, v9;
	v4 =	vadd.f32 v13, v10  }
0x262: {  	s16 =	sand.u32 $0x380, s16;
	[tilespmem:s17+$0x110] =	vst v3;
	v16 =	vadd.f32 v26, v16;
	v5 =	vmul.f32 v15, v8;
	v10 =	vmul.f32 v19, v9  }
0x263: {  	s0 =	sor.u32 s16, s0;
	v11 =	vadd.f32 v17, v11;
	[tilespmem:s17+$0x150] =	vst v4;
	v4 =	vmul.f32 v12, v8;
	v12 =	vmul.f32 v18, v9  }
0x264: {  	v3 =	vld [tilespmem:s0+$0x110];
	[tilespmem:s17+$0x510] =	vst v16;
	v5 =	vadd.f32 v10, v5  }
0x265: {  	v7 =	vmul.f32 v7, v9;
	v16 =	vld [tilespmem:s17+$0xD570];
	[tilespmem:s17+$0x1540] =	vst v11;
	v12 =	vadd.f32 v12, v4  }
0x266: {  	v10 =	vmul.f32 v14, v8;
	v8 =	vmul.f32 v6, v8;
	v4 =	vld [tilespmem:s0+$0xC110];
	[tilespmem:s17+$0x1550] =	vst v5  }
0x267: {  	v6 =	vld [tilespmem:s0+$0x120];
	[tilespmem:s17+$0x1560] =	vst v12  }
0x268: {  	v7 =	vadd.f32 v7, v8;
	v5 =	vld [tilespmem:s0+$0xC120]  }
0x269: {  	v8 =	vld [tilespmem:s0+$0x130]  }
0x26a: {  	[tilespmem:s17+$0x100] =	vst v7;
	v18 =	vld [tilespmem:s0+$0x530]  }
0x26b: {  	v11 =	vmul.f32 v16, v9;
	v26 =	vld [tilespmem:s0+$0x930]  }
0x26c: {  	v36 =	vld [tilespmem:s0+$0xD30]  }
0x26d: {  	v9 =	vadd.f32 v11, v10;
	v44 =	vld [tilespmem:s0+$0x1130]  }
0x26e: {  	v48 =	vld [tilespmem:s0+$0x1500]  }
0x26f: {  	[tilespmem:s17+$0x1570] =	vst v9;
	v50 =	vld [tilespmem:s0+$0x1510]  }
0x270: {  	v7 =	vld [tilespmem:s0+$0xC130]  }
0x271: {  	v10 =	vld [tilespmem:s0+$0x140]  }
0x272: {  	v9 =	vld [tilespmem:s0+$0xC140]  }
0x273: {  	v12 =	vld [tilespmem:s0+$0x150]  }
0x274: {  	v11 =	vld [tilespmem:s0+$0xC150]  }
0x275: {  	v13 =	vld [tilespmem:s0+$0x160]  }
0x276: {  	v14 =	vld [tilespmem:s0+$0x170]  }
0x277: {  	v15 =	vld [tilespmem:s0+$0x500]  }
0x278: {  	v16 =	vld [tilespmem:s0+$0x510]  }
0x279: {  	v17 =	vld [tilespmem:s0+$0x520]  }
0x27a: {  	v19 =	vld [tilespmem:s0+$0x540]  }
0x27b: {  	v20 =	vld [tilespmem:s0+$0x550]  }
0x27c: {  	v21 =	vld [tilespmem:s0+$0x560]  }
0x27d: {  	v22 =	vld [tilespmem:s0+$0x570]  }
0x27e: {  	v23 =	vld [tilespmem:s0+$0x900]  }
0x27f: {  	v24 =	vld [tilespmem:s0+$0x910]  }
0x280: {  	v25 =	vld [tilespmem:s0+$0x920]  }
0x281: {  	v27 =	vld [tilespmem:s0+$0x940]  }
0x282: {  	v28 =	vld [tilespmem:s0+$0x950]  }
0x283: {  	v29 =	vld [tilespmem:s0+$0x960]  }
0x284: {  	v30 =	vld [tilespmem:s0+$0x970]  }
0x285: {  	v31 =	vld [tilespmem:s0+$0xD00]  }
0x286: {  	v34 =	vld [tilespmem:s0+$0xD10]  }
0x287: {  	v35 =	vld [tilespmem:s0+$0xD20]  }
0x288: {  	v37 =	vld [tilespmem:s0+$0xD40]  }
0x289: {  	v38 =	vld [tilespmem:s0+$0xD50]  }
0x28a: {  	v39 =	vld [tilespmem:s0+$0xD60]  }
0x28b: {  	v40 =	vld [tilespmem:s0+$0xD70]  }
0x28c: {  	v41 =	vld [tilespmem:s0+$0x1100]  }
0x28d: {  	v42 =	vld [tilespmem:s0+$0x1110]  }
0x28e: {  	v43 =	vld [tilespmem:s0+$0x1120]  }
0x28f: {  	v45 =	vld [tilespmem:s0+$0x1140]  }
0x290: {  	v46 =	vld [tilespmem:s0+$0x1150]  }
0x291: {  	v47 =	vld [tilespmem:s0+$0x1160]  }
0x292: {  	v49 =	vld [tilespmem:s0+$0xD510]  }
0x293: {  	s13 =	simm.s32 $0x21;
	s16 =	simm.s32 $0x1100;
	v51 =	vld [tilespmem:s0+$0xD530]  }
.LBB2_4:
0x294: {  	p0 =	sne.s32 s16, $0x1F80;
	v52 =	vld [tilespmem:s0+$0x1530]  }
0x295: {  	s1 =	sadd.s32 $0x80, s1;
	v53 =	vld [tilespmem:s0+$0x1520]  }
0x296: {  	s31 =	sadd.s32 $0x80, s31;
	v33 =	vld [tilespmem:s1+$0x0]  }
0x297: {  	v32 =	vld [tilespmem:s31+$0x0]  }
0x298: {  	v54 =	vld [tilespmem:s0+$0xD520]  }
0x299: {  	v55 =	vld [tilespmem:s0+$0xD500]  }
0x29a: {  	v56 =	vld [tilespmem:s0+$0x1170]  }
0x29b: {  	v57 =	vld [tilespmem:s0+$0xD170];
	v50 =	vmul.f32 v50, v33;
	v53 =	vmul.f32 v53, v33  }
0x29c: {  	v52 =	vmul.f32 v52, v33;
	v58 =	vld [tilespmem:s0+$0xD160];
	v51 =	vmul.f32 v51, v32  }
0x29d: {  	v49 =	vmul.f32 v49, v32;
	v59 =	vld [tilespmem:s0+$0xD150];
	v54 =	vmul.f32 v54, v32  }
0x29e: {  	v48 =	vmul.f32 v48, v33;
	v60 =	vld [tilespmem:s0+$0xD140];
	v55 =	vmul.f32 v55, v32;
	v51 =	vadd.f32 v51, v52  }
0x29f: {  	v49 =	vadd.f32 v49, v50;
	v52 =	vld [tilespmem:s0+$0xD130];
	v56 =	vmul.f32 v56, v33;
	v50 =	vadd.f32 v54, v53  }
0x2a0: {  	v47 =	vmul.f32 v47, v33;
	v53 =	vld [tilespmem:s0+$0xD120];
	v54 =	vmul.f32 v57, v32;
	v48 =	vadd.f32 v55, v48;
	[tilespmem:s0+$0x1530] =	vst v51  }
0x2a1: {  	v46 =	vmul.f32 v46, v33;
	v51 =	vld [tilespmem:s0+$0xD110];
	v55 =	vmul.f32 v58, v32;
	[tilespmem:s0+$0x1520] =	vst v50  }
0x2a2: {  	v45 =	vmul.f32 v45, v33;
	v50 =	vld [tilespmem:s0+$0xD100];
	v57 =	vmul.f32 v59, v32;
	v54 =	vadd.f32 v54, v56;
	[tilespmem:s0+$0x1510] =	vst v49  }
0x2a3: {  	v44 =	vmul.f32 v44, v33;
	v49 =	vld [tilespmem:s0+$0xCD70];
	v56 =	vmul.f32 v60, v32;
	v47 =	vadd.f32 v55, v47;
	[tilespmem:s0+$0x1500] =	vst v48  }
0x2a4: {  	v43 =	vmul.f32 v43, v33;
	v48 =	vld [tilespmem:s0+$0xCD60];
	v52 =	vmul.f32 v52, v32;
	v46 =	vadd.f32 v57, v46;
	[tilespmem:s0+$0x1170] =	vst v54  }
0x2a5: {  	v42 =	vmul.f32 v42, v33;
	v54 =	vld [tilespmem:s0+$0xCD50];
	v53 =	vmul.f32 v53, v32;
	v45 =	vadd.f32 v56, v45;
	[tilespmem:s0+$0x1160] =	vst v47  }
0x2a6: {  	v41 =	vmul.f32 v41, v33;
	v47 =	vld [tilespmem:s0+$0xCD40];
	v51 =	vmul.f32 v51, v32;
	v44 =	vadd.f32 v52, v44;
	[tilespmem:s0+$0x1150] =	vst v46  }
0x2a7: {  	v40 =	vmul.f32 v40, v33;
	v46 =	vld [tilespmem:s0+$0xCD30];
	v50 =	vmul.f32 v50, v32;
	v43 =	vadd.f32 v53, v43;
	[tilespmem:s0+$0x1140] =	vst v45  }
0x2a8: {  	v39 =	vmul.f32 v39, v33;
	v45 =	vld [tilespmem:s0+$0xCD20];
	v49 =	vmul.f32 v49, v32;
	v42 =	vadd.f32 v51, v42;
	[tilespmem:s0+$0x1130] =	vst v44  }
0x2a9: {  	v38 =	vmul.f32 v38, v33;
	v44 =	vld [tilespmem:s0+$0xCD10];
	v48 =	vmul.f32 v48, v32;
	v41 =	vadd.f32 v50, v41;
	[tilespmem:s0+$0x1120] =	vst v43  }
0x2aa: {  	v37 =	vmul.f32 v37, v33;
	v43 =	vld [tilespmem:s0+$0xCD00];
	v50 =	vmul.f32 v54, v32;
	v40 =	vadd.f32 v49, v40;
	[tilespmem:s0+$0x1110] =	vst v42  }
0x2ab: {  	v36 =	vmul.f32 v36, v33;
	v42 =	vld [tilespmem:s0+$0xC970];
	v47 =	vmul.f32 v47, v32;
	v39 =	vadd.f32 v48, v39;
	[tilespmem:s0+$0x1100] =	vst v41  }
0x2ac: {  	v35 =	vmul.f32 v35, v33;
	v41 =	vld [tilespmem:s0+$0xC960];
	v46 =	vmul.f32 v46, v32;
	v38 =	vadd.f32 v50, v38;
	[tilespmem:s0+$0xD70] =	vst v40  }
0x2ad: {  	v34 =	vmul.f32 v34, v33;
	v40 =	vld [tilespmem:s0+$0xC950];
	v45 =	vmul.f32 v45, v32;
	v37 =	vadd.f32 v47, v37;
	[tilespmem:s0+$0xD60] =	vst v39  }
0x2ae: {  	v31 =	vmul.f32 v31, v33;
	v39 =	vld [tilespmem:s0+$0xC940];
	v44 =	vmul.f32 v44, v32;
	v36 =	vadd.f32 v46, v36;
	[tilespmem:s0+$0xD50] =	vst v38  }
0x2af: {  	v30 =	vmul.f32 v30, v33;
	v38 =	vld [tilespmem:s0+$0xC930];
	v43 =	vmul.f32 v43, v32;
	v35 =	vadd.f32 v45, v35;
	[tilespmem:s0+$0xD40] =	vst v37  }
0x2b0: {  	v29 =	vmul.f32 v29, v33;
	v37 =	vld [tilespmem:s0+$0xC920];
	v42 =	vmul.f32 v42, v32;
	v34 =	vadd.f32 v44, v34;
	[tilespmem:s0+$0xD30] =	vst v36  }
0x2b1: {  	v28 =	vmul.f32 v28, v33;
	v36 =	vld [tilespmem:s0+$0xC910];
	v41 =	vmul.f32 v41, v32;
	v31 =	vadd.f32 v43, v31;
	[tilespmem:s0+$0xD20] =	vst v35  }
0x2b2: {  	v27 =	vmul.f32 v27, v33;
	v35 =	vld [tilespmem:s0+$0xC900];
	v40 =	vmul.f32 v40, v32;
	v30 =	vadd.f32 v42, v30;
	[tilespmem:s0+$0xD10] =	vst v34  }
0x2b3: {  	v26 =	vmul.f32 v26, v33;
	v34 =	vld [tilespmem:s0+$0xC570];
	v39 =	vmul.f32 v39, v32;
	v29 =	vadd.f32 v41, v29;
	[tilespmem:s0+$0xD00] =	vst v31  }
0x2b4: {  	v25 =	vmul.f32 v25, v33;
	v31 =	vld [tilespmem:s0+$0xC560];
	v38 =	vmul.f32 v38, v32;
	v28 =	vadd.f32 v40, v28;
	[tilespmem:s0+$0x970] =	vst v30  }
0x2b5: {  	v24 =	vmul.f32 v24, v33;
	v30 =	vld [tilespmem:s0+$0xC550];
	v37 =	vmul.f32 v37, v32;
	v27 =	vadd.f32 v39, v27;
	[tilespmem:s0+$0x960] =	vst v29  }
0x2b6: {  	v23 =	vmul.f32 v23, v33;
	v29 =	vld [tilespmem:s0+$0xC540];
	v36 =	vmul.f32 v36, v32;
	v26 =	vadd.f32 v38, v26;
	[tilespmem:s0+$0x950] =	vst v28  }
0x2b7: {  	v22 =	vmul.f32 v22, v33;
	v28 =	vld [tilespmem:s0+$0xC530];
	v35 =	vmul.f32 v35, v32;
	v25 =	vadd.f32 v37, v25;
	[tilespmem:s0+$0x940] =	vst v27  }
0x2b8: {  	v21 =	vmul.f32 v21, v33;
	v27 =	vld [tilespmem:s0+$0xC520];
	v34 =	vmul.f32 v34, v32;
	v24 =	vadd.f32 v36, v24;
	[tilespmem:s0+$0x930] =	vst v26  }
0x2b9: {  	v20 =	vmul.f32 v20, v33;
	v26 =	vld [tilespmem:s0+$0xC510];
	v31 =	vmul.f32 v31, v32;
	v23 =	vadd.f32 v35, v23;
	[tilespmem:s0+$0x920] =	vst v25  }
0x2ba: {  	v19 =	vmul.f32 v19, v33;
	v25 =	vld [tilespmem:s0+$0xC500];
	v30 =	vmul.f32 v30, v32;
	v22 =	vadd.f32 v34, v22;
	[tilespmem:s0+$0x910] =	vst v24  }
0x2bb: {  	v18 =	vmul.f32 v18, v33;
	v24 =	vld [tilespmem:s0+$0xC170];
	v29 =	vmul.f32 v29, v32;
	v21 =	vadd.f32 v31, v21;
	[tilespmem:s0+$0x900] =	vst v23  }
0x2bc: {  	v17 =	vmul.f32 v17, v33;
	v23 =	vld [tilespmem:s0+$0xC160];
	v28 =	vmul.f32 v28, v32;
	v20 =	vadd.f32 v30, v20;
	[tilespmem:s0+$0x570] =	vst v22  }
0x2bd: {  	v16 =	vmul.f32 v16, v33;
	v22 =	vmul.f32 v27, v32;
	v19 =	vadd.f32 v29, v19;
	[tilespmem:s0+$0x560] =	vst v21;
	v21 =	vld [tilespmem:s0+$0xD540]  }
0x2be: {  	v15 =	vmul.f32 v15, v33;
	v26 =	vmul.f32 v26, v32;
	v18 =	vadd.f32 v28, v18;
	[tilespmem:s0+$0x550] =	vst v20;
	v20 =	vld [tilespmem:s0+$0xD550]  }
0x2bf: {  	v14 =	vmul.f32 v14, v33;
	v25 =	vmul.f32 v25, v32;
	v17 =	vadd.f32 v22, v17;
	[tilespmem:s0+$0x540] =	vst v19;
	v19 =	vld [tilespmem:s0+$0xD560]  }
0x2c0: {  	v13 =	vmul.f32 v13, v33;
	v22 =	vmul.f32 v24, v32;
	v16 =	vadd.f32 v26, v16;
	[tilespmem:s0+$0x530] =	vst v18;
	v18 =	vld [tilespmem:s0+$0xD570]  }
0x2c1: {  	v12 =	vmul.f32 v12, v33;
	v23 =	vmul.f32 v23, v32;
	v15 =	vadd.f32 v25, v15;
	[tilespmem:s0+$0x520] =	vst v17;
	v17 =	vld [tilespmem:s0+$0x1540]  }
0x2c2: {  	v10 =	vmul.f32 v10, v33;
	v11 =	vmul.f32 v11, v32;
	v14 =	vadd.f32 v22, v14;
	[tilespmem:s0+$0x510] =	vst v16;
	v16 =	vld [tilespmem:s0+$0x1550]  }
0x2c3: {  	v8 =	vmul.f32 v8, v33;
	v9 =	vmul.f32 v9, v32;
	v13 =	vadd.f32 v23, v13;
	[tilespmem:s0+$0x500] =	vst v15;
	v15 =	vld [tilespmem:s0+$0x1560]  }
0x2c4: {  	v6 =	vmul.f32 v6, v33;
	v7 =	vmul.f32 v7, v32;
	v11 =	vadd.f32 v11, v12;
	[tilespmem:s0+$0x170] =	vst v14;
	v12 =	vld [tilespmem:s0+$0x1570]  }
0x2c5: {  	v3 =	vmul.f32 v3, v33;
	v5 =	vmul.f32 v5, v32;
	v9 =	vadd.f32 v9, v10;
	v14 =	vld [tilespmem:s0+$0x100];
	[tilespmem:s0+$0x160] =	vst v13  }
0x2c6: {  	s13 =	sadd.s32 $0x1, s13;
	v4 =	vmul.f32 v4, v32;
	v7 =	vadd.f32 v7, v8;
	v10 =	vld [tilespmem:s0+$0xC100];
	[tilespmem:s0+$0x150] =	vst v11;
	v8 =	vmul.f32 v17, v33  }
0x2c7: {  	s17 =	sshrl.u32 s13, $0x3;
	v5 =	vadd.f32 v5, v6;
	v6 =	vmul.f32 v21, v32;
	[tilespmem:s0+$0x140] =	vst v9;
	v9 =	vmul.f32 v16, v33  }
0x2c8: {  	s17 =	smul.u32 $0x1800, s17;
	v3 =	vadd.f32 v4, v3;
	v4 =	vmul.f32 v20, v32;
	[tilespmem:s0+$0x130] =	vst v7;
	v7 =	vmul.f32 v15, v33  }
0x2c9: {  	s18 =	sand.u32 $0x380, s16;
	[tilespmem:s0+$0x120] =	vst v5;
	v5 =	vadd.f32 v6, v8;
	v6 =	vmul.f32 v19, v32;
	v8 =	vmul.f32 v12, v33  }
0x2ca: {  	s17 =	sor.u32 s18, s17;
	v9 =	vadd.f32 v4, v9;
	v12 =	vmul.f32 v18, v32;
	v11 =	vmul.f32 v14, v33;
	[tilespmem:s0+$0x110] =	vst v3  }
0x2cb: {  	v3 =	vld [tilespmem:s17+$0x110];
	v10 =	vmul.f32 v10, v32;
	[tilespmem:s0+$0x1540] =	vst v5;
	v5 =	vadd.f32 v6, v7  }
0x2cc: {  	v7 =	vadd.f32 v12, v8;
	v4 =	vld [tilespmem:s17+$0xC110];
	[tilespmem:s0+$0x1550] =	vst v9  }
0x2cd: {  	v6 =	vld [tilespmem:s17+$0x120];
	v9 =	vadd.f32 v10, v11;
	[tilespmem:s0+$0x1560] =	vst v5  }
0x2ce: {  	v5 =	vld [tilespmem:s17+$0xC120];
	[tilespmem:s0+$0x1570] =	vst v7  }
0x2cf: {  	v8 =	vld [tilespmem:s17+$0x130];
	[tilespmem:s0+$0x100] =	vst v9;
	s0 =	smov.u32 s17  }
0x2d0: {  	v7 =	vld [tilespmem:s0+$0xC130]  }
0x2d1: {  	v10 =	vld [tilespmem:s0+$0x140]  }
0x2d2: {  	v9 =	vld [tilespmem:s0+$0xC140]  }
0x2d3: {  	v12 =	vld [tilespmem:s0+$0x150]  }
0x2d4: {  	v11 =	vld [tilespmem:s0+$0xC150]  }
0x2d5: {  	v13 =	vld [tilespmem:s0+$0x160]  }
0x2d6: {  	v14 =	vld [tilespmem:s0+$0x170]  }
0x2d7: {  	v15 =	vld [tilespmem:s0+$0x500]  }
0x2d8: {  	v16 =	vld [tilespmem:s0+$0x510]  }
0x2d9: {  	v17 =	vld [tilespmem:s0+$0x520]  }
0x2da: {  	v18 =	vld [tilespmem:s0+$0x530]  }
0x2db: {  	v19 =	vld [tilespmem:s0+$0x540]  }
0x2dc: {  	v20 =	vld [tilespmem:s0+$0x550]  }
0x2dd: {  	v21 =	vld [tilespmem:s0+$0x560]  }
0x2de: {  	v22 =	vld [tilespmem:s0+$0x570]  }
0x2df: {  	v23 =	vld [tilespmem:s0+$0x900]  }
0x2e0: {  	v24 =	vld [tilespmem:s0+$0x910]  }
0x2e1: {  	v25 =	vld [tilespmem:s0+$0x920]  }
0x2e2: {  	v26 =	vld [tilespmem:s0+$0x930]  }
0x2e3: {  	v27 =	vld [tilespmem:s0+$0x940]  }
0x2e4: {  	v28 =	vld [tilespmem:s0+$0x950]  }
0x2e5: {  	v29 =	vld [tilespmem:s0+$0x960]  }
0x2e6: {  	v30 =	vld [tilespmem:s0+$0x970]  }
0x2e7: {  	v31 =	vld [tilespmem:s0+$0xD00]  }
0x2e8: {  	v34 =	vld [tilespmem:s0+$0xD10]  }
0x2e9: {  	v35 =	vld [tilespmem:s0+$0xD20]  }
0x2ea: {  	v36 =	vld [tilespmem:s0+$0xD30]  }
0x2eb: {  	v37 =	vld [tilespmem:s0+$0xD40]  }
0x2ec: {  	v38 =	vld [tilespmem:s0+$0xD50]  }
0x2ed: {  	v39 =	vld [tilespmem:s0+$0xD60]  }
0x2ee: {  	v40 =	vld [tilespmem:s0+$0xD70]  }
0x2ef: {  	v41 =	vld [tilespmem:s0+$0x1100]  }
0x2f0: {  	v42 =	vld [tilespmem:s0+$0x1110]  }
0x2f1: {  	v43 =	vld [tilespmem:s0+$0x1120]  }
0x2f2: {  	v44 =	vld [tilespmem:s0+$0x1130]  }
0x2f3: {  	v45 =	vld [tilespmem:s0+$0x1140]  }
0x2f4: {  	v46 =	vld [tilespmem:s0+$0x1150]  }
.Ltmp1:
0x2f5: {  	v47 =	vld [tilespmem:s0+$0x1160];
	(pc) =	sbr.rel @p0 .LBB2_4-.Ltmp1, $4  }
0x2f6: {  	v48 =	vld [tilespmem:s0+$0x1500]  }
0x2f7: {  	v50 =	vld [tilespmem:s0+$0x1510]  }
0x2f8: {  	v49 =	vld [tilespmem:s0+$0xD510]  }
0x2f9: {  	s16 =	sadd.s32 $0x80, s16;
	v51 =	vld [tilespmem:s0+$0xD530]  }
0x2fa: {  	v52 =	vld [tilespmem:s0+$0x1530]  }
0x2fb: {  	v53 =	vld [tilespmem:s0+$0x1520];
	s1 =	sadd.s32 $0x80, s1  }
0x2fc: {  	s31 =	sadd.s32 $0x80, s31;
	v32 =	vld [tilespmem:s1+$0x0]  }
0x2fd: {  	v33 =	vld [tilespmem:s31+$0x0]  }
0x2fe: {  	v54 =	vld [tilespmem:s0+$0xD520];
	_ =	sdelay $0x1  }
0x2ff: {  	v55 =	vld [tilespmem:s0+$0xD500]  }
0x300: {  	v56 =	vld [tilespmem:s0+$0x1170]  }
0x301: {  	v58 =	vld [tilespmem:s0+$0xD160];
	v52 =	vmul.f32 v52, v32;
	v51 =	vmul.f32 v51, v33  }
0x302: {  	v57 =	vld [tilespmem:s0+$0xD170];
	v53 =	vmul.f32 v53, v32;
	v54 =	vmul.f32 v54, v33  }
0x303: {  	v59 =	vld [tilespmem:s0+$0xD150];
	v50 =	vmul.f32 v50, v32;
	v49 =	vmul.f32 v49, v33  }
0x304: {  	v60 =	vld [tilespmem:s0+$0xD140];
	v48 =	vmul.f32 v48, v32;
	v62 =	vmul.f32 v55, v33;
	v51 =	vadd.f32 v51, v52  }
0x305: {  	v61 =	vld [tilespmem:s0+$0xD120];
	v63 =	vmul.f32 v56, v32;
	v47 =	vmul.f32 v47, v32;
	v53 =	vadd.f32 v54, v53  }
0x306: {  	v58 =	vmul.f32 v58, v33;
	v55 =	vld [tilespmem:s0+$0xC560];
	v12 =	vmul.f32 v12, v32;
	v49 =	vadd.f32 v49, v50;
	[tilespmem:s0+$0x1530] =	vst v51  }
0x307: {  	v56 =	vld [tilespmem:s0+$0xC550];
	v11 =	vmul.f32 v11, v33;
	v10 =	vmul.f32 v10, v32;
	v48 =	vadd.f32 v62, v48;
	[tilespmem:s0+$0x1520] =	vst v53  }
0x308: {  	v9 =	vmul.f32 v9, v33;
	v8 =	vmul.f32 v8, v32;
	v52 =	vld [tilespmem:s0+$0xD130];
	v47 =	vadd.f32 v58, v47;
	[tilespmem:s0+$0x1510] =	vst v49  }
0x309: {  	v7 =	vmul.f32 v7, v33;
	v6 =	vmul.f32 v6, v32;
	v50 =	vld [tilespmem:s0+$0xD100];
	v11 =	vadd.f32 v11, v12;
	[tilespmem:s0+$0x1500] =	vst v48  }
0x30a: {  	v5 =	vmul.f32 v5, v33;
	v3 =	vmul.f32 v3, v32;
	v58 =	vld [tilespmem:s0+$0xCD20];
	v9 =	vadd.f32 v9, v10;
	[tilespmem:s0+$0x1160] =	vst v47  }
0x30b: {  	v4 =	vmul.f32 v4, v33;
	v62 =	vmul.f32 v59, v33;
	v59 =	vld [tilespmem:s0+$0xCD10];
	v7 =	vadd.f32 v7, v8;
	[tilespmem:s0+$0x150] =	vst v11  }
0x30c: {  	v57 =	vmul.f32 v57, v33;
	v54 =	vld [tilespmem:s0+$0xC570];
	v5 =	vadd.f32 v5, v6;
	[tilespmem:s0+$0x140] =	vst v9  }
0x30d: {  	v46 =	vmul.f32 v46, v32;
	v3 =	vadd.f32 v4, v3;
	v51 =	vld [tilespmem:s0+$0xD110];
	[tilespmem:s0+$0x130] =	vst v7  }
0x30e: {  	v45 =	vmul.f32 v45, v32;
	v49 =	vld [tilespmem:s0+$0xCD70];
	v53 =	vadd.f32 v57, v63;
	v63 =	vmul.f32 v60, v33;
	[tilespmem:s0+$0x120] =	vst v5  }
0x30f: {  	v43 =	vmul.f32 v43, v32;
	v48 =	vld [tilespmem:s0+$0xCD60];
	v46 =	vadd.f32 v62, v46;
	v57 =	vmul.f32 v61, v33;
	[tilespmem:s0+$0x110] =	vst v3  }
0x310: {  	v44 =	vmul.f32 v44, v32;
	v47 =	vld [tilespmem:s0+$0xCD40];
	[tilespmem:s0+$0x1170] =	vst v53;
	v45 =	vadd.f32 v63, v45;
	v52 =	vmul.f32 v52, v33  }
0x311: {  	v41 =	vmul.f32 v41, v32;
	v60 =	vld [tilespmem:s0+$0xCD00];
	[tilespmem:s0+$0x1150] =	vst v46;
	v43 =	vadd.f32 v57, v43;
	v50 =	vmul.f32 v50, v33  }
0x312: {  	v35 =	vmul.f32 v35, v32;
	v61 =	vld [tilespmem:s0+$0xC970];
	[tilespmem:s0+$0x1140] =	vst v45;
	v45 =	vmul.f32 v58, v33;
	v44 =	vadd.f32 v52, v44  }
0x313: {  	v42 =	vmul.f32 v42, v32;
	v53 =	vld [tilespmem:s0+$0xCD50];
	[tilespmem:s0+$0x1120] =	vst v43;
	v51 =	vmul.f32 v51, v33;
	v41 =	vadd.f32 v50, v41  }
0x314: {  	v40 =	vmul.f32 v40, v32;
	v46 =	vld [tilespmem:s0+$0xCD30];
	v49 =	vmul.f32 v49, v33;
	v35 =	vadd.f32 v45, v35;
	[tilespmem:s0+$0x1130] =	vst v44  }
0x315: {  	v39 =	vmul.f32 v39, v32;
	v62 =	vld [tilespmem:s0+$0xC960];
	v48 =	vmul.f32 v48, v33;
	v42 =	vadd.f32 v51, v42;
	[tilespmem:s0+$0x1100] =	vst v41  }
0x316: {  	v37 =	vmul.f32 v37, v32;
	v57 =	vld [tilespmem:s0+$0xC540];
	v47 =	vmul.f32 v47, v33;
	v40 =	vadd.f32 v49, v40;
	[tilespmem:s0+$0xD20] =	vst v35  }
0x317: {  	v31 =	vmul.f32 v31, v32;
	v58 =	vld [tilespmem:s0+$0xC530];
	v43 =	vmul.f32 v60, v33;
	v39 =	vadd.f32 v48, v39;
	[tilespmem:s0+$0x1110] =	vst v42  }
0x318: {  	v38 =	vmul.f32 v38, v32;
	v50 =	vld [tilespmem:s0+$0xC930];
	v63 =	vmul.f32 v53, v33;
	v37 =	vadd.f32 v47, v37;
	[tilespmem:s0+$0xD70] =	vst v40  }
0x319: {  	v36 =	vmul.f32 v36, v32;
	v60 =	vld [tilespmem:s0+$0xC510];
	v46 =	vmul.f32 v46, v33;
	v31 =	vadd.f32 v43, v31;
	[tilespmem:s0+$0xD60] =	vst v39  }
0x31a: {  	v34 =	vmul.f32 v34, v32;
	v52 =	vld [tilespmem:s0+$0xC910];
	v44 =	vmul.f32 v59, v33;
	v38 =	vadd.f32 v63, v38;
	[tilespmem:s0+$0xD40] =	vst v37  }
0x31b: {  	v29 =	vmul.f32 v29, v32;
	v45 =	vld [tilespmem:s0+$0x1540];
	v41 =	vmul.f32 v62, v33;
	v36 =	vadd.f32 v46, v36;
	[tilespmem:s0+$0xD00] =	vst v31  }
0x31c: {  	v21 =	vmul.f32 v21, v32;
	v48 =	vld [tilespmem:s0+$0xC950];
	v62 =	vmul.f32 v55, v33;
	v34 =	vadd.f32 v44, v34;
	[tilespmem:s0+$0xD50] =	vst v38  }
0x31d: {  	v30 =	vmul.f32 v30, v32;
	v49 =	vld [tilespmem:s0+$0xC940];
	v42 =	vmul.f32 v61, v33;
	v29 =	vadd.f32 v41, v29;
	[tilespmem:s0+$0xD30] =	vst v36  }
0x31e: {  	v16 =	vmul.f32 v16, v32;
	v51 =	vld [tilespmem:s0+$0xC920];
	v21 =	vadd.f32 v62, v21;
	v41 =	vmul.f32 v60, v33;
	[tilespmem:s0+$0xD10] =	vst v34  }
0x31f: {  	v26 =	vmul.f32 v26, v32;
	v53 =	vld [tilespmem:s0+$0xC900];
	v30 =	vadd.f32 v42, v30;
	[tilespmem:s0+$0x960] =	vst v29;
	v38 =	vmul.f32 v50, v33  }
0x320: {  	v24 =	vmul.f32 v24, v32;
	v59 =	vld [tilespmem:s0+$0xC520];
	v36 =	vmul.f32 v52, v33;
	[tilespmem:s0+$0x560] =	vst v21;
	v16 =	vadd.f32 v41, v16  }
0x321: {  	v22 =	vmul.f32 v22, v32;
	v43 =	vld [tilespmem:s0+$0xD570];
	v34 =	vmul.f32 v54, v33;
	[tilespmem:s0+$0x970] =	vst v30;
	v26 =	vadd.f32 v38, v26  }
0x322: {  	v28 =	vmul.f32 v28, v32;
	v61 =	vld [tilespmem:s0+$0xC500];
	v40 =	vmul.f32 v48, v33;
	v24 =	vadd.f32 v36, v24;
	[tilespmem:s0+$0x510] =	vst v16  }
0x323: {  	v27 =	vmul.f32 v27, v32;
	v63 =	vld [tilespmem:s0+$0xC170];
	v39 =	vmul.f32 v49, v33;
	v22 =	vadd.f32 v34, v22;
	[tilespmem:s0+$0x930] =	vst v26  }
0x324: {  	v25 =	vmul.f32 v25, v32;
	v46 =	vld [tilespmem:s0+$0x1550];
	v37 =	vmul.f32 v51, v33;
	v28 =	vadd.f32 v40, v28;
	[tilespmem:s0+$0x910] =	vst v24  }
0x325: {  	v23 =	vmul.f32 v23, v32;
	v50 =	vld [tilespmem:s0+$0xC100];
	v35 =	vmul.f32 v53, v33;
	v27 =	vadd.f32 v39, v27;
	[tilespmem:s0+$0x570] =	vst v22  }
0x326: {  	v20 =	vmul.f32 v20, v32;
	v48 =	vld [tilespmem:s0+$0x1560];
	v30 =	vmul.f32 v56, v33;
	v25 =	vadd.f32 v37, v25;
	[tilespmem:s0+$0x950] =	vst v28  }
0x327: {  	v19 =	vmul.f32 v19, v32;
	v51 =	vld [tilespmem:s0+$0x100];
	v23 =	vadd.f32 v35, v23;
	v35 =	vmul.f32 v57, v33;
	[tilespmem:s0+$0x940] =	vst v27  }
0x328: {  	v18 =	vmul.f32 v18, v32;
	v34 =	vld [tilespmem:s0+$0xC160];
	v37 =	vmul.f32 v58, v33;
	v20 =	vadd.f32 v30, v20;
	[tilespmem:s0+$0x920] =	vst v25  }
0x329: {  	v17 =	vmul.f32 v17, v32;
	v36 =	vld [tilespmem:s0+$0xD540];
	v39 =	vmul.f32 v59, v33;
	[tilespmem:s0+$0x900] =	vst v23;
	v19 =	vadd.f32 v35, v19  }
0x32a: {  	v15 =	vmul.f32 v15, v32;
	v38 =	vld [tilespmem:s0+$0xD550];
	v42 =	vmul.f32 v61, v33;
	v18 =	vadd.f32 v37, v18;
	[tilespmem:s0+$0x550] =	vst v20  }
0x32b: {  	v14 =	vmul.f32 v14, v32;
	v40 =	vld [tilespmem:s0+$0xD560];
	v44 =	vmul.f32 v63, v33;
	v17 =	vadd.f32 v39, v17;
	[tilespmem:s0+$0x540] =	vst v19  }
0x32c: {  	v49 =	vld [tilespmem:s0+$0x1570];
	v15 =	vadd.f32 v42, v15;
	v10 =	vmul.f32 v50, v33;
	v61 =	vmul.f32 v51, v32;
	[tilespmem:s0+$0x530] =	vst v18  }
0x32d: {  	v13 =	vmul.f32 v13, v32;
	v14 =	vadd.f32 v44, v14;
	[tilespmem:s0+$0x520] =	vst v17;
	v47 =	vmul.f32 v34, v33  }
0x32e: {  	v52 =	vmul.f32 v45, v32;
	[tilespmem:s0+$0x500] =	vst v15;
	v53 =	vmul.f32 v36, v33;
	v63 =	vadd.f32 v10, v61  }
0x32f: {  	v54 =	vmul.f32 v46, v32;
	[tilespmem:s0+$0x170] =	vst v14;
	v55 =	vmul.f32 v38, v33;
	v13 =	vadd.f32 v47, v13  }
0x330: {  	v56 =	vmul.f32 v48, v32;
	v58 =	vmul.f32 v40, v33;
	v57 =	vadd.f32 v53, v52;
	[tilespmem:s0+$0x100] =	vst v63  }
0x331: {  	v60 =	vmul.f32 v43, v33;
	v59 =	vmul.f32 v49, v32;
	v3 =	vadd.f32 v55, v54;
	[tilespmem:s0+$0x160] =	vst v13  }
0x332: {  	v62 =	vadd.f32 v58, v56;
	[tilespmem:s0+$0x1540] =	vst v57  }
0x333: {  	[tilespmem:s0+$0x1550] =	vst v3;
	v3 =	vadd.f32 v60, v59  }
0x334: {  	[tilespmem:s0+$0x1560] =	vst v62  }
0x335: {  	s30 =	sadd.s32 $0x1, s30;
	[tilespmem:s0+$0x1570] =	vst v3  }
0x336: {  	[hbm4b:s11+s2] =	stream.linear.scatter [tilespmem:s21], [sflag:$0x2], $0x6000, $0x38;
	[tilespmem:$0x1C100] =	vst v63  }
0x337: {  	p0 =	sne.s32 s30, s12;
	_ =	swait.ge [sflag:s14], $0x6000  }
.Ltmp2:
0x338: {  	[sflag:s14] =	ssyncset.done $0x0;
	(pc) =	sbr.rel @p0 .LBB2_1-.Ltmp2, $4  }
0x339: {  	[sflag:s14] =	ssyncadd.s32 $0xFFFFA000  }
0x33a: {  	_ =	swait.ge [sflag:s14], $0x6000  }
0x33b: {  	[sflag:s14] =	ssyncset.done $0x0  }
0x33c: {  	[sflag:s14] =	ssyncadd.s32 $0xFFFFA000  }
0x33d: {  	_ =	sfence.sel $0x180000  }
0x33e: {  	[bflag:$0x0] =	sbarrier.arrive $0xFFFF  }
0x33f: {  	_ =	strace $0x9000004D  }
0x340: {  	s0 =	stileid.u32;
	[bflag:$0x2] =	sbarrier.arrive $0xFFFF  }
0x341: {  	p0 =	sne.s32 s0, $0x0;
	s0 =	rddreg [dreg:$0x2]  }
0x342: {  	s0 =	sadd.s32 @!p0 $0x100000, s0  }
0x343: {  	[sflag:s0] =	ssyncadd.tile.s32 @!p0 $0x1;
	_ =	shalt  }
.Lfunc_end2:
_tile_overlayer_lowered:
.L_overlay_start_2:
0x344: {  	(tag) =	ssettag $0x2  }
0x345: {  	s0 =	rddreg [dreg:$0x0];
	s2 =	stileid.u32  }
0x346: {  	s1 =	rddreg [dreg:$0x1];
	p0 =	sne.s32 s2, $0x0  }
0x347: {  	s3 =	rddreg [dreg:$0x2];
	[bflag:$0x3] =	sbarrier.arrive $0xFFFF;
	s2 =	simm.s32 @!p0 $0x1C03  }
0x348: {  	[timem:s3], [sflag:s2] =	dma.local @!p0 [hbm:s0], s1  }
0x349: {  	s0 =	simm.s32 @!p0 $0x3  }
0x34a: {  	_ =	swait.ge @!p0 [sflag:s0], s1  }
0x34b: {  	s1 =	ssub.s32 @!p0 $0x0, s1;
	[sflag:s0] =	ssyncset.done @!p0 $0x0  }
0x34c: {  	[sflag:s0] =	ssyncadd.s32 @!p0 s1  }
0x34d: {  	[bflag:$0x3] =	sbarrier.arrive $0xFFFF  }
0x34e: {  	_ =	shalt  }

</sc_bundles>
